<compile_context>
chip_gen: v7x
topology: tpu7x:2x2x1
jax: 0.10.2.dev20260603
libtpu: 0.0.44.dev20260713+nightly
codegen_flags: <defaults>
</compile_context>

<pallas_src>
import functools

import jax
import jax.numpy as jnp
from jax import lax
from jax.experimental import pallas as pl
from jax.experimental.pallas import tpu as pltpu
from jax.experimental.pallas import tpu_sc as plsc

CODEBOOK_SIZE = 8192
CODEBOOK_DIM = 32
_N_CHUNK = 128
_V_SUB = 512


_V_CHUNK = 4096


def _dist_argmin_body(z_ref, e_ref, tok_ref, sc_ref):
    z = z_ref[0]
    C = z.shape[0]
    n_j = z.shape[1] // _N_CHUNK
    n_k = CODEBOOK_SIZE // _V_CHUNK
    n_vb = _V_CHUNK // _V_SUB
    for j in range(n_j):
        zc = z[:, j * _N_CHUNK:(j + 1) * _N_CHUNK]
        zsq = zc * zc
        z_norm = zsq[0:1, :]
        for k in range(1, C):
            z_norm = z_norm + zsq[k:k + 1, :]
        z_bf = zc.astype(jnp.bfloat16).astype(jnp.float32)
        acc_v = jnp.full((1, _N_CHUNK), jnp.inf, jnp.float32)
        acc_i = jnp.zeros((1, _N_CHUNK), jnp.int32)
        for k in range(n_k):
            def vb_step(vb, carry, k=k):
                mv, mi = carry
                base = k * _V_CHUNK + vb * _V_SUB
                eb_raw = e_ref[pl.ds(base, _V_SUB), :]
                eb = eb_raw.astype(jnp.bfloat16).astype(jnp.float32)
                enb = jnp.sum(eb_raw * eb_raw, axis=1, keepdims=True)
                sc = eb[:, 0:1] * z_bf[0:1, :]
                for c in range(1, C):
                    sc = sc + eb[:, c:c + 1] * z_bf[c:c + 1, :]
                dvb = (z_norm + enb) - 2.0 * sc
                mv_b = jnp.min(dvb, axis=0, keepdims=True)
                rows = lax.broadcasted_iota(jnp.int32, dvb.shape, 0)
                cand = jnp.where(dvb == mv_b, rows, jnp.int32(CODEBOOK_SIZE))
                mi_b = jnp.min(cand, axis=0, keepdims=True) + base
                tb = mv_b < mv
                return jnp.where(tb, mv_b, mv), jnp.where(tb, mi_b, mi)

            mv, mi = lax.fori_loop(
                0, n_vb, vb_step,
                (jnp.full((1, _N_CHUNK), jnp.inf, jnp.float32),
                 jnp.zeros((1, _N_CHUNK), jnp.int32)))
            take = mv < acc_v
            acc_i = jnp.where(take, mi, acc_i)
            acc_v = jnp.where(take, mv, acc_v).astype(jnp.bfloat16).astype(jnp.float32)
        row, col = divmod(j * _N_CHUNK, 128)
        tok_ref[0, row, col:col + _N_CHUNK] = acc_i[0]


def _tc_tokens(z3, embedding):
    B, C, HW = z3.shape
    n_row = HW // 128
    out = pl.pallas_call(
        _dist_argmin_body,
        grid=(B,),
        in_specs=[
            pl.BlockSpec((1, C, HW), lambda b: (b, 0, 0)),
            pl.BlockSpec((CODEBOOK_SIZE, C), lambda b: (0, 0)),
        ],
        out_specs=pl.BlockSpec((1, n_row, 128), lambda b: (b, 0, 0)),
        out_shape=jax.ShapeDtypeStruct((B, n_row, 128), jnp.int32),
        scratch_shapes=[pltpu.VMEM((_V_SUB, _N_CHUNK), jnp.float32)],
    )(z3, embedding)
    return out


try:
    _SC_INFO = plsc.get_sparse_core_info()
    _NC = _SC_INFO.num_cores
    _NS = _SC_INFO.num_subcores
except Exception:
    _NC, _NS = 2, 16
_NW = _NC * _NS
_IDX_PER_STREAM = 128


_GATHER_DIM = 128


@functools.lru_cache(maxsize=None)
def _make_sc_gather(n_tok, dim):
    per_w = n_tok // _NW
    n_chunk = per_w // _IDX_PER_STREAM
    mesh = plsc.VectorSubcoreMesh(core_axis_name="c", subcore_axis_name="s")

    @functools.partial(
        pl.kernel,
        mesh=mesh,
        out_type=jax.ShapeDtypeStruct((n_tok, dim), jnp.float32),
        scratch_types=[
            pltpu.VMEM((n_chunk, _IDX_PER_STREAM), jnp.int32),
            pltpu.VMEM((per_w, dim), jnp.float32),
            pltpu.SemaphoreType.DMA,
        ],
    )
    def gather(table_hbm, idx_hbm, out_hbm, idx_v, rows_v, sem):
        wid = lax.axis_index("s") * _NC + lax.axis_index("c")
        pltpu.sync_copy(idx_hbm.at[pl.ds(wid * n_chunk, n_chunk)], idx_v)
        copies = []
        for g in range(n_chunk):
            copies.append(pltpu.async_copy(
                table_hbm.at[idx_v.at[g]],
                rows_v.at[pl.ds(g * _IDX_PER_STREAM, _IDX_PER_STREAM)],
                sem,
            ))
        for c in copies:
            c.wait()
        pltpu.sync_copy(rows_v, out_hbm.at[pl.ds(wid * per_w, per_w)])

    return gather


def kernel(z_enc, embedding):
    B, C, H, W = z_enc.shape
    z3 = z_enc.reshape(B, C, H * W)
    token3 = _tc_tokens(z3, embedding)
    n_tok = B * H * W
    idx2d = token3.reshape(n_tok // _IDX_PER_STREAM, _IDX_PER_STREAM)
    emb_pad = jnp.pad(embedding, ((0, 0), (0, _GATHER_DIM - C)))
    rows = _make_sc_gather(n_tok, _GATHER_DIM)(emb_pad, idx2d)
    z_q = rows[:, :C].reshape(B, H, W, C).transpose(0, 3, 1, 2)
    return z_q, token3.reshape(B, H * W)

# --- scband reference (transcript-rebuilt; emitter-appended) ---
"""Pipeline reference for scband-base-quantizer-17995912970288 (READ-ONLY COPY).

The authoritative reference and input builder live on the scoring server;
editing this copy changes nothing except your own understanding.
"""

import jax, jax.numpy as jnp
import numpy as np

CODEBOOK_SIZE = 8192
CODEBOOK_DIM = 32


def setup_inputs(seed: int = 0) -> dict:
    key = jax.random.key(seed)
    k1, k2 = jax.random.split(key)
    # z_enc: [B, C, H, W] latent from a 512px image with patch 16 -> 32x32 grid
    z_enc = jax.random.normal(k1, (16, CODEBOOK_DIM, 32, 32), dtype=jnp.float32)
    # embedding table (nn.Embedding weight), init normal(0, 0.01)
    embedding = jax.random.normal(k2, (CODEBOOK_SIZE, CODEBOOK_DIM), dtype=jnp.float32) * 0.01
    return {"z_enc": z_enc, "embedding": embedding}


def reference(z_enc, embedding):
    # Core quantization step of BaseQuantizer (final-level branch: no interpolate, no phi):
    #   distance = ||z||^2 + ||E||^2 - 2 z E^T  (addmm_ with alpha=-2, beta=1)
    #   token = argmin(distance)
    #   z_q = embedding(token) reshaped back to [B, C, H, W]
    B, C, H, W = z_enc.shape
    z_flat = jnp.transpose(z_enc, (0, 2, 3, 1)).reshape(-1, C)
    distance = (
        jnp.sum(z_flat * z_flat, axis=1, keepdims=True)
        + jnp.sum(embedding * embedding, axis=1)
        - 2.0 * (z_flat @ embedding.T)
    )
    token = jnp.argmin(distance, axis=1)
    z_q = jnp.take(embedding, token, axis=0)
    z_q = jnp.transpose(z_q.reshape(B, H, W, C), (0, 3, 1, 2))
    return z_q, token.reshape(B, H * W)

if __name__ == "__main__":
    import jax
    _d = setup_inputs()
    print(jax.jit(kernel)(*tuple(_d.values())))

</pallas_src>

<mosaic_0001>
#map = affine_map<(d0, d1) -> (0, 0)>
module attributes {stable_mosaic.version = 14 : i64} {
  func.func @gather(%arg0: i32, %arg1: i32, %arg2: memref<8192x128xf32, #tpu.memory_space<hbm>>, %arg3: memref<128x128xi32, #tpu.memory_space<hbm>>, %arg4: memref<16384x128xf32, #tpu.memory_space<hbm>>, %arg5: memref<4x128xi32, #tpu.memory_space<vmem>>, %arg6: memref<512x128xf32, #tpu.memory_space<vmem>>, %arg7: memref<!tpu.dma_semaphore, #tpu.memory_space<semaphore_mem>>) attributes {dimension_semantics = [#tpu.dimension_semantics<core_parallel>, #tpu.dimension_semantics<subcore_parallel>], iteration_bounds = array<i64: 2, 16>, scalar_prefetch = 0 : i64, scratch_operands = 3 : i64, tpu.core_type = #tpu.core_type<sc_vector_subcore>, window_params = [{transform_indices = #map}, {transform_indices = #map}, {transform_indices = #map}]} {
    %mul3A = arith.constant 2 : i32
    %mul3A_0 = arith.muli %arg1, %mul3A : i32
    %add3A = arith.addi %mul3A_0, %arg0 : i32
    %mul3A_1 = arith.constant 4 : i32
    %mul3A_2 = arith.muli %add3A, %mul3A_1 : i32
    "tpu.region"() ({
      %run_scoped3A = tpu.sem_alloc : memref<!tpu.dma_semaphore, #tpu.memory_space<semaphore_mem>>
      %dma_start3A_83 = arith.constant 0 : i32
      %dma_start3A_84 = tpu.memref_slice %arg3[%mul3A_2, %dma_start3A_83] : memref<128x128xi32, #tpu.memory_space<hbm>> -> memref<4x128xi32, #tpu.memory_space<hbm>>
      %dma_start3A_85 = arith.constant 0 : i32
      %dma_start3A_86 = tpu.memref_slice %arg3[%mul3A_2, %dma_start3A_85] : memref<128x128xi32, #tpu.memory_space<hbm>> -> memref<4x128xi32, #tpu.memory_space<hbm>>
      tpu.enqueue_dma source(%dma_start3A_86 : memref<4x128xi32, #tpu.memory_space<hbm>>) target(%arg5 : memref<4x128xi32, #tpu.memory_space<vmem>>) target_semaphore(%run_scoped3A : memref<!tpu.dma_semaphore, #tpu.memory_space<semaphore_mem>>)
      %dma_wait3A_87 = arith.constant 0 : i32
      %dma_wait3A_88 = tpu.memref_slice %arg3[%mul3A_2, %dma_wait3A_87] : memref<128x128xi32, #tpu.memory_space<hbm>> -> memref<4x128xi32, #tpu.memory_space<hbm>>
      %dma_wait3A_89 = arith.constant 0 : i32
      %dma_wait3A_90 = tpu.memref_slice %arg3[%mul3A_2, %dma_wait3A_89] : memref<128x128xi32, #tpu.memory_space<hbm>> -> memref<4x128xi32, #tpu.memory_space<hbm>>
      tpu.wait_dma2 semaphore(%run_scoped3A : memref<!tpu.dma_semaphore, #tpu.memory_space<semaphore_mem>>) src(%dma_wait3A_90 : memref<4x128xi32, #tpu.memory_space<hbm>>) dst(%arg5 : memref<4x128xi32, #tpu.memory_space<vmem>>)
      tpu.yield
    }) : () -> ()
    %dma_start3A = arith.constant 0 : i32
    %dma_start3A_3 = arith.constant 0 : i32
    %dma_start3A_4 = arith.constant 0 : i32
    %dma_start3A_5 = tpu.memref_slice %arg6[%dma_start3A_3, %dma_start3A_4] : memref<512x128xf32, #tpu.memory_space<vmem>> -> memref<128x128xf32, #tpu.memory_space<vmem>>
    %dma_start3A_6 = arith.constant 0 : i32
    %dma_start3A_7 = tpu.memref_slice %arg5[%dma_start3A, %dma_start3A_6] : memref<4x128xi32, #tpu.memory_space<vmem>> -> memref<1x128xi32, #tpu.memory_space<vmem>>
    %dma_start3A_8 = tpu.memref_squeeze %dma_start3A_7 : memref<1x128xi32, #tpu.memory_space<vmem>> -> memref<128xi32, #tpu.memory_space<vmem>>
    %dma_start3A_9 = arith.constant 0 : i32
    %dma_start3A_10 = arith.constant 0 : i32
    %dma_start3A_11 = tpu.memref_slice %arg2[%dma_start3A_9, %dma_start3A_10] : memref<8192x128xf32, #tpu.memory_space<hbm>> -> memref<8192x128xf32, #tpu.memory_space<hbm>>
    tpu.enqueue_indirect_dma source(%dma_start3A_11 : memref<8192x128xf32, #tpu.memory_space<hbm>>) target(%dma_start3A_5 : memref<128x128xf32, #tpu.memory_space<vmem>>) offsets(%dma_start3A_8 : memref<128xi32, #tpu.memory_space<vmem>>) semaphore(%arg7 : memref<!tpu.dma_semaphore, #tpu.memory_space<semaphore_mem>>)
    %dma_start3A_12 = arith.constant 1 : i32
    %dma_start3A_13 = arith.constant 128 : i32
    %dma_start3A_14 = arith.constant 0 : i32
    %dma_start3A_15 = tpu.memref_slice %arg6[%dma_start3A_13, %dma_start3A_14] : memref<512x128xf32, #tpu.memory_space<vmem>> -> memref<128x128xf32, #tpu.memory_space<vmem>>
    %dma_start3A_16 = arith.constant 0 : i32
    %dma_start3A_17 = tpu.memref_slice %arg5[%dma_start3A_12, %dma_start3A_16] : memref<4x128xi32, #tpu.memory_space<vmem>> -> memref<1x128xi32, #tpu.memory_space<vmem>>
    %dma_start3A_18 = tpu.memref_squeeze %dma_start3A_17 : memref<1x128xi32, #tpu.memory_space<vmem>> -> memref<128xi32, #tpu.memory_space<vmem>>
    %dma_start3A_19 = arith.constant 0 : i32
    %dma_start3A_20 = arith.constant 0 : i32
    %dma_start3A_21 = tpu.memref_slice %arg2[%dma_start3A_19, %dma_start3A_20] : memref<8192x128xf32, #tpu.memory_space<hbm>> -> memref<8192x128xf32, #tpu.memory_space<hbm>>
    tpu.enqueue_indirect_dma source(%dma_start3A_21 : memref<8192x128xf32, #tpu.memory_space<hbm>>) target(%dma_start3A_15 : memref<128x128xf32, #tpu.memory_space<vmem>>) offsets(%dma_start3A_18 : memref<128xi32, #tpu.memory_space<vmem>>) semaphore(%arg7 : memref<!tpu.dma_semaphore, #tpu.memory_space<semaphore_mem>>)
    %dma_start3A_22 = arith.constant 2 : i32
    %dma_start3A_23 = arith.constant 256 : i32
    %dma_start3A_24 = arith.constant 0 : i32
    %dma_start3A_25 = tpu.memref_slice %arg6[%dma_start3A_23, %dma_start3A_24] : memref<512x128xf32, #tpu.memory_space<vmem>> -> memref<128x128xf32, #tpu.memory_space<vmem>>
    %dma_start3A_26 = arith.constant 0 : i32
    %dma_start3A_27 = tpu.memref_slice %arg5[%dma_start3A_22, %dma_start3A_26] : memref<4x128xi32, #tpu.memory_space<vmem>> -> memref<1x128xi32, #tpu.memory_space<vmem>>
    %dma_start3A_28 = tpu.memref_squeeze %dma_start3A_27 : memref<1x128xi32, #tpu.memory_space<vmem>> -> memref<128xi32, #tpu.memory_space<vmem>>
    %dma_start3A_29 = arith.constant 0 : i32
    %dma_start3A_30 = arith.constant 0 : i32
    %dma_start3A_31 = tpu.memref_slice %arg2[%dma_start3A_29, %dma_start3A_30] : memref<8192x128xf32, #tpu.memory_space<hbm>> -> memref<8192x128xf32, #tpu.memory_space<hbm>>
    tpu.enqueue_indirect_dma source(%dma_start3A_31 : memref<8192x128xf32, #tpu.memory_space<hbm>>) target(%dma_start3A_25 : memref<128x128xf32, #tpu.memory_space<vmem>>) offsets(%dma_start3A_28 : memref<128xi32, #tpu.memory_space<vmem>>) semaphore(%arg7 : memref<!tpu.dma_semaphore, #tpu.memory_space<semaphore_mem>>)
    %dma_start3A_32 = arith.constant 3 : i32
    %dma_start3A_33 = arith.constant 384 : i32
    %dma_start3A_34 = arith.constant 0 : i32
    %dma_start3A_35 = tpu.memref_slice %arg6[%dma_start3A_33, %dma_start3A_34] : memref<512x128xf32, #tpu.memory_space<vmem>> -> memref<128x128xf32, #tpu.memory_space<vmem>>
    %dma_start3A_36 = arith.constant 0 : i32
    %dma_start3A_37 = tpu.memref_slice %arg5[%dma_start3A_32, %dma_start3A_36] : memref<4x128xi32, #tpu.memory_space<vmem>> -> memref<1x128xi32, #tpu.memory_space<vmem>>
    %dma_start3A_38 = tpu.memref_squeeze %dma_start3A_37 : memref<1x128xi32, #tpu.memory_space<vmem>> -> memref<128xi32, #tpu.memory_space<vmem>>
    %dma_start3A_39 = arith.constant 0 : i32
    %dma_start3A_40 = arith.constant 0 : i32
    %dma_start3A_41 = tpu.memref_slice %arg2[%dma_start3A_39, %dma_start3A_40] : memref<8192x128xf32, #tpu.memory_space<hbm>> -> memref<8192x128xf32, #tpu.memory_space<hbm>>
    tpu.enqueue_indirect_dma source(%dma_start3A_41 : memref<8192x128xf32, #tpu.memory_space<hbm>>) target(%dma_start3A_35 : memref<128x128xf32, #tpu.memory_space<vmem>>) offsets(%dma_start3A_38 : memref<128xi32, #tpu.memory_space<vmem>>) semaphore(%arg7 : memref<!tpu.dma_semaphore, #tpu.memory_space<semaphore_mem>>)
    %dma_wait3A = arith.constant 0 : i32
    %dma_wait3A_42 = arith.constant 0 : i32
    %dma_wait3A_43 = arith.constant 0 : i32
    %dma_wait3A_44 = tpu.memref_slice %arg6[%dma_wait3A_42, %dma_wait3A_43] : memref<512x128xf32, #tpu.memory_space<vmem>> -> memref<128x128xf32, #tpu.memory_space<vmem>>
    %dma_wait3A_45 = arith.constant 0 : i32
    %dma_wait3A_46 = tpu.memref_slice %arg5[%dma_wait3A, %dma_wait3A_45] : memref<4x128xi32, #tpu.memory_space<vmem>> -> memref<1x128xi32, #tpu.memory_space<vmem>>
    %dma_wait3A_47 = tpu.memref_squeeze %dma_wait3A_46 : memref<1x128xi32, #tpu.memory_space<vmem>> -> memref<128xi32, #tpu.memory_space<vmem>>
    %dma_wait3A_48 = arith.constant 0 : i32
    %dma_wait3A_49 = arith.constant 0 : i32
    %dma_wait3A_50 = tpu.memref_slice %arg2[%dma_wait3A_48, %dma_wait3A_49] : memref<8192x128xf32, #tpu.memory_space<hbm>> -> memref<8192x128xf32, #tpu.memory_space<hbm>>
    tpu.wait_indirect_dma semaphore(%arg7 : memref<!tpu.dma_semaphore, #tpu.memory_space<semaphore_mem>>) src(%dma_wait3A_50 : memref<8192x128xf32, #tpu.memory_space<hbm>>) dst(%dma_wait3A_44 : memref<128x128xf32, #tpu.memory_space<vmem>>)
    %dma_wait3A_51 = arith.constant 1 : i32
    %dma_wait3A_52 = arith.constant 128 : i32
    %dma_wait3A_53 = arith.constant 0 : i32
    %dma_wait3A_54 = tpu.memref_slice %arg6[%dma_wait3A_52, %dma_wait3A_53] : memref<512x128xf32, #tpu.memory_space<vmem>> -> memref<128x128xf32, #tpu.memory_space<vmem>>
    %dma_wait3A_55 = arith.constant 0 : i32
    %dma_wait3A_56 = tpu.memref_slice %arg5[%dma_wait3A_51, %dma_wait3A_55] : memref<4x128xi32, #tpu.memory_space<vmem>> -> memref<1x128xi32, #tpu.memory_space<vmem>>
    %dma_wait3A_57 = tpu.memref_squeeze %dma_wait3A_56 : memref<1x128xi32, #tpu.memory_space<vmem>> -> memref<128xi32, #tpu.memory_space<vmem>>
    %dma_wait3A_58 = arith.constant 0 : i32
    %dma_wait3A_59 = arith.constant 0 : i32
    %dma_wait3A_60 = tpu.memref_slice %arg2[%dma_wait3A_58, %dma_wait3A_59] : memref<8192x128xf32, #tpu.memory_space<hbm>> -> memref<8192x128xf32, #tpu.memory_space<hbm>>
    tpu.wait_indirect_dma semaphore(%arg7 : memref<!tpu.dma_semaphore, #tpu.memory_space<semaphore_mem>>) src(%dma_wait3A_60 : memref<8192x128xf32, #tpu.memory_space<hbm>>) dst(%dma_wait3A_54 : memref<128x128xf32, #tpu.memory_space<vmem>>)
    %dma_wait3A_61 = arith.constant 2 : i32
    %dma_wait3A_62 = arith.constant 256 : i32
    %dma_wait3A_63 = arith.constant 0 : i32
    %dma_wait3A_64 = tpu.memref_slice %arg6[%dma_wait3A_62, %dma_wait3A_63] : memref<512x128xf32, #tpu.memory_space<vmem>> -> memref<128x128xf32, #tpu.memory_space<vmem>>
    %dma_wait3A_65 = arith.constant 0 : i32
    %dma_wait3A_66 = tpu.memref_slice %arg5[%dma_wait3A_61, %dma_wait3A_65] : memref<4x128xi32, #tpu.memory_space<vmem>> -> memref<1x128xi32, #tpu.memory_space<vmem>>
    %dma_wait3A_67 = tpu.memref_squeeze %dma_wait3A_66 : memref<1x128xi32, #tpu.memory_space<vmem>> -> memref<128xi32, #tpu.memory_space<vmem>>
    %dma_wait3A_68 = arith.constant 0 : i32
    %dma_wait3A_69 = arith.constant 0 : i32
    %dma_wait3A_70 = tpu.memref_slice %arg2[%dma_wait3A_68, %dma_wait3A_69] : memref<8192x128xf32, #tpu.memory_space<hbm>> -> memref<8192x128xf32, #tpu.memory_space<hbm>>
    tpu.wait_indirect_dma semaphore(%arg7 : memref<!tpu.dma_semaphore, #tpu.memory_space<semaphore_mem>>) src(%dma_wait3A_70 : memref<8192x128xf32, #tpu.memory_space<hbm>>) dst(%dma_wait3A_64 : memref<128x128xf32, #tpu.memory_space<vmem>>)
    %dma_wait3A_71 = arith.constant 3 : i32
    %dma_wait3A_72 = arith.constant 384 : i32
    %dma_wait3A_73 = arith.constant 0 : i32
    %dma_wait3A_74 = tpu.memref_slice %arg6[%dma_wait3A_72, %dma_wait3A_73] : memref<512x128xf32, #tpu.memory_space<vmem>> -> memref<128x128xf32, #tpu.memory_space<vmem>>
    %dma_wait3A_75 = arith.constant 0 : i32
    %dma_wait3A_76 = tpu.memref_slice %arg5[%dma_wait3A_71, %dma_wait3A_75] : memref<4x128xi32, #tpu.memory_space<vmem>> -> memref<1x128xi32, #tpu.memory_space<vmem>>
    %dma_wait3A_77 = tpu.memref_squeeze %dma_wait3A_76 : memref<1x128xi32, #tpu.memory_space<vmem>> -> memref<128xi32, #tpu.memory_space<vmem>>
    %dma_wait3A_78 = arith.constant 0 : i32
    %dma_wait3A_79 = arith.constant 0 : i32
    %dma_wait3A_80 = tpu.memref_slice %arg2[%dma_wait3A_78, %dma_wait3A_79] : memref<8192x128xf32, #tpu.memory_space<hbm>> -> memref<8192x128xf32, #tpu.memory_space<hbm>>
    tpu.wait_indirect_dma semaphore(%arg7 : memref<!tpu.dma_semaphore, #tpu.memory_space<semaphore_mem>>) src(%dma_wait3A_80 : memref<8192x128xf32, #tpu.memory_space<hbm>>) dst(%dma_wait3A_74 : memref<128x128xf32, #tpu.memory_space<vmem>>)
    %mul3A_81 = arith.constant 512 : i32
    %mul3A_82 = arith.muli %add3A, %mul3A_81 : i32
    "tpu.region"() ({
      %run_scoped3A = tpu.sem_alloc : memref<!tpu.dma_semaphore, #tpu.memory_space<semaphore_mem>>
      %dma_start3A_83 = arith.constant 0 : i32
      %dma_start3A_84 = tpu.memref_slice %arg4[%mul3A_82, %dma_start3A_83] : memref<16384x128xf32, #tpu.memory_space<hbm>> -> memref<512x128xf32, #tpu.memory_space<hbm>>
      %dma_start3A_85 = arith.constant 0 : i32
      %dma_start3A_86 = tpu.memref_slice %arg4[%mul3A_82, %dma_start3A_85] : memref<16384x128xf32, #tpu.memory_space<hbm>> -> memref<512x128xf32, #tpu.memory_space<hbm>>
      tpu.enqueue_dma source(%arg6 : memref<512x128xf32, #tpu.memory_space<vmem>>) target(%dma_start3A_86 : memref<512x128xf32, #tpu.memory_space<hbm>>) target_semaphore(%run_scoped3A : memref<!tpu.dma_semaphore, #tpu.memory_space<semaphore_mem>>)
      %dma_wait3A_87 = arith.constant 0 : i32
      %dma_wait3A_88 = tpu.memref_slice %arg4[%mul3A_82, %dma_wait3A_87] : memref<16384x128xf32, #tpu.memory_space<hbm>> -> memref<512x128xf32, #tpu.memory_space<hbm>>
      %dma_wait3A_89 = arith.constant 0 : i32
      %dma_wait3A_90 = tpu.memref_slice %arg4[%mul3A_82, %dma_wait3A_89] : memref<16384x128xf32, #tpu.memory_space<hbm>> -> memref<512x128xf32, #tpu.memory_space<hbm>>
      tpu.wait_dma2 semaphore(%run_scoped3A : memref<!tpu.dma_semaphore, #tpu.memory_space<semaphore_mem>>) src(%arg6 : memref<512x128xf32, #tpu.memory_space<vmem>>) dst(%dma_wait3A_90 : memref<512x128xf32, #tpu.memory_space<hbm>>)
      tpu.yield
    }) : () -> ()
    return
  }
}

module attributes {stable_mosaic.version = 14 : i64} {
  func.func @_dist_argmin_body(%arg0: i32, %arg1: memref<1x32x1024xf32, #tpu.memory_space<vmem>>, %arg2: memref<8192x32xf32, #tpu.memory_space<vmem>>, %arg3: memref<1x8x128xi32, #tpu.memory_space<vmem>>, %arg4: memref<512x128xf32, #tpu.memory_space<vmem>>) attributes {dimension_semantics = [#tpu.dimension_semantics<arbitrary>], iteration_bounds = array<i64: 16>, scalar_prefetch = 0 : i64, scratch_operands = 1 : i64, tpu.core_type = #tpu.core_type<tc>, window_params = [{transform_indices = @transform_0, window_bounds = array<i64: 1, 32, 1024>}, {pipeline_mode = #tpu.pipeline_mode<synchronous>, transform_indices = @transform_1, window_bounds = array<i64: 8192, 32>}, {transform_indices = @transform_2, window_bounds = array<i64: 1, 8, 128>}]} {
    %get3A = arith.constant 0 : index
    %get3A_0 = arith.constant 0 : index
    %get3A_1 = arith.constant 0 : index
    %get3A_2 = vector.load %arg1[%get3A, %get3A_0, %get3A_1] : memref<1x32x1024xf32, #tpu.memory_space<vmem>>, vector<1x32x1024xf32>
    %get3A_3 = vector.shape_cast %get3A_2 : vector<1x32x1024xf32> to vector<32x1024xf32>
    %slice3A = vector.extract_strided_slice %get3A_3 {offsets = [0, 0], sizes = [32, 128], strides = [1, 1]} : vector<32x1024xf32> to vector<32x128xf32>
    %mul3A = arith.mulf %slice3A, %slice3A : vector<32x128xf32>
    %slice3A_4 = vector.extract_strided_slice %mul3A {offsets = [0, 0], sizes = [1, 128], strides = [1, 1]} : vector<32x128xf32> to vector<1x128xf32>
    %slice3A_5 = vector.extract_strided_slice %mul3A {offsets = [1, 0], sizes = [1, 128], strides = [1, 1]} : vector<32x128xf32> to vector<1x128xf32>
    %add3A = arith.addf %slice3A_4, %slice3A_5 : vector<1x128xf32>
    %slice3A_6 = vector.extract_strided_slice %mul3A {offsets = [2, 0], sizes = [1, 128], strides = [1, 1]} : vector<32x128xf32> to vector<1x128xf32>
    %add3A_7 = arith.addf %add3A, %slice3A_6 : vector<1x128xf32>
    %slice3A_8 = vector.extract_strided_slice %mul3A {offsets = [3, 0], sizes = [1, 128], strides = [1, 1]} : vector<32x128xf32> to vector<1x128xf32>
    %add3A_9 = arith.addf %add3A_7, %slice3A_8 : vector<1x128xf32>
    %slice3A_10 = vector.extract_strided_slice %mul3A {offsets = [4, 0], sizes = [1, 128], strides = [1, 1]} : vector<32x128xf32> to vector<1x128xf32>
    %add3A_11 = arith.addf %add3A_9, %slice3A_10 : vector<1x128xf32>
    %slice3A_12 = vector.extract_strided_slice %mul3A {offsets = [5, 0], sizes = [1, 128], strides = [1, 1]} : vector<32x128xf32> to vector<1x128xf32>
    %add3A_13 = arith.addf %add3A_11, %slice3A_12 : vector<1x128xf32>
    %slice3A_14 = vector.extract_strided_slice %mul3A {offsets = [6, 0], sizes = [1, 128], strides = [1, 1]} : vector<32x128xf32> to vector<1x128xf32>
    %add3A_15 = arith.addf %add3A_13, %slice3A_14 : vector<1x128xf32>
    %slice3A_16 = vector.extract_strided_slice %mul3A {offsets = [7, 0], sizes = [1, 128], strides = [1, 1]} : vector<32x128xf32> to vector<1x128xf32>
    %add3A_17 = arith.addf %add3A_15, %slice3A_16 : vector<1x128xf32>
    %slice3A_18 = vector.extract_strided_slice %mul3A {offsets = [8, 0], sizes = [1, 128], strides = [1, 1]} : vector<32x128xf32> to vector<1x128xf32>
    %add3A_19 = arith.addf %add3A_17, %slice3A_18 : vector<1x128xf32>
    %slice3A_20 = vector.extract_strided_slice %mul3A {offsets = [9, 0], sizes = [1, 128], strides = [1, 1]} : vector<32x128xf32> to vector<1x128xf32>
    %add3A_21 = arith.addf %add3A_19, %slice3A_20 : vector<1x128xf32>
    %slice3A_22 = vector.extract_strided_slice %mul3A {offsets = [10, 0], sizes = [1, 128], strides = [1, 1]} : vector<32x128xf32> to vector<1x128xf32>
    %add3A_23 = arith.addf %add3A_21, %slice3A_22 : vector<1x128xf32>
    %slice3A_24 = vector.extract_strided_slice %mul3A {offsets = [11, 0], sizes = [1, 128], strides = [1, 1]} : vector<32x128xf32> to vector<1x128xf32>
    %add3A_25 = arith.addf %add3A_23, %slice3A_24 : vector<1x128xf32>
    %slice3A_26 = vector.extract_strided_slice %mul3A {offsets = [12, 0], sizes = [1, 128], strides = [1, 1]} : vector<32x128xf32> to vector<1x128xf32>
    %add3A_27 = arith.addf %add3A_25, %slice3A_26 : vector<1x128xf32>
    %slice3A_28 = vector.extract_strided_slice %mul3A {offsets = [13, 0], sizes = [1, 128], strides = [1, 1]} : vector<32x128xf32> to vector<1x128xf32>
    %add3A_29 = arith.addf %add3A_27, %slice3A_28 : vector<1x128xf32>
    %slice3A_30 = vector.extract_strided_slice %mul3A {offsets = [14, 0], sizes = [1, 128], strides = [1, 1]} : vector<32x128xf32> to vector<1x128xf32>
    %add3A_31 = arith.addf %add3A_29, %slice3A_30 : vector<1x128xf32>
    %slice3A_32 = vector.extract_strided_slice %mul3A {offsets = [15, 0], sizes = [1, 128], strides = [1, 1]} : vector<32x128xf32> to vector<1x128xf32>
    %add3A_33 = arith.addf %add3A_31, %slice3A_32 : vector<1x128xf32>
    %slice3A_34 = vector.extract_strided_slice %mul3A {offsets = [16, 0], sizes = [1, 128], strides = [1, 1]} : vector<32x128xf32> to vector<1x128xf32>
    %add3A_35 = arith.addf %add3A_33, %slice3A_34 : vector<1x128xf32>
    %slice3A_36 = vector.extract_strided_slice %mul3A {offsets = [17, 0], sizes = [1, 128], strides = [1, 1]} : vector<32x128xf32> to vector<1x128xf32>
    %add3A_37 = arith.addf %add3A_35, %slice3A_36 : vector<1x128xf32>
    %slice3A_38 = vector.extract_strided_slice %mul3A {offsets = [18, 0], sizes = [1, 128], strides = [1, 1]} : vector<32x128xf32> to vector<1x128xf32>
    %add3A_39 = arith.addf %add3A_37, %slice3A_38 : vector<1x128xf32>
    %slice3A_40 = vector.extract_strided_slice %mul3A {offsets = [19, 0], sizes = [1, 128], strides = [1, 1]} : vector<32x128xf32> to vector<1x128xf32>
    %add3A_41 = arith.addf %add3A_39, %slice3A_40 : vector<1x128xf32>
    %slice3A_42 = vector.extract_strided_slice %mul3A {offsets = [20, 0], sizes = [1, 128], strides = [1, 1]} : vector<32x128xf32> to vector<1x128xf32>
    %add3A_43 = arith.addf %add3A_41, %slice3A_42 : vector<1x128xf32>
    %slice3A_44 = vector.extract_strided_slice %mul3A {offsets = [21, 0], sizes = [1, 128], strides = [1, 1]} : vector<32x128xf32> to vector<1x128xf32>
    %add3A_45 = arith.addf %add3A_43, %slice3A_44 : vector<1x128xf32>
    %slice3A_46 = vector.extract_strided_slice %mul3A {offsets = [22, 0], sizes = [1, 128], strides = [1, 1]} : vector<32x128xf32> to vector<1x128xf32>
    %add3A_47 = arith.addf %add3A_45, %slice3A_46 : vector<1x128xf32>
    %slice3A_48 = vector.extract_strided_slice %mul3A {offsets = [23, 0], sizes = [1, 128], strides = [1, 1]} : vector<32x128xf32> to vector<1x128xf32>
    %add3A_49 = arith.addf %add3A_47, %slice3A_48 : vector<1x128xf32>
    %slice3A_50 = vector.extract_strided_slice %mul3A {offsets = [24, 0], sizes = [1, 128], strides = [1, 1]} : vector<32x128xf32> to vector<1x128xf32>
    %add3A_51 = arith.addf %add3A_49, %slice3A_50 : vector<1x128xf32>
    %slice3A_52 = vector.extract_strided_slice %mul3A {offsets = [25, 0], sizes = [1, 128], strides = [1, 1]} : vector<32x128xf32> to vector<1x128xf32>
    %add3A_53 = arith.addf %add3A_51, %slice3A_52 : vector<1x128xf32>
    %slice3A_54 = vector.extract_strided_slice %mul3A {offsets = [26, 0], sizes = [1, 128], strides = [1, 1]} : vector<32x128xf32> to vector<1x128xf32>
    %add3A_55 = arith.addf %add3A_53, %slice3A_54 : vector<1x128xf32>
    %slice3A_56 = vector.extract_strided_slice %mul3A {offsets = [27, 0], sizes = [1, 128], strides = [1, 1]} : vector<32x128xf32> to vector<1x128xf32>
    %add3A_57 = arith.addf %add3A_55, %slice3A_56 : vector<1x128xf32>
    %slice3A_58 = vector.extract_strided_slice %mul3A {offsets = [28, 0], sizes = [1, 128], strides = [1, 1]} : vector<32x128xf32> to vector<1x128xf32>
    %add3A_59 = arith.addf %add3A_57, %slice3A_58 : vector<1x128xf32>
    %slice3A_60 = vector.extract_strided_slice %mul3A {offsets = [29, 0], sizes = [1, 128], strides = [1, 1]} : vector<32x128xf32> to vector<1x128xf32>
    %add3A_61 = arith.addf %add3A_59, %slice3A_60 : vector<1x128xf32>
    %slice3A_62 = vector.extract_strided_slice %mul3A {offsets = [30, 0], sizes = [1, 128], strides = [1, 1]} : vector<32x128xf32> to vector<1x128xf32>
    %add3A_63 = arith.addf %add3A_61, %slice3A_62 : vector<1x128xf32>
    %slice3A_64 = vector.extract_strided_slice %mul3A {offsets = [31, 0], sizes = [1, 128], strides = [1, 1]} : vector<32x128xf32> to vector<1x128xf32>
    %add3A_65 = arith.addf %add3A_63, %slice3A_64 : vector<1x128xf32>
    %convert_element_type3A = arith.truncf %slice3A : vector<32x128xf32> to vector<32x128xbf16>
    %convert_element_type3A_66 = arith.extf %convert_element_type3A : vector<32x128xbf16> to vector<32x128xf32>
    %broadcast_in_dim3A = arith.constant 0x7F800000 : f32
    %broadcast_in_dim3A_67 = vector.broadcast %broadcast_in_dim3A : f32 to vector<1x128xf32>
    %broadcast_in_dim3A_68 = arith.constant 0 : i32
    %broadcast_in_dim3A_69 = vector.broadcast %broadcast_in_dim3A_68 : i32 to vector<1x128xi32>
    %broadcast_in_dim3A_70 = arith.constant 0x7F800000 : f32
    %broadcast_in_dim3A_71 = vector.broadcast %broadcast_in_dim3A_70 : f32 to vector<1x128xf32>
    %broadcast_in_dim3A_72 = arith.constant 0 : i32
    %broadcast_in_dim3A_73 = vector.broadcast %broadcast_in_dim3A_72 : i32 to vector<1x128xi32>
    %scan3A = arith.constant 0 : i32
    %scan3A_74 = arith.constant 8 : i32
    %scan3A_75 = arith.addi %scan3A, %scan3A_74 : i32
    %scan3A_76 = arith.constant 1 : i32
    %scan3A_77:2 = scf.for %scan3A_834 = %scan3A to %scan3A_75 step %scan3A_76 iter_args(%scan3A_835 = %broadcast_in_dim3A_71, %scan3A_836 = %broadcast_in_dim3A_73) -> (vector<1x128xf32>, vector<1x128xi32>)  : i32 {
      %mul3A_837 = arith.constant 512 : i32
      %mul3A_838 = arith.muli %scan3A_834, %mul3A_837 : i32
      %add3A_839 = arith.constant 0 : i32
      %add3A_840 = arith.addi %add3A_839, %mul3A_838 : i32
      %get3A_841 = arith.index_cast %add3A_840 : i32 to index
      %get3A_842 = arith.constant 0 : index
      %get3A_843 = vector.load %arg2[%get3A_841, %get3A_842] : memref<8192x32xf32, #tpu.memory_space<vmem>>, vector<512x32xf32>
      %convert_element_type3A_844 = arith.truncf %get3A_843 : vector<512x32xf32> to vector<512x32xbf16>
      %convert_element_type3A_845 = arith.extf %convert_element_type3A_844 : vector<512x32xbf16> to vector<512x32xf32>
      %mul3A_846 = arith.mulf %get3A_843, %get3A_843 : vector<512x32xf32>
      %reduce_sum3A = arith.constant dense<0.000000e+00> : vector<512xf32>
      %reduce_sum3A_847 = vector.multi_reduction <add>, %mul3A_846, %reduce_sum3A [1] : vector<512x32xf32> to vector<512xf32>
      %broadcast_in_dim3A_848 = vector.shape_cast %reduce_sum3A_847 : vector<512xf32> to vector<512x1xf32>
      %slice3A_849 = vector.extract_strided_slice %convert_element_type3A_845 {offsets = [0, 0], sizes = [512, 1], strides = [1, 1]} : vector<512x32xf32> to vector<512x1xf32>
      %slice3A_850 = vector.extract_strided_slice %convert_element_type3A_66 {offsets = [0, 0], sizes = [1, 128], strides = [1, 1]} : vector<32x128xf32> to vector<1x128xf32>
      %mul3A_851 = vector.broadcast %slice3A_849 : vector<512x1xf32> to vector<512x128xf32>
      %mul3A_852 = vector.broadcast %slice3A_850 : vector<1x128xf32> to vector<512x128xf32>
      %mul3A_853 = arith.mulf %mul3A_851, %mul3A_852 : vector<512x128xf32>
      %slice3A_854 = vector.extract_strided_slice %convert_element_type3A_845 {offsets = [0, 1], sizes = [512, 1], strides = [1, 1]} : vector<512x32xf32> to vector<512x1xf32>
      %slice3A_855 = vector.extract_strided_slice %convert_element_type3A_66 {offsets = [1, 0], sizes = [1, 128], strides = [1, 1]} : vector<32x128xf32> to vector<1x128xf32>
      %mul3A_856 = vector.broadcast %slice3A_854 : vector<512x1xf32> to vector<512x128xf32>
      %mul3A_857 = vector.broadcast %slice3A_855 : vector<1x128xf32> to vector<512x128xf32>
      %mul3A_858 = arith.mulf %mul3A_856, %mul3A_857 : vector<512x128xf32>
      %add3A_859 = arith.addf %mul3A_853, %mul3A_858 : vector<512x128xf32>
      %slice3A_860 = vector.extract_strided_slice %convert_element_type3A_845 {offsets = [0, 2], sizes = [512, 1], strides = [1, 1]} : vector<512x32xf32> to vector<512x1xf32>
      %slice3A_861 = vector.extract_strided_slice %convert_element_type3A_66 {offsets = [2, 0], sizes = [1, 128], strides = [1, 1]} : vector<32x128xf32> to vector<1x128xf32>
      %mul3A_862 = vector.broadcast %slice3A_860 : vector<512x1xf32> to vector<512x128xf32>
      %mul3A_863 = vector.broadcast %slice3A_861 : vector<1x128xf32> to vector<512x128xf32>
      %mul3A_864 = arith.mulf %mul3A_862, %mul3A_863 : vector<512x128xf32>
      %add3A_865 = arith.addf %add3A_859, %mul3A_864 : vector<512x128xf32>
      %slice3A_866 = vector.extract_strided_slice %convert_element_type3A_845 {offsets = [0, 3], sizes = [512, 1], strides = [1, 1]} : vector<512x32xf32> to vector<512x1xf32>
      %slice3A_867 = vector.extract_strided_slice %convert_element_type3A_66 {offsets = [3, 0], sizes = [1, 128], strides = [1, 1]} : vector<32x128xf32> to vector<1x128xf32>
      %mul3A_868 = vector.broadcast %slice3A_866 : vector<512x1xf32> to vector<512x128xf32>
      %mul3A_869 = vector.broadcast %slice3A_867 : vector<1x128xf32> to vector<512x128xf32>
      %mul3A_870 = arith.mulf %mul3A_868, %mul3A_869 : vector<512x128xf32>
      %add3A_871 = arith.addf %add3A_865, %mul3A_870 : vector<512x128xf32>
      %slice3A_872 = vector.extract_strided_slice %convert_element_type3A_845 {offsets = [0, 4], sizes = [512, 1], strides = [1, 1]} : vector<512x32xf32> to vector<512x1xf32>
      %slice3A_873 = vector.extract_strided_slice %convert_element_type3A_66 {offsets = [4, 0], sizes = [1, 128], strides = [1, 1]} : vector<32x128xf32> to vector<1x128xf32>
      %mul3A_874 = vector.broadcast %slice3A_872 : vector<512x1xf32> to vector<512x128xf32>
      %mul3A_875 = vector.broadcast %slice3A_873 : vector<1x128xf32> to vector<512x128xf32>
      %mul3A_876 = arith.mulf %mul3A_874, %mul3A_875 : vector<512x128xf32>
      %add3A_877 = arith.addf %add3A_871, %mul3A_876 : vector<512x128xf32>
      %slice3A_878 = vector.extract_strided_slice %convert_element_type3A_845 {offsets = [0, 5], sizes = [512, 1], strides = [1, 1]} : vector<512x32xf32> to vector<512x1xf32>
      %slice3A_879 = vector.extract_strided_slice %convert_element_type3A_66 {offsets = [5, 0], sizes = [1, 128], strides = [1, 1]} : vector<32x128xf32> to vector<1x128xf32>
      %mul3A_880 = vector.broadcast %slice3A_878 : vector<512x1xf32> to vector<512x128xf32>
      %mul3A_881 = vector.broadcast %slice3A_879 : vector<1x128xf32> to vector<512x128xf32>
      %mul3A_882 = arith.mulf %mul3A_880, %mul3A_881 : vector<512x128xf32>
      %add3A_883 = arith.addf %add3A_877, %mul3A_882 : vector<512x128xf32>
      %slice3A_884 = vector.extract_strided_slice %convert_element_type3A_845 {offsets = [0, 6], sizes = [512, 1], strides = [1, 1]} : vector<512x32xf32> to vector<512x1xf32>
      %slice3A_885 = vector.extract_strided_slice %convert_element_type3A_66 {offsets = [6, 0], sizes = [1, 128], strides = [1, 1]} : vector<32x128xf32> to vector<1x128xf32>
      %mul3A_886 = vector.broadcast %slice3A_884 : vector<512x1xf32> to vector<512x128xf32>
      %mul3A_887 = vector.broadcast %slice3A_885 : vector<1x128xf32> to vector<512x128xf32>
      %mul3A_888 = arith.mulf %mul3A_886, %mul3A_887 : vector<512x128xf32>
      %add3A_889 = arith.addf %add3A_883, %mul3A_888 : vector<512x128xf32>
      %slice3A_890 = vector.extract_strided_slice %convert_element_type3A_845 {offsets = [0, 7], sizes = [512, 1], strides = [1, 1]} : vector<512x32xf32> to vector<512x1xf32>
      %slice3A_891 = vector.extract_strided_slice %convert_element_type3A_66 {offsets = [7, 0], sizes = [1, 128], strides = [1, 1]} : vector<32x128xf32> to vector<1x128xf32>
      %mul3A_892 = vector.broadcast %slice3A_890 : vector<512x1xf32> to vector<512x128xf32>
      %mul3A_893 = vector.broadcast %slice3A_891 : vector<1x128xf32> to vector<512x128xf32>
      %mul3A_894 = arith.mulf %mul3A_892, %mul3A_893 : vector<512x128xf32>
      %add3A_895 = arith.addf %add3A_889, %mul3A_894 : vector<512x128xf32>
      %slice3A_896 = vector.extract_strided_slice %convert_element_type3A_845 {offsets = [0, 8], sizes = [512, 1], strides = [1, 1]} : vector<512x32xf32> to vector<512x1xf32>
      %slice3A_897 = vector.extract_strided_slice %convert_element_type3A_66 {offsets = [8, 0], sizes = [1, 128], strides = [1, 1]} : vector<32x128xf32> to vector<1x128xf32>
      %mul3A_898 = vector.broadcast %slice3A_896 : vector<512x1xf32> to vector<512x128xf32>
      %mul3A_899 = vector.broadcast %slice3A_897 : vector<1x128xf32> to vector<512x128xf32>
      %mul3A_900 = arith.mulf %mul3A_898, %mul3A_899 : vector<512x128xf32>
      %add3A_901 = arith.addf %add3A_895, %mul3A_900 : vector<512x128xf32>
      %slice3A_902 = vector.extract_strided_slice %convert_element_type3A_845 {offsets = [0, 9], sizes = [512, 1], strides = [1, 1]} : vector<512x32xf32> to vector<512x1xf32>
      %slice3A_903 = vector.extract_strided_slice %convert_element_type3A_66 {offsets = [9, 0], sizes = [1, 128], strides = [1, 1]} : vector<32x128xf32> to vector<1x128xf32>
      %mul3A_904 = vector.broadcast %slice3A_902 : vector<512x1xf32> to vector<512x128xf32>
      %mul3A_905 = vector.broadcast %slice3A_903 : vector<1x128xf32> to vector<512x128xf32>
      %mul3A_906 = arith.mulf %mul3A_904, %mul3A_905 : vector<512x128xf32>
      %add3A_907 = arith.addf %add3A_901, %mul3A_906 : vector<512x128xf32>
      %slice3A_908 = vector.extract_strided_slice %convert_element_type3A_845 {offsets = [0, 10], sizes = [512, 1], strides = [1, 1]} : vector<512x32xf32> to vector<512x1xf32>
      %slice3A_909 = vector.extract_strided_slice %convert_element_type3A_66 {offsets = [10, 0], sizes = [1, 128], strides = [1, 1]} : vector<32x128xf32> to vector<1x128xf32>
      %mul3A_910 = vector.broadcast %slice3A_908 : vector<512x1xf32> to vector<512x128xf32>
      %mul3A_911 = vector.broadcast %slice3A_909 : vector<1x128xf32> to vector<512x128xf32>
      %mul3A_912 = arith.mulf %mul3A_910, %mul3A_911 : vector<512x128xf32>
      %add3A_913 = arith.addf %add3A_907, %mul3A_912 : vector<512x128xf32>
      %slice3A_914 = vector.extract_strided_slice %convert_element_type3A_845 {offsets = [0, 11], sizes = [512, 1], strides = [1, 1]} : vector<512x32xf32> to vector<512x1xf32>
      %slice3A_915 = vector.extract_strided_slice %convert_element_type3A_66 {offsets = [11, 0], sizes = [1, 128], strides = [1, 1]} : vector<32x128xf32> to vector<1x128xf32>
      %mul3A_916 = vector.broadcast %slice3A_914 : vector<512x1xf32> to vector<512x128xf32>
      %mul3A_917 = vector.broadcast %slice3A_915 : vector<1x128xf32> to vector<512x128xf32>
      %mul3A_918 = arith.mulf %mul3A_916, %mul3A_917 : vector<512x128xf32>
      %add3A_919 = arith.addf %add3A_913, %mul3A_918 : vector<512x128xf32>
      %slice3A_920 = vector.extract_strided_slice %convert_element_type3A_845 {offsets = [0, 12], sizes = [512, 1], strides = [1, 1]} : vector<512x32xf32> to vector<512x1xf32>
      %slice3A_921 = vector.extract_strided_slice %convert_element_type3A_66 {offsets = [12, 0], sizes = [1, 128], strides = [1, 1]} : vector<32x128xf32> to vector<1x128xf32>
      %mul3A_922 = vector.broadcast %slice3A_920 : vector<512x1xf32> to vector<512x128xf32>
      %mul3A_923 = vector.broadcast %slice3A_921 : vector<1x128xf32> to vector<512x128xf32>
      %mul3A_924 = arith.mulf %mul3A_922, %mul3A_923 : vector<512x128xf32>
      %add3A_925 = arith.addf %add3A_919, %mul3A_924 : vector<512x128xf32>
      %slice3A_926 = vector.extract_strided_slice %convert_element_type3A_845 {offsets = [0, 13], sizes = [512, 1], strides = [1, 1]} : vector<512x32xf32> to vector<512x1xf32>
      %slice3A_927 = vector.extract_strided_slice %convert_element_type3A_66 {offsets = [13, 0], sizes = [1, 128], strides = [1, 1]} : vector<32x128xf32> to vector<1x128xf32>
      %mul3A_928 = vector.broadcast %slice3A_926 : vector<512x1xf32> to vector<512x128xf32>
      %mul3A_929 = vector.broadcast %slice3A_927 : vector<1x128xf32> to vector<512x128xf32>
      %mul3A_930 = arith.mulf %mul3A_928, %mul3A_929 : vector<512x128xf32>
      %add3A_931 = arith.addf %add3A_925, %mul3A_930 : vector<512x128xf32>
      %slice3A_932 = vector.extract_strided_slice %convert_element_type3A_845 {offsets = [0, 14], sizes = [512, 1], strides = [1, 1]} : vector<512x32xf32> to vector<512x1xf32>
      %slice3A_933 = vector.extract_strided_slice %convert_element_type3A_66 {offsets = [14, 0], sizes = [1, 128], strides = [1, 1]} : vector<32x128xf32> to vector<1x128xf32>
      %mul3A_934 = vector.broadcast %slice3A_932 : vector<512x1xf32> to vector<512x128xf32>
      %mul3A_935 = vector.broadcast %slice3A_933 : vector<1x128xf32> to vector<512x128xf32>
      %mul3A_936 = arith.mulf %mul3A_934, %mul3A_935 : vector<512x128xf32>
      %add3A_937 = arith.addf %add3A_931, %mul3A_936 : vector<512x128xf32>
      %slice3A_938 = vector.extract_strided_slice %convert_element_type3A_845 {offsets = [0, 15], sizes = [512, 1], strides = [1, 1]} : vector<512x32xf32> to vector<512x1xf32>
      %slice3A_939 = vector.extract_strided_slice %convert_element_type3A_66 {offsets = [15, 0], sizes = [1, 128], strides = [1, 1]} : vector<32x128xf32> to vector<1x128xf32>
      %mul3A_940 = vector.broadcast %slice3A_938 : vector<512x1xf32> to vector<512x128xf32>
      %mul3A_941 = vector.broadcast %slice3A_939 : vector<1x128xf32> to vector<512x128xf32>
      %mul3A_942 = arith.mulf %mul3A_940, %mul3A_941 : vector<512x128xf32>
      %add3A_943 = arith.addf %add3A_937, %mul3A_942 : vector<512x128xf32>
      %slice3A_944 = vector.extract_strided_slice %convert_element_type3A_845 {offsets = [0, 16], sizes = [512, 1], strides = [1, 1]} : vector<512x32xf32> to vector<512x1xf32>
      %slice3A_945 = vector.extract_strided_slice %convert_element_type3A_66 {offsets = [16, 0], sizes = [1, 128], strides = [1, 1]} : vector<32x128xf32> to vector<1x128xf32>
      %mul3A_946 = vector.broadcast %slice3A_944 : vector<512x1xf32> to vector<512x128xf32>
      %mul3A_947 = vector.broadcast %slice3A_945 : vector<1x128xf32> to vector<512x128xf32>
      %mul3A_948 = arith.mulf %mul3A_946, %mul3A_947 : vector<512x128xf32>
      %add3A_949 = arith.addf %add3A_943, %mul3A_948 : vector<512x128xf32>
      %slice3A_950 = vector.extract_strided_slice %convert_element_type3A_845 {offsets = [0, 17], sizes = [512, 1], strides = [1, 1]} : vector<512x32xf32> to vector<512x1xf32>
      %slice3A_951 = vector.extract_strided_slice %convert_element_type3A_66 {offsets = [17, 0], sizes = [1, 128], strides = [1, 1]} : vector<32x128xf32> to vector<1x128xf32>
      %mul3A_952 = vector.broadcast %slice3A_950 : vector<512x1xf32> to vector<512x128xf32>
      %mul3A_953 = vector.broadcast %slice3A_951 : vector<1x128xf32> to vector<512x128xf32>
      %mul3A_954 = arith.mulf %mul3A_952, %mul3A_953 : vector<512x128xf32>
      %add3A_955 = arith.addf %add3A_949, %mul3A_954 : vector<512x128xf32>
      %slice3A_956 = vector.extract_strided_slice %convert_element_type3A_845 {offsets = [0, 18], sizes = [512, 1], strides = [1, 1]} : vector<512x32xf32> to vector<512x1xf32>
      %slice3A_957 = vector.extract_strided_slice %convert_element_type3A_66 {offsets = [18, 0], sizes = [1, 128], strides = [1, 1]} : vector<32x128xf32> to vector<1x128xf32>
      %mul3A_958 = vector.broadcast %slice3A_956 : vector<512x1xf32> to vector<512x128xf32>
      %mul3A_959 = vector.broadcast %slice3A_957 : vector<1x128xf32> to vector<512x128xf32>
      %mul3A_960 = arith.mulf %mul3A_958, %mul3A_959 : vector<512x128xf32>
      %add3A_961 = arith.addf %add3A_955, %mul3A_960 : vector<512x128xf32>
      %slice3A_962 = vector.extract_strided_slice %convert_element_type3A_845 {offsets = [0, 19], sizes = [512, 1], strides = [1, 1]} : vector<512x32xf32> to vector<512x1xf32>
      %slice3A_963 = vector.extract_strided_slice %convert_element_type3A_66 {offsets = [19, 0], sizes = [1, 128], strides = [1, 1]} : vector<32x128xf32> to vector<1x128xf32>
      %mul3A_964 = vector.broadcast %slice3A_962 : vector<512x1xf32> to vector<512x128xf32>
      %mul3A_965 = vector.broadcast %slice3A_963 : vector<1x128xf32> to vector<512x128xf32>
      %mul3A_966 = arith.mulf %mul3A_964, %mul3A_965 : vector<512x128xf32>
      %add3A_967 = arith.addf %add3A_961, %mul3A_966 : vector<512x128xf32>
      %slice3A_968 = vector.extract_strided_slice %convert_element_type3A_845 {offsets = [0, 20], sizes = [512, 1], strides = [1, 1]} : vector<512x32xf32> to vector<512x1xf32>
      %slice3A_969 = vector.extract_strided_slice %convert_element_type3A_66 {offsets = [20, 0], sizes = [1, 128], strides = [1, 1]} : vector<32x128xf32> to vector<1x128xf32>
      %mul3A_970 = vector.broadcast %slice3A_968 : vector<512x1xf32> to vector<512x128xf32>
      %mul3A_971 = vector.broadcast %slice3A_969 : vector<1x128xf32> to vector<512x128xf32>
      %mul3A_972 = arith.mulf %mul3A_970, %mul3A_971 : vector<512x128xf32>
      %add3A_973 = arith.addf %add3A_967, %mul3A_972 : vector<512x128xf32>
      %slice3A_974 = vector.extract_strided_slice %convert_element_type3A_845 {offsets = [0, 21], sizes = [512, 1], strides = [1, 1]} : vector<512x32xf32> to vector<512x1xf32>
      %slice3A_975 = vector.extract_strided_slice %convert_element_type3A_66 {offsets = [21, 0], sizes = [1, 128], strides = [1, 1]} : vector<32x128xf32> to vector<1x128xf32>
      %mul3A_976 = vector.broadcast %slice3A_974 : vector<512x1xf32> to vector<512x128xf32>
      %mul3A_977 = vector.broadcast %slice3A_975 : vector<1x128xf32> to vector<512x128xf32>
      %mul3A_978 = arith.mulf %mul3A_976, %mul3A_977 : vector<512x128xf32>
      %add3A_979 = arith.addf %add3A_973, %mul3A_978 : vector<512x128xf32>
      %slice3A_980 = vector.extract_strided_slice %convert_element_type3A_845 {offsets = [0, 22], sizes = [512, 1], strides = [1, 1]} : vector<512x32xf32> to vector<512x1xf32>
      %slice3A_981 = vector.extract_strided_slice %convert_element_type3A_66 {offsets = [22, 0], sizes = [1, 128], strides = [1, 1]} : vector<32x128xf32> to vector<1x128xf32>
      %mul3A_982 = vector.broadcast %slice3A_980 : vector<512x1xf32> to vector<512x128xf32>
      %mul3A_983 = vector.broadcast %slice3A_981 : vector<1x128xf32> to vector<512x128xf32>
      %mul3A_984 = arith.mulf %mul3A_982, %mul3A_983 : vector<512x128xf32>
      %add3A_985 = arith.addf %add3A_979, %mul3A_984 : vector<512x128xf32>
      %slice3A_986 = vector.extract_strided_slice %convert_element_type3A_845 {offsets = [0, 23], sizes = [512, 1], strides = [1, 1]} : vector<512x32xf32> to vector<512x1xf32>
      %slice3A_987 = vector.extract_strided_slice %convert_element_type3A_66 {offsets = [23, 0], sizes = [1, 128], strides = [1, 1]} : vector<32x128xf32> to vector<1x128xf32>
      %mul3A_988 = vector.broadcast %slice3A_986 : vector<512x1xf32> to vector<512x128xf32>
      %mul3A_989 = vector.broadcast %slice3A_987 : vector<1x128xf32> to vector<512x128xf32>
      %mul3A_990 = arith.mulf %mul3A_988, %mul3A_989 : vector<512x128xf32>
      %add3A_991 = arith.addf %add3A_985, %mul3A_990 : vector<512x128xf32>
      %slice3A_992 = vector.extract_strided_slice %convert_element_type3A_845 {offsets = [0, 24], sizes = [512, 1], strides = [1, 1]} : vector<512x32xf32> to vector<512x1xf32>
      %slice3A_993 = vector.extract_strided_slice %convert_element_type3A_66 {offsets = [24, 0], sizes = [1, 128], strides = [1, 1]} : vector<32x128xf32> to vector<1x128xf32>
      %mul3A_994 = vector.broadcast %slice3A_992 : vector<512x1xf32> to vector<512x128xf32>
      %mul3A_995 = vector.broadcast %slice3A_993 : vector<1x128xf32> to vector<512x128xf32>
      %mul3A_996 = arith.mulf %mul3A_994, %mul3A_995 : vector<512x128xf32>
      %add3A_997 = arith.addf %add3A_991, %mul3A_996 : vector<512x128xf32>
      %slice3A_998 = vector.extract_strided_slice %convert_element_type3A_845 {offsets = [0, 25], sizes = [512, 1], strides = [1, 1]} : vector<512x32xf32> to vector<512x1xf32>
      %slice3A_999 = vector.extract_strided_slice %convert_element_type3A_66 {offsets = [25, 0], sizes = [1, 128], strides = [1, 1]} : vector<32x128xf32> to vector<1x128xf32>
      %mul3A_1000 = vector.broadcast %slice3A_998 : vector<512x1xf32> to vector<512x128xf32>
      %mul3A_1001 = vector.broadcast %slice3A_999 : vector<1x128xf32> to vector<512x128xf32>
      %mul3A_1002 = arith.mulf %mul3A_1000, %mul3A_1001 : vector<512x128xf32>
      %add3A_1003 = arith.addf %add3A_997, %mul3A_1002 : vector<512x128xf32>
      %slice3A_1004 = vector.extract_strided_slice %convert_element_type3A_845 {offsets = [0, 26], sizes = [512, 1], strides = [1, 1]} : vector<512x32xf32> to vector<512x1xf32>
      %slice3A_1005 = vector.extract_strided_slice %convert_element_type3A_66 {offsets = [26, 0], sizes = [1, 128], strides = [1, 1]} : vector<32x128xf32> to vector<1x128xf32>
      %mul3A_1006 = vector.broadcast %slice3A_1004 : vector<512x1xf32> to vector<512x128xf32>
      %mul3A_1007 = vector.broadcast %slice3A_1005 : vector<1x128xf32> to vector<512x128xf32>
      %mul3A_1008 = arith.mulf %mul3A_1006, %mul3A_1007 : vector<512x128xf32>
      %add3A_1009 = arith.addf %add3A_1003, %mul3A_1008 : vector<512x128xf32>
      %slice3A_1010 = vector.extract_strided_slice %convert_element_type3A_845 {offsets = [0, 27], sizes = [512, 1], strides = [1, 1]} : vector<512x32xf32> to vector<512x1xf32>
      %slice3A_1011 = vector.extract_strided_slice %convert_element_type3A_66 {offsets = [27, 0], sizes = [1, 128], strides = [1, 1]} : vector<32x128xf32> to vector<1x128xf32>
      %mul3A_1012 = vector.broadcast %slice3A_1010 : vector<512x1xf32> to vector<512x128xf32>
      %mul3A_1013 = vector.broadcast %slice3A_1011 : vector<1x128xf32> to vector<512x128xf32>
      %mul3A_1014 = arith.mulf %mul3A_1012, %mul3A_1013 : vector<512x128xf32>
      %add3A_1015 = arith.addf %add3A_1009, %mul3A_1014 : vector<512x128xf32>
      %slice3A_1016 = vector.extract_strided_slice %convert_element_type3A_845 {offsets = [0, 28], sizes = [512, 1], strides = [1, 1]} : vector<512x32xf32> to vector<512x1xf32>
      %slice3A_1017 = vector.extract_strided_slice %convert_element_type3A_66 {offsets = [28, 0], sizes = [1, 128], strides = [1, 1]} : vector<32x128xf32> to vector<1x128xf32>
      %mul3A_1018 = vector.broadcast %slice3A_1016 : vector<512x1xf32> to vector<512x128xf32>
      %mul3A_1019 = vector.broadcast %slice3A_1017 : vector<1x128xf32> to vector<512x128xf32>
      %mul3A_1020 = arith.mulf %mul3A_1018, %mul3A_1019 : vector<512x128xf32>
      %add3A_1021 = arith.addf %add3A_1015, %mul3A_1020 : vector<512x128xf32>
      %slice3A_1022 = vector.extract_strided_slice %convert_element_type3A_845 {offsets = [0, 29], sizes = [512, 1], strides = [1, 1]} : vector<512x32xf32> to vector<512x1xf32>
      %slice3A_1023 = vector.extract_strided_slice %convert_element_type3A_66 {offsets = [29, 0], sizes = [1, 128], strides = [1, 1]} : vector<32x128xf32> to vector<1x128xf32>
      %mul3A_1024 = vector.broadcast %slice3A_1022 : vector<512x1xf32> to vector<512x128xf32>
      %mul3A_1025 = vector.broadcast %slice3A_1023 : vector<1x128xf32> to vector<512x128xf32>
      %mul3A_1026 = arith.mulf %mul3A_1024, %mul3A_1025 : vector<512x128xf32>
      %add3A_1027 = arith.addf %add3A_1021, %mul3A_1026 : vector<512x128xf32>
      %slice3A_1028 = vector.extract_strided_slice %convert_element_type3A_845 {offsets = [0, 30], sizes = [512, 1], strides = [1, 1]} : vector<512x32xf32> to vector<512x1xf32>
      %slice3A_1029 = vector.extract_strided_slice %convert_element_type3A_66 {offsets = [30, 0], sizes = [1, 128], strides = [1, 1]} : vector<32x128xf32> to vector<1x128xf32>
      %mul3A_1030 = vector.broadcast %slice3A_1028 : vector<512x1xf32> to vector<512x128xf32>
      %mul3A_1031 = vector.broadcast %slice3A_1029 : vector<1x128xf32> to vector<512x128xf32>
      %mul3A_1032 = arith.mulf %mul3A_1030, %mul3A_1031 : vector<512x128xf32>
      %add3A_1033 = arith.addf %add3A_1027, %mul3A_1032 : vector<512x128xf32>
      %slice3A_1034 = vector.extract_strided_slice %convert_element_type3A_845 {offsets = [0, 31], sizes = [512, 1], strides = [1, 1]} : vector<512x32xf32> to vector<512x1xf32>
      %slice3A_1035 = vector.extract_strided_slice %convert_element_type3A_66 {offsets = [31, 0], sizes = [1, 128], strides = [1, 1]} : vector<32x128xf32> to vector<1x128xf32>
      %mul3A_1036 = vector.broadcast %slice3A_1034 : vector<512x1xf32> to vector<512x128xf32>
      %mul3A_1037 = vector.broadcast %slice3A_1035 : vector<1x128xf32> to vector<512x128xf32>
      %mul3A_1038 = arith.mulf %mul3A_1036, %mul3A_1037 : vector<512x128xf32>
      %add3A_1039 = arith.addf %add3A_1033, %mul3A_1038 : vector<512x128xf32>
      %add3A_1040 = vector.broadcast %add3A_65 : vector<1x128xf32> to vector<512x128xf32>
      %add3A_1041 = vector.broadcast %broadcast_in_dim3A_848 : vector<512x1xf32> to vector<512x128xf32>
      %add3A_1042 = arith.addf %add3A_1040, %add3A_1041 : vector<512x128xf32>
      %mul3A_1043 = arith.constant 2.000000e+00 : f32
      %mul3A_1044 = vector.broadcast %mul3A_1043 : f32 to vector<512x128xf32>
      %mul3A_1045 = arith.mulf %mul3A_1044, %add3A_1039 : vector<512x128xf32>
      %sub3A = arith.subf %add3A_1042, %mul3A_1045 : vector<512x128xf32>
      %reduce_min3A = arith.constant dense<0x7F800000> : vector<128xf32>
      %reduce_min3A_1046 = vector.multi_reduction <minimumf>, %sub3A, %reduce_min3A [0] : vector<512x128xf32> to vector<128xf32>
      %broadcast_in_dim3A_1047 = vector.shape_cast %reduce_min3A_1046 : vector<128xf32> to vector<1x128xf32>
      %iota3A = tpu.iota {dimensions = array<i32: 0>} : vector<512x128xi32>
      %eq3A = vector.broadcast %broadcast_in_dim3A_1047 : vector<1x128xf32> to vector<512x128xf32>
      %eq3A_1048 = arith.cmpf oeq, %sub3A, %eq3A : vector<512x128xf32>
      %jit3A = arith.constant 8192 : i32
      %broadcast_in_dim3A_1049 = vector.broadcast %jit3A : i32 to vector<512x128xi32>
      %select_n3A_1050 = arith.select %eq3A_1048, %iota3A, %broadcast_in_dim3A_1049 : vector<512x128xi1>, vector<512x128xi32>
      %reduce_min3A_1051 = arith.constant dense<2147483647> : vector<128xi32>
      %reduce_min3A_1052 = vector.multi_reduction <minsi>, %select_n3A_1050, %reduce_min3A_1051 [0] : vector<512x128xi32> to vector<128xi32>
      %broadcast_in_dim3A_1053 = vector.shape_cast %reduce_min3A_1052 : vector<128xi32> to vector<1x128xi32>
      %add3A_1054 = vector.broadcast %add3A_840 : i32 to vector<1x128xi32>
      %add3A_1055 = arith.addi %broadcast_in_dim3A_1053, %add3A_1054 : vector<1x128xi32>
      %lt3A_1056 = arith.cmpf olt, %broadcast_in_dim3A_1047, %scan3A_835 : vector<1x128xf32>
      %select_n3A_1057 = arith.select %lt3A_1056, %broadcast_in_dim3A_1047, %scan3A_835 : vector<1x128xi1>, vector<1x128xf32>
      %select_n3A_1058 = arith.select %lt3A_1056, %add3A_1055, %scan3A_836 : vector<1x128xi1>, vector<1x128xi32>
      scf.yield %select_n3A_1057, %select_n3A_1058 : vector<1x128xf32>, vector<1x128xi32>
    }
    %scan3A_78 = arith.constant 8 : i32
    %lt3A = arith.cmpf olt, %scan3A_77#0, %broadcast_in_dim3A_67 : vector<1x128xf32>
    %select_n3A = arith.select %lt3A, %scan3A_77#1, %broadcast_in_dim3A_69 : vector<1x128xi1>, vector<1x128xi32>
    %select_n3A_79 = arith.select %lt3A, %scan3A_77#0, %broadcast_in_dim3A_67 : vector<1x128xi1>, vector<1x128xf32>
    %convert_element_type3A_80 = arith.truncf %select_n3A_79 : vector<1x128xf32> to vector<1x128xbf16>
    %convert_element_type3A_81 = arith.extf %convert_element_type3A_80 : vector<1x128xbf16> to vector<1x128xf32>
    %broadcast_in_dim3A_82 = arith.constant 0x7F800000 : f32
    %broadcast_in_dim3A_83 = vector.broadcast %broadcast_in_dim3A_82 : f32 to vector<1x128xf32>
    %broadcast_in_dim3A_84 = arith.constant 0 : i32
    %broadcast_in_dim3A_85 = vector.broadcast %broadcast_in_dim3A_84 : i32 to vector<1x128xi32>
    %scan3A_86 = arith.constant 0 : i32
    %scan3A_87 = arith.constant 8 : i32
    %scan3A_88 = arith.addi %scan3A_86, %scan3A_87 : i32
    %scan3A_89 = arith.constant 1 : i32
    %scan3A_90:2 = scf.for %scan3A_834 = %scan3A_86 to %scan3A_88 step %scan3A_89 iter_args(%scan3A_835 = %broadcast_in_dim3A_83, %scan3A_836 = %broadcast_in_dim3A_85) -> (vector<1x128xf32>, vector<1x128xi32>)  : i32 {
      %mul3A_837 = arith.constant 512 : i32
      %mul3A_838 = arith.muli %scan3A_834, %mul3A_837 : i32
      %add3A_839 = arith.constant 4096 : i32
      %add3A_840 = arith.addi %add3A_839, %mul3A_838 : i32
      %get3A_841 = arith.index_cast %add3A_840 : i32 to index
      %get3A_842 = arith.constant 0 : index
      %get3A_843 = vector.load %arg2[%get3A_841, %get3A_842] : memref<8192x32xf32, #tpu.memory_space<vmem>>, vector<512x32xf32>
      %convert_element_type3A_844 = arith.truncf %get3A_843 : vector<512x32xf32> to vector<512x32xbf16>
      %convert_element_type3A_845 = arith.extf %convert_element_type3A_844 : vector<512x32xbf16> to vector<512x32xf32>
      %mul3A_846 = arith.mulf %get3A_843, %get3A_843 : vector<512x32xf32>
      %reduce_sum3A = arith.constant dense<0.000000e+00> : vector<512xf32>
      %reduce_sum3A_847 = vector.multi_reduction <add>, %mul3A_846, %reduce_sum3A [1] : vector<512x32xf32> to vector<512xf32>
      %broadcast_in_dim3A_848 = vector.shape_cast %reduce_sum3A_847 : vector<512xf32> to vector<512x1xf32>
      %slice3A_849 = vector.extract_strided_slice %convert_element_type3A_845 {offsets = [0, 0], sizes = [512, 1], strides = [1, 1]} : vector<512x32xf32> to vector<512x1xf32>
      %slice3A_850 = vector.extract_strided_slice %convert_element_type3A_66 {offsets = [0, 0], sizes = [1, 128], strides = [1, 1]} : vector<32x128xf32> to vector<1x128xf32>
      %mul3A_851 = vector.broadcast %slice3A_849 : vector<512x1xf32> to vector<512x128xf32>
      %mul3A_852 = vector.broadcast %slice3A_850 : vector<1x128xf32> to vector<512x128xf32>
      %mul3A_853 = arith.mulf %mul3A_851, %mul3A_852 : vector<512x128xf32>
      %slice3A_854 = vector.extract_strided_slice %convert_element_type3A_845 {offsets = [0, 1], sizes = [512, 1], strides = [1, 1]} : vector<512x32xf32> to vector<512x1xf32>
      %slice3A_855 = vector.extract_strided_slice %convert_element_type3A_66 {offsets = [1, 0], sizes = [1, 128], strides = [1, 1]} : vector<32x128xf32> to vector<1x128xf32>
      %mul3A_856 = vector.broadcast %slice3A_854 : vector<512x1xf32> to vector<512x128xf32>
      %mul3A_857 = vector.broadcast %slice3A_855 : vector<1x128xf32> to vector<512x128xf32>
      %mul3A_858 = arith.mulf %mul3A_856, %mul3A_857 : vector<512x128xf32>
      %add3A_859 = arith.addf %mul3A_853, %mul3A_858 : vector<512x128xf32>
      %slice3A_860 = vector.extract_strided_slice %convert_element_type3A_845 {offsets = [0, 2], sizes = [512, 1], strides = [1, 1]} : vector<512x32xf32> to vector<512x1xf32>
      %slice3A_861 = vector.extract_strided_slice %convert_element_type3A_66 {offsets = [2, 0], sizes = [1, 128], strides = [1, 1]} : vector<32x128xf32> to vector<1x128xf32>
      %mul3A_862 = vector.broadcast %slice3A_860 : vector<512x1xf32> to vector<512x128xf32>
      %mul3A_863 = vector.broadcast %slice3A_861 : vector<1x128xf32> to vector<512x128xf32>
      %mul3A_864 = arith.mulf %mul3A_862, %mul3A_863 : vector<512x128xf32>
      %add3A_865 = arith.addf %add3A_859, %mul3A_864 : vector<512x128xf32>
      %slice3A_866 = vector.extract_strided_slice %convert_element_type3A_845 {offsets = [0, 3], sizes = [512, 1], strides = [1, 1]} : vector<512x32xf32> to vector<512x1xf32>
      %slice3A_867 = vector.extract_strided_slice %convert_element_type3A_66 {offsets = [3, 0], sizes = [1, 128], strides = [1, 1]} : vector<32x128xf32> to vector<1x128xf32>
      %mul3A_868 = vector.broadcast %slice3A_866 : vector<512x1xf32> to vector<512x128xf32>
      %mul3A_869 = vector.broadcast %slice3A_867 : vector<1x128xf32> to vector<512x128xf32>
      %mul3A_870 = arith.mulf %mul3A_868, %mul3A_869 : vector<512x128xf32>
      %add3A_871 = arith.addf %add3A_865, %mul3A_870 : vector<512x128xf32>
      %slice3A_872 = vector.extract_strided_slice %convert_element_type3A_845 {offsets = [0, 4], sizes = [512, 1], strides = [1, 1]} : vector<512x32xf32> to vector<512x1xf32>
      %slice3A_873 = vector.extract_strided_slice %convert_element_type3A_66 {offsets = [4, 0], sizes = [1, 128], strides = [1, 1]} : vector<32x128xf32> to vector<1x128xf32>
      %mul3A_874 = vector.broadcast %slice3A_872 : vector<512x1xf32> to vector<512x128xf32>
      %mul3A_875 = vector.broadcast %slice3A_873 : vector<1x128xf32> to vector<512x128xf32>
      %mul3A_876 = arith.mulf %mul3A_874, %mul3A_875 : vector<512x128xf32>
      %add3A_877 = arith.addf %add3A_871, %mul3A_876 : vector<512x128xf32>
      %slice3A_878 = vector.extract_strided_slice %convert_element_type3A_845 {offsets = [0, 5], sizes = [512, 1], strides = [1, 1]} : vector<512x32xf32> to vector<512x1xf32>
      %slice3A_879 = vector.extract_strided_slice %convert_element_type3A_66 {offsets = [5, 0], sizes = [1, 128], strides = [1, 1]} : vector<32x128xf32> to vector<1x128xf32>
      %mul3A_880 = vector.broadcast %slice3A_878 : vector<512x1xf32> to vector<512x128xf32>
      %mul3A_881 = vector.broadcast %slice3A_879 : vector<1x128xf32> to vector<512x128xf32>
      %mul3A_882 = arith.mulf %mul3A_880, %mul3A_881 : vector<512x128xf32>
      %add3A_883 = arith.addf %add3A_877, %mul3A_882 : vector<512x128xf32>
      %slice3A_884 = vector.extract_strided_slice %convert_element_type3A_845 {offsets = [0, 6], sizes = [512, 1], strides = [1, 1]} : vector<512x32xf32> to vector<512x1xf32>
      %slice3A_885 = vector.extract_strided_slice %convert_element_type3A_66 {offsets = [6, 0], sizes = [1, 128], strides = [1, 1]} : vector<32x128xf32> to vector<1x128xf32>
      %mul3A_886 = vector.broadcast %slice3A_884 : vector<512x1xf32> to vector<512x128xf32>
      %mul3A_887 = vector.broadcast %slice3A_885 : vector<1x128xf32> to vector<512x128xf32>
      %mul3A_888 = arith.mulf %mul3A_886, %mul3A_887 : vector<512x128xf32>
      %add3A_889 = arith.addf %add3A_883, %mul3A_888 : vector<512x128xf32>
      %slice3A_890 = vector.extract_strided_slice %convert_element_type3A_845 {offsets = [0, 7], sizes = [512, 1], strides = [1, 1]} : vector<512x32xf32> to vector<512x1xf32>
      %slice3A_891 = vector.extract_strided_slice %convert_element_type3A_66 {offsets = [7, 0], sizes = [1, 128], strides = [1, 1]} : vector<32x128xf32> to vector<1x128xf32>
      %mul3A_892 = vector.broadcast %slice3A_890 : vector<512x1xf32> to vector<512x128xf32>
      %mul3A_893 = vector.broadcast %slice3A_891 : vector<1x128xf32> to vector<512x128xf32>
      %mul3A_894 = arith.mulf %mul3A_892, %mul3A_893 : vector<512x128xf32>
      %add3A_895 = arith.addf %add3A_889, %mul3A_894 : vector<512x128xf32>
      %slice3A_896 = vector.extract_strided_slice %convert_element_type3A_845 {offsets = [0, 8], sizes = [512, 1], strides = [1, 1]} : vector<512x32xf32> to vector<512x1xf32>
      %slice3A_897 = vector.extract_strided_slice %convert_element_type3A_66 {offsets = [8, 0], sizes = [1, 128], strides = [1, 1]} : vector<32x128xf32> to vector<1x128xf32>
      %mul3A_898 = vector.broadcast %slice3A_896 : vector<512x1xf32> to vector<512x128xf32>
      %mul3A_899 = vector.broadcast %slice3A_897 : vector<1x128xf32> to vector<512x128xf32>
      %mul3A_900 = arith.mulf %mul3A_898, %mul3A_899 : vector<512x128xf32>
      %add3A_901 = arith.addf %add3A_895, %mul3A_900 : vector<512x128xf32>
      %slice3A_902 = vector.extract_strided_slice %convert_element_type3A_845 {offsets = [0, 9], sizes = [512, 1], strides = [1, 1]} : vector<512x32xf32> to vector<512x1xf32>
      %slice3A_903 = vector.extract_strided_slice %convert_element_type3A_66 {offsets = [9, 0], sizes = [1, 128], strides = [1, 1]} : vector<32x128xf32> to vector<1x128xf32>
      %mul3A_904 = vector.broadcast %slice3A_902 : vector<512x1xf32> to vector<512x128xf32>
      %mul3A_905 = vector.broadcast %slice3A_903 : vector<1x128xf32> to vector<512x128xf32>
      %mul3A_906 = arith.mulf %mul3A_904, %mul3A_905 : vector<512x128xf32>
      %add3A_907 = arith.addf %add3A_901, %mul3A_906 : vector<512x128xf32>
      %slice3A_908 = vector.extract_strided_slice %convert_element_type3A_845 {offsets = [0, 10], sizes = [512, 1], strides = [1, 1]} : vector<512x32xf32> to vector<512x1xf32>
      %slice3A_909 = vector.extract_strided_slice %convert_element_type3A_66 {offsets = [10, 0], sizes = [1, 128], strides = [1, 1]} : vector<32x128xf32> to vector<1x128xf32>
      %mul3A_910 = vector.broadcast %slice3A_908 : vector<512x1xf32> to vector<512x128xf32>
      %mul3A_911 = vector.broadcast %slice3A_909 : vector<1x128xf32> to vector<512x128xf32>
      %mul3A_912 = arith.mulf %mul3A_910, %mul3A_911 : vector<512x128xf32>
      %add3A_913 = arith.addf %add3A_907, %mul3A_912 : vector<512x128xf32>
      %slice3A_914 = vector.extract_strided_slice %convert_element_type3A_845 {offsets = [0, 11], sizes = [512, 1], strides = [1, 1]} : vector<512x32xf32> to vector<512x1xf32>
      %slice3A_915 = vector.extract_strided_slice %convert_element_type3A_66 {offsets = [11, 0], sizes = [1, 128], strides = [1, 1]} : vector<32x128xf32> to vector<1x128xf32>
      %mul3A_916 = vector.broadcast %slice3A_914 : vector<512x1xf32> to vector<512x128xf32>
      %mul3A_917 = vector.broadcast %slice3A_915 : vector<1x128xf32> to vector<512x128xf32>
      %mul3A_918 = arith.mulf %mul3A_916, %mul3A_917 : vector<512x128xf32>
      %add3A_919 = arith.addf %add3A_913, %mul3A_918 : vector<512x128xf32>
      %slice3A_920 = vector.extract_strided_slice %convert_element_type3A_845 {offsets = [0, 12], sizes = [512, 1], strides = [1, 1]} : vector<512x32xf32> to vector<512x1xf32>
      %slice3A_921 = vector.extract_strided_slice %convert_element_type3A_66 {offsets = [12, 0], sizes = [1, 128], strides = [1, 1]} : vector<32x128xf32> to vector<1x128xf32>
      %mul3A_922 = vector.broadcast %slice3A_920 : vector<512x1xf32> to vector<512x128xf32>
      %mul3A_923 = vector.broadcast %slice3A_921 : vector<1x128xf32> to vector<512x128xf32>
      %mul3A_924 = arith.mulf %mul3A_922, %mul3A_923 : vector<512x128xf32>
      %add3A_925 = arith.addf %add3A_919, %mul3A_924 : vector<512x128xf32>
      %slice3A_926 = vector.extract_strided_slice %convert_element_type3A_845 {offsets = [0, 13], sizes = [512, 1], strides = [1, 1]} : vector<512x32xf32> to vector<512x1xf32>
      %slice3A_927 = vector.extract_strided_slice %convert_element_type3A_66 {offsets = [13, 0], sizes = [1, 128], strides = [1, 1]} : vector<32x128xf32> to vector<1x128xf32>
      %mul3A_928 = vector.broadcast %slice3A_926 : vector<512x1xf32> to vector<512x128xf32>
      %mul3A_929 = vector.broadcast %slice3A_927 : vector<1x128xf32> to vector<512x128xf32>
      %mul3A_930 = arith.mulf %mul3A_928, %mul3A_929 : vector<512x128xf32>
      %add3A_931 = arith.addf %add3A_925, %mul3A_930 : vector<512x128xf32>
      %slice3A_932 = vector.extract_strided_slice %convert_element_type3A_845 {offsets = [0, 14], sizes = [512, 1], strides = [1, 1]} : vector<512x32xf32> to vector<512x1xf32>
      %slice3A_933 = vector.extract_strided_slice %convert_element_type3A_66 {offsets = [14, 0], sizes = [1, 128], strides = [1, 1]} : vector<32x128xf32> to vector<1x128xf32>
      %mul3A_934 = vector.broadcast %slice3A_932 : vector<512x1xf32> to vector<512x128xf32>
      %mul3A_935 = vector.broadcast %slice3A_933 : vector<1x128xf32> to vector<512x128xf32>
      %mul3A_936 = arith.mulf %mul3A_934, %mul3A_935 : vector<512x128xf32>
      %add3A_937 = arith.addf %add3A_931, %mul3A_936 : vector<512x128xf32>
      %slice3A_938 = vector.extract_strided_slice %convert_element_type3A_845 {offsets = [0, 15], sizes = [512, 1], strides = [1, 1]} : vector<512x32xf32> to vector<512x1xf32>
      %slice3A_939 = vector.extract_strided_slice %convert_element_type3A_66 {offsets = [15, 0], sizes = [1, 128], strides = [1, 1]} : vector<32x128xf32> to vector<1x128xf32>
      %mul3A_940 = vector.broadcast %slice3A_938 : vector<512x1xf32> to vector<512x128xf32>
      %mul3A_941 = vector.broadcast %slice3A_939 : vector<1x128xf32> to vector<512x128xf32>
      %mul3A_942 = arith.mulf %mul3A_940, %mul3A_941 : vector<512x128xf32>
      %add3A_943 = arith.addf %add3A_937, %mul3A_942 : vector<512x128xf32>
      %slice3A_944 = vector.extract_strided_slice %convert_element_type3A_845 {offsets = [0, 16], sizes = [512, 1], strides = [1, 1]} : vector<512x32xf32> to vector<512x1xf32>
      %slice3A_945 = vector.extract_strided_slice %convert_element_type3A_66 {offsets = [16, 0], sizes = [1, 128], strides = [1, 1]} : vector<32x128xf32> to vector<1x128xf32>
      %mul3A_946 = vector.broadcast %slice3A_944 : vector<512x1xf32> to vector<512x128xf32>
      %mul3A_947 = vector.broadcast %slice3A_945 : vector<1x128xf32> to vector<512x128xf32>
      %mul3A_948 = arith.mulf %mul3A_946, %mul3A_947 : vector<512x128xf32>
      %add3A_949 = arith.addf %add3A_943, %mul3A_948 : vector<512x128xf32>
      %slice3A_950 = vector.extract_strided_slice %convert_element_type3A_845 {offsets = [0, 17], sizes = [512, 1], strides = [1, 1]} : vector<512x32xf32> to vector<512x1xf32>
      %slice3A_951 = vector.extract_strided_slice %convert_element_type3A_66 {offsets = [17, 0], sizes = [1, 128], strides = [1, 1]} : vector<32x128xf32> to vector<1x128xf32>
      %mul3A_952 = vector.broadcast %slice3A_950 : vector<512x1xf32> to vector<512x128xf32>
      %mul3A_953 = vector.broadcast %slice3A_951 : vector<1x128xf32> to vector<512x128xf32>
      %mul3A_954 = arith.mulf %mul3A_952, %mul3A_953 : vector<512x128xf32>
      %add3A_955 = arith.addf %add3A_949, %mul3A_954 : vector<512x128xf32>
      %slice3A_956 = vector.extract_strided_slice %convert_element_type3A_845 {offsets = [0, 18], sizes = [512, 1], strides = [1, 1]} : vector<512x32xf32> to vector<512x1xf32>
      %slice3A_957 = vector.extract_strided_slice %convert_element_type3A_66 {offsets = [18, 0], sizes = [1, 128], strides = [1, 1]} : vector<32x128xf32> to vector<1x128xf32>
      %mul3A_958 = vector.broadcast %slice3A_956 : vector<512x1xf32> to vector<512x128xf32>
      %mul3A_959 = vector.broadcast %slice3A_957 : vector<1x128xf32> to vector<512x128xf32>
      %mul3A_960 = arith.mulf %mul3A_958, %mul3A_959 : vector<512x128xf32>
      %add3A_961 = arith.addf %add3A_955, %mul3A_960 : vector<512x128xf32>
      %slice3A_962 = vector.extract_strided_slice %convert_element_type3A_845 {offsets = [0, 19], sizes = [512, 1], strides = [1, 1]} : vector<512x32xf32> to vector<512x1xf32>
      %slice3A_963 = vector.extract_strided_slice %convert_element_type3A_66 {offsets = [19, 0], sizes = [1, 128], strides = [1, 1]} : vector<32x128xf32> to vector<1x128xf32>
      %mul3A_964 = vector.broadcast %slice3A_962 : vector<512x1xf32> to vector<512x128xf32>
      %mul3A_965 = vector.broadcast %slice3A_963 : vector<1x128xf32> to vector<512x128xf32>
      %mul3A_966 = arith.mulf %mul3A_964, %mul3A_965 : vector<512x128xf32>
      %add3A_967 = arith.addf %add3A_961, %mul3A_966 : vector<512x128xf32>
      %slice3A_968 = vector.extract_strided_slice %convert_element_type3A_845 {offsets = [0, 20], sizes = [512, 1], strides = [1, 1]} : vector<512x32xf32> to vector<512x1xf32>
      %slice3A_969 = vector.extract_strided_slice %convert_element_type3A_66 {offsets = [20, 0], sizes = [1, 128], strides = [1, 1]} : vector<32x128xf32> to vector<1x128xf32>
      %mul3A_970 = vector.broadcast %slice3A_968 : vector<512x1xf32> to vector<512x128xf32>
      %mul3A_971 = vector.broadcast %slice3A_969 : vector<1x128xf32> to vector<512x128xf32>
      %mul3A_972 = arith.mulf %mul3A_970, %mul3A_971 : vector<512x128xf32>
      %add3A_973 = arith.addf %add3A_967, %mul3A_972 : vector<512x128xf32>
      %slice3A_974 = vector.extract_strided_slice %convert_element_type3A_845 {offsets = [0, 21], sizes = [512, 1], strides = [1, 1]} : vector<512x32xf32> to vector<512x1xf32>
      %slice3A_975 = vector.extract_strided_slice %convert_element_type3A_66 {offsets = [21, 0], sizes = [1, 128], strides = [1, 1]} : vector<32x128xf32> to vector<1x128xf32>
      %mul3A_976 = vector.broadcast %slice3A_974 : vector<512x1xf32> to vector<512x128xf32>
      %mul3A_977 = vector.broadcast %slice3A_975 : vector<1x128xf32> to vector<512x128xf32>
      %mul3A_978 = arith.mulf %mul3A_976, %mul3A_977 : vector<512x128xf32>
      %add3A_979 = arith.addf %add3A_973, %mul3A_978 : vector<512x128xf32>
      %slice3A_980 = vector.extract_strided_slice %convert_element_type3A_845 {offsets = [0, 22], sizes = [512, 1], strides = [1, 1]} : vector<512x32xf32> to vector<512x1xf32>
      %slice3A_981 = vector.extract_strided_slice %convert_element_type3A_66 {offsets = [22, 0], sizes = [1, 128], strides = [1, 1]} : vector<32x128xf32> to vector<1x128xf32>
      %mul3A_982 = vector.broadcast %slice3A_980 : vector<512x1xf32> to vector<512x128xf32>
      %mul3A_983 = vector.broadcast %slice3A_981 : vector<1x128xf32> to vector<512x128xf32>
      %mul3A_984 = arith.mulf %mul3A_982, %mul3A_983 : vector<512x128xf32>
      %add3A_985 = arith.addf %add3A_979, %mul3A_984 : vector<512x128xf32>
      %slice3A_986 = vector.extract_strided_slice %convert_element_type3A_845 {offsets = [0, 23], sizes = [512, 1], strides = [1, 1]} : vector<512x32xf32> to vector<512x1xf32>
      %slice3A_987 = vector.extract_strided_slice %convert_element_type3A_66 {offsets = [23, 0], sizes = [1, 128], strides = [1, 1]} : vector<32x128xf32> to vector<1x128xf32>
      %mul3A_988 = vector.broadcast %slice3A_986 : vector<512x1xf32> to vector<512x128xf32>
      %mul3A_989 = vector.broadcast %slice3A_987 : vector<1x128xf32> to vector<512x128xf32>
      %mul3A_990 = arith.mulf %mul3A_988, %mul3A_989 : vector<512x128xf32>
      %add3A_991 = arith.addf %add3A_985, %mul3A_990 : vector<512x128xf32>
      %slice3A_992 = vector.extract_strided_slice %convert_element_type3A_845 {offsets = [0, 24], sizes = [512, 1], strides = [1, 1]} : vector<512x32xf32> to vector<512x1xf32>
      %slice3A_993 = vector.extract_strided_slice %convert_element_type3A_66 {offsets = [24, 0], sizes = [1, 128], strides = [1, 1]} : vector<32x128xf32> to vector<1x128xf32>
      %mul3A_994 = vector.broadcast %slice3A_992 : vector<512x1xf32> to vector<512x128xf32>
      %mul3A_995 = vector.broadcast %slice3A_993 : vector<1x128xf32> to vector<512x128xf32>
      %mul3A_996 = arith.mulf %mul3A_994, %mul3A_995 : vector<512x128xf32>
      %add3A_997 = arith.addf %add3A_991, %mul3A_996 : vector<512x128xf32>
      %slice3A_998 = vector.extract_strided_slice %convert_element_type3A_845 {offsets = [0, 25], sizes = [512, 1], strides = [1, 1]} : vector<512x32xf32> to vector<512x1xf32>
      %slice3A_999 = vector.extract_strided_slice %convert_element_type3A_66 {offsets = [25, 0], sizes = [1, 128], strides = [1, 1]} : vector<32x128xf32> to vector<1x128xf32>
      %mul3A_1000 = vector.broadcast %slice3A_998 : vector<512x1xf32> to vector<512x128xf32>
      %mul3A_1001 = vector.broadcast %slice3A_999 : vector<1x128xf32> to vector<512x128xf32>
      %mul3A_1002 = arith.mulf %mul3A_1000, %mul3A_1001 : vector<512x128xf32>
      %add3A_1003 = arith.addf %add3A_997, %mul3A_1002 : vector<512x128xf32>
      %slice3A_1004 = vector.extract_strided_slice %convert_element_type3A_845 {offsets = [0, 26], sizes = [512, 1], strides = [1, 1]} : vector<512x32xf32> to vector<512x1xf32>
      %slice3A_1005 = vector.extract_strided_slice %convert_element_type3A_66 {offsets = [26, 0], sizes = [1, 128], strides = [1, 1]} : vector<32x128xf32> to vector<1x128xf32>
      %mul3A_1006 = vector.broadcast %slice3A_1004 : vector<512x1xf32> to vector<512x128xf32>
      %mul3A_1007 = vector.broadcast %slice3A_1005 : vector<1x128xf32> to vector<512x128xf32>
      %mul3A_1008 = arith.mulf %mul3A_1006, %mul3A_1007 : vector<512x128xf32>
      %add3A_1009 = arith.addf %add3A_1003, %mul3A_1008 : vector<512x128xf32>
      %slice3A_1010 = vector.extract_strided_slice %convert_element_type3A_845 {offsets = [0, 27], sizes = [512, 1], strides = [1, 1]} : vector<512x32xf32> to vector<512x1xf32>
      %slice3A_1011 = vector.extract_strided_slice %convert_element_type3A_66 {offsets = [27, 0], sizes = [1, 128], strides = [1, 1]} : vector<32x128xf32> to vector<1x128xf32>
      %mul3A_1012 = vector.broadcast %slice3A_1010 : vector<512x1xf32> to vector<512x128xf32>
      %mul3A_1013 = vector.broadcast %slice3A_1011 : vector<1x128xf32> to vector<512x128xf32>
      %mul3A_1014 = arith.mulf %mul3A_1012, %mul3A_1013 : vector<512x128xf32>
      %add3A_1015 = arith.addf %add3A_1009, %mul3A_1014 : vector<512x128xf32>
      %slice3A_1016 = vector.extract_strided_slice %convert_element_type3A_845 {offsets = [0, 28], sizes = [512, 1], strides = [1, 1]} : vector<512x32xf32> to vector<512x1xf32>
      %slice3A_1017 = vector.extract_strided_slice %convert_element_type3A_66 {offsets = [28, 0], sizes = [1, 128], strides = [1, 1]} : vector<32x128xf32> to vector<1x128xf32>
      %mul3A_1018 = vector.broadcast %slice3A_1016 : vector<512x1xf32> to vector<512x128xf32>
      %mul3A_1019 = vector.broadcast %slice3A_1017 : vector<1x128xf32> to vector<512x128xf32>
      %mul3A_1020 = arith.mulf %mul3A_1018, %mul3A_1019 : vector<512x128xf32>
      %add3A_1021 = arith.addf %add3A_1015, %mul3A_1020 : vector<512x128xf32>
      %slice3A_1022 = vector.extract_strided_slice %convert_element_type3A_845 {offsets = [0, 29], sizes = [512, 1], strides = [1, 1]} : vector<512x32xf32> to vector<512x1xf32>
      %slice3A_1023 = vector.extract_strided_slice %convert_element_type3A_66 {offsets = [29, 0], sizes = [1, 128], strides = [1, 1]} : vector<32x128xf32> to vector<1x128xf32>
      %mul3A_1024 = vector.broadcast %slice3A_1022 : vector<512x1xf32> to vector<512x128xf32>
      %mul3A_1025 = vector.broadcast %slice3A_1023 : vector<1x128xf32> to vector<512x128xf32>
      %mul3A_1026 = arith.mulf %mul3A_1024, %mul3A_1025 : vector<512x128xf32>
      %add3A_1027 = arith.addf %add3A_1021, %mul3A_1026 : vector<512x128xf32>
      %slice3A_1028 = vector.extract_strided_slice %convert_element_type3A_845 {offsets = [0, 30], sizes = [512, 1], strides = [1, 1]} : vector<512x32xf32> to vector<512x1xf32>
      %slice3A_1029 = vector.extract_strided_slice %convert_element_type3A_66 {offsets = [30, 0], sizes = [1, 128], strides = [1, 1]} : vector<32x128xf32> to vector<1x128xf32>
      %mul3A_1030 = vector.broadcast %slice3A_1028 : vector<512x1xf32> to vector<512x128xf32>
      %mul3A_1031 = vector.broadcast %slice3A_1029 : vector<1x128xf32> to vector<512x128xf32>
      %mul3A_1032 = arith.mulf %mul3A_1030, %mul3A_1031 : vector<512x128xf32>
      %add3A_1033 = arith.addf %add3A_1027, %mul3A_1032 : vector<512x128xf32>
      %slice3A_1034 = vector.extract_strided_slice %convert_element_type3A_845 {offsets = [0, 31], sizes = [512, 1], strides = [1, 1]} : vector<512x32xf32> to vector<512x1xf32>
      %slice3A_1035 = vector.extract_strided_slice %convert_element_type3A_66 {offsets = [31, 0], sizes = [1, 128], strides = [1, 1]} : vector<32x128xf32> to vector<1x128xf32>
      %mul3A_1036 = vector.broadcast %slice3A_1034 : vector<512x1xf32> to vector<512x128xf32>
      %mul3A_1037 = vector.broadcast %slice3A_1035 : vector<1x128xf32> to vector<512x128xf32>
      %mul3A_1038 = arith.mulf %mul3A_1036, %mul3A_1037 : vector<512x128xf32>
      %add3A_1039 = arith.addf %add3A_1033, %mul3A_1038 : vector<512x128xf32>
      %add3A_1040 = vector.broadcast %add3A_65 : vector<1x128xf32> to vector<512x128xf32>
      %add3A_1041 = vector.broadcast %broadcast_in_dim3A_848 : vector<512x1xf32> to vector<512x128xf32>
      %add3A_1042 = arith.addf %add3A_1040, %add3A_1041 : vector<512x128xf32>
      %mul3A_1043 = arith.constant 2.000000e+00 : f32
      %mul3A_1044 = vector.broadcast %mul3A_1043 : f32 to vector<512x128xf32>
      %mul3A_1045 = arith.mulf %mul3A_1044, %add3A_1039 : vector<512x128xf32>
      %sub3A = arith.subf %add3A_1042, %mul3A_1045 : vector<512x128xf32>
      %reduce_min3A = arith.constant dense<0x7F800000> : vector<128xf32>
      %reduce_min3A_1046 = vector.multi_reduction <minimumf>, %sub3A, %reduce_min3A [0] : vector<512x128xf32> to vector<128xf32>
      %broadcast_in_dim3A_1047 = vector.shape_cast %reduce_min3A_1046 : vector<128xf32> to vector<1x128xf32>
      %iota3A = tpu.iota {dimensions = array<i32: 0>} : vector<512x128xi32>
      %eq3A = vector.broadcast %broadcast_in_dim3A_1047 : vector<1x128xf32> to vector<512x128xf32>
      %eq3A_1048 = arith.cmpf oeq, %sub3A, %eq3A : vector<512x128xf32>
      %jit3A = arith.constant 8192 : i32
      %broadcast_in_dim3A_1049 = vector.broadcast %jit3A : i32 to vector<512x128xi32>
      %select_n3A_1050 = arith.select %eq3A_1048, %iota3A, %broadcast_in_dim3A_1049 : vector<512x128xi1>, vector<512x128xi32>
      %reduce_min3A_1051 = arith.constant dense<2147483647> : vector<128xi32>
      %reduce_min3A_1052 = vector.multi_reduction <minsi>, %select_n3A_1050, %reduce_min3A_1051 [0] : vector<512x128xi32> to vector<128xi32>
      %broadcast_in_dim3A_1053 = vector.shape_cast %reduce_min3A_1052 : vector<128xi32> to vector<1x128xi32>
      %add3A_1054 = vector.broadcast %add3A_840 : i32 to vector<1x128xi32>
      %add3A_1055 = arith.addi %broadcast_in_dim3A_1053, %add3A_1054 : vector<1x128xi32>
      %lt3A_1056 = arith.cmpf olt, %broadcast_in_dim3A_1047, %scan3A_835 : vector<1x128xf32>
      %select_n3A_1057 = arith.select %lt3A_1056, %broadcast_in_dim3A_1047, %scan3A_835 : vector<1x128xi1>, vector<1x128xf32>
      %select_n3A_1058 = arith.select %lt3A_1056, %add3A_1055, %scan3A_836 : vector<1x128xi1>, vector<1x128xi32>
      scf.yield %select_n3A_1057, %select_n3A_1058 : vector<1x128xf32>, vector<1x128xi32>
    }
    %scan3A_91 = arith.constant 8 : i32
    %lt3A_92 = arith.cmpf olt, %scan3A_90#0, %convert_element_type3A_81 : vector<1x128xf32>
    %select_n3A_93 = arith.select %lt3A_92, %scan3A_90#1, %select_n3A : vector<1x128xi1>, vector<1x128xi32>
    %squeeze3A = vector.shape_cast %select_n3A_93 : vector<1x128xi32> to vector<128xi32>
    %swap3A = arith.constant 0 : index
    %swap3A_94 = arith.constant 0 : index
    %swap3A_95 = arith.constant 0 : index
    %swap3A_96 = vector.load %arg3[%swap3A, %swap3A_94, %swap3A_95] : memref<1x8x128xi32, #tpu.memory_space<vmem>>, vector<1x1x128xi32>
    %swap3A_97 = vector.shape_cast %swap3A_96 : vector<1x1x128xi32> to vector<128xi32>
    %swap3A_98 = vector.shape_cast %squeeze3A : vector<128xi32> to vector<1x1x128xi32>
    tpu.vector_store %arg3[%swap3A, %swap3A_94, %swap3A_95], %swap3A_98 {strides = array<i32>} : memref<1x8x128xi32, #tpu.memory_space<vmem>>, vector<1x1x128xi32>,
    %slice3A_99 = vector.extract_strided_slice %get3A_3 {offsets = [0, 128], sizes = [32, 128], strides = [1, 1]} : vector<32x1024xf32> to vector<32x128xf32>
    %mul3A_100 = arith.mulf %slice3A_99, %slice3A_99 : vector<32x128xf32>
    %slice3A_101 = vector.extract_strided_slice %mul3A_100 {offsets = [0, 0], sizes = [1, 128], strides = [1, 1]} : vector<32x128xf32> to vector<1x128xf32>
    %slice3A_102 = vector.extract_strided_slice %mul3A_100 {offsets = [1, 0], sizes = [1, 128], strides = [1, 1]} : vector<32x128xf32> to vector<1x128xf32>
    %add3A_103 = arith.addf %slice3A_101, %slice3A_102 : vector<1x128xf32>
    %slice3A_104 = vector.extract_strided_slice %mul3A_100 {offsets = [2, 0], sizes = [1, 128], strides = [1, 1]} : vector<32x128xf32> to vector<1x128xf32>
    %add3A_105 = arith.addf %add3A_103, %slice3A_104 : vector<1x128xf32>
    %slice3A_106 = vector.extract_strided_slice %mul3A_100 {offsets = [3, 0], sizes = [1, 128], strides = [1, 1]} : vector<32x128xf32> to vector<1x128xf32>
    %add3A_107 = arith.addf %add3A_105, %slice3A_106 : vector<1x128xf32>
    %slice3A_108 = vector.extract_strided_slice %mul3A_100 {offsets = [4, 0], sizes = [1, 128], strides = [1, 1]} : vector<32x128xf32> to vector<1x128xf32>
    %add3A_109 = arith.addf %add3A_107, %slice3A_108 : vector<1x128xf32>
    %slice3A_110 = vector.extract_strided_slice %mul3A_100 {offsets = [5, 0], sizes = [1, 128], strides = [1, 1]} : vector<32x128xf32> to vector<1x128xf32>
    %add3A_111 = arith.addf %add3A_109, %slice3A_110 : vector<1x128xf32>
    %slice3A_112 = vector.extract_strided_slice %mul3A_100 {offsets = [6, 0], sizes = [1, 128], strides = [1, 1]} : vector<32x128xf32> to vector<1x128xf32>
    %add3A_113 = arith.addf %add3A_111, %slice3A_112 : vector<1x128xf32>
    %slice3A_114 = vector.extract_strided_slice %mul3A_100 {offsets = [7, 0], sizes = [1, 128], strides = [1, 1]} : vector<32x128xf32> to vector<1x128xf32>
    %add3A_115 = arith.addf %add3A_113, %slice3A_114 : vector<1x128xf32>
    %slice3A_116 = vector.extract_strided_slice %mul3A_100 {offsets = [8, 0], sizes = [1, 128], strides = [1, 1]} : vector<32x128xf32> to vector<1x128xf32>
    %add3A_117 = arith.addf %add3A_115, %slice3A_116 : vector<1x128xf32>
    %slice3A_118 = vector.extract_strided_slice %mul3A_100 {offsets = [9, 0], sizes = [1, 128], strides = [1, 1]} : vector<32x128xf32> to vector<1x128xf32>
    %add3A_119 = arith.addf %add3A_117, %slice3A_118 : vector<1x128xf32>
    %slice3A_120 = vector.extract_strided_slice %mul3A_100 {offsets = [10, 0], sizes = [1, 128], strides = [1, 1]} : vector<32x128xf32> to vector<1x128xf32>
    %add3A_121 = arith.addf %add3A_119, %slice3A_120 : vector<1x128xf32>
    %slice3A_122 = vector.extract_strided_slice %mul3A_100 {offsets = [11, 0], sizes = [1, 128], strides = [1, 1]} : vector<32x128xf32> to vector<1x128xf32>
    %add3A_123 = arith.addf %add3A_121, %slice3A_122 : vector<1x128xf32>
    %slice3A_124 = vector.extract_strided_slice %mul3A_100 {offsets = [12, 0], sizes = [1, 128], strides = [1, 1]} : vector<32x128xf32> to vector<1x128xf32>
    %add3A_125 = arith.addf %add3A_123, %slice3A_124 : vector<1x128xf32>
    %slice3A_126 = vector.extract_strided_slice %mul3A_100 {offsets = [13, 0], sizes = [1, 128], strides = [1, 1]} : vector<32x128xf32> to vector<1x128xf32>
    %add3A_127 = arith.addf %add3A_125, %slice3A_126 : vector<1x128xf32>
    %slice3A_128 = vector.extract_strided_slice %mul3A_100 {offsets = [14, 0], sizes = [1, 128], strides = [1, 1]} : vector<32x128xf32> to vector<1x128xf32>
    %add3A_129 = arith.addf %add3A_127, %slice3A_128 : vector<1x128xf32>
    %slice3A_130 = vector.extract_strided_slice %mul3A_100 {offsets = [15, 0], sizes = [1, 128], strides = [1, 1]} : vector<32x128xf32> to vector<1x128xf32>
    %add3A_131 = arith.addf %add3A_129, %slice3A_130 : vector<1x128xf32>
    %slice3A_132 = vector.extract_strided_slice %mul3A_100 {offsets = [16, 0], sizes = [1, 128], strides = [1, 1]} : vector<32x128xf32> to vector<1x128xf32>
    %add3A_133 = arith.addf %add3A_131, %slice3A_132 : vector<1x128xf32>
    %slice3A_134 = vector.extract_strided_slice %mul3A_100 {offsets = [17, 0], sizes = [1, 128], strides = [1, 1]} : vector<32x128xf32> to vector<1x128xf32>
    %add3A_135 = arith.addf %add3A_133, %slice3A_134 : vector<1x128xf32>
    %slice3A_136 = vector.extract_strided_slice %mul3A_100 {offsets = [18, 0], sizes = [1, 128], strides = [1, 1]} : vector<32x128xf32> to vector<1x128xf32>
    %add3A_137 = arith.addf %add3A_135, %slice3A_136 : vector<1x128xf32>
    %slice3A_138 = vector.extract_strided_slice %mul3A_100 {offsets = [19, 0], sizes = [1, 128], strides = [1, 1]} : vector<32x128xf32> to vector<1x128xf32>
    %add3A_139 = arith.addf %add3A_137, %slice3A_138 : vector<1x128xf32>
    %slice3A_140 = vector.extract_strided_slice %mul3A_100 {offsets = [20, 0], sizes = [1, 128], strides = [1, 1]} : vector<32x128xf32> to vector<1x128xf32>
    %add3A_141 = arith.addf %add3A_139, %slice3A_140 : vector<1x128xf32>
    %slice3A_142 = vector.extract_strided_slice %mul3A_100 {offsets = [21, 0], sizes = [1, 128], strides = [1, 1]} : vector<32x128xf32> to vector<1x128xf32>
    %add3A_143 = arith.addf %add3A_141, %slice3A_142 : vector<1x128xf32>
    %slice3A_144 = vector.extract_strided_slice %mul3A_100 {offsets = [22, 0], sizes = [1, 128], strides = [1, 1]} : vector<32x128xf32> to vector<1x128xf32>
    %add3A_145 = arith.addf %add3A_143, %slice3A_144 : vector<1x128xf32>
    %slice3A_146 = vector.extract_strided_slice %mul3A_100 {offsets = [23, 0], sizes = [1, 128], strides = [1, 1]} : vector<32x128xf32> to vector<1x128xf32>
    %add3A_147 = arith.addf %add3A_145, %slice3A_146 : vector<1x128xf32>
    %slice3A_148 = vector.extract_strided_slice %mul3A_100 {offsets = [24, 0], sizes = [1, 128], strides = [1, 1]} : vector<32x128xf32> to vector<1x128xf32>
    %add3A_149 = arith.addf %add3A_147, %slice3A_148 : vector<1x128xf32>
    %slice3A_150 = vector.extract_strided_slice %mul3A_100 {offsets = [25, 0], sizes = [1, 128], strides = [1, 1]} : vector<32x128xf32> to vector<1x128xf32>
    %add3A_151 = arith.addf %add3A_149, %slice3A_150 : vector<1x128xf32>
    %slice3A_152 = vector.extract_strided_slice %mul3A_100 {offsets = [26, 0], sizes = [1, 128], strides = [1, 1]} : vector<32x128xf32> to vector<1x128xf32>
    %add3A_153 = arith.addf %add3A_151, %slice3A_152 : vector<1x128xf32>
    %slice3A_154 = vector.extract_strided_slice %mul3A_100 {offsets = [27, 0], sizes = [1, 128], strides = [1, 1]} : vector<32x128xf32> to vector<1x128xf32>
    %add3A_155 = arith.addf %add3A_153, %slice3A_154 : vector<1x128xf32>
    %slice3A_156 = vector.extract_strided_slice %mul3A_100 {offsets = [28, 0], sizes = [1, 128], strides = [1, 1]} : vector<32x128xf32> to vector<1x128xf32>
    %add3A_157 = arith.addf %add3A_155, %slice3A_156 : vector<1x128xf32>
    %slice3A_158 = vector.extract_strided_slice %mul3A_100 {offsets = [29, 0], sizes = [1, 128], strides = [1, 1]} : vector<32x128xf32> to vector<1x128xf32>
    %add3A_159 = arith.addf %add3A_157, %slice3A_158 : vector<1x128xf32>
    %slice3A_160 = vector.extract_strided_slice %mul3A_100 {offsets = [30, 0], sizes = [1, 128], strides = [1, 1]} : vector<32x128xf32> to vector<1x128xf32>
    %add3A_161 = arith.addf %add3A_159, %slice3A_160 : vector<1x128xf32>
    %slice3A_162 = vector.extract_strided_slice %mul3A_100 {offsets = [31, 0], sizes = [1, 128], strides = [1, 1]} : vector<32x128xf32> to vector<1x128xf32>
    %add3A_163 = arith.addf %add3A_161, %slice3A_162 : vector<1x128xf32>
    %convert_element_type3A_164 = arith.truncf %slice3A_99 : vector<32x128xf32> to vector<32x128xbf16>
    %convert_element_type3A_165 = arith.extf %convert_element_type3A_164 : vector<32x128xbf16> to vector<32x128xf32>
    %broadcast_in_dim3A_166 = arith.constant 0x7F800000 : f32
    %broadcast_in_dim3A_167 = vector.broadcast %broadcast_in_dim3A_166 : f32 to vector<1x128xf32>
    %broadcast_in_dim3A_168 = arith.constant 0 : i32
    %broadcast_in_dim3A_169 = vector.broadcast %broadcast_in_dim3A_168 : i32 to vector<1x128xi32>
    %broadcast_in_dim3A_170 = arith.constant 0x7F800000 : f32
    %broadcast_in_dim3A_171 = vector.broadcast %broadcast_in_dim3A_170 : f32 to vector<1x128xf32>
    %broadcast_in_dim3A_172 = arith.constant 0 : i32
    %broadcast_in_dim3A_173 = vector.broadcast %broadcast_in_dim3A_172 : i32 to vector<1x128xi32>
    %scan3A_174 = arith.constant 0 : i32
    %scan3A_175 = arith.constant 8 : i32
    %scan3A_176 = arith.addi %scan3A_174, %scan3A_175 : i32
    %scan3A_177 = arith.constant 1 : i32
    %scan3A_178:2 = scf.for %scan3A_834 = %scan3A_174 to %scan3A_176 step %scan3A_177 iter_args(%scan3A_835 = %broadcast_in_dim3A_171, %scan3A_836 = %broadcast_in_dim3A_173) -> (vector<1x128xf32>, vector<1x128xi32>)  : i32 {
      %mul3A_837 = arith.constant 512 : i32
      %mul3A_838 = arith.muli %scan3A_834, %mul3A_837 : i32
      %add3A_839 = arith.constant 0 : i32
      %add3A_840 = arith.addi %add3A_839, %mul3A_838 : i32
      %get3A_841 = arith.index_cast %add3A_840 : i32 to index
      %get3A_842 = arith.constant 0 : index
      %get3A_843 = vector.load %arg2[%get3A_841, %get3A_842] : memref<8192x32xf32, #tpu.memory_space<vmem>>, vector<512x32xf32>
      %convert_element_type3A_844 = arith.truncf %get3A_843 : vector<512x32xf32> to vector<512x32xbf16>
      %convert_element_type3A_845 = arith.extf %convert_element_type3A_844 : vector<512x32xbf16> to vector<512x32xf32>
      %mul3A_846 = arith.mulf %get3A_843, %get3A_843 : vector<512x32xf32>
      %reduce_sum3A = arith.constant dense<0.000000e+00> : vector<512xf32>
      %reduce_sum3A_847 = vector.multi_reduction <add>, %mul3A_846, %reduce_sum3A [1] : vector<512x32xf32> to vector<512xf32>
      %broadcast_in_dim3A_848 = vector.shape_cast %reduce_sum3A_847 : vector<512xf32> to vector<512x1xf32>
      %slice3A_849 = vector.extract_strided_slice %convert_element_type3A_845 {offsets = [0, 0], sizes = [512, 1], strides = [1, 1]} : vector<512x32xf32> to vector<512x1xf32>
      %slice3A_850 = vector.extract_strided_slice %convert_element_type3A_165 {offsets = [0, 0], sizes = [1, 128], strides = [1, 1]} : vector<32x128xf32> to vector<1x128xf32>
      %mul3A_851 = vector.broadcast %slice3A_849 : vector<512x1xf32> to vector<512x128xf32>
      %mul3A_852 = vector.broadcast %slice3A_850 : vector<1x128xf32> to vector<512x128xf32>
      %mul3A_853 = arith.mulf %mul3A_851, %mul3A_852 : vector<512x128xf32>
      %slice3A_854 = vector.extract_strided_slice %convert_element_type3A_845 {offsets = [0, 1], sizes = [512, 1], strides = [1, 1]} : vector<512x32xf32> to vector<512x1xf32>
      %slice3A_855 = vector.extract_strided_slice %convert_element_type3A_165 {offsets = [1, 0], sizes = [1, 128], strides = [1, 1]} : vector<32x128xf32> to vector<1x128xf32>
      %mul3A_856 = vector.broadcast %slice3A_854 : vector<512x1xf32> to vector<512x128xf32>
      %mul3A_857 = vector.broadcast %slice3A_855 : vector<1x128xf32> to vector<512x128xf32>
      %mul3A_858 = arith.mulf %mul3A_856, %mul3A_857 : vector<512x128xf32>
      %add3A_859 = arith.addf %mul3A_853, %mul3A_858 : vector<512x128xf32>
      %slice3A_860 = vector.extract_strided_slice %convert_element_type3A_845 {offsets = [0, 2], sizes = [512, 1], strides = [1, 1]} : vector<512x32xf32> to vector<512x1xf32>
      %slice3A_861 = vector.extract_strided_slice %convert_element_type3A_165 {offsets = [2, 0], sizes = [1, 128], strides = [1, 1]} : vector<32x128xf32> to vector<1x128xf32>
      %mul3A_862 = vector.broadcast %slice3A_860 : vector<512x1xf32> to vector<512x128xf32>
      %mul3A_863 = vector.broadcast %slice3A_861 : vector<1x128xf32> to vector<512x128xf32>
      %mul3A_864 = arith.mulf %mul3A_862, %mul3A_863 : vector<512x128xf32>
      %add3A_865 = arith.addf %add3A_859, %mul3A_864 : vector<512x128xf32>
      %slice3A_866 = vector.extract_strided_slice %convert_element_type3A_845 {offsets = [0, 3], sizes = [512, 1], strides = [1, 1]} : vector<512x32xf32> to vector<512x1xf32>
      %slice3A_867 = vector.extract_strided_slice %convert_element_type3A_165 {offsets = [3, 0], sizes = [1, 128], strides = [1, 1]} : vector<32x128xf32> to vector<1x128xf32>
      %mul3A_868 = vector.broadcast %slice3A_866 : vector<512x1xf32> to vector<512x128xf32>
      %mul3A_869 = vector.broadcast %slice3A_867 : vector<1x128xf32> to vector<512x128xf32>
      %mul3A_870 = arith.mulf %mul3A_868, %mul3A_869 : vector<512x128xf32>
      %add3A_871 = arith.addf %add3A_865, %mul3A_870 : vector<512x128xf32>
      %slice3A_872 = vector.extract_strided_slice %convert_element_type3A_845 {offsets = [0, 4], sizes = [512, 1], strides = [1, 1]} : vector<512x32xf32> to vector<512x1xf32>
      %slice3A_873 = vector.extract_strided_slice %convert_element_type3A_165 {offsets = [4, 0], sizes = [1, 128], strides = [1, 1]} : vector<32x128xf32> to vector<1x128xf32>
      %mul3A_874 = vector.broadcast %slice3A_872 : vector<512x1xf32> to vector<512x128xf32>
      %mul3A_875 = vector.broadcast %slice3A_873 : vector<1x128xf32> to vector<512x128xf32>
      %mul3A_876 = arith.mulf %mul3A_874, %mul3A_875 : vector<512x128xf32>
      %add3A_877 = arith.addf %add3A_871, %mul3A_876 : vector<512x128xf32>
      %slice3A_878 = vector.extract_strided_slice %convert_element_type3A_845 {offsets = [0, 5], sizes = [512, 1], strides = [1, 1]} : vector<512x32xf32> to vector<512x1xf32>
      %slice3A_879 = vector.extract_strided_slice %convert_element_type3A_165 {offsets = [5, 0], sizes = [1, 128], strides = [1, 1]} : vector<32x128xf32> to vector<1x128xf32>
      %mul3A_880 = vector.broadcast %slice3A_878 : vector<512x1xf32> to vector<512x128xf32>
      %mul3A_881 = vector.broadcast %slice3A_879 : vector<1x128xf32> to vector<512x128xf32>
      %mul3A_882 = arith.mulf %mul3A_880, %mul3A_881 : vector<512x128xf32>
      %add3A_883 = arith.addf %add3A_877, %mul3A_882 : vector<512x128xf32>
      %slice3A_884 = vector.extract_strided_slice %convert_element_type3A_845 {offsets = [0, 6], sizes = [512, 1], strides = [1, 1]} : vector<512x32xf32> to vector<512x1xf32>
      %slice3A_885 = vector.extract_strided_slice %convert_element_type3A_165 {offsets = [6, 0], sizes = [1, 128], strides = [1, 1]} : vector<32x128xf32> to vector<1x128xf32>
      %mul3A_886 = vector.broadcast %slice3A_884 : vector<512x1xf32> to vector<512x128xf32>
      %mul3A_887 = vector.broadcast %slice3A_885 : vector<1x128xf32> to vector<512x128xf32>
      %mul3A_888 = arith.mulf %mul3A_886, %mul3A_887 : vector<512x128xf32>
      %add3A_889 = arith.addf %add3A_883, %mul3A_888 : vector<512x128xf32>
      %slice3A_890 = vector.extract_strided_slice %convert_element_type3A_845 {offsets = [0, 7], sizes = [512, 1], strides = [1, 1]} : vector<512x32xf32> to vector<512x1xf32>
      %slice3A_891 = vector.extract_strided_slice %convert_element_type3A_165 {offsets = [7, 0], sizes = [1, 128], strides = [1, 1]} : vector<32x128xf32> to vector<1x128xf32>
      %mul3A_892 = vector.broadcast %slice3A_890 : vector<512x1xf32> to vector<512x128xf32>
      %mul3A_893 = vector.broadcast %slice3A_891 : vector<1x128xf32> to vector<512x128xf32>
      %mul3A_894 = arith.mulf %mul3A_892, %mul3A_893 : vector<512x128xf32>
      %add3A_895 = arith.addf %add3A_889, %mul3A_894 : vector<512x128xf32>
      %slice3A_896 = vector.extract_strided_slice %convert_element_type3A_845 {offsets = [0, 8], sizes = [512, 1], strides = [1, 1]} : vector<512x32xf32> to vector<512x1xf32>
      %slice3A_897 = vector.extract_strided_slice %convert_element_type3A_165 {offsets = [8, 0], sizes = [1, 128], strides = [1, 1]} : vector<32x128xf32> to vector<1x128xf32>
      %mul3A_898 = vector.broadcast %slice3A_896 : vector<512x1xf32> to vector<512x128xf32>
      %mul3A_899 = vector.broadcast %slice3A_897 : vector<1x128xf32> to vector<512x128xf32>
      %mul3A_900 = arith.mulf %mul3A_898, %mul3A_899 : vector<512x128xf32>
      %add3A_901 = arith.addf %add3A_895, %mul3A_900 : vector<512x128xf32>
      %slice3A_902 = vector.extract_strided_slice %convert_element_type3A_845 {offsets = [0, 9], sizes = [512, 1], strides = [1, 1]} : vector<512x32xf32> to vector<512x1xf32>
      %slice3A_903 = vector.extract_strided_slice %convert_element_type3A_165 {offsets = [9, 0], sizes = [1, 128], strides = [1, 1]} : vector<32x128xf32> to vector<1x128xf32>
      %mul3A_904 = vector.broadcast %slice3A_902 : vector<512x1xf32> to vector<512x128xf32>
      %mul3A_905 = vector.broadcast %slice3A_903 : vector<1x128xf32> to vector<512x128xf32>
      %mul3A_906 = arith.mulf %mul3A_904, %mul3A_905 : vector<512x128xf32>
      %add3A_907 = arith.addf %add3A_901, %mul3A_906 : vector<512x128xf32>
      %slice3A_908 = vector.extract_strided_slice %convert_element_type3A_845 {offsets = [0, 10], sizes = [512, 1], strides = [1, 1]} : vector<512x32xf32> to vector<512x1xf32>
      %slice3A_909 = vector.extract_strided_slice %convert_element_type3A_165 {offsets = [10, 0], sizes = [1, 128], strides = [1, 1]} : vector<32x128xf32> to vector<1x128xf32>
      %mul3A_910 = vector.broadcast %slice3A_908 : vector<512x1xf32> to vector<512x128xf32>
      %mul3A_911 = vector.broadcast %slice3A_909 : vector<1x128xf32> to vector<512x128xf32>
      %mul3A_912 = arith.mulf %mul3A_910, %mul3A_911 : vector<512x128xf32>
      %add3A_913 = arith.addf %add3A_907, %mul3A_912 : vector<512x128xf32>
      %slice3A_914 = vector.extract_strided_slice %convert_element_type3A_845 {offsets = [0, 11], sizes = [512, 1], strides = [1, 1]} : vector<512x32xf32> to vector<512x1xf32>
      %slice3A_915 = vector.extract_strided_slice %convert_element_type3A_165 {offsets = [11, 0], sizes = [1, 128], strides = [1, 1]} : vector<32x128xf32> to vector<1x128xf32>
      %mul3A_916 = vector.broadcast %slice3A_914 : vector<512x1xf32> to vector<512x128xf32>
      %mul3A_917 = vector.broadcast %slice3A_915 : vector<1x128xf32> to vector<512x128xf32>
      %mul3A_918 = arith.mulf %mul3A_916, %mul3A_917 : vector<512x128xf32>
      %add3A_919 = arith.addf %add3A_913, %mul3A_918 : vector<512x128xf32>
      %slice3A_920 = vector.extract_strided_slice %convert_element_type3A_845 {offsets = [0, 12], sizes = [512, 1], strides = [1, 1]} : vector<512x32xf32> to vector<512x1xf32>
      %slice3A_921 = vector.extract_strided_slice %convert_element_type3A_165 {offsets = [12, 0], sizes = [1, 128], strides = [1, 1]} : vector<32x128xf32> to vector<1x128xf32>
      %mul3A_922 = vector.broadcast %slice3A_920 : vector<512x1xf32> to vector<512x128xf32>
      %mul3A_923 = vector.broadcast %slice3A_921 : vector<1x128xf32> to vector<512x128xf32>
      %mul3A_924 = arith.mulf %mul3A_922, %mul3A_923 : vector<512x128xf32>
      %add3A_925 = arith.addf %add3A_919, %mul3A_924 : vector<512x128xf32>
      %slice3A_926 = vector.extract_strided_slice %convert_element_type3A_845 {offsets = [0, 13], sizes = [512, 1], strides = [1, 1]} : vector<512x32xf32> to vector<512x1xf32>
      %slice3A_927 = vector.extract_strided_slice %convert_element_type3A_165 {offsets = [13, 0], sizes = [1, 128], strides = [1, 1]} : vector<32x128xf32> to vector<1x128xf32>
      %mul3A_928 = vector.broadcast %slice3A_926 : vector<512x1xf32> to vector<512x128xf32>
      %mul3A_929 = vector.broadcast %slice3A_927 : vector<1x128xf32> to vector<512x128xf32>
      %mul3A_930 = arith.mulf %mul3A_928, %mul3A_929 : vector<512x128xf32>
      %add3A_931 = arith.addf %add3A_925, %mul3A_930 : vector<512x128xf32>
      %slice3A_932 = vector.extract_strided_slice %convert_element_type3A_845 {offsets = [0, 14], sizes = [512, 1], strides = [1, 1]} : vector<512x32xf32> to vector<512x1xf32>
      %slice3A_933 = vector.extract_strided_slice %convert_element_type3A_165 {offsets = [14, 0], sizes = [1, 128], strides = [1, 1]} : vector<32x128xf32> to vector<1x128xf32>
      %mul3A_934 = vector.broadcast %slice3A_932 : vector<512x1xf32> to vector<512x128xf32>
      %mul3A_935 = vector.broadcast %slice3A_933 : vector<1x128xf32> to vector<512x128xf32>
      %mul3A_936 = arith.mulf %mul3A_934, %mul3A_935 : vector<512x128xf32>
      %add3A_937 = arith.addf %add3A_931, %mul3A_936 : vector<512x128xf32>
      %slice3A_938 = vector.extract_strided_slice %convert_element_type3A_845 {offsets = [0, 15], sizes = [512, 1], strides = [1, 1]} : vector<512x32xf32> to vector<512x1xf32>
      %slice3A_939 = vector.extract_strided_slice %convert_element_type3A_165 {offsets = [15, 0], sizes = [1, 128], strides = [1, 1]} : vector<32x128xf32> to vector<1x128xf32>
      %mul3A_940 = vector.broadcast %slice3A_938 : vector<512x1xf32> to vector<512x128xf32>
      %mul3A_941 = vector.broadcast %slice3A_939 : vector<1x128xf32> to vector<512x128xf32>
      %mul3A_942 = arith.mulf %mul3A_940, %mul3A_941 : vector<512x128xf32>
      %add3A_943 = arith.addf %add3A_937, %mul3A_942 : vector<512x128xf32>
      %slice3A_944 = vector.extract_strided_slice %convert_element_type3A_845 {offsets = [0, 16], sizes = [512, 1], strides = [1, 1]} : vector<512x32xf32> to vector<512x1xf32>
      %slice3A_945 = vector.extract_strided_slice %convert_element_type3A_165 {offsets = [16, 0], sizes = [1, 128], strides = [1, 1]} : vector<32x128xf32> to vector<1x128xf32>
      %mul3A_946 = vector.broadcast %slice3A_944 : vector<512x1xf32> to vector<512x128xf32>
      %mul3A_947 = vector.broadcast %slice3A_945 : vector<1x128xf32> to vector<512x128xf32>
      %mul3A_948 = arith.mulf %mul3A_946, %mul3A_947 : vector<512x128xf32>
      %add3A_949 = arith.addf %add3A_943, %mul3A_948 : vector<512x128xf32>
      %slice3A_950 = vector.extract_strided_slice %convert_element_type3A_845 {offsets = [0, 17], sizes = [512, 1], strides = [1, 1]} : vector<512x32xf32> to vector<512x1xf32>
      %slice3A_951 = vector.extract_strided_slice %convert_element_type3A_165 {offsets = [17, 0], sizes = [1, 128], strides = [1, 1]} : vector<32x128xf32> to vector<1x128xf32>
      %mul3A_952 = vector.broadcast %slice3A_950 : vector<512x1xf32> to vector<512x128xf32>
      %mul3A_953 = vector.broadcast %slice3A_951 : vector<1x128xf32> to vector<512x128xf32>
      %mul3A_954 = arith.mulf %mul3A_952, %mul3A_953 : vector<512x128xf32>
      %add3A_955 = arith.addf %add3A_949, %mul3A_954 : vector<512x128xf32>
      %slice3A_956 = vector.extract_strided_slice %convert_element_type3A_845 {offsets = [0, 18], sizes = [512, 1], strides = [1, 1]} : vector<512x32xf32> to vector<512x1xf32>
      %slice3A_957 = vector.extract_strided_slice %convert_element_type3A_165 {offsets = [18, 0], sizes = [1, 128], strides = [1, 1]} : vector<32x128xf32> to vector<1x128xf32>
      %mul3A_958 = vector.broadcast %slice3A_956 : vector<512x1xf32> to vector<512x128xf32>
      %mul3A_959 = vector.broadcast %slice3A_957 : vector<1x128xf32> to vector<512x128xf32>
      %mul3A_960 = arith.mulf %mul3A_958, %mul3A_959 : vector<512x128xf32>
      %add3A_961 = arith.addf %add3A_955, %mul3A_960 : vector<512x128xf32>
      %slice3A_962 = vector.extract_strided_slice %convert_element_type3A_845 {offsets = [0, 19], sizes = [512, 1], strides = [1, 1]} : vector<512x32xf32> to vector<512x1xf32>
      %slice3A_963 = vector.extract_strided_slice %convert_element_type3A_165 {offsets = [19, 0], sizes = [1, 128], strides = [1, 1]} : vector<32x128xf32> to vector<1x128xf32>
      %mul3A_964 = vector.broadcast %slice3A_962 : vector<512x1xf32> to vector<512x128xf32>
      %mul3A_965 = vector.broadcast %slice3A_963 : vector<1x128xf32> to vector<512x128xf32>
      %mul3A_966 = arith.mulf %mul3A_964, %mul3A_965 : vector<512x128xf32>
      %add3A_967 = arith.addf %add3A_961, %mul3A_966 : vector<512x128xf32>
      %slice3A_968 = vector.extract_strided_slice %convert_element_type3A_845 {offsets = [0, 20], sizes = [512, 1], strides = [1, 1]} : vector<512x32xf32> to vector<512x1xf32>
      %slice3A_969 = vector.extract_strided_slice %convert_element_type3A_165 {offsets = [20, 0], sizes = [1, 128], strides = [1, 1]} : vector<32x128xf32> to vector<1x128xf32>
      %mul3A_970 = vector.broadcast %slice3A_968 : vector<512x1xf32> to vector<512x128xf32>
      %mul3A_971 = vector.broadcast %slice3A_969 : vector<1x128xf32> to vector<512x128xf32>
      %mul3A_972 = arith.mulf %mul3A_970, %mul3A_971 : vector<512x128xf32>
      %add3A_973 = arith.addf %add3A_967, %mul3A_972 : vector<512x128xf32>
      %slice3A_974 = vector.extract_strided_slice %convert_element_type3A_845 {offsets = [0, 21], sizes = [512, 1], strides = [1, 1]} : vector<512x32xf32> to vector<512x1xf32>
      %slice3A_975 = vector.extract_strided_slice %convert_element_type3A_165 {offsets = [21, 0], sizes = [1, 128], strides = [1, 1]} : vector<32x128xf32> to vector<1x128xf32>
      %mul3A_976 = vector.broadcast %slice3A_974 : vector<512x1xf32> to vector<512x128xf32>
      %mul3A_977 = vector.broadcast %slice3A_975 : vector<1x128xf32> to vector<512x128xf32>
      %mul3A_978 = arith.mulf %mul3A_976, %mul3A_977 : vector<512x128xf32>
      %add3A_979 = arith.addf %add3A_973, %mul3A_978 : vector<512x128xf32>
      %slice3A_980 = vector.extract_strided_slice %convert_element_type3A_845 {offsets = [0, 22], sizes = [512, 1], strides = [1, 1]} : vector<512x32xf32> to vector<512x1xf32>
      %slice3A_981 = vector.extract_strided_slice %convert_element_type3A_165 {offsets = [22, 0], sizes = [1, 128], strides = [1, 1]} : vector<32x128xf32> to vector<1x128xf32>
      %mul3A_982 = vector.broadcast %slice3A_980 : vector<512x1xf32> to vector<512x128xf32>
      %mul3A_983 = vector.broadcast %slice3A_981 : vector<1x128xf32> to vector<512x128xf32>
      %mul3A_984 = arith.mulf %mul3A_982, %mul3A_983 : vector<512x128xf32>
      %add3A_985 = arith.addf %add3A_979, %mul3A_984 : vector<512x128xf32>
      %slice3A_986 = vector.extract_strided_slice %convert_element_type3A_845 {offsets = [0, 23], sizes = [512, 1], strides = [1, 1]} : vector<512x32xf32> to vector<512x1xf32>
      %slice3A_987 = vector.extract_strided_slice %convert_element_type3A_165 {offsets = [23, 0], sizes = [1, 128], strides = [1, 1]} : vector<32x128xf32> to vector<1x128xf32>
      %mul3A_988 = vector.broadcast %slice3A_986 : vector<512x1xf32> to vector<512x128xf32>
      %mul3A_989 = vector.broadcast %slice3A_987 : vector<1x128xf32> to vector<512x128xf32>
      %mul3A_990 = arith.mulf %mul3A_988, %mul3A_989 : vector<512x128xf32>
      %add3A_991 = arith.addf %add3A_985, %mul3A_990 : vector<512x128xf32>
      %slice3A_992 = vector.extract_strided_slice %convert_element_type3A_845 {offsets = [0, 24], sizes = [512, 1], strides = [1, 1]} : vector<512x32xf32> to vector<512x1xf32>
      %slice3A_993 = vector.extract_strided_slice %convert_element_type3A_165 {offsets = [24, 0], sizes = [1, 128], strides = [1, 1]} : vector<32x128xf32> to vector<1x128xf32>
      %mul3A_994 = vector.broadcast %slice3A_992 : vector<512x1xf32> to vector<512x128xf32>
      %mul3A_995 = vector.broadcast %slice3A_993 : vector<1x128xf32> to vector<512x128xf32>
      %mul3A_996 = arith.mulf %mul3A_994, %mul3A_995 : vector<512x128xf32>
      %add3A_997 = arith.addf %add3A_991, %mul3A_996 : vector<512x128xf32>
      %slice3A_998 = vector.extract_strided_slice %convert_element_type3A_845 {offsets = [0, 25], sizes = [512, 1], strides = [1, 1]} : vector<512x32xf32> to vector<512x1xf32>
      %slice3A_999 = vector.extract_strided_slice %convert_element_type3A_165 {offsets = [25, 0], sizes = [1, 128], strides = [1, 1]} : vector<32x128xf32> to vector<1x128xf32>
      %mul3A_1000 = vector.broadcast %slice3A_998 : vector<512x1xf32> to vector<512x128xf32>
      %mul3A_1001 = vector.broadcast %slice3A_999 : vector<1x128xf32> to vector<512x128xf32>
      %mul3A_1002 = arith.mulf %mul3A_1000, %mul3A_1001 : vector<512x128xf32>
      %add3A_1003 = arith.addf %add3A_997, %mul3A_1002 : vector<512x128xf32>
      %slice3A_1004 = vector.extract_strided_slice %convert_element_type3A_845 {offsets = [0, 26], sizes = [512, 1], strides = [1, 1]} : vector<512x32xf32> to vector<512x1xf32>
      %slice3A_1005 = vector.extract_strided_slice %convert_element_type3A_165 {offsets = [26, 0], sizes = [1, 128], strides = [1, 1]} : vector<32x128xf32> to vector<1x128xf32>
      %mul3A_1006 = vector.broadcast %slice3A_1004 : vector<512x1xf32> to vector<512x128xf32>
      %mul3A_1007 = vector.broadcast %slice3A_1005 : vector<1x128xf32> to vector<512x128xf32>
      %mul3A_1008 = arith.mulf %mul3A_1006, %mul3A_1007 : vector<512x128xf32>
      %add3A_1009 = arith.addf %add3A_1003, %mul3A_1008 : vector<512x128xf32>
      %slice3A_1010 = vector.extract_strided_slice %convert_element_type3A_845 {offsets = [0, 27], sizes = [512, 1], strides = [1, 1]} : vector<512x32xf32> to vector<512x1xf32>
      %slice3A_1011 = vector.extract_strided_slice %convert_element_type3A_165 {offsets = [27, 0], sizes = [1, 128], strides = [1, 1]} : vector<32x128xf32> to vector<1x128xf32>
      %mul3A_1012 = vector.broadcast %slice3A_1010 : vector<512x1xf32> to vector<512x128xf32>
      %mul3A_1013 = vector.broadcast %slice3A_1011 : vector<1x128xf32> to vector<512x128xf32>
      %mul3A_1014 = arith.mulf %mul3A_1012, %mul3A_1013 : vector<512x128xf32>
      %add3A_1015 = arith.addf %add3A_1009, %mul3A_1014 : vector<512x128xf32>
      %slice3A_1016 = vector.extract_strided_slice %convert_element_type3A_845 {offsets = [0, 28], sizes = [512, 1], strides = [1, 1]} : vector<512x32xf32> to vector<512x1xf32>
      %slice3A_1017 = vector.extract_strided_slice %convert_element_type3A_165 {offsets = [28, 0], sizes = [1, 128], strides = [1, 1]} : vector<32x128xf32> to vector<1x128xf32>
      %mul3A_1018 = vector.broadcast %slice3A_1016 : vector<512x1xf32> to vector<512x128xf32>
      %mul3A_1019 = vector.broadcast %slice3A_1017 : vector<1x128xf32> to vector<512x128xf32>
      %mul3A_1020 = arith.mulf %mul3A_1018, %mul3A_1019 : vector<512x128xf32>
      %add3A_1021 = arith.addf %add3A_1015, %mul3A_1020 : vector<512x128xf32>
      %slice3A_1022 = vector.extract_strided_slice %convert_element_type3A_845 {offsets = [0, 29], sizes = [512, 1], strides = [1, 1]} : vector<512x32xf32> to vector<512x1xf32>
      %slice3A_1023 = vector.extract_strided_slice %convert_element_type3A_165 {offsets = [29, 0], sizes = [1, 128], strides = [1, 1]} : vector<32x128xf32> to vector<1x128xf32>
      %mul3A_1024 = vector.broadcast %slice3A_1022 : vector<512x1xf32> to vector<512x128xf32>
      %mul3A_1025 = vector.broadcast %slice3A_1023 : vector<1x128xf32> to vector<512x128xf32>
      %mul3A_1026 = arith.mulf %mul3A_1024, %mul3A_1025 : vector<512x128xf32>
      %add3A_1027 = arith.addf %add3A_1021, %mul3A_1026 : vector<512x128xf32>
      %slice3A_1028 = vector.extract_strided_slice %convert_element_type3A_845 {offsets = [0, 30], sizes = [512, 1], strides = [1, 1]} : vector<512x32xf32> to vector<512x1xf32>
      %slice3A_1029 = vector.extract_strided_slice %convert_element_type3A_165 {offsets = [30, 0], sizes = [1, 128], strides = [1, 1]} : vector<32x128xf32> to vector<1x128xf32>
      %mul3A_1030 = vector.broadcast %slice3A_1028 : vector<512x1xf32> to vector<512x128xf32>
      %mul3A_1031 = vector.broadcast %slice3A_1029 : vector<1x128xf32> to vector<512x128xf32>
      %mul3A_1032 = arith.mulf %mul3A_1030, %mul3A_1031 : vector<512x128xf32>
      %add3A_1033 = arith.addf %add3A_1027, %mul3A_1032 : vector<512x128xf32>
      %slice3A_1034 = vector.extract_strided_slice %convert_element_type3A_845 {offsets = [0, 31], sizes = [512, 1], strides = [1, 1]} : vector<512x32xf32> to vector<512x1xf32>
      %slice3A_1035 = vector.extract_strided_slice %convert_element_type3A_165 {offsets = [31, 0], sizes = [1, 128], strides = [1, 1]} : vector<32x128xf32> to vector<1x128xf32>
      %mul3A_1036 = vector.broadcast %slice3A_1034 : vector<512x1xf32> to vector<512x128xf32>
      %mul3A_1037 = vector.broadcast %slice3A_1035 : vector<1x128xf32> to vector<512x128xf32>
      %mul3A_1038 = arith.mulf %mul3A_1036, %mul3A_1037 : vector<512x128xf32>
      %add3A_1039 = arith.addf %add3A_1033, %mul3A_1038 : vector<512x128xf32>
      %add3A_1040 = vector.broadcast %add3A_163 : vector<1x128xf32> to vector<512x128xf32>
      %add3A_1041 = vector.broadcast %broadcast_in_dim3A_848 : vector<512x1xf32> to vector<512x128xf32>
      %add3A_1042 = arith.addf %add3A_1040, %add3A_1041 : vector<512x128xf32>
      %mul3A_1043 = arith.constant 2.000000e+00 : f32
      %mul3A_1044 = vector.broadcast %mul3A_1043 : f32 to vector<512x128xf32>
      %mul3A_1045 = arith.mulf %mul3A_1044, %add3A_1039 : vector<512x128xf32>
      %sub3A = arith.subf %add3A_1042, %mul3A_1045 : vector<512x128xf32>
      %reduce_min3A = arith.constant dense<0x7F800000> : vector<128xf32>
      %reduce_min3A_1046 = vector.multi_reduction <minimumf>, %sub3A, %reduce_min3A [0] : vector<512x128xf32> to vector<128xf32>
      %broadcast_in_dim3A_1047 = vector.shape_cast %reduce_min3A_1046 : vector<128xf32> to vector<1x128xf32>
      %iota3A = tpu.iota {dimensions = array<i32: 0>} : vector<512x128xi32>
      %eq3A = vector.broadcast %broadcast_in_dim3A_1047 : vector<1x128xf32> to vector<512x128xf32>
      %eq3A_1048 = arith.cmpf oeq, %sub3A, %eq3A : vector<512x128xf32>
      %jit3A = arith.constant 8192 : i32
      %broadcast_in_dim3A_1049 = vector.broadcast %jit3A : i32 to vector<512x128xi32>
      %select_n3A_1050 = arith.select %eq3A_1048, %iota3A, %broadcast_in_dim3A_1049 : vector<512x128xi1>, vector<512x128xi32>
      %reduce_min3A_1051 = arith.constant dense<2147483647> : vector<128xi32>
      %reduce_min3A_1052 = vector.multi_reduction <minsi>, %select_n3A_1050, %reduce_min3A_1051 [0] : vector<512x128xi32> to vector<128xi32>
      %broadcast_in_dim3A_1053 = vector.shape_cast %reduce_min3A_1052 : vector<128xi32> to vector<1x128xi32>
      %add3A_1054 = vector.broadcast %add3A_840 : i32 to vector<1x128xi32>
      %add3A_1055 = arith.addi %broadcast_in_dim3A_1053, %add3A_1054 : vector<1x128xi32>
      %lt3A_1056 = arith.cmpf olt, %broadcast_in_dim3A_1047, %scan3A_835 : vector<1x128xf32>
      %select_n3A_1057 = arith.select %lt3A_1056, %broadcast_in_dim3A_1047, %scan3A_835 : vector<1x128xi1>, vector<1x128xf32>
      %select_n3A_1058 = arith.select %lt3A_1056, %add3A_1055, %scan3A_836 : vector<1x128xi1>, vector<1x128xi32>
      scf.yield %select_n3A_1057, %select_n3A_1058 : vector<1x128xf32>, vector<1x128xi32>
    }
    %scan3A_179 = arith.constant 8 : i32
    %lt3A_180 = arith.cmpf olt, %scan3A_178#0, %broadcast_in_dim3A_167 : vector<1x128xf32>
    %select_n3A_181 = arith.select %lt3A_180, %scan3A_178#1, %broadcast_in_dim3A_169 : vector<1x128xi1>, vector<1x128xi32>
    %select_n3A_182 = arith.select %lt3A_180, %scan3A_178#0, %broadcast_in_dim3A_167 : vector<1x128xi1>, vector<1x128xf32>
    %convert_element_type3A_183 = arith.truncf %select_n3A_182 : vector<1x128xf32> to vector<1x128xbf16>
    %convert_element_type3A_184 = arith.extf %convert_element_type3A_183 : vector<1x128xbf16> to vector<1x128xf32>
    %broadcast_in_dim3A_185 = arith.constant 0x7F800000 : f32
    %broadcast_in_dim3A_186 = vector.broadcast %broadcast_in_dim3A_185 : f32 to vector<1x128xf32>
    %broadcast_in_dim3A_187 = arith.constant 0 : i32
    %broadcast_in_dim3A_188 = vector.broadcast %broadcast_in_dim3A_187 : i32 to vector<1x128xi32>
    %scan3A_189 = arith.constant 0 : i32
    %scan3A_190 = arith.constant 8 : i32
    %scan3A_191 = arith.addi %scan3A_189, %scan3A_190 : i32
    %scan3A_192 = arith.constant 1 : i32
    %scan3A_193:2 = scf.for %scan3A_834 = %scan3A_189 to %scan3A_191 step %scan3A_192 iter_args(%scan3A_835 = %broadcast_in_dim3A_186, %scan3A_836 = %broadcast_in_dim3A_188) -> (vector<1x128xf32>, vector<1x128xi32>)  : i32 {
      %mul3A_837 = arith.constant 512 : i32
      %mul3A_838 = arith.muli %scan3A_834, %mul3A_837 : i32
      %add3A_839 = arith.constant 4096 : i32
      %add3A_840 = arith.addi %add3A_839, %mul3A_838 : i32
      %get3A_841 = arith.index_cast %add3A_840 : i32 to index
      %get3A_842 = arith.constant 0 : index
      %get3A_843 = vector.load %arg2[%get3A_841, %get3A_842] : memref<8192x32xf32, #tpu.memory_space<vmem>>, vector<512x32xf32>
      %convert_element_type3A_844 = arith.truncf %get3A_843 : vector<512x32xf32> to vector<512x32xbf16>
      %convert_element_type3A_845 = arith.extf %convert_element_type3A_844 : vector<512x32xbf16> to vector<512x32xf32>
      %mul3A_846 = arith.mulf %get3A_843, %get3A_843 : vector<512x32xf32>
      %reduce_sum3A = arith.constant dense<0.000000e+00> : vector<512xf32>
      %reduce_sum3A_847 = vector.multi_reduction <add>, %mul3A_846, %reduce_sum3A [1] : vector<512x32xf32> to vector<512xf32>
      %broadcast_in_dim3A_848 = vector.shape_cast %reduce_sum3A_847 : vector<512xf32> to vector<512x1xf32>
      %slice3A_849 = vector.extract_strided_slice %convert_element_type3A_845 {offsets = [0, 0], sizes = [512, 1], strides = [1, 1]} : vector<512x32xf32> to vector<512x1xf32>
      %slice3A_850 = vector.extract_strided_slice %convert_element_type3A_165 {offsets = [0, 0], sizes = [1, 128], strides = [1, 1]} : vector<32x128xf32> to vector<1x128xf32>
      %mul3A_851 = vector.broadcast %slice3A_849 : vector<512x1xf32> to vector<512x128xf32>
      %mul3A_852 = vector.broadcast %slice3A_850 : vector<1x128xf32> to vector<512x128xf32>
      %mul3A_853 = arith.mulf %mul3A_851, %mul3A_852 : vector<512x128xf32>
      %slice3A_854 = vector.extract_strided_slice %convert_element_type3A_845 {offsets = [0, 1], sizes = [512, 1], strides = [1, 1]} : vector<512x32xf32> to vector<512x1xf32>
      %slice3A_855 = vector.extract_strided_slice %convert_element_type3A_165 {offsets = [1, 0], sizes = [1, 128], strides = [1, 1]} : vector<32x128xf32> to vector<1x128xf32>
      %mul3A_856 = vector.broadcast %slice3A_854 : vector<512x1xf32> to vector<512x128xf32>
      %mul3A_857 = vector.broadcast %slice3A_855 : vector<1x128xf32> to vector<512x128xf32>
      %mul3A_858 = arith.mulf %mul3A_856, %mul3A_857 : vector<512x128xf32>
      %add3A_859 = arith.addf %mul3A_853, %mul3A_858 : vector<512x128xf32>
      %slice3A_860 = vector.extract_strided_slice %convert_element_type3A_845 {offsets = [0, 2], sizes = [512, 1], strides = [1, 1]} : vector<512x32xf32> to vector<512x1xf32>
      %slice3A_861 = vector.extract_strided_slice %convert_element_type3A_165 {offsets = [2, 0], sizes = [1, 128], strides = [1, 1]} : vector<32x128xf32> to vector<1x128xf32>
      %mul3A_862 = vector.broadcast %slice3A_860 : vector<512x1xf32> to vector<512x128xf32>
      %mul3A_863 = vector.broadcast %slice3A_861 : vector<1x128xf32> to vector<512x128xf32>
      %mul3A_864 = arith.mulf %mul3A_862, %mul3A_863 : vector<512x128xf32>
      %add3A_865 = arith.addf %add3A_859, %mul3A_864 : vector<512x128xf32>
      %slice3A_866 = vector.extract_strided_slice %convert_element_type3A_845 {offsets = [0, 3], sizes = [512, 1], strides = [1, 1]} : vector<512x32xf32> to vector<512x1xf32>
      %slice3A_867 = vector.extract_strided_slice %convert_element_type3A_165 {offsets = [3, 0], sizes = [1, 128], strides = [1, 1]} : vector<32x128xf32> to vector<1x128xf32>
      %mul3A_868 = vector.broadcast %slice3A_866 : vector<512x1xf32> to vector<512x128xf32>
      %mul3A_869 = vector.broadcast %slice3A_867 : vector<1x128xf32> to vector<512x128xf32>
      %mul3A_870 = arith.mulf %mul3A_868, %mul3A_869 : vector<512x128xf32>
      %add3A_871 = arith.addf %add3A_865, %mul3A_870 : vector<512x128xf32>
      %slice3A_872 = vector.extract_strided_slice %convert_element_type3A_845 {offsets = [0, 4], sizes = [512, 1], strides = [1, 1]} : vector<512x32xf32> to vector<512x1xf32>
      %slice3A_873 = vector.extract_strided_slice %convert_element_type3A_165 {offsets = [4, 0], sizes = [1, 128], strides = [1, 1]} : vector<32x128xf32> to vector<1x128xf32>
      %mul3A_874 = vector.broadcast %slice3A_872 : vector<512x1xf32> to vector<512x128xf32>
      %mul3A_875 = vector.broadcast %slice3A_873 : vector<1x128xf32> to vector<512x128xf32>
      %mul3A_876 = arith.mulf %mul3A_874, %mul3A_875 : vector<512x128xf32>
      %add3A_877 = arith.addf %add3A_871, %mul3A_876 : vector<512x128xf32>
      %slice3A_878 = vector.extract_strided_slice %convert_element_type3A_845 {offsets = [0, 5], sizes = [512, 1], strides = [1, 1]} : vector<512x32xf32> to vector<512x1xf32>
      %slice3A_879 = vector.extract_strided_slice %convert_element_type3A_165 {offsets = [5, 0], sizes = [1, 128], strides = [1, 1]} : vector<32x128xf32> to vector<1x128xf32>
      %mul3A_880 = vector.broadcast %slice3A_878 : vector<512x1xf32> to vector<512x128xf32>
      %mul3A_881 = vector.broadcast %slice3A_879 : vector<1x128xf32> to vector<512x128xf32>
      %mul3A_882 = arith.mulf %mul3A_880, %mul3A_881 : vector<512x128xf32>
      %add3A_883 = arith.addf %add3A_877, %mul3A_882 : vector<512x128xf32>
      %slice3A_884 = vector.extract_strided_slice %convert_element_type3A_845 {offsets = [0, 6], sizes = [512, 1], strides = [1, 1]} : vector<512x32xf32> to vector<512x1xf32>
      %slice3A_885 = vector.extract_strided_slice %convert_element_type3A_165 {offsets = [6, 0], sizes = [1, 128], strides = [1, 1]} : vector<32x128xf32> to vector<1x128xf32>
      %mul3A_886 = vector.broadcast %slice3A_884 : vector<512x1xf32> to vector<512x128xf32>
      %mul3A_887 = vector.broadcast %slice3A_885 : vector<1x128xf32> to vector<512x128xf32>
      %mul3A_888 = arith.mulf %mul3A_886, %mul3A_887 : vector<512x128xf32>
      %add3A_889 = arith.addf %add3A_883, %mul3A_888 : vector<512x128xf32>
      %slice3A_890 = vector.extract_strided_slice %convert_element_type3A_845 {offsets = [0, 7], sizes = [512, 1], strides = [1, 1]} : vector<512x32xf32> to vector<512x1xf32>
      %slice3A_891 = vector.extract_strided_slice %convert_element_type3A_165 {offsets = [7, 0], sizes = [1, 128], strides = [1, 1]} : vector<32x128xf32> to vector<1x128xf32>
      %mul3A_892 = vector.broadcast %slice3A_890 : vector<512x1xf32> to vector<512x128xf32>
      %mul3A_893 = vector.broadcast %slice3A_891 : vector<1x128xf32> to vector<512x128xf32>
      %mul3A_894 = arith.mulf %mul3A_892, %mul3A_893 : vector<512x128xf32>
      %add3A_895 = arith.addf %add3A_889, %mul3A_894 : vector<512x128xf32>
      %slice3A_896 = vector.extract_strided_slice %convert_element_type3A_845 {offsets = [0, 8], sizes = [512, 1], strides = [1, 1]} : vector<512x32xf32> to vector<512x1xf32>
      %slice3A_897 = vector.extract_strided_slice %convert_element_type3A_165 {offsets = [8, 0], sizes = [1, 128], strides = [1, 1]} : vector<32x128xf32> to vector<1x128xf32>
      %mul3A_898 = vector.broadcast %slice3A_896 : vector<512x1xf32> to vector<512x128xf32>
      %mul3A_899 = vector.broadcast %slice3A_897 : vector<1x128xf32> to vector<512x128xf32>
      %mul3A_900 = arith.mulf %mul3A_898, %mul3A_899 : vector<512x128xf32>
      %add3A_901 = arith.addf %add3A_895, %mul3A_900 : vector<512x128xf32>
      %slice3A_902 = vector.extract_strided_slice %convert_element_type3A_845 {offsets = [0, 9], sizes = [512, 1], strides = [1, 1]} : vector<512x32xf32> to vector<512x1xf32>
      %slice3A_903 = vector.extract_strided_slice %convert_element_type3A_165 {offsets = [9, 0], sizes = [1, 128], strides = [1, 1]} : vector<32x128xf32> to vector<1x128xf32>
      %mul3A_904 = vector.broadcast %slice3A_902 : vector<512x1xf32> to vector<512x128xf32>
      %mul3A_905 = vector.broadcast %slice3A_903 : vector<1x128xf32> to vector<512x128xf32>
      %mul3A_906 = arith.mulf %mul3A_904, %mul3A_905 : vector<512x128xf32>
      %add3A_907 = arith.addf %add3A_901, %mul3A_906 : vector<512x128xf32>
      %slice3A_908 = vector.extract_strided_slice %convert_element_type3A_845 {offsets = [0, 10], sizes = [512, 1], strides = [1, 1]} : vector<512x32xf32> to vector<512x1xf32>
      %slice3A_909 = vector.extract_strided_slice %convert_element_type3A_165 {offsets = [10, 0], sizes = [1, 128], strides = [1, 1]} : vector<32x128xf32> to vector<1x128xf32>
      %mul3A_910 = vector.broadcast %slice3A_908 : vector<512x1xf32> to vector<512x128xf32>
      %mul3A_911 = vector.broadcast %slice3A_909 : vector<1x128xf32> to vector<512x128xf32>
      %mul3A_912 = arith.mulf %mul3A_910, %mul3A_911 : vector<512x128xf32>
      %add3A_913 = arith.addf %add3A_907, %mul3A_912 : vector<512x128xf32>
      %slice3A_914 = vector.extract_strided_slice %convert_element_type3A_845 {offsets = [0, 11], sizes = [512, 1], strides = [1, 1]} : vector<512x32xf32> to vector<512x1xf32>
      %slice3A_915 = vector.extract_strided_slice %convert_element_type3A_165 {offsets = [11, 0], sizes = [1, 128], strides = [1, 1]} : vector<32x128xf32> to vector<1x128xf32>
      %mul3A_916 = vector.broadcast %slice3A_914 : vector<512x1xf32> to vector<512x128xf32>
      %mul3A_917 = vector.broadcast %slice3A_915 : vector<1x128xf32> to vector<512x128xf32>
      %mul3A_918 = arith.mulf %mul3A_916, %mul3A_917 : vector<512x128xf32>
      %add3A_919 = arith.addf %add3A_913, %mul3A_918 : vector<512x128xf32>
      %slice3A_920 = vector.extract_strided_slice %convert_element_type3A_845 {offsets = [0, 12], sizes = [512, 1], strides = [1, 1]} : vector<512x32xf32> to vector<512x1xf32>
      %slice3A_921 = vector.extract_strided_slice %convert_element_type3A_165 {offsets = [12, 0], sizes = [1, 128], strides = [1, 1]} : vector<32x128xf32> to vector<1x128xf32>
      %mul3A_922 = vector.broadcast %slice3A_920 : vector<512x1xf32> to vector<512x128xf32>
      %mul3A_923 = vector.broadcast %slice3A_921 : vector<1x128xf32> to vector<512x128xf32>
      %mul3A_924 = arith.mulf %mul3A_922, %mul3A_923 : vector<512x128xf32>
      %add3A_925 = arith.addf %add3A_919, %mul3A_924 : vector<512x128xf32>
      %slice3A_926 = vector.extract_strided_slice %convert_element_type3A_845 {offsets = [0, 13], sizes = [512, 1], strides = [1, 1]} : vector<512x32xf32> to vector<512x1xf32>
      %slice3A_927 = vector.extract_strided_slice %convert_element_type3A_165 {offsets = [13, 0], sizes = [1, 128], strides = [1, 1]} : vector<32x128xf32> to vector<1x128xf32>
      %mul3A_928 = vector.broadcast %slice3A_926 : vector<512x1xf32> to vector<512x128xf32>
      %mul3A_929 = vector.broadcast %slice3A_927 : vector<1x128xf32> to vector<512x128xf32>
      %mul3A_930 = arith.mulf %mul3A_928, %mul3A_929 : vector<512x128xf32>
      %add3A_931 = arith.addf %add3A_925, %mul3A_930 : vector<512x128xf32>
      %slice3A_932 = vector.extract_strided_slice %convert_element_type3A_845 {offsets = [0, 14], sizes = [512, 1], strides = [1, 1]} : vector<512x32xf32> to vector<512x1xf32>
      %slice3A_933 = vector.extract_strided_slice %convert_element_type3A_165 {offsets = [14, 0], sizes = [1, 128], strides = [1, 1]} : vector<32x128xf32> to vector<1x128xf32>
      %mul3A_934 = vector.broadcast %slice3A_932 : vector<512x1xf32> to vector<512x128xf32>
      %mul3A_935 = vector.broadcast %slice3A_933 : vector<1x128xf32> to vector<512x128xf32>
      %mul3A_936 = arith.mulf %mul3A_934, %mul3A_935 : vector<512x128xf32>
      %add3A_937 = arith.addf %add3A_931, %mul3A_936 : vector<512x128xf32>
      %slice3A_938 = vector.extract_strided_slice %convert_element_type3A_845 {offsets = [0, 15], sizes = [512, 1], strides = [1, 1]} : vector<512x32xf32> to vector<512x1xf32>
      %slice3A_939 = vector.extract_strided_slice %convert_element_type3A_165 {offsets = [15, 0], sizes = [1, 128], strides = [1, 1]} : vector<32x128xf32> to vector<1x128xf32>
      %mul3A_940 = vector.broadcast %slice3A_938 : vector<512x1xf32> to vector<512x128xf32>
      %mul3A_941 = vector.broadcast %slice3A_939 : vector<1x128xf32> to vector<512x128xf32>
      %mul3A_942 = arith.mulf %mul3A_940, %mul3A_941 : vector<512x128xf32>
      %add3A_943 = arith.addf %add3A_937, %mul3A_942 : vector<512x128xf32>
      %slice3A_944 = vector.extract_strided_slice %convert_element_type3A_845 {offsets = [0, 16], sizes = [512, 1], strides = [1, 1]} : vector<512x32xf32> to vector<512x1xf32>
      %slice3A_945 = vector.extract_strided_slice %convert_element_type3A_165 {offsets = [16, 0], sizes = [1, 128], strides = [1, 1]} : vector<32x128xf32> to vector<1x128xf32>
      %mul3A_946 = vector.broadcast %slice3A_944 : vector<512x1xf32> to vector<512x128xf32>
      %mul3A_947 = vector.broadcast %slice3A_945 : vector<1x128xf32> to vector<512x128xf32>
      %mul3A_948 = arith.mulf %mul3A_946, %mul3A_947 : vector<512x128xf32>
      %add3A_949 = arith.addf %add3A_943, %mul3A_948 : vector<512x128xf32>
      %slice3A_950 = vector.extract_strided_slice %convert_element_type3A_845 {offsets = [0, 17], sizes = [512, 1], strides = [1, 1]} : vector<512x32xf32> to vector<512x1xf32>
      %slice3A_951 = vector.extract_strided_slice %convert_element_type3A_165 {offsets = [17, 0], sizes = [1, 128], strides = [1, 1]} : vector<32x128xf32> to vector<1x128xf32>
      %mul3A_952 = vector.broadcast %slice3A_950 : vector<512x1xf32> to vector<512x128xf32>
      %mul3A_953 = vector.broadcast %slice3A_951 : vector<1x128xf32> to vector<512x128xf32>
      %mul3A_954 = arith.mulf %mul3A_952, %mul3A_953 : vector<512x128xf32>
      %add3A_955 = arith.addf %add3A_949, %mul3A_954 : vector<512x128xf32>
      %slice3A_956 = vector.extract_strided_slice %convert_element_type3A_845 {offsets = [0, 18], sizes = [512, 1], strides = [1, 1]} : vector<512x32xf32> to vector<512x1xf32>
      %slice3A_957 = vector.extract_strided_slice %convert_element_type3A_165 {offsets = [18, 0], sizes = [1, 128], strides = [1, 1]} : vector<32x128xf32> to vector<1x128xf32>
      %mul3A_958 = vector.broadcast %slice3A_956 : vector<512x1xf32> to vector<512x128xf32>
      %mul3A_959 = vector.broadcast %slice3A_957 : vector<1x128xf32> to vector<512x128xf32>
      %mul3A_960 = arith.mulf %mul3A_958, %mul3A_959 : vector<512x128xf32>
      %add3A_961 = arith.addf %add3A_955, %mul3A_960 : vector<512x128xf32>
      %slice3A_962 = vector.extract_strided_slice %convert_element_type3A_845 {offsets = [0, 19], sizes = [512, 1], strides = [1, 1]} : vector<512x32xf32> to vector<512x1xf32>
      %slice3A_963 = vector.extract_strided_slice %convert_element_type3A_165 {offsets = [19, 0], sizes = [1, 128], strides = [1, 1]} : vector<32x128xf32> to vector<1x128xf32>
      %mul3A_964 = vector.broadcast %slice3A_962 : vector<512x1xf32> to vector<512x128xf32>
      %mul3A_965 = vector.broadcast %slice3A_963 : vector<1x128xf32> to vector<512x128xf32>
      %mul3A_966 = arith.mulf %mul3A_964, %mul3A_965 : vector<512x128xf32>
      %add3A_967 = arith.addf %add3A_961, %mul3A_966 : vector<512x128xf32>
      %slice3A_968 = vector.extract_strided_slice %convert_element_type3A_845 {offsets = [0, 20], sizes = [512, 1], strides = [1, 1]} : vector<512x32xf32> to vector<512x1xf32>
      %slice3A_969 = vector.extract_strided_slice %convert_element_type3A_165 {offsets = [20, 0], sizes = [1, 128], strides = [1, 1]} : vector<32x128xf32> to vector<1x128xf32>
      %mul3A_970 = vector.broadcast %slice3A_968 : vector<512x1xf32> to vector<512x128xf32>
      %mul3A_971 = vector.broadcast %slice3A_969 : vector<1x128xf32> to vector<512x128xf32>
      %mul3A_972 = arith.mulf %mul3A_970, %mul3A_971 : vector<512x128xf32>
      %add3A_973 = arith.addf %add3A_967, %mul3A_972 : vector<512x128xf32>
      %slice3A_974 = vector.extract_strided_slice %convert_element_type3A_845 {offsets = [0, 21], sizes = [512, 1], strides = [1, 1]} : vector<512x32xf32> to vector<512x1xf32>
      %slice3A_975 = vector.extract_strided_slice %convert_element_type3A_165 {offsets = [21, 0], sizes = [1, 128], strides = [1, 1]} : vector<32x128xf32> to vector<1x128xf32>
      %mul3A_976 = vector.broadcast %slice3A_974 : vector<512x1xf32> to vector<512x128xf32>
      %mul3A_977 = vector.broadcast %slice3A_975 : vector<1x128xf32> to vector<512x128xf32>
      %mul3A_978 = arith.mulf %mul3A_976, %mul3A_977 : vector<512x128xf32>
      %add3A_979 = arith.addf %add3A_973, %mul3A_978 : vector<512x128xf32>
      %slice3A_980 = vector.extract_strided_slice %convert_element_type3A_845 {offsets = [0, 22], sizes = [512, 1], strides = [1, 1]} : vector<512x32xf32> to vector<512x1xf32>
      %slice3A_981 = vector.extract_strided_slice %convert_element_type3A_165 {offsets = [22, 0], sizes = [1, 128], strides = [1, 1]} : vector<32x128xf32> to vector<1x128xf32>
      %mul3A_982 = vector.broadcast %slice3A_980 : vector<512x1xf32> to vector<512x128xf32>
      %mul3A_983 = vector.broadcast %slice3A_981 : vector<1x128xf32> to vector<512x128xf32>
      %mul3A_984 = arith.mulf %mul3A_982, %mul3A_983 : vector<512x128xf32>
      %add3A_985 = arith.addf %add3A_979, %mul3A_984 : vector<512x128xf32>
      %slice3A_986 = vector.extract_strided_slice %convert_element_type3A_845 {offsets = [0, 23], sizes = [512, 1], strides = [1, 1]} : vector<512x32xf32> to vector<512x1xf32>
      %slice3A_987 = vector.extract_strided_slice %convert_element_type3A_165 {offsets = [23, 0], sizes = [1, 128], strides = [1, 1]} : vector<32x128xf32> to vector<1x128xf32>
      %mul3A_988 = vector.broadcast %slice3A_986 : vector<512x1xf32> to vector<512x128xf32>
      %mul3A_989 = vector.broadcast %slice3A_987 : vector<1x128xf32> to vector<512x128xf32>
      %mul3A_990 = arith.mulf %mul3A_988, %mul3A_989 : vector<512x128xf32>
      %add3A_991 = arith.addf %add3A_985, %mul3A_990 : vector<512x128xf32>
      %slice3A_992 = vector.extract_strided_slice %convert_element_type3A_845 {offsets = [0, 24], sizes = [512, 1], strides = [1, 1]} : vector<512x32xf32> to vector<512x1xf32>
      %slice3A_993 = vector.extract_strided_slice %convert_element_type3A_165 {offsets = [24, 0], sizes = [1, 128], strides = [1, 1]} : vector<32x128xf32> to vector<1x128xf32>
      %mul3A_994 = vector.broadcast %slice3A_992 : vector<512x1xf32> to vector<512x128xf32>
      %mul3A_995 = vector.broadcast %slice3A_993 : vector<1x128xf32> to vector<512x128xf32>
      %mul3A_996 = arith.mulf %mul3A_994, %mul3A_995 : vector<512x128xf32>
      %add3A_997 = arith.addf %add3A_991, %mul3A_996 : vector<512x128xf32>
      %slice3A_998 = vector.extract_strided_slice %convert_element_type3A_845 {offsets = [0, 25], sizes = [512, 1], strides = [1, 1]} : vector<512x32xf32> to vector<512x1xf32>
      %slice3A_999 = vector.extract_strided_slice %convert_element_type3A_165 {offsets = [25, 0], sizes = [1, 128], strides = [1, 1]} : vector<32x128xf32> to vector<1x128xf32>
      %mul3A_1000 = vector.broadcast %slice3A_998 : vector<512x1xf32> to vector<512x128xf32>
      %mul3A_1001 = vector.broadcast %slice3A_999 : vector<1x128xf32> to vector<512x128xf32>
      %mul3A_1002 = arith.mulf %mul3A_1000, %mul3A_1001 : vector<512x128xf32>
      %add3A_1003 = arith.addf %add3A_997, %mul3A_1002 : vector<512x128xf32>
      %slice3A_1004 = vector.extract_strided_slice %convert_element_type3A_845 {offsets = [0, 26], sizes = [512, 1], strides = [1, 1]} : vector<512x32xf32> to vector<512x1xf32>
      %slice3A_1005 = vector.extract_strided_slice %convert_element_type3A_165 {offsets = [26, 0], sizes = [1, 128], strides = [1, 1]} : vector<32x128xf32> to vector<1x128xf32>
      %mul3A_1006 = vector.broadcast %slice3A_1004 : vector<512x1xf32> to vector<512x128xf32>
      %mul3A_1007 = vector.broadcast %slice3A_1005 : vector<1x128xf32> to vector<512x128xf32>
      %mul3A_1008 = arith.mulf %mul3A_1006, %mul3A_1007 : vector<512x128xf32>
      %add3A_1009 = arith.addf %add3A_1003, %mul3A_1008 : vector<512x128xf32>
      %slice3A_1010 = vector.extract_strided_slice %convert_element_type3A_845 {offsets = [0, 27], sizes = [512, 1], strides = [1, 1]} : vector<512x32xf32> to vector<512x1xf32>
      %slice3A_1011 = vector.extract_strided_slice %convert_element_type3A_165 {offsets = [27, 0], sizes = [1, 128], strides = [1, 1]} : vector<32x128xf32> to vector<1x128xf32>
      %mul3A_1012 = vector.broadcast %slice3A_1010 : vector<512x1xf32> to vector<512x128xf32>
      %mul3A_1013 = vector.broadcast %slice3A_1011 : vector<1x128xf32> to vector<512x128xf32>
      %mul3A_1014 = arith.mulf %mul3A_1012, %mul3A_1013 : vector<512x128xf32>
      %add3A_1015 = arith.addf %add3A_1009, %mul3A_1014 : vector<512x128xf32>
      %slice3A_1016 = vector.extract_strided_slice %convert_element_type3A_845 {offsets = [0, 28], sizes = [512, 1], strides = [1, 1]} : vector<512x32xf32> to vector<512x1xf32>
      %slice3A_1017 = vector.extract_strided_slice %convert_element_type3A_165 {offsets = [28, 0], sizes = [1, 128], strides = [1, 1]} : vector<32x128xf32> to vector<1x128xf32>
      %mul3A_1018 = vector.broadcast %slice3A_1016 : vector<512x1xf32> to vector<512x128xf32>
      %mul3A_1019 = vector.broadcast %slice3A_1017 : vector<1x128xf32> to vector<512x128xf32>
      %mul3A_1020 = arith.mulf %mul3A_1018, %mul3A_1019 : vector<512x128xf32>
      %add3A_1021 = arith.addf %add3A_1015, %mul3A_1020 : vector<512x128xf32>
      %slice3A_1022 = vector.extract_strided_slice %convert_element_type3A_845 {offsets = [0, 29], sizes = [512, 1], strides = [1, 1]} : vector<512x32xf32> to vector<512x1xf32>
      %slice3A_1023 = vector.extract_strided_slice %convert_element_type3A_165 {offsets = [29, 0], sizes = [1, 128], strides = [1, 1]} : vector<32x128xf32> to vector<1x128xf32>
      %mul3A_1024 = vector.broadcast %slice3A_1022 : vector<512x1xf32> to vector<512x128xf32>
      %mul3A_1025 = vector.broadcast %slice3A_1023 : vector<1x128xf32> to vector<512x128xf32>
      %mul3A_1026 = arith.mulf %mul3A_1024, %mul3A_1025 : vector<512x128xf32>
      %add3A_1027 = arith.addf %add3A_1021, %mul3A_1026 : vector<512x128xf32>
      %slice3A_1028 = vector.extract_strided_slice %convert_element_type3A_845 {offsets = [0, 30], sizes = [512, 1], strides = [1, 1]} : vector<512x32xf32> to vector<512x1xf32>
      %slice3A_1029 = vector.extract_strided_slice %convert_element_type3A_165 {offsets = [30, 0], sizes = [1, 128], strides = [1, 1]} : vector<32x128xf32> to vector<1x128xf32>
      %mul3A_1030 = vector.broadcast %slice3A_1028 : vector<512x1xf32> to vector<512x128xf32>
      %mul3A_1031 = vector.broadcast %slice3A_1029 : vector<1x128xf32> to vector<512x128xf32>
      %mul3A_1032 = arith.mulf %mul3A_1030, %mul3A_1031 : vector<512x128xf32>
      %add3A_1033 = arith.addf %add3A_1027, %mul3A_1032 : vector<512x128xf32>
      %slice3A_1034 = vector.extract_strided_slice %convert_element_type3A_845 {offsets = [0, 31], sizes = [512, 1], strides = [1, 1]} : vector<512x32xf32> to vector<512x1xf32>
      %slice3A_1035 = vector.extract_strided_slice %convert_element_type3A_165 {offsets = [31, 0], sizes = [1, 128], strides = [1, 1]} : vector<32x128xf32> to vector<1x128xf32>
      %mul3A_1036 = vector.broadcast %slice3A_1034 : vector<512x1xf32> to vector<512x128xf32>
      %mul3A_1037 = vector.broadcast %slice3A_1035 : vector<1x128xf32> to vector<512x128xf32>
      %mul3A_1038 = arith.mulf %mul3A_1036, %mul3A_1037 : vector<512x128xf32>
      %add3A_1039 = arith.addf %add3A_1033, %mul3A_1038 : vector<512x128xf32>
      %add3A_1040 = vector.broadcast %add3A_163 : vector<1x128xf32> to vector<512x128xf32>
      %add3A_1041 = vector.broadcast %broadcast_in_dim3A_848 : vector<512x1xf32> to vector<512x128xf32>
      %add3A_1042 = arith.addf %add3A_1040, %add3A_1041 : vector<512x128xf32>
      %mul3A_1043 = arith.constant 2.000000e+00 : f32
      %mul3A_1044 = vector.broadcast %mul3A_1043 : f32 to vector<512x128xf32>
      %mul3A_1045 = arith.mulf %mul3A_1044, %add3A_1039 : vector<512x128xf32>
      %sub3A = arith.subf %add3A_1042, %mul3A_1045 : vector<512x128xf32>
      %reduce_min3A = arith.constant dense<0x7F800000> : vector<128xf32>
      %reduce_min3A_1046 = vector.multi_reduction <minimumf>, %sub3A, %reduce_min3A [0] : vector<512x128xf32> to vector<128xf32>
      %broadcast_in_dim3A_1047 = vector.shape_cast %reduce_min3A_1046 : vector<128xf32> to vector<1x128xf32>
      %iota3A = tpu.iota {dimensions = array<i32: 0>} : vector<512x128xi32>
      %eq3A = vector.broadcast %broadcast_in_dim3A_1047 : vector<1x128xf32> to vector<512x128xf32>
      %eq3A_1048 = arith.cmpf oeq, %sub3A, %eq3A : vector<512x128xf32>
      %jit3A = arith.constant 8192 : i32
      %broadcast_in_dim3A_1049 = vector.broadcast %jit3A : i32 to vector<512x128xi32>
      %select_n3A_1050 = arith.select %eq3A_1048, %iota3A, %broadcast_in_dim3A_1049 : vector<512x128xi1>, vector<512x128xi32>
      %reduce_min3A_1051 = arith.constant dense<2147483647> : vector<128xi32>
      %reduce_min3A_1052 = vector.multi_reduction <minsi>, %select_n3A_1050, %reduce_min3A_1051 [0] : vector<512x128xi32> to vector<128xi32>
      %broadcast_in_dim3A_1053 = vector.shape_cast %reduce_min3A_1052 : vector<128xi32> to vector<1x128xi32>
      %add3A_1054 = vector.broadcast %add3A_840 : i32 to vector<1x128xi32>
      %add3A_1055 = arith.addi %broadcast_in_dim3A_1053, %add3A_1054 : vector<1x128xi32>
      %lt3A_1056 = arith.cmpf olt, %broadcast_in_dim3A_1047, %scan3A_835 : vector<1x128xf32>
      %select_n3A_1057 = arith.select %lt3A_1056, %broadcast_in_dim3A_1047, %scan3A_835 : vector<1x128xi1>, vector<1x128xf32>
      %select_n3A_1058 = arith.select %lt3A_1056, %add3A_1055, %scan3A_836 : vector<1x128xi1>, vector<1x128xi32>
      scf.yield %select_n3A_1057, %select_n3A_1058 : vector<1x128xf32>, vector<1x128xi32>
    }
    %scan3A_194 = arith.constant 8 : i32
    %lt3A_195 = arith.cmpf olt, %scan3A_193#0, %convert_element_type3A_184 : vector<1x128xf32>
    %select_n3A_196 = arith.select %lt3A_195, %scan3A_193#1, %select_n3A_181 : vector<1x128xi1>, vector<1x128xi32>
    %squeeze3A_197 = vector.shape_cast %select_n3A_196 : vector<1x128xi32> to vector<128xi32>
    %swap3A_198 = arith.constant 0 : index
    %swap3A_199 = arith.constant 1 : index
    %swap3A_200 = arith.constant 0 : index
    %swap3A_201 = vector.load %arg3[%swap3A_198, %swap3A_199, %swap3A_200] : memref<1x8x128xi32, #tpu.memory_space<vmem>>, vector<1x1x128xi32>
    %swap3A_202 = vector.shape_cast %swap3A_201 : vector<1x1x128xi32> to vector<128xi32>
    %swap3A_203 = vector.shape_cast %squeeze3A_197 : vector<128xi32> to vector<1x1x128xi32>
    tpu.vector_store %arg3[%swap3A_198, %swap3A_199, %swap3A_200], %swap3A_203 {strides = array<i32>} : memref<1x8x128xi32, #tpu.memory_space<vmem>>, vector<1x1x128xi32>,
    %slice3A_204 = vector.extract_strided_slice %get3A_3 {offsets = [0, 256], sizes = [32, 128], strides = [1, 1]} : vector<32x1024xf32> to vector<32x128xf32>
    %mul3A_205 = arith.mulf %slice3A_204, %slice3A_204 : vector<32x128xf32>
    %slice3A_206 = vector.extract_strided_slice %mul3A_205 {offsets = [0, 0], sizes = [1, 128], strides = [1, 1]} : vector<32x128xf32> to vector<1x128xf32>
    %slice3A_207 = vector.extract_strided_slice %mul3A_205 {offsets = [1, 0], sizes = [1, 128], strides = [1, 1]} : vector<32x128xf32> to vector<1x128xf32>
    %add3A_208 = arith.addf %slice3A_206, %slice3A_207 : vector<1x128xf32>
    %slice3A_209 = vector.extract_strided_slice %mul3A_205 {offsets = [2, 0], sizes = [1, 128], strides = [1, 1]} : vector<32x128xf32> to vector<1x128xf32>
    %add3A_210 = arith.addf %add3A_208, %slice3A_209 : vector<1x128xf32>
    %slice3A_211 = vector.extract_strided_slice %mul3A_205 {offsets = [3, 0], sizes = [1, 128], strides = [1, 1]} : vector<32x128xf32> to vector<1x128xf32>
    %add3A_212 = arith.addf %add3A_210, %slice3A_211 : vector<1x128xf32>
    %slice3A_213 = vector.extract_strided_slice %mul3A_205 {offsets = [4, 0], sizes = [1, 128], strides = [1, 1]} : vector<32x128xf32> to vector<1x128xf32>
    %add3A_214 = arith.addf %add3A_212, %slice3A_213 : vector<1x128xf32>
    %slice3A_215 = vector.extract_strided_slice %mul3A_205 {offsets = [5, 0], sizes = [1, 128], strides = [1, 1]} : vector<32x128xf32> to vector<1x128xf32>
    %add3A_216 = arith.addf %add3A_214, %slice3A_215 : vector<1x128xf32>
    %slice3A_217 = vector.extract_strided_slice %mul3A_205 {offsets = [6, 0], sizes = [1, 128], strides = [1, 1]} : vector<32x128xf32> to vector<1x128xf32>
    %add3A_218 = arith.addf %add3A_216, %slice3A_217 : vector<1x128xf32>
    %slice3A_219 = vector.extract_strided_slice %mul3A_205 {offsets = [7, 0], sizes = [1, 128], strides = [1, 1]} : vector<32x128xf32> to vector<1x128xf32>
    %add3A_220 = arith.addf %add3A_218, %slice3A_219 : vector<1x128xf32>
    %slice3A_221 = vector.extract_strided_slice %mul3A_205 {offsets = [8, 0], sizes = [1, 128], strides = [1, 1]} : vector<32x128xf32> to vector<1x128xf32>
    %add3A_222 = arith.addf %add3A_220, %slice3A_221 : vector<1x128xf32>
    %slice3A_223 = vector.extract_strided_slice %mul3A_205 {offsets = [9, 0], sizes = [1, 128], strides = [1, 1]} : vector<32x128xf32> to vector<1x128xf32>
    %add3A_224 = arith.addf %add3A_222, %slice3A_223 : vector<1x128xf32>
    %slice3A_225 = vector.extract_strided_slice %mul3A_205 {offsets = [10, 0], sizes = [1, 128], strides = [1, 1]} : vector<32x128xf32> to vector<1x128xf32>
    %add3A_226 = arith.addf %add3A_224, %slice3A_225 : vector<1x128xf32>
    %slice3A_227 = vector.extract_strided_slice %mul3A_205 {offsets = [11, 0], sizes = [1, 128], strides = [1, 1]} : vector<32x128xf32> to vector<1x128xf32>
    %add3A_228 = arith.addf %add3A_226, %slice3A_227 : vector<1x128xf32>
    %slice3A_229 = vector.extract_strided_slice %mul3A_205 {offsets = [12, 0], sizes = [1, 128], strides = [1, 1]} : vector<32x128xf32> to vector<1x128xf32>
    %add3A_230 = arith.addf %add3A_228, %slice3A_229 : vector<1x128xf32>
    %slice3A_231 = vector.extract_strided_slice %mul3A_205 {offsets = [13, 0], sizes = [1, 128], strides = [1, 1]} : vector<32x128xf32> to vector<1x128xf32>
    %add3A_232 = arith.addf %add3A_230, %slice3A_231 : vector<1x128xf32>
    %slice3A_233 = vector.extract_strided_slice %mul3A_205 {offsets = [14, 0], sizes = [1, 128], strides = [1, 1]} : vector<32x128xf32> to vector<1x128xf32>
    %add3A_234 = arith.addf %add3A_232, %slice3A_233 : vector<1x128xf32>
    %slice3A_235 = vector.extract_strided_slice %mul3A_205 {offsets = [15, 0], sizes = [1, 128], strides = [1, 1]} : vector<32x128xf32> to vector<1x128xf32>
    %add3A_236 = arith.addf %add3A_234, %slice3A_235 : vector<1x128xf32>
    %slice3A_237 = vector.extract_strided_slice %mul3A_205 {offsets = [16, 0], sizes = [1, 128], strides = [1, 1]} : vector<32x128xf32> to vector<1x128xf32>
    %add3A_238 = arith.addf %add3A_236, %slice3A_237 : vector<1x128xf32>
    %slice3A_239 = vector.extract_strided_slice %mul3A_205 {offsets = [17, 0], sizes = [1, 128], strides = [1, 1]} : vector<32x128xf32> to vector<1x128xf32>
    %add3A_240 = arith.addf %add3A_238, %slice3A_239 : vector<1x128xf32>
    %slice3A_241 = vector.extract_strided_slice %mul3A_205 {offsets = [18, 0], sizes = [1, 128], strides = [1, 1]} : vector<32x128xf32> to vector<1x128xf32>
    %add3A_242 = arith.addf %add3A_240, %slice3A_241 : vector<1x128xf32>
    %slice3A_243 = vector.extract_strided_slice %mul3A_205 {offsets = [19, 0], sizes = [1, 128], strides = [1, 1]} : vector<32x128xf32> to vector<1x128xf32>
    %add3A_244 = arith.addf %add3A_242, %slice3A_243 : vector<1x128xf32>
    %slice3A_245 = vector.extract_strided_slice %mul3A_205 {offsets = [20, 0], sizes = [1, 128], strides = [1, 1]} : vector<32x128xf32> to vector<1x128xf32>
    %add3A_246 = arith.addf %add3A_244, %slice3A_245 : vector<1x128xf32>
    %slice3A_247 = vector.extract_strided_slice %mul3A_205 {offsets = [21, 0], sizes = [1, 128], strides = [1, 1]} : vector<32x128xf32> to vector<1x128xf32>
    %add3A_248 = arith.addf %add3A_246, %slice3A_247 : vector<1x128xf32>
    %slice3A_249 = vector.extract_strided_slice %mul3A_205 {offsets = [22, 0], sizes = [1, 128], strides = [1, 1]} : vector<32x128xf32> to vector<1x128xf32>
    %add3A_250 = arith.addf %add3A_248, %slice3A_249 : vector<1x128xf32>
    %slice3A_251 = vector.extract_strided_slice %mul3A_205 {offsets = [23, 0], sizes = [1, 128], strides = [1, 1]} : vector<32x128xf32> to vector<1x128xf32>
    %add3A_252 = arith.addf %add3A_250, %slice3A_251 : vector<1x128xf32>
    %slice3A_253 = vector.extract_strided_slice %mul3A_205 {offsets = [24, 0], sizes = [1, 128], strides = [1, 1]} : vector<32x128xf32> to vector<1x128xf32>
    %add3A_254 = arith.addf %add3A_252, %slice3A_253 : vector<1x128xf32>
    %slice3A_255 = vector.extract_strided_slice %mul3A_205 {offsets = [25, 0], sizes = [1, 128], strides = [1, 1]} : vector<32x128xf32> to vector<1x128xf32>
    %add3A_256 = arith.addf %add3A_254, %slice3A_255 : vector<1x128xf32>
    %slice3A_257 = vector.extract_strided_slice %mul3A_205 {offsets = [26, 0], sizes = [1, 128], strides = [1, 1]} : vector<32x128xf32> to vector<1x128xf32>
    %add3A_258 = arith.addf %add3A_256, %slice3A_257 : vector<1x128xf32>
    %slice3A_259 = vector.extract_strided_slice %mul3A_205 {offsets = [27, 0], sizes = [1, 128], strides = [1, 1]} : vector<32x128xf32> to vector<1x128xf32>
    %add3A_260 = arith.addf %add3A_258, %slice3A_259 : vector<1x128xf32>
    %slice3A_261 = vector.extract_strided_slice %mul3A_205 {offsets = [28, 0], sizes = [1, 128], strides = [1, 1]} : vector<32x128xf32> to vector<1x128xf32>
    %add3A_262 = arith.addf %add3A_260, %slice3A_261 : vector<1x128xf32>
    %slice3A_263 = vector.extract_strided_slice %mul3A_205 {offsets = [29, 0], sizes = [1, 128], strides = [1, 1]} : vector<32x128xf32> to vector<1x128xf32>
    %add3A_264 = arith.addf %add3A_262, %slice3A_263 : vector<1x128xf32>
    %slice3A_265 = vector.extract_strided_slice %mul3A_205 {offsets = [30, 0], sizes = [1, 128], strides = [1, 1]} : vector<32x128xf32> to vector<1x128xf32>
    %add3A_266 = arith.addf %add3A_264, %slice3A_265 : vector<1x128xf32>
    %slice3A_267 = vector.extract_strided_slice %mul3A_205 {offsets = [31, 0], sizes = [1, 128], strides = [1, 1]} : vector<32x128xf32> to vector<1x128xf32>
    %add3A_268 = arith.addf %add3A_266, %slice3A_267 : vector<1x128xf32>
    %convert_element_type3A_269 = arith.truncf %slice3A_204 : vector<32x128xf32> to vector<32x128xbf16>
    %convert_element_type3A_270 = arith.extf %convert_element_type3A_269 : vector<32x128xbf16> to vector<32x128xf32>
    %broadcast_in_dim3A_271 = arith.constant 0x7F800000 : f32
    %broadcast_in_dim3A_272 = vector.broadcast %broadcast_in_dim3A_271 : f32 to vector<1x128xf32>
    %broadcast_in_dim3A_273 = arith.constant 0 : i32
    %broadcast_in_dim3A_274 = vector.broadcast %broadcast_in_dim3A_273 : i32 to vector<1x128xi32>
    %broadcast_in_dim3A_275 = arith.constant 0x7F800000 : f32
    %broadcast_in_dim3A_276 = vector.broadcast %broadcast_in_dim3A_275 : f32 to vector<1x128xf32>
    %broadcast_in_dim3A_277 = arith.constant 0 : i32
    %broadcast_in_dim3A_278 = vector.broadcast %broadcast_in_dim3A_277 : i32 to vector<1x128xi32>
    %scan3A_279 = arith.constant 0 : i32
    %scan3A_280 = arith.constant 8 : i32
    %scan3A_281 = arith.addi %scan3A_279, %scan3A_280 : i32
    %scan3A_282 = arith.constant 1 : i32
    %scan3A_283:2 = scf.for %scan3A_834 = %scan3A_279 to %scan3A_281 step %scan3A_282 iter_args(%scan3A_835 = %broadcast_in_dim3A_276, %scan3A_836 = %broadcast_in_dim3A_278) -> (vector<1x128xf32>, vector<1x128xi32>)  : i32 {
      %mul3A_837 = arith.constant 512 : i32
      %mul3A_838 = arith.muli %scan3A_834, %mul3A_837 : i32
      %add3A_839 = arith.constant 0 : i32
      %add3A_840 = arith.addi %add3A_839, %mul3A_838 : i32
      %get3A_841 = arith.index_cast %add3A_840 : i32 to index
      %get3A_842 = arith.constant 0 : index
      %get3A_843 = vector.load %arg2[%get3A_841, %get3A_842] : memref<8192x32xf32, #tpu.memory_space<vmem>>, vector<512x32xf32>
      %convert_element_type3A_844 = arith.truncf %get3A_843 : vector<512x32xf32> to vector<512x32xbf16>
      %convert_element_type3A_845 = arith.extf %convert_element_type3A_844 : vector<512x32xbf16> to vector<512x32xf32>
      %mul3A_846 = arith.mulf %get3A_843, %get3A_843 : vector<512x32xf32>
      %reduce_sum3A = arith.constant dense<0.000000e+00> : vector<512xf32>
      %reduce_sum3A_847 = vector.multi_reduction <add>, %mul3A_846, %reduce_sum3A [1] : vector<512x32xf32> to vector<512xf32>
      %broadcast_in_dim3A_848 = vector.shape_cast %reduce_sum3A_847 : vector<512xf32> to vector<512x1xf32>
      %slice3A_849 = vector.extract_strided_slice %convert_element_type3A_845 {offsets = [0, 0], sizes = [512, 1], strides = [1, 1]} : vector<512x32xf32> to vector<512x1xf32>
      %slice3A_850 = vector.extract_strided_slice %convert_element_type3A_270 {offsets = [0, 0], sizes = [1, 128], strides = [1, 1]} : vector<32x128xf32> to vector<1x128xf32>
      %mul3A_851 = vector.broadcast %slice3A_849 : vector<512x1xf32> to vector<512x128xf32>
      %mul3A_852 = vector.broadcast %slice3A_850 : vector<1x128xf32> to vector<512x128xf32>
      %mul3A_853 = arith.mulf %mul3A_851, %mul3A_852 : vector<512x128xf32>
      %slice3A_854 = vector.extract_strided_slice %convert_element_type3A_845 {offsets = [0, 1], sizes = [512, 1], strides = [1, 1]} : vector<512x32xf32> to vector<512x1xf32>
      %slice3A_855 = vector.extract_strided_slice %convert_element_type3A_270 {offsets = [1, 0], sizes = [1, 128], strides = [1, 1]} : vector<32x128xf32> to vector<1x128xf32>
      %mul3A_856 = vector.broadcast %slice3A_854 : vector<512x1xf32> to vector<512x128xf32>
      %mul3A_857 = vector.broadcast %slice3A_855 : vector<1x128xf32> to vector<512x128xf32>
      %mul3A_858 = arith.mulf %mul3A_856, %mul3A_857 : vector<512x128xf32>
      %add3A_859 = arith.addf %mul3A_853, %mul3A_858 : vector<512x128xf32>
      %slice3A_860 = vector.extract_strided_slice %convert_element_type3A_845 {offsets = [0, 2], sizes = [512, 1], strides = [1, 1]} : vector<512x32xf32> to vector<512x1xf32>
      %slice3A_861 = vector.extract_strided_slice %convert_element_type3A_270 {offsets = [2, 0], sizes = [1, 128], strides = [1, 1]} : vector<32x128xf32> to vector<1x128xf32>
      %mul3A_862 = vector.broadcast %slice3A_860 : vector<512x1xf32> to vector<512x128xf32>
      %mul3A_863 = vector.broadcast %slice3A_861 : vector<1x128xf32> to vector<512x128xf32>
      %mul3A_864 = arith.mulf %mul3A_862, %mul3A_863 : vector<512x128xf32>
      %add3A_865 = arith.addf %add3A_859, %mul3A_864 : vector<512x128xf32>
      %slice3A_866 = vector.extract_strided_slice %convert_element_type3A_845 {offsets = [0, 3], sizes = [512, 1], strides = [1, 1]} : vector<512x32xf32> to vector<512x1xf32>
      %slice3A_867 = vector.extract_strided_slice %convert_element_type3A_270 {offsets = [3, 0], sizes = [1, 128], strides = [1, 1]} : vector<32x128xf32> to vector<1x128xf32>
      %mul3A_868 = vector.broadcast %slice3A_866 : vector<512x1xf32> to vector<512x128xf32>
      %mul3A_869 = vector.broadcast %slice3A_867 : vector<1x128xf32> to vector<512x128xf32>
      %mul3A_870 = arith.mulf %mul3A_868, %mul3A_869 : vector<512x128xf32>
      %add3A_871 = arith.addf %add3A_865, %mul3A_870 : vector<512x128xf32>
      %slice3A_872 = vector.extract_strided_slice %convert_element_type3A_845 {offsets = [0, 4], sizes = [512, 1], strides = [1, 1]} : vector<512x32xf32> to vector<512x1xf32>
      %slice3A_873 = vector.extract_strided_slice %convert_element_type3A_270 {offsets = [4, 0], sizes = [1, 128], strides = [1, 1]} : vector<32x128xf32> to vector<1x128xf32>
      %mul3A_874 = vector.broadcast %slice3A_872 : vector<512x1xf32> to vector<512x128xf32>
      %mul3A_875 = vector.broadcast %slice3A_873 : vector<1x128xf32> to vector<512x128xf32>
      %mul3A_876 = arith.mulf %mul3A_874, %mul3A_875 : vector<512x128xf32>
      %add3A_877 = arith.addf %add3A_871, %mul3A_876 : vector<512x128xf32>
      %slice3A_878 = vector.extract_strided_slice %convert_element_type3A_845 {offsets = [0, 5], sizes = [512, 1], strides = [1, 1]} : vector<512x32xf32> to vector<512x1xf32>
      %slice3A_879 = vector.extract_strided_slice %convert_element_type3A_270 {offsets = [5, 0], sizes = [1, 128], strides = [1, 1]} : vector<32x128xf32> to vector<1x128xf32>
      %mul3A_880 = vector.broadcast %slice3A_878 : vector<512x1xf32> to vector<512x128xf32>
      %mul3A_881 = vector.broadcast %slice3A_879 : vector<1x128xf32> to vector<512x128xf32>
      %mul3A_882 = arith.mulf %mul3A_880, %mul3A_881 : vector<512x128xf32>
      %add3A_883 = arith.addf %add3A_877, %mul3A_882 : vector<512x128xf32>
      %slice3A_884 = vector.extract_strided_slice %convert_element_type3A_845 {offsets = [0, 6], sizes = [512, 1], strides = [1, 1]} : vector<512x32xf32> to vector<512x1xf32>
      %slice3A_885 = vector.extract_strided_slice %convert_element_type3A_270 {offsets = [6, 0], sizes = [1, 128], strides = [1, 1]} : vector<32x128xf32> to vector<1x128xf32>
      %mul3A_886 = vector.broadcast %slice3A_884 : vector<512x1xf32> to vector<512x128xf32>
      %mul3A_887 = vector.broadcast %slice3A_885 : vector<1x128xf32> to vector<512x128xf32>
      %mul3A_888 = arith.mulf %mul3A_886, %mul3A_887 : vector<512x128xf32>
      %add3A_889 = arith.addf %add3A_883, %mul3A_888 : vector<512x128xf32>
      %slice3A_890 = vector.extract_strided_slice %convert_element_type3A_845 {offsets = [0, 7], sizes = [512, 1], strides = [1, 1]} : vector<512x32xf32> to vector<512x1xf32>
      %slice3A_891 = vector.extract_strided_slice %convert_element_type3A_270 {offsets = [7, 0], sizes = [1, 128], strides = [1, 1]} : vector<32x128xf32> to vector<1x128xf32>
      %mul3A_892 = vector.broadcast %slice3A_890 : vector<512x1xf32> to vector<512x128xf32>
      %mul3A_893 = vector.broadcast %slice3A_891 : vector<1x128xf32> to vector<512x128xf32>
      %mul3A_894 = arith.mulf %mul3A_892, %mul3A_893 : vector<512x128xf32>
      %add3A_895 = arith.addf %add3A_889, %mul3A_894 : vector<512x128xf32>
      %slice3A_896 = vector.extract_strided_slice %convert_element_type3A_845 {offsets = [0, 8], sizes = [512, 1], strides = [1, 1]} : vector<512x32xf32> to vector<512x1xf32>
      %slice3A_897 = vector.extract_strided_slice %convert_element_type3A_270 {offsets = [8, 0], sizes = [1, 128], strides = [1, 1]} : vector<32x128xf32> to vector<1x128xf32>
      %mul3A_898 = vector.broadcast %slice3A_896 : vector<512x1xf32> to vector<512x128xf32>
      %mul3A_899 = vector.broadcast %slice3A_897 : vector<1x128xf32> to vector<512x128xf32>
      %mul3A_900 = arith.mulf %mul3A_898, %mul3A_899 : vector<512x128xf32>
      %add3A_901 = arith.addf %add3A_895, %mul3A_900 : vector<512x128xf32>
      %slice3A_902 = vector.extract_strided_slice %convert_element_type3A_845 {offsets = [0, 9], sizes = [512, 1], strides = [1, 1]} : vector<512x32xf32> to vector<512x1xf32>
      %slice3A_903 = vector.extract_strided_slice %convert_element_type3A_270 {offsets = [9, 0], sizes = [1, 128], strides = [1, 1]} : vector<32x128xf32> to vector<1x128xf32>
      %mul3A_904 = vector.broadcast %slice3A_902 : vector<512x1xf32> to vector<512x128xf32>
      %mul3A_905 = vector.broadcast %slice3A_903 : vector<1x128xf32> to vector<512x128xf32>
      %mul3A_906 = arith.mulf %mul3A_904, %mul3A_905 : vector<512x128xf32>
      %add3A_907 = arith.addf %add3A_901, %mul3A_906 : vector<512x128xf32>
      %slice3A_908 = vector.extract_strided_slice %convert_element_type3A_845 {offsets = [0, 10], sizes = [512, 1], strides = [1, 1]} : vector<512x32xf32> to vector<512x1xf32>
      %slice3A_909 = vector.extract_strided_slice %convert_element_type3A_270 {offsets = [10, 0], sizes = [1, 128], strides = [1, 1]} : vector<32x128xf32> to vector<1x128xf32>
      %mul3A_910 = vector.broadcast %slice3A_908 : vector<512x1xf32> to vector<512x128xf32>
      %mul3A_911 = vector.broadcast %slice3A_909 : vector<1x128xf32> to vector<512x128xf32>
      %mul3A_912 = arith.mulf %mul3A_910, %mul3A_911 : vector<512x128xf32>
      %add3A_913 = arith.addf %add3A_907, %mul3A_912 : vector<512x128xf32>
      %slice3A_914 = vector.extract_strided_slice %convert_element_type3A_845 {offsets = [0, 11], sizes = [512, 1], strides = [1, 1]} : vector<512x32xf32> to vector<512x1xf32>
      %slice3A_915 = vector.extract_strided_slice %convert_element_type3A_270 {offsets = [11, 0], sizes = [1, 128], strides = [1, 1]} : vector<32x128xf32> to vector<1x128xf32>
      %mul3A_916 = vector.broadcast %slice3A_914 : vector<512x1xf32> to vector<512x128xf32>
      %mul3A_917 = vector.broadcast %slice3A_915 : vector<1x128xf32> to vector<512x128xf32>
      %mul3A_918 = arith.mulf %mul3A_916, %mul3A_917 : vector<512x128xf32>
      %add3A_919 = arith.addf %add3A_913, %mul3A_918 : vector<512x128xf32>
      %slice3A_920 = vector.extract_strided_slice %convert_element_type3A_845 {offsets = [0, 12], sizes = [512, 1], strides = [1, 1]} : vector<512x32xf32> to vector<512x1xf32>
      %slice3A_921 = vector.extract_strided_slice %convert_element_type3A_270 {offsets = [12, 0], sizes = [1, 128], strides = [1, 1]} : vector<32x128xf32> to vector<1x128xf32>
      %mul3A_922 = vector.broadcast %slice3A_920 : vector<512x1xf32> to vector<512x128xf32>
      %mul3A_923 = vector.broadcast %slice3A_921 : vector<1x128xf32> to vector<512x128xf32>
      %mul3A_924 = arith.mulf %mul3A_922, %mul3A_923 : vector<512x128xf32>
      %add3A_925 = arith.addf %add3A_919, %mul3A_924 : vector<512x128xf32>
      %slice3A_926 = vector.extract_strided_slice %convert_element_type3A_845 {offsets = [0, 13], sizes = [512, 1], strides = [1, 1]} : vector<512x32xf32> to vector<512x1xf32>
      %slice3A_927 = vector.extract_strided_slice %convert_element_type3A_270 {offsets = [13, 0], sizes = [1, 128], strides = [1, 1]} : vector<32x128xf32> to vector<1x128xf32>
      %mul3A_928 = vector.broadcast %slice3A_926 : vector<512x1xf32> to vector<512x128xf32>
      %mul3A_929 = vector.broadcast %slice3A_927 : vector<1x128xf32> to vector<512x128xf32>
      %mul3A_930 = arith.mulf %mul3A_928, %mul3A_929 : vector<512x128xf32>
      %add3A_931 = arith.addf %add3A_925, %mul3A_930 : vector<512x128xf32>
      %slice3A_932 = vector.extract_strided_slice %convert_element_type3A_845 {offsets = [0, 14], sizes = [512, 1], strides = [1, 1]} : vector<512x32xf32> to vector<512x1xf32>
      %slice3A_933 = vector.extract_strided_slice %convert_element_type3A_270 {offsets = [14, 0], sizes = [1, 128], strides = [1, 1]} : vector<32x128xf32> to vector<1x128xf32>
      %mul3A_934 = vector.broadcast %slice3A_932 : vector<512x1xf32> to vector<512x128xf32>
      %mul3A_935 = vector.broadcast %slice3A_933 : vector<1x128xf32> to vector<512x128xf32>
      %mul3A_936 = arith.mulf %mul3A_934, %mul3A_935 : vector<512x128xf32>
      %add3A_937 = arith.addf %add3A_931, %mul3A_936 : vector<512x128xf32>
      %slice3A_938 = vector.extract_strided_slice %convert_element_type3A_845 {offsets = [0, 15], sizes = [512, 1], strides = [1, 1]} : vector<512x32xf32> to vector<512x1xf32>
      %slice3A_939 = vector.extract_strided_slice %convert_element_type3A_270 {offsets = [15, 0], sizes = [1, 128], strides = [1, 1]} : vector<32x128xf32> to vector<1x128xf32>
      %mul3A_940 = vector.broadcast %slice3A_938 : vector<512x1xf32> to vector<512x128xf32>
      %mul3A_941 = vector.broadcast %slice3A_939 : vector<1x128xf32> to vector<512x128xf32>
      %mul3A_942 = arith.mulf %mul3A_940, %mul3A_941 : vector<512x128xf32>
      %add3A_943 = arith.addf %add3A_937, %mul3A_942 : vector<512x128xf32>
      %slice3A_944 = vector.extract_strided_slice %convert_element_type3A_845 {offsets = [0, 16], sizes = [512, 1], strides = [1, 1]} : vector<512x32xf32> to vector<512x1xf32>
      %slice3A_945 = vector.extract_strided_slice %convert_element_type3A_270 {offsets = [16, 0], sizes = [1, 128], strides = [1, 1]} : vector<32x128xf32> to vector<1x128xf32>
      %mul3A_946 = vector.broadcast %slice3A_944 : vector<512x1xf32> to vector<512x128xf32>
      %mul3A_947 = vector.broadcast %slice3A_945 : vector<1x128xf32> to vector<512x128xf32>
      %mul3A_948 = arith.mulf %mul3A_946, %mul3A_947 : vector<512x128xf32>
      %add3A_949 = arith.addf %add3A_943, %mul3A_948 : vector<512x128xf32>
      %slice3A_950 = vector.extract_strided_slice %convert_element_type3A_845 {offsets = [0, 17], sizes = [512, 1], strides = [1, 1]} : vector<512x32xf32> to vector<512x1xf32>
      %slice3A_951 = vector.extract_strided_slice %convert_element_type3A_270 {offsets = [17, 0], sizes = [1, 128], strides = [1, 1]} : vector<32x128xf32> to vector<1x128xf32>
      %mul3A_952 = vector.broadcast %slice3A_950 : vector<512x1xf32> to vector<512x128xf32>
      %mul3A_953 = vector.broadcast %slice3A_951 : vector<1x128xf32> to vector<512x128xf32>
      %mul3A_954 = arith.mulf %mul3A_952, %mul3A_953 : vector<512x128xf32>
      %add3A_955 = arith.addf %add3A_949, %mul3A_954 : vector<512x128xf32>
      %slice3A_956 = vector.extract_strided_slice %convert_element_type3A_845 {offsets = [0, 18], sizes = [512, 1], strides = [1, 1]} : vector<512x32xf32> to vector<512x1xf32>
      %slice3A_957 = vector.extract_strided_slice %convert_element_type3A_270 {offsets = [18, 0], sizes = [1, 128], strides = [1, 1]} : vector<32x128xf32> to vector<1x128xf32>
      %mul3A_958 = vector.broadcast %slice3A_956 : vector<512x1xf32> to vector<512x128xf32>
      %mul3A_959 = vector.broadcast %slice3A_957 : vector<1x128xf32> to vector<512x128xf32>
      %mul3A_960 = arith.mulf %mul3A_958, %mul3A_959 : vector<512x128xf32>
      %add3A_961 = arith.addf %add3A_955, %mul3A_960 : vector<512x128xf32>
      %slice3A_962 = vector.extract_strided_slice %convert_element_type3A_845 {offsets = [0, 19], sizes = [512, 1], strides = [1, 1]} : vector<512x32xf32> to vector<512x1xf32>
      %slice3A_963 = vector.extract_strided_slice %convert_element_type3A_270 {offsets = [19, 0], sizes = [1, 128], strides = [1, 1]} : vector<32x128xf32> to vector<1x128xf32>
      %mul3A_964 = vector.broadcast %slice3A_962 : vector<512x1xf32> to vector<512x128xf32>
      %mul3A_965 = vector.broadcast %slice3A_963 : vector<1x128xf32> to vector<512x128xf32>
      %mul3A_966 = arith.mulf %mul3A_964, %mul3A_965 : vector<512x128xf32>
      %add3A_967 = arith.addf %add3A_961, %mul3A_966 : vector<512x128xf32>
      %slice3A_968 = vector.extract_strided_slice %convert_element_type3A_845 {offsets = [0, 20], sizes = [512, 1], strides = [1, 1]} : vector<512x32xf32> to vector<512x1xf32>
      %slice3A_969 = vector.extract_strided_slice %convert_element_type3A_270 {offsets = [20, 0], sizes = [1, 128], strides = [1, 1]} : vector<32x128xf32> to vector<1x128xf32>
      %mul3A_970 = vector.broadcast %slice3A_968 : vector<512x1xf32> to vector<512x128xf32>
      %mul3A_971 = vector.broadcast %slice3A_969 : vector<1x128xf32> to vector<512x128xf32>
      %mul3A_972 = arith.mulf %mul3A_970, %mul3A_971 : vector<512x128xf32>
      %add3A_973 = arith.addf %add3A_967, %mul3A_972 : vector<512x128xf32>
      %slice3A_974 = vector.extract_strided_slice %convert_element_type3A_845 {offsets = [0, 21], sizes = [512, 1], strides = [1, 1]} : vector<512x32xf32> to vector<512x1xf32>
      %slice3A_975 = vector.extract_strided_slice %convert_element_type3A_270 {offsets = [21, 0], sizes = [1, 128], strides = [1, 1]} : vector<32x128xf32> to vector<1x128xf32>
      %mul3A_976 = vector.broadcast %slice3A_974 : vector<512x1xf32> to vector<512x128xf32>
      %mul3A_977 = vector.broadcast %slice3A_975 : vector<1x128xf32> to vector<512x128xf32>
      %mul3A_978 = arith.mulf %mul3A_976, %mul3A_977 : vector<512x128xf32>
      %add3A_979 = arith.addf %add3A_973, %mul3A_978 : vector<512x128xf32>
      %slice3A_980 = vector.extract_strided_slice %convert_element_type3A_845 {offsets = [0, 22], sizes = [512, 1], strides = [1, 1]} : vector<512x32xf32> to vector<512x1xf32>
      %slice3A_981 = vector.extract_strided_slice %convert_element_type3A_270 {offsets = [22, 0], sizes = [1, 128], strides = [1, 1]} : vector<32x128xf32> to vector<1x128xf32>
      %mul3A_982 = vector.broadcast %slice3A_980 : vector<512x1xf32> to vector<512x128xf32>
      %mul3A_983 = vector.broadcast %slice3A_981 : vector<1x128xf32> to vector<512x128xf32>
      %mul3A_984 = arith.mulf %mul3A_982, %mul3A_983 : vector<512x128xf32>
      %add3A_985 = arith.addf %add3A_979, %mul3A_984 : vector<512x128xf32>
      %slice3A_986 = vector.extract_strided_slice %convert_element_type3A_845 {offsets = [0, 23], sizes = [512, 1], strides = [1, 1]} : vector<512x32xf32> to vector<512x1xf32>
      %slice3A_987 = vector.extract_strided_slice %convert_element_type3A_270 {offsets = [23, 0], sizes = [1, 128], strides = [1, 1]} : vector<32x128xf32> to vector<1x128xf32>
      %mul3A_988 = vector.broadcast %slice3A_986 : vector<512x1xf32> to vector<512x128xf32>
      %mul3A_989 = vector.broadcast %slice3A_987 : vector<1x128xf32> to vector<512x128xf32>
      %mul3A_990 = arith.mulf %mul3A_988, %mul3A_989 : vector<512x128xf32>
      %add3A_991 = arith.addf %add3A_985, %mul3A_990 : vector<512x128xf32>
      %slice3A_992 = vector.extract_strided_slice %convert_element_type3A_845 {offsets = [0, 24], sizes = [512, 1], strides = [1, 1]} : vector<512x32xf32> to vector<512x1xf32>
      %slice3A_993 = vector.extract_strided_slice %convert_element_type3A_270 {offsets = [24, 0], sizes = [1, 128], strides = [1, 1]} : vector<32x128xf32> to vector<1x128xf32>
      %mul3A_994 = vector.broadcast %slice3A_992 : vector<512x1xf32> to vector<512x128xf32>
      %mul3A_995 = vector.broadcast %slice3A_993 : vector<1x128xf32> to vector<512x128xf32>
      %mul3A_996 = arith.mulf %mul3A_994, %mul3A_995 : vector<512x128xf32>
      %add3A_997 = arith.addf %add3A_991, %mul3A_996 : vector<512x128xf32>
      %slice3A_998 = vector.extract_strided_slice %convert_element_type3A_845 {offsets = [0, 25], sizes = [512, 1], strides = [1, 1]} : vector<512x32xf32> to vector<512x1xf32>
      %slice3A_999 = vector.extract_strided_slice %convert_element_type3A_270 {offsets = [25, 0], sizes = [1, 128], strides = [1, 1]} : vector<32x128xf32> to vector<1x128xf32>
      %mul3A_1000 = vector.broadcast %slice3A_998 : vector<512x1xf32> to vector<512x128xf32>
      %mul3A_1001 = vector.broadcast %slice3A_999 : vector<1x128xf32> to vector<512x128xf32>
      %mul3A_1002 = arith.mulf %mul3A_1000, %mul3A_1001 : vector<512x128xf32>
      %add3A_1003 = arith.addf %add3A_997, %mul3A_1002 : vector<512x128xf32>
      %slice3A_1004 = vector.extract_strided_slice %convert_element_type3A_845 {offsets = [0, 26], sizes = [512, 1], strides = [1, 1]} : vector<512x32xf32> to vector<512x1xf32>
      %slice3A_1005 = vector.extract_strided_slice %convert_element_type3A_270 {offsets = [26, 0], sizes = [1, 128], strides = [1, 1]} : vector<32x128xf32> to vector<1x128xf32>
      %mul3A_1006 = vector.broadcast %slice3A_1004 : vector<512x1xf32> to vector<512x128xf32>
      %mul3A_1007 = vector.broadcast %slice3A_1005 : vector<1x128xf32> to vector<512x128xf32>
      %mul3A_1008 = arith.mulf %mul3A_1006, %mul3A_1007 : vector<512x128xf32>
      %add3A_1009 = arith.addf %add3A_1003, %mul3A_1008 : vector<512x128xf32>
      %slice3A_1010 = vector.extract_strided_slice %convert_element_type3A_845 {offsets = [0, 27], sizes = [512, 1], strides = [1, 1]} : vector<512x32xf32> to vector<512x1xf32>
      %slice3A_1011 = vector.extract_strided_slice %convert_element_type3A_270 {offsets = [27, 0], sizes = [1, 128], strides = [1, 1]} : vector<32x128xf32> to vector<1x128xf32>
      %mul3A_1012 = vector.broadcast %slice3A_1010 : vector<512x1xf32> to vector<512x128xf32>
      %mul3A_1013 = vector.broadcast %slice3A_1011 : vector<1x128xf32> to vector<512x128xf32>
      %mul3A_1014 = arith.mulf %mul3A_1012, %mul3A_1013 : vector<512x128xf32>
      %add3A_1015 = arith.addf %add3A_1009, %mul3A_1014 : vector<512x128xf32>
      %slice3A_1016 = vector.extract_strided_slice %convert_element_type3A_845 {offsets = [0, 28], sizes = [512, 1], strides = [1, 1]} : vector<512x32xf32> to vector<512x1xf32>
      %slice3A_1017 = vector.extract_strided_slice %convert_element_type3A_270 {offsets = [28, 0], sizes = [1, 128], strides = [1, 1]} : vector<32x128xf32> to vector<1x128xf32>
      %mul3A_1018 = vector.broadcast %slice3A_1016 : vector<512x1xf32> to vector<512x128xf32>
      %mul3A_1019 = vector.broadcast %slice3A_1017 : vector<1x128xf32> to vector<512x128xf32>
      %mul3A_1020 = arith.mulf %mul3A_1018, %mul3A_1019 : vector<512x128xf32>
      %add3A_1021 = arith.addf %add3A_1015, %mul3A_1020 : vector<512x128xf32>
      %slice3A_1022 = vector.extract_strided_slice %convert_element_type3A_845 {offsets = [0, 29], sizes = [512, 1], strides = [1, 1]} : vector<512x32xf32> to vector<512x1xf32>
      %slice3A_1023 = vector.extract_strided_slice %convert_element_type3A_270 {offsets = [29, 0], sizes = [1, 128], strides = [1, 1]} : vector<32x128xf32> to vector<1x128xf32>
      %mul3A_1024 = vector.broadcast %slice3A_1022 : vector<512x1xf32> to vector<512x128xf32>
      %mul3A_1025 = vector.broadcast %slice3A_1023 : vector<1x128xf32> to vector<512x128xf32>
      %mul3A_1026 = arith.mulf %mul3A_1024, %mul3A_1025 : vector<512x128xf32>
      %add3A_1027 = arith.addf %add3A_1021, %mul3A_1026 : vector<512x128xf32>
      %slice3A_1028 = vector.extract_strided_slice %convert_element_type3A_845 {offsets = [0, 30], sizes = [512, 1], strides = [1, 1]} : vector<512x32xf32> to vector<512x1xf32>
      %slice3A_1029 = vector.extract_strided_slice %convert_element_type3A_270 {offsets = [30, 0], sizes = [1, 128], strides = [1, 1]} : vector<32x128xf32> to vector<1x128xf32>
      %mul3A_1030 = vector.broadcast %slice3A_1028 : vector<512x1xf32> to vector<512x128xf32>
      %mul3A_1031 = vector.broadcast %slice3A_1029 : vector<1x128xf32> to vector<512x128xf32>
      %mul3A_1032 = arith.mulf %mul3A_1030, %mul3A_1031 : vector<512x128xf32>
      %add3A_1033 = arith.addf %add3A_1027, %mul3A_1032 : vector<512x128xf32>
      %slice3A_1034 = vector.extract_strided_slice %convert_element_type3A_845 {offsets = [0, 31], sizes = [512, 1], strides = [1, 1]} : vector<512x32xf32> to vector<512x1xf32>
      %slice3A_1035 = vector.extract_strided_slice %convert_element_type3A_270 {offsets = [31, 0], sizes = [1, 128], strides = [1, 1]} : vector<32x128xf32> to vector<1x128xf32>
      %mul3A_1036 = vector.broadcast %slice3A_1034 : vector<512x1xf32> to vector<512x128xf32>
      %mul3A_1037 = vector.broadcast %slice3A_1035 : vector<1x128xf32> to vector<512x128xf32>
      %mul3A_1038 = arith.mulf %mul3A_1036, %mul3A_1037 : vector<512x128xf32>
      %add3A_1039 = arith.addf %add3A_1033, %mul3A_1038 : vector<512x128xf32>
      %add3A_1040 = vector.broadcast %add3A_268 : vector<1x128xf32> to vector<512x128xf32>
      %add3A_1041 = vector.broadcast %broadcast_in_dim3A_848 : vector<512x1xf32> to vector<512x128xf32>
      %add3A_1042 = arith.addf %add3A_1040, %add3A_1041 : vector<512x128xf32>
      %mul3A_1043 = arith.constant 2.000000e+00 : f32
      %mul3A_1044 = vector.broadcast %mul3A_1043 : f32 to vector<512x128xf32>
      %mul3A_1045 = arith.mulf %mul3A_1044, %add3A_1039 : vector<512x128xf32>
      %sub3A = arith.subf %add3A_1042, %mul3A_1045 : vector<512x128xf32>
      %reduce_min3A = arith.constant dense<0x7F800000> : vector<128xf32>
      %reduce_min3A_1046 = vector.multi_reduction <minimumf>, %sub3A, %reduce_min3A [0] : vector<512x128xf32> to vector<128xf32>
      %broadcast_in_dim3A_1047 = vector.shape_cast %reduce_min3A_1046 : vector<128xf32> to vector<1x128xf32>
      %iota3A = tpu.iota {dimensions = array<i32: 0>} : vector<512x128xi32>
      %eq3A = vector.broadcast %broadcast_in_dim3A_1047 : vector<1x128xf32> to vector<512x128xf32>
      %eq3A_1048 = arith.cmpf oeq, %sub3A, %eq3A : vector<512x128xf32>
      %jit3A = arith.constant 8192 : i32
      %broadcast_in_dim3A_1049 = vector.broadcast %jit3A : i32 to vector<512x128xi32>
      %select_n3A_1050 = arith.select %eq3A_1048, %iota3A, %broadcast_in_dim3A_1049 : vector<512x128xi1>, vector<512x128xi32>
      %reduce_min3A_1051 = arith.constant dense<2147483647> : vector<128xi32>
      %reduce_min3A_1052 = vector.multi_reduction <minsi>, %select_n3A_1050, %reduce_min3A_1051 [0] : vector<512x128xi32> to vector<128xi32>
      %broadcast_in_dim3A_1053 = vector.shape_cast %reduce_min3A_1052 : vector<128xi32> to vector<1x128xi32>
      %add3A_1054 = vector.broadcast %add3A_840 : i32 to vector<1x128xi32>
      %add3A_1055 = arith.addi %broadcast_in_dim3A_1053, %add3A_1054 : vector<1x128xi32>
      %lt3A_1056 = arith.cmpf olt, %broadcast_in_dim3A_1047, %scan3A_835 : vector<1x128xf32>
      %select_n3A_1057 = arith.select %lt3A_1056, %broadcast_in_dim3A_1047, %scan3A_835 : vector<1x128xi1>, vector<1x128xf32>
      %select_n3A_1058 = arith.select %lt3A_1056, %add3A_1055, %scan3A_836 : vector<1x128xi1>, vector<1x128xi32>
      scf.yield %select_n3A_1057, %select_n3A_1058 : vector<1x128xf32>, vector<1x128xi32>
    }
    %scan3A_284 = arith.constant 8 : i32
    %lt3A_285 = arith.cmpf olt, %scan3A_283#0, %broadcast_in_dim3A_272 : vector<1x128xf32>
    %select_n3A_286 = arith.select %lt3A_285, %scan3A_283#1, %broadcast_in_dim3A_274 : vector<1x128xi1>, vector<1x128xi32>
    %select_n3A_287 = arith.select %lt3A_285, %scan3A_283#0, %broadcast_in_dim3A_272 : vector<1x128xi1>, vector<1x128xf32>
    %convert_element_type3A_288 = arith.truncf %select_n3A_287 : vector<1x128xf32> to vector<1x128xbf16>
    %convert_element_type3A_289 = arith.extf %convert_element_type3A_288 : vector<1x128xbf16> to vector<1x128xf32>
    %broadcast_in_dim3A_290 = arith.constant 0x7F800000 : f32
    %broadcast_in_dim3A_291 = vector.broadcast %broadcast_in_dim3A_290 : f32 to vector<1x128xf32>
    %broadcast_in_dim3A_292 = arith.constant 0 : i32
    %broadcast_in_dim3A_293 = vector.broadcast %broadcast_in_dim3A_292 : i32 to vector<1x128xi32>
    %scan3A_294 = arith.constant 0 : i32
    %scan3A_295 = arith.constant 8 : i32
    %scan3A_296 = arith.addi %scan3A_294, %scan3A_295 : i32
    %scan3A_297 = arith.constant 1 : i32
    %scan3A_298:2 = scf.for %scan3A_834 = %scan3A_294 to %scan3A_296 step %scan3A_297 iter_args(%scan3A_835 = %broadcast_in_dim3A_291, %scan3A_836 = %broadcast_in_dim3A_293) -> (vector<1x128xf32>, vector<1x128xi32>)  : i32 {
      %mul3A_837 = arith.constant 512 : i32
      %mul3A_838 = arith.muli %scan3A_834, %mul3A_837 : i32
      %add3A_839 = arith.constant 4096 : i32
      %add3A_840 = arith.addi %add3A_839, %mul3A_838 : i32
      %get3A_841 = arith.index_cast %add3A_840 : i32 to index
      %get3A_842 = arith.constant 0 : index
      %get3A_843 = vector.load %arg2[%get3A_841, %get3A_842] : memref<8192x32xf32, #tpu.memory_space<vmem>>, vector<512x32xf32>
      %convert_element_type3A_844 = arith.truncf %get3A_843 : vector<512x32xf32> to vector<512x32xbf16>
      %convert_element_type3A_845 = arith.extf %convert_element_type3A_844 : vector<512x32xbf16> to vector<512x32xf32>
      %mul3A_846 = arith.mulf %get3A_843, %get3A_843 : vector<512x32xf32>
      %reduce_sum3A = arith.constant dense<0.000000e+00> : vector<512xf32>
      %reduce_sum3A_847 = vector.multi_reduction <add>, %mul3A_846, %reduce_sum3A [1] : vector<512x32xf32> to vector<512xf32>
      %broadcast_in_dim3A_848 = vector.shape_cast %reduce_sum3A_847 : vector<512xf32> to vector<512x1xf32>
      %slice3A_849 = vector.extract_strided_slice %convert_element_type3A_845 {offsets = [0, 0], sizes = [512, 1], strides = [1, 1]} : vector<512x32xf32> to vector<512x1xf32>
      %slice3A_850 = vector.extract_strided_slice %convert_element_type3A_270 {offsets = [0, 0], sizes = [1, 128], strides = [1, 1]} : vector<32x128xf32> to vector<1x128xf32>
      %mul3A_851 = vector.broadcast %slice3A_849 : vector<512x1xf32> to vector<512x128xf32>
      %mul3A_852 = vector.broadcast %slice3A_850 : vector<1x128xf32> to vector<512x128xf32>
      %mul3A_853 = arith.mulf %mul3A_851, %mul3A_852 : vector<512x128xf32>
      %slice3A_854 = vector.extract_strided_slice %convert_element_type3A_845 {offsets = [0, 1], sizes = [512, 1], strides = [1, 1]} : vector<512x32xf32> to vector<512x1xf32>
      %slice3A_855 = vector.extract_strided_slice %convert_element_type3A_270 {offsets = [1, 0], sizes = [1, 128], strides = [1, 1]} : vector<32x128xf32> to vector<1x128xf32>
      %mul3A_856 = vector.broadcast %slice3A_854 : vector<512x1xf32> to vector<512x128xf32>
      %mul3A_857 = vector.broadcast %slice3A_855 : vector<1x128xf32> to vector<512x128xf32>
      %mul3A_858 = arith.mulf %mul3A_856, %mul3A_857 : vector<512x128xf32>
      %add3A_859 = arith.addf %mul3A_853, %mul3A_858 : vector<512x128xf32>
      %slice3A_860 = vector.extract_strided_slice %convert_element_type3A_845 {offsets = [0, 2], sizes = [512, 1], strides = [1, 1]} : vector<512x32xf32> to vector<512x1xf32>
      %slice3A_861 = vector.extract_strided_slice %convert_element_type3A_270 {offsets = [2, 0], sizes = [1, 128], strides = [1, 1]} : vector<32x128xf32> to vector<1x128xf32>
      %mul3A_862 = vector.broadcast %slice3A_860 : vector<512x1xf32> to vector<512x128xf32>
      %mul3A_863 = vector.broadcast %slice3A_861 : vector<1x128xf32> to vector<512x128xf32>
      %mul3A_864 = arith.mulf %mul3A_862, %mul3A_863 : vector<512x128xf32>
      %add3A_865 = arith.addf %add3A_859, %mul3A_864 : vector<512x128xf32>
      %slice3A_866 = vector.extract_strided_slice %convert_element_type3A_845 {offsets = [0, 3], sizes = [512, 1], strides = [1, 1]} : vector<512x32xf32> to vector<512x1xf32>
      %slice3A_867 = vector.extract_strided_slice %convert_element_type3A_270 {offsets = [3, 0], sizes = [1, 128], strides = [1, 1]} : vector<32x128xf32> to vector<1x128xf32>
      %mul3A_868 = vector.broadcast %slice3A_866 : vector<512x1xf32> to vector<512x128xf32>
      %mul3A_869 = vector.broadcast %slice3A_867 : vector<1x128xf32> to vector<512x128xf32>
      %mul3A_870 = arith.mulf %mul3A_868, %mul3A_869 : vector<512x128xf32>
      %add3A_871 = arith.addf %add3A_865, %mul3A_870 : vector<512x128xf32>
      %slice3A_872 = vector.extract_strided_slice %convert_element_type3A_845 {offsets = [0, 4], sizes = [512, 1], strides = [1, 1]} : vector<512x32xf32> to vector<512x1xf32>
      %slice3A_873 = vector.extract_strided_slice %convert_element_type3A_270 {offsets = [4, 0], sizes = [1, 128], strides = [1, 1]} : vector<32x128xf32> to vector<1x128xf32>
      %mul3A_874 = vector.broadcast %slice3A_872 : vector<512x1xf32> to vector<512x128xf32>
      %mul3A_875 = vector.broadcast %slice3A_873 : vector<1x128xf32> to vector<512x128xf32>
      %mul3A_876 = arith.mulf %mul3A_874, %mul3A_875 : vector<512x128xf32>
      %add3A_877 = arith.addf %add3A_871, %mul3A_876 : vector<512x128xf32>
      %slice3A_878 = vector.extract_strided_slice %convert_element_type3A_845 {offsets = [0, 5], sizes = [512, 1], strides = [1, 1]} : vector<512x32xf32> to vector<512x1xf32>
      %slice3A_879 = vector.extract_strided_slice %convert_element_type3A_270 {offsets = [5, 0], sizes = [1, 128], strides = [1, 1]} : vector<32x128xf32> to vector<1x128xf32>
      %mul3A_880 = vector.broadcast %slice3A_878 : vector<512x1xf32> to vector<512x128xf32>
      %mul3A_881 = vector.broadcast %slice3A_879 : vector<1x128xf32> to vector<512x128xf32>
      %mul3A_882 = arith.mulf %mul3A_880, %mul3A_881 : vector<512x128xf32>
      %add3A_883 = arith.addf %add3A_877, %mul3A_882 : vector<512x128xf32>
      %slice3A_884 = vector.extract_strided_slice %convert_element_type3A_845 {offsets = [0, 6], sizes = [512, 1], strides = [1, 1]} : vector<512x32xf32> to vector<512x1xf32>
      %slice3A_885 = vector.extract_strided_slice %convert_element_type3A_270 {offsets = [6, 0], sizes = [1, 128], strides = [1, 1]} : vector<32x128xf32> to vector<1x128xf32>
      %mul3A_886 = vector.broadcast %slice3A_884 : vector<512x1xf32> to vector<512x128xf32>
      %mul3A_887 = vector.broadcast %slice3A_885 : vector<1x128xf32> to vector<512x128xf32>
      %mul3A_888 = arith.mulf %mul3A_886, %mul3A_887 : vector<512x128xf32>
      %add3A_889 = arith.addf %add3A_883, %mul3A_888 : vector<512x128xf32>
      %slice3A_890 = vector.extract_strided_slice %convert_element_type3A_845 {offsets = [0, 7], sizes = [512, 1], strides = [1, 1]} : vector<512x32xf32> to vector<512x1xf32>
      %slice3A_891 = vector.extract_strided_slice %convert_element_type3A_270 {offsets = [7, 0], sizes = [1, 128], strides = [1, 1]} : vector<32x128xf32> to vector<1x128xf32>
      %mul3A_892 = vector.broadcast %slice3A_890 : vector<512x1xf32> to vector<512x128xf32>
      %mul3A_893 = vector.broadcast %slice3A_891 : vector<1x128xf32> to vector<512x128xf32>
      %mul3A_894 = arith.mulf %mul3A_892, %mul3A_893 : vector<512x128xf32>
      %add3A_895 = arith.addf %add3A_889, %mul3A_894 : vector<512x128xf32>
      %slice3A_896 = vector.extract_strided_slice %convert_element_type3A_845 {offsets = [0, 8], sizes = [512, 1], strides = [1, 1]} : vector<512x32xf32> to vector<512x1xf32>
      %slice3A_897 = vector.extract_strided_slice %convert_element_type3A_270 {offsets = [8, 0], sizes = [1, 128], strides = [1, 1]} : vector<32x128xf32> to vector<1x128xf32>
      %mul3A_898 = vector.broadcast %slice3A_896 : vector<512x1xf32> to vector<512x128xf32>
      %mul3A_899 = vector.broadcast %slice3A_897 : vector<1x128xf32> to vector<512x128xf32>
      %mul3A_900 = arith.mulf %mul3A_898, %mul3A_899 : vector<512x128xf32>
      %add3A_901 = arith.addf %add3A_895, %mul3A_900 : vector<512x128xf32>
      %slice3A_902 = vector.extract_strided_slice %convert_element_type3A_845 {offsets = [0, 9], sizes = [512, 1], strides = [1, 1]} : vector<512x32xf32> to vector<512x1xf32>
      %slice3A_903 = vector.extract_strided_slice %convert_element_type3A_270 {offsets = [9, 0], sizes = [1, 128], strides = [1, 1]} : vector<32x128xf32> to vector<1x128xf32>
      %mul3A_904 = vector.broadcast %slice3A_902 : vector<512x1xf32> to vector<512x128xf32>
      %mul3A_905 = vector.broadcast %slice3A_903 : vector<1x128xf32> to vector<512x128xf32>
      %mul3A_906 = arith.mulf %mul3A_904, %mul3A_905 : vector<512x128xf32>
      %add3A_907 = arith.addf %add3A_901, %mul3A_906 : vector<512x128xf32>
      %slice3A_908 = vector.extract_strided_slice %convert_element_type3A_845 {offsets = [0, 10], sizes = [512, 1], strides = [1, 1]} : vector<512x32xf32> to vector<512x1xf32>
      %slice3A_909 = vector.extract_strided_slice %convert_element_type3A_270 {offsets = [10, 0], sizes = [1, 128], strides = [1, 1]} : vector<32x128xf32> to vector<1x128xf32>
      %mul3A_910 = vector.broadcast %slice3A_908 : vector<512x1xf32> to vector<512x128xf32>
      %mul3A_911 = vector.broadcast %slice3A_909 : vector<1x128xf32> to vector<512x128xf32>
      %mul3A_912 = arith.mulf %mul3A_910, %mul3A_911 : vector<512x128xf32>
      %add3A_913 = arith.addf %add3A_907, %mul3A_912 : vector<512x128xf32>
      %slice3A_914 = vector.extract_strided_slice %convert_element_type3A_845 {offsets = [0, 11], sizes = [512, 1], strides = [1, 1]} : vector<512x32xf32> to vector<512x1xf32>
      %slice3A_915 = vector.extract_strided_slice %convert_element_type3A_270 {offsets = [11, 0], sizes = [1, 128], strides = [1, 1]} : vector<32x128xf32> to vector<1x128xf32>
      %mul3A_916 = vector.broadcast %slice3A_914 : vector<512x1xf32> to vector<512x128xf32>
      %mul3A_917 = vector.broadcast %slice3A_915 : vector<1x128xf32> to vector<512x128xf32>
      %mul3A_918 = arith.mulf %mul3A_916, %mul3A_917 : vector<512x128xf32>
      %add3A_919 = arith.addf %add3A_913, %mul3A_918 : vector<512x128xf32>
      %slice3A_920 = vector.extract_strided_slice %convert_element_type3A_845 {offsets = [0, 12], sizes = [512, 1], strides = [1, 1]} : vector<512x32xf32> to vector<512x1xf32>
      %slice3A_921 = vector.extract_strided_slice %convert_element_type3A_270 {offsets = [12, 0], sizes = [1, 128], strides = [1, 1]} : vector<32x128xf32> to vector<1x128xf32>
      %mul3A_922 = vector.broadcast %slice3A_920 : vector<512x1xf32> to vector<512x128xf32>
      %mul3A_923 = vector.broadcast %slice3A_921 : vector<1x128xf32> to vector<512x128xf32>
      %mul3A_924 = arith.mulf %mul3A_922, %mul3A_923 : vector<512x128xf32>
      %add3A_925 = arith.addf %add3A_919, %mul3A_924 : vector<512x128xf32>
      %slice3A_926 = vector.extract_strided_slice %convert_element_type3A_845 {offsets = [0, 13], sizes = [512, 1], strides = [1, 1]} : vector<512x32xf32> to vector<512x1xf32>
      %slice3A_927 = vector.extract_strided_slice %convert_element_type3A_270 {offsets = [13, 0], sizes = [1, 128], strides = [1, 1]} : vector<32x128xf32> to vector<1x128xf32>
      %mul3A_928 = vector.broadcast %slice3A_926 : vector<512x1xf32> to vector<512x128xf32>
      %mul3A_929 = vector.broadcast %slice3A_927 : vector<1x128xf32> to vector<512x128xf32>
      %mul3A_930 = arith.mulf %mul3A_928, %mul3A_929 : vector<512x128xf32>
      %add3A_931 = arith.addf %add3A_925, %mul3A_930 : vector<512x128xf32>
      %slice3A_932 = vector.extract_strided_slice %convert_element_type3A_845 {offsets = [0, 14], sizes = [512, 1], strides = [1, 1]} : vector<512x32xf32> to vector<512x1xf32>
      %slice3A_933 = vector.extract_strided_slice %convert_element_type3A_270 {offsets = [14, 0], sizes = [1, 128], strides = [1, 1]} : vector<32x128xf32> to vector<1x128xf32>
      %mul3A_934 = vector.broadcast %slice3A_932 : vector<512x1xf32> to vector<512x128xf32>
      %mul3A_935 = vector.broadcast %slice3A_933 : vector<1x128xf32> to vector<512x128xf32>
      %mul3A_936 = arith.mulf %mul3A_934, %mul3A_935 : vector<512x128xf32>
      %add3A_937 = arith.addf %add3A_931, %mul3A_936 : vector<512x128xf32>
      %slice3A_938 = vector.extract_strided_slice %convert_element_type3A_845 {offsets = [0, 15], sizes = [512, 1], strides = [1, 1]} : vector<512x32xf32> to vector<512x1xf32>
      %slice3A_939 = vector.extract_strided_slice %convert_element_type3A_270 {offsets = [15, 0], sizes = [1, 128], strides = [1, 1]} : vector<32x128xf32> to vector<1x128xf32>
      %mul3A_940 = vector.broadcast %slice3A_938 : vector<512x1xf32> to vector<512x128xf32>
      %mul3A_941 = vector.broadcast %slice3A_939 : vector<1x128xf32> to vector<512x128xf32>
      %mul3A_942 = arith.mulf %mul3A_940, %mul3A_941 : vector<512x128xf32>
      %add3A_943 = arith.addf %add3A_937, %mul3A_942 : vector<512x128xf32>
      %slice3A_944 = vector.extract_strided_slice %convert_element_type3A_845 {offsets = [0, 16], sizes = [512, 1], strides = [1, 1]} : vector<512x32xf32> to vector<512x1xf32>
      %slice3A_945 = vector.extract_strided_slice %convert_element_type3A_270 {offsets = [16, 0], sizes = [1, 128], strides = [1, 1]} : vector<32x128xf32> to vector<1x128xf32>
      %mul3A_946 = vector.broadcast %slice3A_944 : vector<512x1xf32> to vector<512x128xf32>
      %mul3A_947 = vector.broadcast %slice3A_945 : vector<1x128xf32> to vector<512x128xf32>
      %mul3A_948 = arith.mulf %mul3A_946, %mul3A_947 : vector<512x128xf32>
      %add3A_949 = arith.addf %add3A_943, %mul3A_948 : vector<512x128xf32>
      %slice3A_950 = vector.extract_strided_slice %convert_element_type3A_845 {offsets = [0, 17], sizes = [512, 1], strides = [1, 1]} : vector<512x32xf32> to vector<512x1xf32>
      %slice3A_951 = vector.extract_strided_slice %convert_element_type3A_270 {offsets = [17, 0], sizes = [1, 128], strides = [1, 1]} : vector<32x128xf32> to vector<1x128xf32>
      %mul3A_952 = vector.broadcast %slice3A_950 : vector<512x1xf32> to vector<512x128xf32>
      %mul3A_953 = vector.broadcast %slice3A_951 : vector<1x128xf32> to vector<512x128xf32>
      %mul3A_954 = arith.mulf %mul3A_952, %mul3A_953 : vector<512x128xf32>
      %add3A_955 = arith.addf %add3A_949, %mul3A_954 : vector<512x128xf32>
      %slice3A_956 = vector.extract_strided_slice %convert_element_type3A_845 {offsets = [0, 18], sizes = [512, 1], strides = [1, 1]} : vector<512x32xf32> to vector<512x1xf32>
      %slice3A_957 = vector.extract_strided_slice %convert_element_type3A_270 {offsets = [18, 0], sizes = [1, 128], strides = [1, 1]} : vector<32x128xf32> to vector<1x128xf32>
      %mul3A_958 = vector.broadcast %slice3A_956 : vector<512x1xf32> to vector<512x128xf32>
      %mul3A_959 = vector.broadcast %slice3A_957 : vector<1x128xf32> to vector<512x128xf32>
      %mul3A_960 = arith.mulf %mul3A_958, %mul3A_959 : vector<512x128xf32>
      %add3A_961 = arith.addf %add3A_955, %mul3A_960 : vector<512x128xf32>
      %slice3A_962 = vector.extract_strided_slice %convert_element_type3A_845 {offsets = [0, 19], sizes = [512, 1], strides = [1, 1]} : vector<512x32xf32> to vector<512x1xf32>
      %slice3A_963 = vector.extract_strided_slice %convert_element_type3A_270 {offsets = [19, 0], sizes = [1, 128], strides = [1, 1]} : vector<32x128xf32> to vector<1x128xf32>
      %mul3A_964 = vector.broadcast %slice3A_962 : vector<512x1xf32> to vector<512x128xf32>
      %mul3A_965 = vector.broadcast %slice3A_963 : vector<1x128xf32> to vector<512x128xf32>
      %mul3A_966 = arith.mulf %mul3A_964, %mul3A_965 : vector<512x128xf32>
      %add3A_967 = arith.addf %add3A_961, %mul3A_966 : vector<512x128xf32>
      %slice3A_968 = vector.extract_strided_slice %convert_element_type3A_845 {offsets = [0, 20], sizes = [512, 1], strides = [1, 1]} : vector<512x32xf32> to vector<512x1xf32>
      %slice3A_969 = vector.extract_strided_slice %convert_element_type3A_270 {offsets = [20, 0], sizes = [1, 128], strides = [1, 1]} : vector<32x128xf32> to vector<1x128xf32>
      %mul3A_970 = vector.broadcast %slice3A_968 : vector<512x1xf32> to vector<512x128xf32>
      %mul3A_971 = vector.broadcast %slice3A_969 : vector<1x128xf32> to vector<512x128xf32>
      %mul3A_972 = arith.mulf %mul3A_970, %mul3A_971 : vector<512x128xf32>
      %add3A_973 = arith.addf %add3A_967, %mul3A_972 : vector<512x128xf32>
      %slice3A_974 = vector.extract_strided_slice %convert_element_type3A_845 {offsets = [0, 21], sizes = [512, 1], strides = [1, 1]} : vector<512x32xf32> to vector<512x1xf32>
      %slice3A_975 = vector.extract_strided_slice %convert_element_type3A_270 {offsets = [21, 0], sizes = [1, 128], strides = [1, 1]} : vector<32x128xf32> to vector<1x128xf32>
      %mul3A_976 = vector.broadcast %slice3A_974 : vector<512x1xf32> to vector<512x128xf32>
      %mul3A_977 = vector.broadcast %slice3A_975 : vector<1x128xf32> to vector<512x128xf32>
      %mul3A_978 = arith.mulf %mul3A_976, %mul3A_977 : vector<512x128xf32>
      %add3A_979 = arith.addf %add3A_973, %mul3A_978 : vector<512x128xf32>
      %slice3A_980 = vector.extract_strided_slice %convert_element_type3A_845 {offsets = [0, 22], sizes = [512, 1], strides = [1, 1]} : vector<512x32xf32> to vector<512x1xf32>
      %slice3A_981 = vector.extract_strided_slice %convert_element_type3A_270 {offsets = [22, 0], sizes = [1, 128], strides = [1, 1]} : vector<32x128xf32> to vector<1x128xf32>
      %mul3A_982 = vector.broadcast %slice3A_980 : vector<512x1xf32> to vector<512x128xf32>
      %mul3A_983 = vector.broadcast %slice3A_981 : vector<1x128xf32> to vector<512x128xf32>
      %mul3A_984 = arith.mulf %mul3A_982, %mul3A_983 : vector<512x128xf32>
      %add3A_985 = arith.addf %add3A_979, %mul3A_984 : vector<512x128xf32>
      %slice3A_986 = vector.extract_strided_slice %convert_element_type3A_845 {offsets = [0, 23], sizes = [512, 1], strides = [1, 1]} : vector<512x32xf32> to vector<512x1xf32>
      %slice3A_987 = vector.extract_strided_slice %convert_element_type3A_270 {offsets = [23, 0], sizes = [1, 128], strides = [1, 1]} : vector<32x128xf32> to vector<1x128xf32>
      %mul3A_988 = vector.broadcast %slice3A_986 : vector<512x1xf32> to vector<512x128xf32>
      %mul3A_989 = vector.broadcast %slice3A_987 : vector<1x128xf32> to vector<512x128xf32>
      %mul3A_990 = arith.mulf %mul3A_988, %mul3A_989 : vector<512x128xf32>
      %add3A_991 = arith.addf %add3A_985, %mul3A_990 : vector<512x128xf32>
      %slice3A_992 = vector.extract_strided_slice %convert_element_type3A_845 {offsets = [0, 24], sizes = [512, 1], strides = [1, 1]} : vector<512x32xf32> to vector<512x1xf32>
      %slice3A_993 = vector.extract_strided_slice %convert_element_type3A_270 {offsets = [24, 0], sizes = [1, 128], strides = [1, 1]} : vector<32x128xf32> to vector<1x128xf32>
      %mul3A_994 = vector.broadcast %slice3A_992 : vector<512x1xf32> to vector<512x128xf32>
      %mul3A_995 = vector.broadcast %slice3A_993 : vector<1x128xf32> to vector<512x128xf32>
      %mul3A_996 = arith.mulf %mul3A_994, %mul3A_995 : vector<512x128xf32>
      %add3A_997 = arith.addf %add3A_991, %mul3A_996 : vector<512x128xf32>
      %slice3A_998 = vector.extract_strided_slice %convert_element_type3A_845 {offsets = [0, 25], sizes = [512, 1], strides = [1, 1]} : vector<512x32xf32> to vector<512x1xf32>
      %slice3A_999 = vector.extract_strided_slice %convert_element_type3A_270 {offsets = [25, 0], sizes = [1, 128], strides = [1, 1]} : vector<32x128xf32> to vector<1x128xf32>
      %mul3A_1000 = vector.broadcast %slice3A_998 : vector<512x1xf32> to vector<512x128xf32>
      %mul3A_1001 = vector.broadcast %slice3A_999 : vector<1x128xf32> to vector<512x128xf32>
      %mul3A_1002 = arith.mulf %mul3A_1000, %mul3A_1001 : vector<512x128xf32>
      %add3A_1003 = arith.addf %add3A_997, %mul3A_1002 : vector<512x128xf32>
      %slice3A_1004 = vector.extract_strided_slice %convert_element_type3A_845 {offsets = [0, 26], sizes = [512, 1], strides = [1, 1]} : vector<512x32xf32> to vector<512x1xf32>
      %slice3A_1005 = vector.extract_strided_slice %convert_element_type3A_270 {offsets = [26, 0], sizes = [1, 128], strides = [1, 1]} : vector<32x128xf32> to vector<1x128xf32>
      %mul3A_1006 = vector.broadcast %slice3A_1004 : vector<512x1xf32> to vector<512x128xf32>
      %mul3A_1007 = vector.broadcast %slice3A_1005 : vector<1x128xf32> to vector<512x128xf32>
      %mul3A_1008 = arith.mulf %mul3A_1006, %mul3A_1007 : vector<512x128xf32>
      %add3A_1009 = arith.addf %add3A_1003, %mul3A_1008 : vector<512x128xf32>
      %slice3A_1010 = vector.extract_strided_slice %convert_element_type3A_845 {offsets = [0, 27], sizes = [512, 1], strides = [1, 1]} : vector<512x32xf32> to vector<512x1xf32>
      %slice3A_1011 = vector.extract_strided_slice %convert_element_type3A_270 {offsets = [27, 0], sizes = [1, 128], strides = [1, 1]} : vector<32x128xf32> to vector<1x128xf32>
      %mul3A_1012 = vector.broadcast %slice3A_1010 : vector<512x1xf32> to vector<512x128xf32>
      %mul3A_1013 = vector.broadcast %slice3A_1011 : vector<1x128xf32> to vector<512x128xf32>
      %mul3A_1014 = arith.mulf %mul3A_1012, %mul3A_1013 : vector<512x128xf32>
      %add3A_1015 = arith.addf %add3A_1009, %mul3A_1014 : vector<512x128xf32>
      %slice3A_1016 = vector.extract_strided_slice %convert_element_type3A_845 {offsets = [0, 28], sizes = [512, 1], strides = [1, 1]} : vector<512x32xf32> to vector<512x1xf32>
      %slice3A_1017 = vector.extract_strided_slice %convert_element_type3A_270 {offsets = [28, 0], sizes = [1, 128], strides = [1, 1]} : vector<32x128xf32> to vector<1x128xf32>
      %mul3A_1018 = vector.broadcast %slice3A_1016 : vector<512x1xf32> to vector<512x128xf32>
      %mul3A_1019 = vector.broadcast %slice3A_1017 : vector<1x128xf32> to vector<512x128xf32>
      %mul3A_1020 = arith.mulf %mul3A_1018, %mul3A_1019 : vector<512x128xf32>
      %add3A_1021 = arith.addf %add3A_1015, %mul3A_1020 : vector<512x128xf32>
      %slice3A_1022 = vector.extract_strided_slice %convert_element_type3A_845 {offsets = [0, 29], sizes = [512, 1], strides = [1, 1]} : vector<512x32xf32> to vector<512x1xf32>
      %slice3A_1023 = vector.extract_strided_slice %convert_element_type3A_270 {offsets = [29, 0], sizes = [1, 128], strides = [1, 1]} : vector<32x128xf32> to vector<1x128xf32>
      %mul3A_1024 = vector.broadcast %slice3A_1022 : vector<512x1xf32> to vector<512x128xf32>
      %mul3A_1025 = vector.broadcast %slice3A_1023 : vector<1x128xf32> to vector<512x128xf32>
      %mul3A_1026 = arith.mulf %mul3A_1024, %mul3A_1025 : vector<512x128xf32>
      %add3A_1027 = arith.addf %add3A_1021, %mul3A_1026 : vector<512x128xf32>
      %slice3A_1028 = vector.extract_strided_slice %convert_element_type3A_845 {offsets = [0, 30], sizes = [512, 1], strides = [1, 1]} : vector<512x32xf32> to vector<512x1xf32>
      %slice3A_1029 = vector.extract_strided_slice %convert_element_type3A_270 {offsets = [30, 0], sizes = [1, 128], strides = [1, 1]} : vector<32x128xf32> to vector<1x128xf32>
      %mul3A_1030 = vector.broadcast %slice3A_1028 : vector<512x1xf32> to vector<512x128xf32>
      %mul3A_1031 = vector.broadcast %slice3A_1029 : vector<1x128xf32> to vector<512x128xf32>
      %mul3A_1032 = arith.mulf %mul3A_1030, %mul3A_1031 : vector<512x128xf32>
      %add3A_1033 = arith.addf %add3A_1027, %mul3A_1032 : vector<512x128xf32>
      %slice3A_1034 = vector.extract_strided_slice %convert_element_type3A_845 {offsets = [0, 31], sizes = [512, 1], strides = [1, 1]} : vector<512x32xf32> to vector<512x1xf32>
      %slice3A_1035 = vector.extract_strided_slice %convert_element_type3A_270 {offsets = [31, 0], sizes = [1, 128], strides = [1, 1]} : vector<32x128xf32> to vector<1x128xf32>
      %mul3A_1036 = vector.broadcast %slice3A_1034 : vector<512x1xf32> to vector<512x128xf32>
      %mul3A_1037 = vector.broadcast %slice3A_1035 : vector<1x128xf32> to vector<512x128xf32>
      %mul3A_1038 = arith.mulf %mul3A_1036, %mul3A_1037 : vector<512x128xf32>
      %add3A_1039 = arith.addf %add3A_1033, %mul3A_1038 : vector<512x128xf32>
      %add3A_1040 = vector.broadcast %add3A_268 : vector<1x128xf32> to vector<512x128xf32>
      %add3A_1041 = vector.broadcast %broadcast_in_dim3A_848 : vector<512x1xf32> to vector<512x128xf32>
      %add3A_1042 = arith.addf %add3A_1040, %add3A_1041 : vector<512x128xf32>
      %mul3A_1043 = arith.constant 2.000000e+00 : f32
      %mul3A_1044 = vector.broadcast %mul3A_1043 : f32 to vector<512x128xf32>
      %mul3A_1045 = arith.mulf %mul3A_1044, %add3A_1039 : vector<512x128xf32>
      %sub3A = arith.subf %add3A_1042, %mul3A_1045 : vector<512x128xf32>
      %reduce_min3A = arith.constant dense<0x7F800000> : vector<128xf32>
      %reduce_min3A_1046 = vector.multi_reduction <minimumf>, %sub3A, %reduce_min3A [0] : vector<512x128xf32> to vector<128xf32>
      %broadcast_in_dim3A_1047 = vector.shape_cast %reduce_min3A_1046 : vector<128xf32> to vector<1x128xf32>
      %iota3A = tpu.iota {dimensions = array<i32: 0>} : vector<512x128xi32>
      %eq3A = vector.broadcast %broadcast_in_dim3A_1047 : vector<1x128xf32> to vector<512x128xf32>
      %eq3A_1048 = arith.cmpf oeq, %sub3A, %eq3A : vector<512x128xf32>
      %jit3A = arith.constant 8192 : i32
      %broadcast_in_dim3A_1049 = vector.broadcast %jit3A : i32 to vector<512x128xi32>
      %select_n3A_1050 = arith.select %eq3A_1048, %iota3A, %broadcast_in_dim3A_1049 : vector<512x128xi1>, vector<512x128xi32>
      %reduce_min3A_1051 = arith.constant dense<2147483647> : vector<128xi32>
      %reduce_min3A_1052 = vector.multi_reduction <minsi>, %select_n3A_1050, %reduce_min3A_1051 [0] : vector<512x128xi32> to vector<128xi32>
      %broadcast_in_dim3A_1053 = vector.shape_cast %reduce_min3A_1052 : vector<128xi32> to vector<1x128xi32>
      %add3A_1054 = vector.broadcast %add3A_840 : i32 to vector<1x128xi32>
      %add3A_1055 = arith.addi %broadcast_in_dim3A_1053, %add3A_1054 : vector<1x128xi32>
      %lt3A_1056 = arith.cmpf olt, %broadcast_in_dim3A_1047, %scan3A_835 : vector<1x128xf32>
      %select_n3A_1057 = arith.select %lt3A_1056, %broadcast_in_dim3A_1047, %scan3A_835 : vector<1x128xi1>, vector<1x128xf32>
      %select_n3A_1058 = arith.select %lt3A_1056, %add3A_1055, %scan3A_836 : vector<1x128xi1>, vector<1x128xi32>
      scf.yield %select_n3A_1057, %select_n3A_1058 : vector<1x128xf32>, vector<1x128xi32>
    }
    %scan3A_299 = arith.constant 8 : i32
    %lt3A_300 = arith.cmpf olt, %scan3A_298#0, %convert_element_type3A_289 : vector<1x128xf32>
    %select_n3A_301 = arith.select %lt3A_300, %scan3A_298#1, %select_n3A_286 : vector<1x128xi1>, vector<1x128xi32>
    %squeeze3A_302 = vector.shape_cast %select_n3A_301 : vector<1x128xi32> to vector<128xi32>
    %swap3A_303 = arith.constant 0 : index
    %swap3A_304 = arith.constant 2 : index
    %swap3A_305 = arith.constant 0 : index
    %swap3A_306 = vector.load %arg3[%swap3A_303, %swap3A_304, %swap3A_305] : memref<1x8x128xi32, #tpu.memory_space<vmem>>, vector<1x1x128xi32>
    %swap3A_307 = vector.shape_cast %swap3A_306 : vector<1x1x128xi32> to vector<128xi32>
    %swap3A_308 = vector.shape_cast %squeeze3A_302 : vector<128xi32> to vector<1x1x128xi32>
    tpu.vector_store %arg3[%swap3A_303, %swap3A_304, %swap3A_305], %swap3A_308 {strides = array<i32>} : memref<1x8x128xi32, #tpu.memory_space<vmem>>, vector<1x1x128xi32>,
    %slice3A_309 = vector.extract_strided_slice %get3A_3 {offsets = [0, 384], sizes = [32, 128], strides = [1, 1]} : vector<32x1024xf32> to vector<32x128xf32>
    %mul3A_310 = arith.mulf %slice3A_309, %slice3A_309 : vector<32x128xf32>
    %slice3A_311 = vector.extract_strided_slice %mul3A_310 {offsets = [0, 0], sizes = [1, 128], strides = [1, 1]} : vector<32x128xf32> to vector<1x128xf32>
    %slice3A_312 = vector.extract_strided_slice %mul3A_310 {offsets = [1, 0], sizes = [1, 128], strides = [1, 1]} : vector<32x128xf32> to vector<1x128xf32>
    %add3A_313 = arith.addf %slice3A_311, %slice3A_312 : vector<1x128xf32>
    %slice3A_314 = vector.extract_strided_slice %mul3A_310 {offsets = [2, 0], sizes = [1, 128], strides = [1, 1]} : vector<32x128xf32> to vector<1x128xf32>
    %add3A_315 = arith.addf %add3A_313, %slice3A_314 : vector<1x128xf32>
    %slice3A_316 = vector.extract_strided_slice %mul3A_310 {offsets = [3, 0], sizes = [1, 128], strides = [1, 1]} : vector<32x128xf32> to vector<1x128xf32>
    %add3A_317 = arith.addf %add3A_315, %slice3A_316 : vector<1x128xf32>
    %slice3A_318 = vector.extract_strided_slice %mul3A_310 {offsets = [4, 0], sizes = [1, 128], strides = [1, 1]} : vector<32x128xf32> to vector<1x128xf32>
    %add3A_319 = arith.addf %add3A_317, %slice3A_318 : vector<1x128xf32>
    %slice3A_320 = vector.extract_strided_slice %mul3A_310 {offsets = [5, 0], sizes = [1, 128], strides = [1, 1]} : vector<32x128xf32> to vector<1x128xf32>
    %add3A_321 = arith.addf %add3A_319, %slice3A_320 : vector<1x128xf32>
    %slice3A_322 = vector.extract_strided_slice %mul3A_310 {offsets = [6, 0], sizes = [1, 128], strides = [1, 1]} : vector<32x128xf32> to vector<1x128xf32>
    %add3A_323 = arith.addf %add3A_321, %slice3A_322 : vector<1x128xf32>
    %slice3A_324 = vector.extract_strided_slice %mul3A_310 {offsets = [7, 0], sizes = [1, 128], strides = [1, 1]} : vector<32x128xf32> to vector<1x128xf32>
    %add3A_325 = arith.addf %add3A_323, %slice3A_324 : vector<1x128xf32>
    %slice3A_326 = vector.extract_strided_slice %mul3A_310 {offsets = [8, 0], sizes = [1, 128], strides = [1, 1]} : vector<32x128xf32> to vector<1x128xf32>
    %add3A_327 = arith.addf %add3A_325, %slice3A_326 : vector<1x128xf32>
    %slice3A_328 = vector.extract_strided_slice %mul3A_310 {offsets = [9, 0], sizes = [1, 128], strides = [1, 1]} : vector<32x128xf32> to vector<1x128xf32>
    %add3A_329 = arith.addf %add3A_327, %slice3A_328 : vector<1x128xf32>
    %slice3A_330 = vector.extract_strided_slice %mul3A_310 {offsets = [10, 0], sizes = [1, 128], strides = [1, 1]} : vector<32x128xf32> to vector<1x128xf32>
    %add3A_331 = arith.addf %add3A_329, %slice3A_330 : vector<1x128xf32>
    %slice3A_332 = vector.extract_strided_slice %mul3A_310 {offsets = [11, 0], sizes = [1, 128], strides = [1, 1]} : vector<32x128xf32> to vector<1x128xf32>
    %add3A_333 = arith.addf %add3A_331, %slice3A_332 : vector<1x128xf32>
    %slice3A_334 = vector.extract_strided_slice %mul3A_310 {offsets = [12, 0], sizes = [1, 128], strides = [1, 1]} : vector<32x128xf32> to vector<1x128xf32>
    %add3A_335 = arith.addf %add3A_333, %slice3A_334 : vector<1x128xf32>
    %slice3A_336 = vector.extract_strided_slice %mul3A_310 {offsets = [13, 0], sizes = [1, 128], strides = [1, 1]} : vector<32x128xf32> to vector<1x128xf32>
    %add3A_337 = arith.addf %add3A_335, %slice3A_336 : vector<1x128xf32>
    %slice3A_338 = vector.extract_strided_slice %mul3A_310 {offsets = [14, 0], sizes = [1, 128], strides = [1, 1]} : vector<32x128xf32> to vector<1x128xf32>
    %add3A_339 = arith.addf %add3A_337, %slice3A_338 : vector<1x128xf32>
    %slice3A_340 = vector.extract_strided_slice %mul3A_310 {offsets = [15, 0], sizes = [1, 128], strides = [1, 1]} : vector<32x128xf32> to vector<1x128xf32>
    %add3A_341 = arith.addf %add3A_339, %slice3A_340 : vector<1x128xf32>
    %slice3A_342 = vector.extract_strided_slice %mul3A_310 {offsets = [16, 0], sizes = [1, 128], strides = [1, 1]} : vector<32x128xf32> to vector<1x128xf32>
    %add3A_343 = arith.addf %add3A_341, %slice3A_342 : vector<1x128xf32>
    %slice3A_344 = vector.extract_strided_slice %mul3A_310 {offsets = [17, 0], sizes = [1, 128], strides = [1, 1]} : vector<32x128xf32> to vector<1x128xf32>
    %add3A_345 = arith.addf %add3A_343, %slice3A_344 : vector<1x128xf32>
    %slice3A_346 = vector.extract_strided_slice %mul3A_310 {offsets = [18, 0], sizes = [1, 128], strides = [1, 1]} : vector<32x128xf32> to vector<1x128xf32>
    %add3A_347 = arith.addf %add3A_345, %slice3A_346 : vector<1x128xf32>
    %slice3A_348 = vector.extract_strided_slice %mul3A_310 {offsets = [19, 0], sizes = [1, 128], strides = [1, 1]} : vector<32x128xf32> to vector<1x128xf32>
    %add3A_349 = arith.addf %add3A_347, %slice3A_348 : vector<1x128xf32>
    %slice3A_350 = vector.extract_strided_slice %mul3A_310 {offsets = [20, 0], sizes = [1, 128], strides = [1, 1]} : vector<32x128xf32> to vector<1x128xf32>
    %add3A_351 = arith.addf %add3A_349, %slice3A_350 : vector<1x128xf32>
    %slice3A_352 = vector.extract_strided_slice %mul3A_310 {offsets = [21, 0], sizes = [1, 128], strides = [1, 1]} : vector<32x128xf32> to vector<1x128xf32>
    %add3A_353 = arith.addf %add3A_351, %slice3A_352 : vector<1x128xf32>
    %slice3A_354 = vector.extract_strided_slice %mul3A_310 {offsets = [22, 0], sizes = [1, 128], strides = [1, 1]} : vector<32x128xf32> to vector<1x128xf32>
    %add3A_355 = arith.addf %add3A_353, %slice3A_354 : vector<1x128xf32>
    %slice3A_356 = vector.extract_strided_slice %mul3A_310 {offsets = [23, 0], sizes = [1, 128], strides = [1, 1]} : vector<32x128xf32> to vector<1x128xf32>
    %add3A_357 = arith.addf %add3A_355, %slice3A_356 : vector<1x128xf32>
    %slice3A_358 = vector.extract_strided_slice %mul3A_310 {offsets = [24, 0], sizes = [1, 128], strides = [1, 1]} : vector<32x128xf32> to vector<1x128xf32>
    %add3A_359 = arith.addf %add3A_357, %slice3A_358 : vector<1x128xf32>
    %slice3A_360 = vector.extract_strided_slice %mul3A_310 {offsets = [25, 0], sizes = [1, 128], strides = [1, 1]} : vector<32x128xf32> to vector<1x128xf32>
    %add3A_361 = arith.addf %add3A_359, %slice3A_360 : vector<1x128xf32>
    %slice3A_362 = vector.extract_strided_slice %mul3A_310 {offsets = [26, 0], sizes = [1, 128], strides = [1, 1]} : vector<32x128xf32> to vector<1x128xf32>
    %add3A_363 = arith.addf %add3A_361, %slice3A_362 : vector<1x128xf32>
    %slice3A_364 = vector.extract_strided_slice %mul3A_310 {offsets = [27, 0], sizes = [1, 128], strides = [1, 1]} : vector<32x128xf32> to vector<1x128xf32>
    %add3A_365 = arith.addf %add3A_363, %slice3A_364 : vector<1x128xf32>
    %slice3A_366 = vector.extract_strided_slice %mul3A_310 {offsets = [28, 0], sizes = [1, 128], strides = [1, 1]} : vector<32x128xf32> to vector<1x128xf32>
    %add3A_367 = arith.addf %add3A_365, %slice3A_366 : vector<1x128xf32>
    %slice3A_368 = vector.extract_strided_slice %mul3A_310 {offsets = [29, 0], sizes = [1, 128], strides = [1, 1]} : vector<32x128xf32> to vector<1x128xf32>
    %add3A_369 = arith.addf %add3A_367, %slice3A_368 : vector<1x128xf32>
    %slice3A_370 = vector.extract_strided_slice %mul3A_310 {offsets = [30, 0], sizes = [1, 128], strides = [1, 1]} : vector<32x128xf32> to vector<1x128xf32>
    %add3A_371 = arith.addf %add3A_369, %slice3A_370 : vector<1x128xf32>
    %slice3A_372 = vector.extract_strided_slice %mul3A_310 {offsets = [31, 0], sizes = [1, 128], strides = [1, 1]} : vector<32x128xf32> to vector<1x128xf32>
    %add3A_373 = arith.addf %add3A_371, %slice3A_372 : vector<1x128xf32>
    %convert_element_type3A_374 = arith.truncf %slice3A_309 : vector<32x128xf32> to vector<32x128xbf16>
    %convert_element_type3A_375 = arith.extf %convert_element_type3A_374 : vector<32x128xbf16> to vector<32x128xf32>
    %broadcast_in_dim3A_376 = arith.constant 0x7F800000 : f32
    %broadcast_in_dim3A_377 = vector.broadcast %broadcast_in_dim3A_376 : f32 to vector<1x128xf32>
    %broadcast_in_dim3A_378 = arith.constant 0 : i32
    %broadcast_in_dim3A_379 = vector.broadcast %broadcast_in_dim3A_378 : i32 to vector<1x128xi32>
    %broadcast_in_dim3A_380 = arith.constant 0x7F800000 : f32
    %broadcast_in_dim3A_381 = vector.broadcast %broadcast_in_dim3A_380 : f32 to vector<1x128xf32>
    %broadcast_in_dim3A_382 = arith.constant 0 : i32
    %broadcast_in_dim3A_383 = vector.broadcast %broadcast_in_dim3A_382 : i32 to vector<1x128xi32>
    %scan3A_384 = arith.constant 0 : i32
    %scan3A_385 = arith.constant 8 : i32
    %scan3A_386 = arith.addi %scan3A_384, %scan3A_385 : i32
    %scan3A_387 = arith.constant 1 : i32
    %scan3A_388:2 = scf.for %scan3A_834 = %scan3A_384 to %scan3A_386 step %scan3A_387 iter_args(%scan3A_835 = %broadcast_in_dim3A_381, %scan3A_836 = %broadcast_in_dim3A_383) -> (vector<1x128xf32>, vector<1x128xi32>)  : i32 {
      %mul3A_837 = arith.constant 512 : i32
      %mul3A_838 = arith.muli %scan3A_834, %mul3A_837 : i32
      %add3A_839 = arith.constant 0 : i32
      %add3A_840 = arith.addi %add3A_839, %mul3A_838 : i32
      %get3A_841 = arith.index_cast %add3A_840 : i32 to index
      %get3A_842 = arith.constant 0 : index
      %get3A_843 = vector.load %arg2[%get3A_841, %get3A_842] : memref<8192x32xf32, #tpu.memory_space<vmem>>, vector<512x32xf32>
      %convert_element_type3A_844 = arith.truncf %get3A_843 : vector<512x32xf32> to vector<512x32xbf16>
      %convert_element_type3A_845 = arith.extf %convert_element_type3A_844 : vector<512x32xbf16> to vector<512x32xf32>
      %mul3A_846 = arith.mulf %get3A_843, %get3A_843 : vector<512x32xf32>
      %reduce_sum3A = arith.constant dense<0.000000e+00> : vector<512xf32>
      %reduce_sum3A_847 = vector.multi_reduction <add>, %mul3A_846, %reduce_sum3A [1] : vector<512x32xf32> to vector<512xf32>
      %broadcast_in_dim3A_848 = vector.shape_cast %reduce_sum3A_847 : vector<512xf32> to vector<512x1xf32>
      %slice3A_849 = vector.extract_strided_slice %convert_element_type3A_845 {offsets = [0, 0], sizes = [512, 1], strides = [1, 1]} : vector<512x32xf32> to vector<512x1xf32>
      %slice3A_850 = vector.extract_strided_slice %convert_element_type3A_375 {offsets = [0, 0], sizes = [1, 128], strides = [1, 1]} : vector<32x128xf32> to vector<1x128xf32>
      %mul3A_851 = vector.broadcast %slice3A_849 : vector<512x1xf32> to vector<512x128xf32>
      %mul3A_852 = vector.broadcast %slice3A_850 : vector<1x128xf32> to vector<512x128xf32>
      %mul3A_853 = arith.mulf %mul3A_851, %mul3A_852 : vector<512x128xf32>
      %slice3A_854 = vector.extract_strided_slice %convert_element_type3A_845 {offsets = [0, 1], sizes = [512, 1], strides = [1, 1]} : vector<512x32xf32> to vector<512x1xf32>
      %slice3A_855 = vector.extract_strided_slice %convert_element_type3A_375 {offsets = [1, 0], sizes = [1, 128], strides = [1, 1]} : vector<32x128xf32> to vector<1x128xf32>
      %mul3A_856 = vector.broadcast %slice3A_854 : vector<512x1xf32> to vector<512x128xf32>
      %mul3A_857 = vector.broadcast %slice3A_855 : vector<1x128xf32> to vector<512x128xf32>
      %mul3A_858 = arith.mulf %mul3A_856, %mul3A_857 : vector<512x128xf32>
      %add3A_859 = arith.addf %mul3A_853, %mul3A_858 : vector<512x128xf32>
      %slice3A_860 = vector.extract_strided_slice %convert_element_type3A_845 {offsets = [0, 2], sizes = [512, 1], strides = [1, 1]} : vector<512x32xf32> to vector<512x1xf32>
      %slice3A_861 = vector.extract_strided_slice %convert_element_type3A_375 {offsets = [2, 0], sizes = [1, 128], strides = [1, 1]} : vector<32x128xf32> to vector<1x128xf32>
      %mul3A_862 = vector.broadcast %slice3A_860 : vector<512x1xf32> to vector<512x128xf32>
      %mul3A_863 = vector.broadcast %slice3A_861 : vector<1x128xf32> to vector<512x128xf32>
      %mul3A_864 = arith.mulf %mul3A_862, %mul3A_863 : vector<512x128xf32>
      %add3A_865 = arith.addf %add3A_859, %mul3A_864 : vector<512x128xf32>
      %slice3A_866 = vector.extract_strided_slice %convert_element_type3A_845 {offsets = [0, 3], sizes = [512, 1], strides = [1, 1]} : vector<512x32xf32> to vector<512x1xf32>
      %slice3A_867 = vector.extract_strided_slice %convert_element_type3A_375 {offsets = [3, 0], sizes = [1, 128], strides = [1, 1]} : vector<32x128xf32> to vector<1x128xf32>
      %mul3A_868 = vector.broadcast %slice3A_866 : vector<512x1xf32> to vector<512x128xf32>
      %mul3A_869 = vector.broadcast %slice3A_867 : vector<1x128xf32> to vector<512x128xf32>
      %mul3A_870 = arith.mulf %mul3A_868, %mul3A_869 : vector<512x128xf32>
      %add3A_871 = arith.addf %add3A_865, %mul3A_870 : vector<512x128xf32>
      %slice3A_872 = vector.extract_strided_slice %convert_element_type3A_845 {offsets = [0, 4], sizes = [512, 1], strides = [1, 1]} : vector<512x32xf32> to vector<512x1xf32>
      %slice3A_873 = vector.extract_strided_slice %convert_element_type3A_375 {offsets = [4, 0], sizes = [1, 128], strides = [1, 1]} : vector<32x128xf32> to vector<1x128xf32>
      %mul3A_874 = vector.broadcast %slice3A_872 : vector<512x1xf32> to vector<512x128xf32>
      %mul3A_875 = vector.broadcast %slice3A_873 : vector<1x128xf32> to vector<512x128xf32>
      %mul3A_876 = arith.mulf %mul3A_874, %mul3A_875 : vector<512x128xf32>
      %add3A_877 = arith.addf %add3A_871, %mul3A_876 : vector<512x128xf32>
      %slice3A_878 = vector.extract_strided_slice %convert_element_type3A_845 {offsets = [0, 5], sizes = [512, 1], strides = [1, 1]} : vector<512x32xf32> to vector<512x1xf32>
      %slice3A_879 = vector.extract_strided_slice %convert_element_type3A_375 {offsets = [5, 0], sizes = [1, 128], strides = [1, 1]} : vector<32x128xf32> to vector<1x128xf32>
      %mul3A_880 = vector.broadcast %slice3A_878 : vector<512x1xf32> to vector<512x128xf32>
      %mul3A_881 = vector.broadcast %slice3A_879 : vector<1x128xf32> to vector<512x128xf32>
      %mul3A_882 = arith.mulf %mul3A_880, %mul3A_881 : vector<512x128xf32>
      %add3A_883 = arith.addf %add3A_877, %mul3A_882 : vector<512x128xf32>
      %slice3A_884 = vector.extract_strided_slice %convert_element_type3A_845 {offsets = [0, 6], sizes = [512, 1], strides = [1, 1]} : vector<512x32xf32> to vector<512x1xf32>
      %slice3A_885 = vector.extract_strided_slice %convert_element_type3A_375 {offsets = [6, 0], sizes = [1, 128], strides = [1, 1]} : vector<32x128xf32> to vector<1x128xf32>
      %mul3A_886 = vector.broadcast %slice3A_884 : vector<512x1xf32> to vector<512x128xf32>
      %mul3A_887 = vector.broadcast %slice3A_885 : vector<1x128xf32> to vector<512x128xf32>
      %mul3A_888 = arith.mulf %mul3A_886, %mul3A_887 : vector<512x128xf32>
      %add3A_889 = arith.addf %add3A_883, %mul3A_888 : vector<512x128xf32>
      %slice3A_890 = vector.extract_strided_slice %convert_element_type3A_845 {offsets = [0, 7], sizes = [512, 1], strides = [1, 1]} : vector<512x32xf32> to vector<512x1xf32>
      %slice3A_891 = vector.extract_strided_slice %convert_element_type3A_375 {offsets = [7, 0], sizes = [1, 128], strides = [1, 1]} : vector<32x128xf32> to vector<1x128xf32>
      %mul3A_892 = vector.broadcast %slice3A_890 : vector<512x1xf32> to vector<512x128xf32>
      %mul3A_893 = vector.broadcast %slice3A_891 : vector<1x128xf32> to vector<512x128xf32>
      %mul3A_894 = arith.mulf %mul3A_892, %mul3A_893 : vector<512x128xf32>
      %add3A_895 = arith.addf %add3A_889, %mul3A_894 : vector<512x128xf32>
      %slice3A_896 = vector.extract_strided_slice %convert_element_type3A_845 {offsets = [0, 8], sizes = [512, 1], strides = [1, 1]} : vector<512x32xf32> to vector<512x1xf32>
      %slice3A_897 = vector.extract_strided_slice %convert_element_type3A_375 {offsets = [8, 0], sizes = [1, 128], strides = [1, 1]} : vector<32x128xf32> to vector<1x128xf32>
      %mul3A_898 = vector.broadcast %slice3A_896 : vector<512x1xf32> to vector<512x128xf32>
      %mul3A_899 = vector.broadcast %slice3A_897 : vector<1x128xf32> to vector<512x128xf32>
      %mul3A_900 = arith.mulf %mul3A_898, %mul3A_899 : vector<512x128xf32>
      %add3A_901 = arith.addf %add3A_895, %mul3A_900 : vector<512x128xf32>
      %slice3A_902 = vector.extract_strided_slice %convert_element_type3A_845 {offsets = [0, 9], sizes = [512, 1], strides = [1, 1]} : vector<512x32xf32> to vector<512x1xf32>
      %slice3A_903 = vector.extract_strided_slice %convert_element_type3A_375 {offsets = [9, 0], sizes = [1, 128], strides = [1, 1]} : vector<32x128xf32> to vector<1x128xf32>
      %mul3A_904 = vector.broadcast %slice3A_902 : vector<512x1xf32> to vector<512x128xf32>
      %mul3A_905 = vector.broadcast %slice3A_903 : vector<1x128xf32> to vector<512x128xf32>
      %mul3A_906 = arith.mulf %mul3A_904, %mul3A_905 : vector<512x128xf32>
      %add3A_907 = arith.addf %add3A_901, %mul3A_906 : vector<512x128xf32>
      %slice3A_908 = vector.extract_strided_slice %convert_element_type3A_845 {offsets = [0, 10], sizes = [512, 1], strides = [1, 1]} : vector<512x32xf32> to vector<512x1xf32>
      %slice3A_909 = vector.extract_strided_slice %convert_element_type3A_375 {offsets = [10, 0], sizes = [1, 128], strides = [1, 1]} : vector<32x128xf32> to vector<1x128xf32>
      %mul3A_910 = vector.broadcast %slice3A_908 : vector<512x1xf32> to vector<512x128xf32>
      %mul3A_911 = vector.broadcast %slice3A_909 : vector<1x128xf32> to vector<512x128xf32>
      %mul3A_912 = arith.mulf %mul3A_910, %mul3A_911 : vector<512x128xf32>
      %add3A_913 = arith.addf %add3A_907, %mul3A_912 : vector<512x128xf32>
      %slice3A_914 = vector.extract_strided_slice %convert_element_type3A_845 {offsets = [0, 11], sizes = [512, 1], strides = [1, 1]} : vector<512x32xf32> to vector<512x1xf32>
      %slice3A_915 = vector.extract_strided_slice %convert_element_type3A_375 {offsets = [11, 0], sizes = [1, 128], strides = [1, 1]} : vector<32x128xf32> to vector<1x128xf32>
      %mul3A_916 = vector.broadcast %slice3A_914 : vector<512x1xf32> to vector<512x128xf32>
      %mul3A_917 = vector.broadcast %slice3A_915 : vector<1x128xf32> to vector<512x128xf32>
      %mul3A_918 = arith.mulf %mul3A_916, %mul3A_917 : vector<512x128xf32>
      %add3A_919 = arith.addf %add3A_913, %mul3A_918 : vector<512x128xf32>
      %slice3A_920 = vector.extract_strided_slice %convert_element_type3A_845 {offsets = [0, 12], sizes = [512, 1], strides = [1, 1]} : vector<512x32xf32> to vector<512x1xf32>
      %slice3A_921 = vector.extract_strided_slice %convert_element_type3A_375 {offsets = [12, 0], sizes = [1, 128], strides = [1, 1]} : vector<32x128xf32> to vector<1x128xf32>
      %mul3A_922 = vector.broadcast %slice3A_920 : vector<512x1xf32> to vector<512x128xf32>
      %mul3A_923 = vector.broadcast %slice3A_921 : vector<1x128xf32> to vector<512x128xf32>
      %mul3A_924 = arith.mulf %mul3A_922, %mul3A_923 : vector<512x128xf32>
      %add3A_925 = arith.addf %add3A_919, %mul3A_924 : vector<512x128xf32>
      %slice3A_926 = vector.extract_strided_slice %convert_element_type3A_845 {offsets = [0, 13], sizes = [512, 1], strides = [1, 1]} : vector<512x32xf32> to vector<512x1xf32>
      %slice3A_927 = vector.extract_strided_slice %convert_element_type3A_375 {offsets = [13, 0], sizes = [1, 128], strides = [1, 1]} : vector<32x128xf32> to vector<1x128xf32>
      %mul3A_928 = vector.broadcast %slice3A_926 : vector<512x1xf32> to vector<512x128xf32>
      %mul3A_929 = vector.broadcast %slice3A_927 : vector<1x128xf32> to vector<512x128xf32>
      %mul3A_930 = arith.mulf %mul3A_928, %mul3A_929 : vector<512x128xf32>
      %add3A_931 = arith.addf %add3A_925, %mul3A_930 : vector<512x128xf32>
      %slice3A_932 = vector.extract_strided_slice %convert_element_type3A_845 {offsets = [0, 14], sizes = [512, 1], strides = [1, 1]} : vector<512x32xf32> to vector<512x1xf32>
      %slice3A_933 = vector.extract_strided_slice %convert_element_type3A_375 {offsets = [14, 0], sizes = [1, 128], strides = [1, 1]} : vector<32x128xf32> to vector<1x128xf32>
      %mul3A_934 = vector.broadcast %slice3A_932 : vector<512x1xf32> to vector<512x128xf32>
      %mul3A_935 = vector.broadcast %slice3A_933 : vector<1x128xf32> to vector<512x128xf32>
      %mul3A_936 = arith.mulf %mul3A_934, %mul3A_935 : vector<512x128xf32>
      %add3A_937 = arith.addf %add3A_931, %mul3A_936 : vector<512x128xf32>
      %slice3A_938 = vector.extract_strided_slice %convert_element_type3A_845 {offsets = [0, 15], sizes = [512, 1], strides = [1, 1]} : vector<512x32xf32> to vector<512x1xf32>
      %slice3A_939 = vector.extract_strided_slice %convert_element_type3A_375 {offsets = [15, 0], sizes = [1, 128], strides = [1, 1]} : vector<32x128xf32> to vector<1x128xf32>
      %mul3A_940 = vector.broadcast %slice3A_938 : vector<512x1xf32> to vector<512x128xf32>
      %mul3A_941 = vector.broadcast %slice3A_939 : vector<1x128xf32> to vector<512x128xf32>
      %mul3A_942 = arith.mulf %mul3A_940, %mul3A_941 : vector<512x128xf32>
      %add3A_943 = arith.addf %add3A_937, %mul3A_942 : vector<512x128xf32>
      %slice3A_944 = vector.extract_strided_slice %convert_element_type3A_845 {offsets = [0, 16], sizes = [512, 1], strides = [1, 1]} : vector<512x32xf32> to vector<512x1xf32>
      %slice3A_945 = vector.extract_strided_slice %convert_element_type3A_375 {offsets = [16, 0], sizes = [1, 128], strides = [1, 1]} : vector<32x128xf32> to vector<1x128xf32>
      %mul3A_946 = vector.broadcast %slice3A_944 : vector<512x1xf32> to vector<512x128xf32>
      %mul3A_947 = vector.broadcast %slice3A_945 : vector<1x128xf32> to vector<512x128xf32>
      %mul3A_948 = arith.mulf %mul3A_946, %mul3A_947 : vector<512x128xf32>
      %add3A_949 = arith.addf %add3A_943, %mul3A_948 : vector<512x128xf32>
      %slice3A_950 = vector.extract_strided_slice %convert_element_type3A_845 {offsets = [0, 17], sizes = [512, 1], strides = [1, 1]} : vector<512x32xf32> to vector<512x1xf32>
      %slice3A_951 = vector.extract_strided_slice %convert_element_type3A_375 {offsets = [17, 0], sizes = [1, 128], strides = [1, 1]} : vector<32x128xf32> to vector<1x128xf32>
      %mul3A_952 = vector.broadcast %slice3A_950 : vector<512x1xf32> to vector<512x128xf32>
      %mul3A_953 = vector.broadcast %slice3A_951 : vector<1x128xf32> to vector<512x128xf32>
      %mul3A_954 = arith.mulf %mul3A_952, %mul3A_953 : vector<512x128xf32>
      %add3A_955 = arith.addf %add3A_949, %mul3A_954 : vector<512x128xf32>
      %slice3A_956 = vector.extract_strided_slice %convert_element_type3A_845 {offsets = [0, 18], sizes = [512, 1], strides = [1, 1]} : vector<512x32xf32> to vector<512x1xf32>
      %slice3A_957 = vector.extract_strided_slice %convert_element_type3A_375 {offsets = [18, 0], sizes = [1, 128], strides = [1, 1]} : vector<32x128xf32> to vector<1x128xf32>
      %mul3A_958 = vector.broadcast %slice3A_956 : vector<512x1xf32> to vector<512x128xf32>
      %mul3A_959 = vector.broadcast %slice3A_957 : vector<1x128xf32> to vector<512x128xf32>
      %mul3A_960 = arith.mulf %mul3A_958, %mul3A_959 : vector<512x128xf32>
      %add3A_961 = arith.addf %add3A_955, %mul3A_960 : vector<512x128xf32>
      %slice3A_962 = vector.extract_strided_slice %convert_element_type3A_845 {offsets = [0, 19], sizes = [512, 1], strides = [1, 1]} : vector<512x32xf32> to vector<512x1xf32>
      %slice3A_963 = vector.extract_strided_slice %convert_element_type3A_375 {offsets = [19, 0], sizes = [1, 128], strides = [1, 1]} : vector<32x128xf32> to vector<1x128xf32>
      %mul3A_964 = vector.broadcast %slice3A_962 : vector<512x1xf32> to vector<512x128xf32>
      %mul3A_965 = vector.broadcast %slice3A_963 : vector<1x128xf32> to vector<512x128xf32>
      %mul3A_966 = arith.mulf %mul3A_964, %mul3A_965 : vector<512x128xf32>
      %add3A_967 = arith.addf %add3A_961, %mul3A_966 : vector<512x128xf32>
      %slice3A_968 = vector.extract_strided_slice %convert_element_type3A_845 {offsets = [0, 20], sizes = [512, 1], strides = [1, 1]} : vector<512x32xf32> to vector<512x1xf32>
      %slice3A_969 = vector.extract_strided_slice %convert_element_type3A_375 {offsets = [20, 0], sizes = [1, 128], strides = [1, 1]} : vector<32x128xf32> to vector<1x128xf32>
      %mul3A_970 = vector.broadcast %slice3A_968 : vector<512x1xf32> to vector<512x128xf32>
      %mul3A_971 = vector.broadcast %slice3A_969 : vector<1x128xf32> to vector<512x128xf32>
      %mul3A_972 = arith.mulf %mul3A_970, %mul3A_971 : vector<512x128xf32>
      %add3A_973 = arith.addf %add3A_967, %mul3A_972 : vector<512x128xf32>
      %slice3A_974 = vector.extract_strided_slice %convert_element_type3A_845 {offsets = [0, 21], sizes = [512, 1], strides = [1, 1]} : vector<512x32xf32> to vector<512x1xf32>
      %slice3A_975 = vector.extract_strided_slice %convert_element_type3A_375 {offsets = [21, 0], sizes = [1, 128], strides = [1, 1]} : vector<32x128xf32> to vector<1x128xf32>
      %mul3A_976 = vector.broadcast %slice3A_974 : vector<512x1xf32> to vector<512x128xf32>
      %mul3A_977 = vector.broadcast %slice3A_975 : vector<1x128xf32> to vector<512x128xf32>
      %mul3A_978 = arith.mulf %mul3A_976, %mul3A_977 : vector<512x128xf32>
      %add3A_979 = arith.addf %add3A_973, %mul3A_978 : vector<512x128xf32>
      %slice3A_980 = vector.extract_strided_slice %convert_element_type3A_845 {offsets = [0, 22], sizes = [512, 1], strides = [1, 1]} : vector<512x32xf32> to vector<512x1xf32>
      %slice3A_981 = vector.extract_strided_slice %convert_element_type3A_375 {offsets = [22, 0], sizes = [1, 128], strides = [1, 1]} : vector<32x128xf32> to vector<1x128xf32>
      %mul3A_982 = vector.broadcast %slice3A_980 : vector<512x1xf32> to vector<512x128xf32>
      %mul3A_983 = vector.broadcast %slice3A_981 : vector<1x128xf32> to vector<512x128xf32>
      %mul3A_984 = arith.mulf %mul3A_982, %mul3A_983 : vector<512x128xf32>
      %add3A_985 = arith.addf %add3A_979, %mul3A_984 : vector<512x128xf32>
      %slice3A_986 = vector.extract_strided_slice %convert_element_type3A_845 {offsets = [0, 23], sizes = [512, 1], strides = [1, 1]} : vector<512x32xf32> to vector<512x1xf32>
      %slice3A_987 = vector.extract_strided_slice %convert_element_type3A_375 {offsets = [23, 0], sizes = [1, 128], strides = [1, 1]} : vector<32x128xf32> to vector<1x128xf32>
      %mul3A_988 = vector.broadcast %slice3A_986 : vector<512x1xf32> to vector<512x128xf32>
      %mul3A_989 = vector.broadcast %slice3A_987 : vector<1x128xf32> to vector<512x128xf32>
      %mul3A_990 = arith.mulf %mul3A_988, %mul3A_989 : vector<512x128xf32>
      %add3A_991 = arith.addf %add3A_985, %mul3A_990 : vector<512x128xf32>
      %slice3A_992 = vector.extract_strided_slice %convert_element_type3A_845 {offsets = [0, 24], sizes = [512, 1], strides = [1, 1]} : vector<512x32xf32> to vector<512x1xf32>
      %slice3A_993 = vector.extract_strided_slice %convert_element_type3A_375 {offsets = [24, 0], sizes = [1, 128], strides = [1, 1]} : vector<32x128xf32> to vector<1x128xf32>
      %mul3A_994 = vector.broadcast %slice3A_992 : vector<512x1xf32> to vector<512x128xf32>
      %mul3A_995 = vector.broadcast %slice3A_993 : vector<1x128xf32> to vector<512x128xf32>
      %mul3A_996 = arith.mulf %mul3A_994, %mul3A_995 : vector<512x128xf32>
      %add3A_997 = arith.addf %add3A_991, %mul3A_996 : vector<512x128xf32>
      %slice3A_998 = vector.extract_strided_slice %convert_element_type3A_845 {offsets = [0, 25], sizes = [512, 1], strides = [1, 1]} : vector<512x32xf32> to vector<512x1xf32>
      %slice3A_999 = vector.extract_strided_slice %convert_element_type3A_375 {offsets = [25, 0], sizes = [1, 128], strides = [1, 1]} : vector<32x128xf32> to vector<1x128xf32>
      %mul3A_1000 = vector.broadcast %slice3A_998 : vector<512x1xf32> to vector<512x128xf32>
      %mul3A_1001 = vector.broadcast %slice3A_999 : vector<1x128xf32> to vector<512x128xf32>
      %mul3A_1002 = arith.mulf %mul3A_1000, %mul3A_1001 : vector<512x128xf32>
      %add3A_1003 = arith.addf %add3A_997, %mul3A_1002 : vector<512x128xf32>
      %slice3A_1004 = vector.extract_strided_slice %convert_element_type3A_845 {offsets = [0, 26], sizes = [512, 1], strides = [1, 1]} : vector<512x32xf32> to vector<512x1xf32>
      %slice3A_1005 = vector.extract_strided_slice %convert_element_type3A_375 {offsets = [26, 0], sizes = [1, 128], strides = [1, 1]} : vector<32x128xf32> to vector<1x128xf32>
      %mul3A_1006 = vector.broadcast %slice3A_1004 : vector<512x1xf32> to vector<512x128xf32>
      %mul3A_1007 = vector.broadcast %slice3A_1005 : vector<1x128xf32> to vector<512x128xf32>
      %mul3A_1008 = arith.mulf %mul3A_1006, %mul3A_1007 : vector<512x128xf32>
      %add3A_1009 = arith.addf %add3A_1003, %mul3A_1008 : vector<512x128xf32>
      %slice3A_1010 = vector.extract_strided_slice %convert_element_type3A_845 {offsets = [0, 27], sizes = [512, 1], strides = [1, 1]} : vector<512x32xf32> to vector<512x1xf32>
      %slice3A_1011 = vector.extract_strided_slice %convert_element_type3A_375 {offsets = [27, 0], sizes = [1, 128], strides = [1, 1]} : vector<32x128xf32> to vector<1x128xf32>
      %mul3A_1012 = vector.broadcast %slice3A_1010 : vector<512x1xf32> to vector<512x128xf32>
      %mul3A_1013 = vector.broadcast %slice3A_1011 : vector<1x128xf32> to vector<512x128xf32>
      %mul3A_1014 = arith.mulf %mul3A_1012, %mul3A_1013 : vector<512x128xf32>
      %add3A_1015 = arith.addf %add3A_1009, %mul3A_1014 : vector<512x128xf32>
      %slice3A_1016 = vector.extract_strided_slice %convert_element_type3A_845 {offsets = [0, 28], sizes = [512, 1], strides = [1, 1]} : vector<512x32xf32> to vector<512x1xf32>
      %slice3A_1017 = vector.extract_strided_slice %convert_element_type3A_375 {offsets = [28, 0], sizes = [1, 128], strides = [1, 1]} : vector<32x128xf32> to vector<1x128xf32>
      %mul3A_1018 = vector.broadcast %slice3A_1016 : vector<512x1xf32> to vector<512x128xf32>
      %mul3A_1019 = vector.broadcast %slice3A_1017 : vector<1x128xf32> to vector<512x128xf32>
      %mul3A_1020 = arith.mulf %mul3A_1018, %mul3A_1019 : vector<512x128xf32>
      %add3A_1021 = arith.addf %add3A_1015, %mul3A_1020 : vector<512x128xf32>
      %slice3A_1022 = vector.extract_strided_slice %convert_element_type3A_845 {offsets = [0, 29], sizes = [512, 1], strides = [1, 1]} : vector<512x32xf32> to vector<512x1xf32>
      %slice3A_1023 = vector.extract_strided_slice %convert_element_type3A_375 {offsets = [29, 0], sizes = [1, 128], strides = [1, 1]} : vector<32x128xf32> to vector<1x128xf32>
      %mul3A_1024 = vector.broadcast %slice3A_1022 : vector<512x1xf32> to vector<512x128xf32>
      %mul3A_1025 = vector.broadcast %slice3A_1023 : vector<1x128xf32> to vector<512x128xf32>
      %mul3A_1026 = arith.mulf %mul3A_1024, %mul3A_1025 : vector<512x128xf32>
      %add3A_1027 = arith.addf %add3A_1021, %mul3A_1026 : vector<512x128xf32>
      %slice3A_1028 = vector.extract_strided_slice %convert_element_type3A_845 {offsets = [0, 30], sizes = [512, 1], strides = [1, 1]} : vector<512x32xf32> to vector<512x1xf32>
      %slice3A_1029 = vector.extract_strided_slice %convert_element_type3A_375 {offsets = [30, 0], sizes = [1, 128], strides = [1, 1]} : vector<32x128xf32> to vector<1x128xf32>
      %mul3A_1030 = vector.broadcast %slice3A_1028 : vector<512x1xf32> to vector<512x128xf32>
      %mul3A_1031 = vector.broadcast %slice3A_1029 : vector<1x128xf32> to vector<512x128xf32>
      %mul3A_1032 = arith.mulf %mul3A_1030, %mul3A_1031 : vector<512x128xf32>
      %add3A_1033 = arith.addf %add3A_1027, %mul3A_1032 : vector<512x128xf32>
      %slice3A_1034 = vector.extract_strided_slice %convert_element_type3A_845 {offsets = [0, 31], sizes = [512, 1], strides = [1, 1]} : vector<512x32xf32> to vector<512x1xf32>
      %slice3A_1035 = vector.extract_strided_slice %convert_element_type3A_375 {offsets = [31, 0], sizes = [1, 128], strides = [1, 1]} : vector<32x128xf32> to vector<1x128xf32>
      %mul3A_1036 = vector.broadcast %slice3A_1034 : vector<512x1xf32> to vector<512x128xf32>
      %mul3A_1037 = vector.broadcast %slice3A_1035 : vector<1x128xf32> to vector<512x128xf32>
      %mul3A_1038 = arith.mulf %mul3A_1036, %mul3A_1037 : vector<512x128xf32>
      %add3A_1039 = arith.addf %add3A_1033, %mul3A_1038 : vector<512x128xf32>
      %add3A_1040 = vector.broadcast %add3A_373 : vector<1x128xf32> to vector<512x128xf32>
      %add3A_1041 = vector.broadcast %broadcast_in_dim3A_848 : vector<512x1xf32> to vector<512x128xf32>
      %add3A_1042 = arith.addf %add3A_1040, %add3A_1041 : vector<512x128xf32>
      %mul3A_1043 = arith.constant 2.000000e+00 : f32
      %mul3A_1044 = vector.broadcast %mul3A_1043 : f32 to vector<512x128xf32>
      %mul3A_1045 = arith.mulf %mul3A_1044, %add3A_1039 : vector<512x128xf32>
      %sub3A = arith.subf %add3A_1042, %mul3A_1045 : vector<512x128xf32>
      %reduce_min3A = arith.constant dense<0x7F800000> : vector<128xf32>
      %reduce_min3A_1046 = vector.multi_reduction <minimumf>, %sub3A, %reduce_min3A [0] : vector<512x128xf32> to vector<128xf32>
      %broadcast_in_dim3A_1047 = vector.shape_cast %reduce_min3A_1046 : vector<128xf32> to vector<1x128xf32>
      %iota3A = tpu.iota {dimensions = array<i32: 0>} : vector<512x128xi32>
      %eq3A = vector.broadcast %broadcast_in_dim3A_1047 : vector<1x128xf32> to vector<512x128xf32>
      %eq3A_1048 = arith.cmpf oeq, %sub3A, %eq3A : vector<512x128xf32>
      %jit3A = arith.constant 8192 : i32
      %broadcast_in_dim3A_1049 = vector.broadcast %jit3A : i32 to vector<512x128xi32>
      %select_n3A_1050 = arith.select %eq3A_1048, %iota3A, %broadcast_in_dim3A_1049 : vector<512x128xi1>, vector<512x128xi32>
      %reduce_min3A_1051 = arith.constant dense<2147483647> : vector<128xi32>
      %reduce_min3A_1052 = vector.multi_reduction <minsi>, %select_n3A_1050, %reduce_min3A_1051 [0] : vector<512x128xi32> to vector<128xi32>
      %broadcast_in_dim3A_1053 = vector.shape_cast %reduce_min3A_1052 : vector<128xi32> to vector<1x128xi32>
      %add3A_1054 = vector.broadcast %add3A_840 : i32 to vector<1x128xi32>
      %add3A_1055 = arith.addi %broadcast_in_dim3A_1053, %add3A_1054 : vector<1x128xi32>
      %lt3A_1056 = arith.cmpf olt, %broadcast_in_dim3A_1047, %scan3A_835 : vector<1x128xf32>
      %select_n3A_1057 = arith.select %lt3A_1056, %broadcast_in_dim3A_1047, %scan3A_835 : vector<1x128xi1>, vector<1x128xf32>
      %select_n3A_1058 = arith.select %lt3A_1056, %add3A_1055, %scan3A_836 : vector<1x128xi1>, vector<1x128xi32>
      scf.yield %select_n3A_1057, %select_n3A_1058 : vector<1x128xf32>, vector<1x128xi32>
    }
    %scan3A_389 = arith.constant 8 : i32
    %lt3A_390 = arith.cmpf olt, %scan3A_388#0, %broadcast_in_dim3A_377 : vector<1x128xf32>
    %select_n3A_391 = arith.select %lt3A_390, %scan3A_388#1, %broadcast_in_dim3A_379 : vector<1x128xi1>, vector<1x128xi32>
    %select_n3A_392 = arith.select %lt3A_390, %scan3A_388#0, %broadcast_in_dim3A_377 : vector<1x128xi1>, vector<1x128xf32>
    %convert_element_type3A_393 = arith.truncf %select_n3A_392 : vector<1x128xf32> to vector<1x128xbf16>
    %convert_element_type3A_394 = arith.extf %convert_element_type3A_393 : vector<1x128xbf16> to vector<1x128xf32>
    %broadcast_in_dim3A_395 = arith.constant 0x7F800000 : f32
    %broadcast_in_dim3A_396 = vector.broadcast %broadcast_in_dim3A_395 : f32 to vector<1x128xf32>
    %broadcast_in_dim3A_397 = arith.constant 0 : i32
    %broadcast_in_dim3A_398 = vector.broadcast %broadcast_in_dim3A_397 : i32 to vector<1x128xi32>
    %scan3A_399 = arith.constant 0 : i32
    %scan3A_400 = arith.constant 8 : i32
    %scan3A_401 = arith.addi %scan3A_399, %scan3A_400 : i32
    %scan3A_402 = arith.constant 1 : i32
    %scan3A_403:2 = scf.for %scan3A_834 = %scan3A_399 to %scan3A_401 step %scan3A_402 iter_args(%scan3A_835 = %broadcast_in_dim3A_396, %scan3A_836 = %broadcast_in_dim3A_398) -> (vector<1x128xf32>, vector<1x128xi32>)  : i32 {
      %mul3A_837 = arith.constant 512 : i32
      %mul3A_838 = arith.muli %scan3A_834, %mul3A_837 : i32
      %add3A_839 = arith.constant 4096 : i32
      %add3A_840 = arith.addi %add3A_839, %mul3A_838 : i32
      %get3A_841 = arith.index_cast %add3A_840 : i32 to index
      %get3A_842 = arith.constant 0 : index
      %get3A_843 = vector.load %arg2[%get3A_841, %get3A_842] : memref<8192x32xf32, #tpu.memory_space<vmem>>, vector<512x32xf32>
      %convert_element_type3A_844 = arith.truncf %get3A_843 : vector<512x32xf32> to vector<512x32xbf16>
      %convert_element_type3A_845 = arith.extf %convert_element_type3A_844 : vector<512x32xbf16> to vector<512x32xf32>
      %mul3A_846 = arith.mulf %get3A_843, %get3A_843 : vector<512x32xf32>
      %reduce_sum3A = arith.constant dense<0.000000e+00> : vector<512xf32>
      %reduce_sum3A_847 = vector.multi_reduction <add>, %mul3A_846, %reduce_sum3A [1] : vector<512x32xf32> to vector<512xf32>
      %broadcast_in_dim3A_848 = vector.shape_cast %reduce_sum3A_847 : vector<512xf32> to vector<512x1xf32>
      %slice3A_849 = vector.extract_strided_slice %convert_element_type3A_845 {offsets = [0, 0], sizes = [512, 1], strides = [1, 1]} : vector<512x32xf32> to vector<512x1xf32>
      %slice3A_850 = vector.extract_strided_slice %convert_element_type3A_375 {offsets = [0, 0], sizes = [1, 128], strides = [1, 1]} : vector<32x128xf32> to vector<1x128xf32>
      %mul3A_851 = vector.broadcast %slice3A_849 : vector<512x1xf32> to vector<512x128xf32>
      %mul3A_852 = vector.broadcast %slice3A_850 : vector<1x128xf32> to vector<512x128xf32>
      %mul3A_853 = arith.mulf %mul3A_851, %mul3A_852 : vector<512x128xf32>
      %slice3A_854 = vector.extract_strided_slice %convert_element_type3A_845 {offsets = [0, 1], sizes = [512, 1], strides = [1, 1]} : vector<512x32xf32> to vector<512x1xf32>
      %slice3A_855 = vector.extract_strided_slice %convert_element_type3A_375 {offsets = [1, 0], sizes = [1, 128], strides = [1, 1]} : vector<32x128xf32> to vector<1x128xf32>
      %mul3A_856 = vector.broadcast %slice3A_854 : vector<512x1xf32> to vector<512x128xf32>
      %mul3A_857 = vector.broadcast %slice3A_855 : vector<1x128xf32> to vector<512x128xf32>
      %mul3A_858 = arith.mulf %mul3A_856, %mul3A_857 : vector<512x128xf32>
      %add3A_859 = arith.addf %mul3A_853, %mul3A_858 : vector<512x128xf32>
      %slice3A_860 = vector.extract_strided_slice %convert_element_type3A_845 {offsets = [0, 2], sizes = [512, 1], strides = [1, 1]} : vector<512x32xf32> to vector<512x1xf32>
      %slice3A_861 = vector.extract_strided_slice %convert_element_type3A_375 {offsets = [2, 0], sizes = [1, 128], strides = [1, 1]} : vector<32x128xf32> to vector<1x128xf32>
      %mul3A_862 = vector.broadcast %slice3A_860 : vector<512x1xf32> to vector<512x128xf32>
      %mul3A_863 = vector.broadcast %slice3A_861 : vector<1x128xf32> to vector<512x128xf32>
      %mul3A_864 = arith.mulf %mul3A_862, %mul3A_863 : vector<512x128xf32>
      %add3A_865 = arith.addf %add3A_859, %mul3A_864 : vector<512x128xf32>
      %slice3A_866 = vector.extract_strided_slice %convert_element_type3A_845 {offsets = [0, 3], sizes = [512, 1], strides = [1, 1]} : vector<512x32xf32> to vector<512x1xf32>
      %slice3A_867 = vector.extract_strided_slice %convert_element_type3A_375 {offsets = [3, 0], sizes = [1, 128], strides = [1, 1]} : vector<32x128xf32> to vector<1x128xf32>
      %mul3A_868 = vector.broadcast %slice3A_866 : vector<512x1xf32> to vector<512x128xf32>
      %mul3A_869 = vector.broadcast %slice3A_867 : vector<1x128xf32> to vector<512x128xf32>
      %mul3A_870 = arith.mulf %mul3A_868, %mul3A_869 : vector<512x128xf32>
      %add3A_871 = arith.addf %add3A_865, %mul3A_870 : vector<512x128xf32>
      %slice3A_872 = vector.extract_strided_slice %convert_element_type3A_845 {offsets = [0, 4], sizes = [512, 1], strides = [1, 1]} : vector<512x32xf32> to vector<512x1xf32>
      %slice3A_873 = vector.extract_strided_slice %convert_element_type3A_375 {offsets = [4, 0], sizes = [1, 128], strides = [1, 1]} : vector<32x128xf32> to vector<1x128xf32>
      %mul3A_874 = vector.broadcast %slice3A_872 : vector<512x1xf32> to vector<512x128xf32>
      %mul3A_875 = vector.broadcast %slice3A_873 : vector<1x128xf32> to vector<512x128xf32>
      %mul3A_876 = arith.mulf %mul3A_874, %mul3A_875 : vector<512x128xf32>
      %add3A_877 = arith.addf %add3A_871, %mul3A_876 : vector<512x128xf32>
      %slice3A_878 = vector.extract_strided_slice %convert_element_type3A_845 {offsets = [0, 5], sizes = [512, 1], strides = [1, 1]} : vector<512x32xf32> to vector<512x1xf32>
      %slice3A_879 = vector.extract_strided_slice %convert_element_type3A_375 {offsets = [5, 0], sizes = [1, 128], strides = [1, 1]} : vector<32x128xf32> to vector<1x128xf32>
      %mul3A_880 = vector.broadcast %slice3A_878 : vector<512x1xf32> to vector<512x128xf32>
      %mul3A_881 = vector.broadcast %slice3A_879 : vector<1x128xf32> to vector<512x128xf32>
      %mul3A_882 = arith.mulf %mul3A_880, %mul3A_881 : vector<512x128xf32>
      %add3A_883 = arith.addf %add3A_877, %mul3A_882 : vector<512x128xf32>
      %slice3A_884 = vector.extract_strided_slice %convert_element_type3A_845 {offsets = [0, 6], sizes = [512, 1], strides = [1, 1]} : vector<512x32xf32> to vector<512x1xf32>
      %slice3A_885 = vector.extract_strided_slice %convert_element_type3A_375 {offsets = [6, 0], sizes = [1, 128], strides = [1, 1]} : vector<32x128xf32> to vector<1x128xf32>
      %mul3A_886 = vector.broadcast %slice3A_884 : vector<512x1xf32> to vector<512x128xf32>
      %mul3A_887 = vector.broadcast %slice3A_885 : vector<1x128xf32> to vector<512x128xf32>
      %mul3A_888 = arith.mulf %mul3A_886, %mul3A_887 : vector<512x128xf32>
      %add3A_889 = arith.addf %add3A_883, %mul3A_888 : vector<512x128xf32>
      %slice3A_890 = vector.extract_strided_slice %convert_element_type3A_845 {offsets = [0, 7], sizes = [512, 1], strides = [1, 1]} : vector<512x32xf32> to vector<512x1xf32>
      %slice3A_891 = vector.extract_strided_slice %convert_element_type3A_375 {offsets = [7, 0], sizes = [1, 128], strides = [1, 1]} : vector<32x128xf32> to vector<1x128xf32>
      %mul3A_892 = vector.broadcast %slice3A_890 : vector<512x1xf32> to vector<512x128xf32>
      %mul3A_893 = vector.broadcast %slice3A_891 : vector<1x128xf32> to vector<512x128xf32>
      %mul3A_894 = arith.mulf %mul3A_892, %mul3A_893 : vector<512x128xf32>
      %add3A_895 = arith.addf %add3A_889, %mul3A_894 : vector<512x128xf32>
      %slice3A_896 = vector.extract_strided_slice %convert_element_type3A_845 {offsets = [0, 8], sizes = [512, 1], strides = [1, 1]} : vector<512x32xf32> to vector<512x1xf32>
      %slice3A_897 = vector.extract_strided_slice %convert_element_type3A_375 {offsets = [8, 0], sizes = [1, 128], strides = [1, 1]} : vector<32x128xf32> to vector<1x128xf32>
      %mul3A_898 = vector.broadcast %slice3A_896 : vector<512x1xf32> to vector<512x128xf32>
      %mul3A_899 = vector.broadcast %slice3A_897 : vector<1x128xf32> to vector<512x128xf32>
      %mul3A_900 = arith.mulf %mul3A_898, %mul3A_899 : vector<512x128xf32>
      %add3A_901 = arith.addf %add3A_895, %mul3A_900 : vector<512x128xf32>
      %slice3A_902 = vector.extract_strided_slice %convert_element_type3A_845 {offsets = [0, 9], sizes = [512, 1], strides = [1, 1]} : vector<512x32xf32> to vector<512x1xf32>
      %slice3A_903 = vector.extract_strided_slice %convert_element_type3A_375 {offsets = [9, 0], sizes = [1, 128], strides = [1, 1]} : vector<32x128xf32> to vector<1x128xf32>
      %mul3A_904 = vector.broadcast %slice3A_902 : vector<512x1xf32> to vector<512x128xf32>
      %mul3A_905 = vector.broadcast %slice3A_903 : vector<1x128xf32> to vector<512x128xf32>
      %mul3A_906 = arith.mulf %mul3A_904, %mul3A_905 : vector<512x128xf32>
      %add3A_907 = arith.addf %add3A_901, %mul3A_906 : vector<512x128xf32>
      %slice3A_908 = vector.extract_strided_slice %convert_element_type3A_845 {offsets = [0, 10], sizes = [512, 1], strides = [1, 1]} : vector<512x32xf32> to vector<512x1xf32>
      %slice3A_909 = vector.extract_strided_slice %convert_element_type3A_375 {offsets = [10, 0], sizes = [1, 128], strides = [1, 1]} : vector<32x128xf32> to vector<1x128xf32>
      %mul3A_910 = vector.broadcast %slice3A_908 : vector<512x1xf32> to vector<512x128xf32>
      %mul3A_911 = vector.broadcast %slice3A_909 : vector<1x128xf32> to vector<512x128xf32>
      %mul3A_912 = arith.mulf %mul3A_910, %mul3A_911 : vector<512x128xf32>
      %add3A_913 = arith.addf %add3A_907, %mul3A_912 : vector<512x128xf32>
      %slice3A_914 = vector.extract_strided_slice %convert_element_type3A_845 {offsets = [0, 11], sizes = [512, 1], strides = [1, 1]} : vector<512x32xf32> to vector<512x1xf32>
      %slice3A_915 = vector.extract_strided_slice %convert_element_type3A_375 {offsets = [11, 0], sizes = [1, 128], strides = [1, 1]} : vector<32x128xf32> to vector<1x128xf32>
      %mul3A_916 = vector.broadcast %slice3A_914 : vector<512x1xf32> to vector<512x128xf32>
      %mul3A_917 = vector.broadcast %slice3A_915 : vector<1x128xf32> to vector<512x128xf32>
      %mul3A_918 = arith.mulf %mul3A_916, %mul3A_917 : vector<512x128xf32>
      %add3A_919 = arith.addf %add3A_913, %mul3A_918 : vector<512x128xf32>
      %slice3A_920 = vector.extract_strided_slice %convert_element_type3A_845 {offsets = [0, 12], sizes = [512, 1], strides = [1, 1]} : vector<512x32xf32> to vector<512x1xf32>
      %slice3A_921 = vector.extract_strided_slice %convert_element_type3A_375 {offsets = [12, 0], sizes = [1, 128], strides = [1, 1]} : vector<32x128xf32> to vector<1x128xf32>
      %mul3A_922 = vector.broadcast %slice3A_920 : vector<512x1xf32> to vector<512x128xf32>
      %mul3A_923 = vector.broadcast %slice3A_921 : vector<1x128xf32> to vector<512x128xf32>
      %mul3A_924 = arith.mulf %mul3A_922, %mul3A_923 : vector<512x128xf32>
      %add3A_925 = arith.addf %add3A_919, %mul3A_924 : vector<512x128xf32>
      %slice3A_926 = vector.extract_strided_slice %convert_element_type3A_845 {offsets = [0, 13], sizes = [512, 1], strides = [1, 1]} : vector<512x32xf32> to vector<512x1xf32>
      %slice3A_927 = vector.extract_strided_slice %convert_element_type3A_375 {offsets = [13, 0], sizes = [1, 128], strides = [1, 1]} : vector<32x128xf32> to vector<1x128xf32>
      %mul3A_928 = vector.broadcast %slice3A_926 : vector<512x1xf32> to vector<512x128xf32>
      %mul3A_929 = vector.broadcast %slice3A_927 : vector<1x128xf32> to vector<512x128xf32>
      %mul3A_930 = arith.mulf %mul3A_928, %mul3A_929 : vector<512x128xf32>
      %add3A_931 = arith.addf %add3A_925, %mul3A_930 : vector<512x128xf32>
      %slice3A_932 = vector.extract_strided_slice %convert_element_type3A_845 {offsets = [0, 14], sizes = [512, 1], strides = [1, 1]} : vector<512x32xf32> to vector<512x1xf32>
      %slice3A_933 = vector.extract_strided_slice %convert_element_type3A_375 {offsets = [14, 0], sizes = [1, 128], strides = [1, 1]} : vector<32x128xf32> to vector<1x128xf32>
      %mul3A_934 = vector.broadcast %slice3A_932 : vector<512x1xf32> to vector<512x128xf32>
      %mul3A_935 = vector.broadcast %slice3A_933 : vector<1x128xf32> to vector<512x128xf32>
      %mul3A_936 = arith.mulf %mul3A_934, %mul3A_935 : vector<512x128xf32>
      %add3A_937 = arith.addf %add3A_931, %mul3A_936 : vector<512x128xf32>
      %slice3A_938 = vector.extract_strided_slice %convert_element_type3A_845 {offsets = [0, 15], sizes = [512, 1], strides = [1, 1]} : vector<512x32xf32> to vector<512x1xf32>
      %slice3A_939 = vector.extract_strided_slice %convert_element_type3A_375 {offsets = [15, 0], sizes = [1, 128], strides = [1, 1]} : vector<32x128xf32> to vector<1x128xf32>
      %mul3A_940 = vector.broadcast %slice3A_938 : vector<512x1xf32> to vector<512x128xf32>
      %mul3A_941 = vector.broadcast %slice3A_939 : vector<1x128xf32> to vector<512x128xf32>
      %mul3A_942 = arith.mulf %mul3A_940, %mul3A_941 : vector<512x128xf32>
      %add3A_943 = arith.addf %add3A_937, %mul3A_942 : vector<512x128xf32>
      %slice3A_944 = vector.extract_strided_slice %convert_element_type3A_845 {offsets = [0, 16], sizes = [512, 1], strides = [1, 1]} : vector<512x32xf32> to vector<512x1xf32>
      %slice3A_945 = vector.extract_strided_slice %convert_element_type3A_375 {offsets = [16, 0], sizes = [1, 128], strides = [1, 1]} : vector<32x128xf32> to vector<1x128xf32>
      %mul3A_946 = vector.broadcast %slice3A_944 : vector<512x1xf32> to vector<512x128xf32>
      %mul3A_947 = vector.broadcast %slice3A_945 : vector<1x128xf32> to vector<512x128xf32>
      %mul3A_948 = arith.mulf %mul3A_946, %mul3A_947 : vector<512x128xf32>
      %add3A_949 = arith.addf %add3A_943, %mul3A_948 : vector<512x128xf32>
      %slice3A_950 = vector.extract_strided_slice %convert_element_type3A_845 {offsets = [0, 17], sizes = [512, 1], strides = [1, 1]} : vector<512x32xf32> to vector<512x1xf32>
      %slice3A_951 = vector.extract_strided_slice %convert_element_type3A_375 {offsets = [17, 0], sizes = [1, 128], strides = [1, 1]} : vector<32x128xf32> to vector<1x128xf32>
      %mul3A_952 = vector.broadcast %slice3A_950 : vector<512x1xf32> to vector<512x128xf32>
      %mul3A_953 = vector.broadcast %slice3A_951 : vector<1x128xf32> to vector<512x128xf32>
      %mul3A_954 = arith.mulf %mul3A_952, %mul3A_953 : vector<512x128xf32>
      %add3A_955 = arith.addf %add3A_949, %mul3A_954 : vector<512x128xf32>
      %slice3A_956 = vector.extract_strided_slice %convert_element_type3A_845 {offsets = [0, 18], sizes = [512, 1], strides = [1, 1]} : vector<512x32xf32> to vector<512x1xf32>
      %slice3A_957 = vector.extract_strided_slice %convert_element_type3A_375 {offsets = [18, 0], sizes = [1, 128], strides = [1, 1]} : vector<32x128xf32> to vector<1x128xf32>
      %mul3A_958 = vector.broadcast %slice3A_956 : vector<512x1xf32> to vector<512x128xf32>
      %mul3A_959 = vector.broadcast %slice3A_957 : vector<1x128xf32> to vector<512x128xf32>
      %mul3A_960 = arith.mulf %mul3A_958, %mul3A_959 : vector<512x128xf32>
      %add3A_961 = arith.addf %add3A_955, %mul3A_960 : vector<512x128xf32>
      %slice3A_962 = vector.extract_strided_slice %convert_element_type3A_845 {offsets = [0, 19], sizes = [512, 1], strides = [1, 1]} : vector<512x32xf32> to vector<512x1xf32>
      %slice3A_963 = vector.extract_strided_slice %convert_element_type3A_375 {offsets = [19, 0], sizes = [1, 128], strides = [1, 1]} : vector<32x128xf32> to vector<1x128xf32>
      %mul3A_964 = vector.broadcast %slice3A_962 : vector<512x1xf32> to vector<512x128xf32>
      %mul3A_965 = vector.broadcast %slice3A_963 : vector<1x128xf32> to vector<512x128xf32>
      %mul3A_966 = arith.mulf %mul3A_964, %mul3A_965 : vector<512x128xf32>
      %add3A_967 = arith.addf %add3A_961, %mul3A_966 : vector<512x128xf32>
      %slice3A_968 = vector.extract_strided_slice %convert_element_type3A_845 {offsets = [0, 20], sizes = [512, 1], strides = [1, 1]} : vector<512x32xf32> to vector<512x1xf32>
      %slice3A_969 = vector.extract_strided_slice %convert_element_type3A_375 {offsets = [20, 0], sizes = [1, 128], strides = [1, 1]} : vector<32x128xf32> to vector<1x128xf32>
      %mul3A_970 = vector.broadcast %slice3A_968 : vector<512x1xf32> to vector<512x128xf32>
      %mul3A_971 = vector.broadcast %slice3A_969 : vector<1x128xf32> to vector<512x128xf32>
      %mul3A_972 = arith.mulf %mul3A_970, %mul3A_971 : vector<512x128xf32>
      %add3A_973 = arith.addf %add3A_967, %mul3A_972 : vector<512x128xf32>
      %slice3A_974 = vector.extract_strided_slice %convert_element_type3A_845 {offsets = [0, 21], sizes = [512, 1], strides = [1, 1]} : vector<512x32xf32> to vector<512x1xf32>
      %slice3A_975 = vector.extract_strided_slice %convert_element_type3A_375 {offsets = [21, 0], sizes = [1, 128], strides = [1, 1]} : vector<32x128xf32> to vector<1x128xf32>
      %mul3A_976 = vector.broadcast %slice3A_974 : vector<512x1xf32> to vector<512x128xf32>
      %mul3A_977 = vector.broadcast %slice3A_975 : vector<1x128xf32> to vector<512x128xf32>
      %mul3A_978 = arith.mulf %mul3A_976, %mul3A_977 : vector<512x128xf32>
      %add3A_979 = arith.addf %add3A_973, %mul3A_978 : vector<512x128xf32>
      %slice3A_980 = vector.extract_strided_slice %convert_element_type3A_845 {offsets = [0, 22], sizes = [512, 1], strides = [1, 1]} : vector<512x32xf32> to vector<512x1xf32>
      %slice3A_981 = vector.extract_strided_slice %convert_element_type3A_375 {offsets = [22, 0], sizes = [1, 128], strides = [1, 1]} : vector<32x128xf32> to vector<1x128xf32>
      %mul3A_982 = vector.broadcast %slice3A_980 : vector<512x1xf32> to vector<512x128xf32>
      %mul3A_983 = vector.broadcast %slice3A_981 : vector<1x128xf32> to vector<512x128xf32>
      %mul3A_984 = arith.mulf %mul3A_982, %mul3A_983 : vector<512x128xf32>
      %add3A_985 = arith.addf %add3A_979, %mul3A_984 : vector<512x128xf32>
      %slice3A_986 = vector.extract_strided_slice %convert_element_type3A_845 {offsets = [0, 23], sizes = [512, 1], strides = [1, 1]} : vector<512x32xf32> to vector<512x1xf32>
      %slice3A_987 = vector.extract_strided_slice %convert_element_type3A_375 {offsets = [23, 0], sizes = [1, 128], strides = [1, 1]} : vector<32x128xf32> to vector<1x128xf32>
      %mul3A_988 = vector.broadcast %slice3A_986 : vector<512x1xf32> to vector<512x128xf32>
      %mul3A_989 = vector.broadcast %slice3A_987 : vector<1x128xf32> to vector<512x128xf32>
      %mul3A_990 = arith.mulf %mul3A_988, %mul3A_989 : vector<512x128xf32>
      %add3A_991 = arith.addf %add3A_985, %mul3A_990 : vector<512x128xf32>
      %slice3A_992 = vector.extract_strided_slice %convert_element_type3A_845 {offsets = [0, 24], sizes = [512, 1], strides = [1, 1]} : vector<512x32xf32> to vector<512x1xf32>
      %slice3A_993 = vector.extract_strided_slice %convert_element_type3A_375 {offsets = [24, 0], sizes = [1, 128], strides = [1, 1]} : vector<32x128xf32> to vector<1x128xf32>
      %mul3A_994 = vector.broadcast %slice3A_992 : vector<512x1xf32> to vector<512x128xf32>
      %mul3A_995 = vector.broadcast %slice3A_993 : vector<1x128xf32> to vector<512x128xf32>
      %mul3A_996 = arith.mulf %mul3A_994, %mul3A_995 : vector<512x128xf32>
      %add3A_997 = arith.addf %add3A_991, %mul3A_996 : vector<512x128xf32>
      %slice3A_998 = vector.extract_strided_slice %convert_element_type3A_845 {offsets = [0, 25], sizes = [512, 1], strides = [1, 1]} : vector<512x32xf32> to vector<512x1xf32>
      %slice3A_999 = vector.extract_strided_slice %convert_element_type3A_375 {offsets = [25, 0], sizes = [1, 128], strides = [1, 1]} : vector<32x128xf32> to vector<1x128xf32>
      %mul3A_1000 = vector.broadcast %slice3A_998 : vector<512x1xf32> to vector<512x128xf32>
      %mul3A_1001 = vector.broadcast %slice3A_999 : vector<1x128xf32> to vector<512x128xf32>
      %mul3A_1002 = arith.mulf %mul3A_1000, %mul3A_1001 : vector<512x128xf32>
      %add3A_1003 = arith.addf %add3A_997, %mul3A_1002 : vector<512x128xf32>
      %slice3A_1004 = vector.extract_strided_slice %convert_element_type3A_845 {offsets = [0, 26], sizes = [512, 1], strides = [1, 1]} : vector<512x32xf32> to vector<512x1xf32>
      %slice3A_1005 = vector.extract_strided_slice %convert_element_type3A_375 {offsets = [26, 0], sizes = [1, 128], strides = [1, 1]} : vector<32x128xf32> to vector<1x128xf32>
      %mul3A_1006 = vector.broadcast %slice3A_1004 : vector<512x1xf32> to vector<512x128xf32>
      %mul3A_1007 = vector.broadcast %slice3A_1005 : vector<1x128xf32> to vector<512x128xf32>
      %mul3A_1008 = arith.mulf %mul3A_1006, %mul3A_1007 : vector<512x128xf32>
      %add3A_1009 = arith.addf %add3A_1003, %mul3A_1008 : vector<512x128xf32>
      %slice3A_1010 = vector.extract_strided_slice %convert_element_type3A_845 {offsets = [0, 27], sizes = [512, 1], strides = [1, 1]} : vector<512x32xf32> to vector<512x1xf32>
      %slice3A_1011 = vector.extract_strided_slice %convert_element_type3A_375 {offsets = [27, 0], sizes = [1, 128], strides = [1, 1]} : vector<32x128xf32> to vector<1x128xf32>
      %mul3A_1012 = vector.broadcast %slice3A_1010 : vector<512x1xf32> to vector<512x128xf32>
      %mul3A_1013 = vector.broadcast %slice3A_1011 : vector<1x128xf32> to vector<512x128xf32>
      %mul3A_1014 = arith.mulf %mul3A_1012, %mul3A_1013 : vector<512x128xf32>
      %add3A_1015 = arith.addf %add3A_1009, %mul3A_1014 : vector<512x128xf32>
      %slice3A_1016 = vector.extract_strided_slice %convert_element_type3A_845 {offsets = [0, 28], sizes = [512, 1], strides = [1, 1]} : vector<512x32xf32> to vector<512x1xf32>
      %slice3A_1017 = vector.extract_strided_slice %convert_element_type3A_375 {offsets = [28, 0], sizes = [1, 128], strides = [1, 1]} : vector<32x128xf32> to vector<1x128xf32>
      %mul3A_1018 = vector.broadcast %slice3A_1016 : vector<512x1xf32> to vector<512x128xf32>
      %mul3A_1019 = vector.broadcast %slice3A_1017 : vector<1x128xf32> to vector<512x128xf32>
      %mul3A_1020 = arith.mulf %mul3A_1018, %mul3A_1019 : vector<512x128xf32>
      %add3A_1021 = arith.addf %add3A_1015, %mul3A_1020 : vector<512x128xf32>
      %slice3A_1022 = vector.extract_strided_slice %convert_element_type3A_845 {offsets = [0, 29], sizes = [512, 1], strides = [1, 1]} : vector<512x32xf32> to vector<512x1xf32>
      %slice3A_1023 = vector.extract_strided_slice %convert_element_type3A_375 {offsets = [29, 0], sizes = [1, 128], strides = [1, 1]} : vector<32x128xf32> to vector<1x128xf32>
      %mul3A_1024 = vector.broadcast %slice3A_1022 : vector<512x1xf32> to vector<512x128xf32>
      %mul3A_1025 = vector.broadcast %slice3A_1023 : vector<1x128xf32> to vector<512x128xf32>
      %mul3A_1026 = arith.mulf %mul3A_1024, %mul3A_1025 : vector<512x128xf32>
      %add3A_1027 = arith.addf %add3A_1021, %mul3A_1026 : vector<512x128xf32>
      %slice3A_1028 = vector.extract_strided_slice %convert_element_type3A_845 {offsets = [0, 30], sizes = [512, 1], strides = [1, 1]} : vector<512x32xf32> to vector<512x1xf32>
      %slice3A_1029 = vector.extract_strided_slice %convert_element_type3A_375 {offsets = [30, 0], sizes = [1, 128], strides = [1, 1]} : vector<32x128xf32> to vector<1x128xf32>
      %mul3A_1030 = vector.broadcast %slice3A_1028 : vector<512x1xf32> to vector<512x128xf32>
      %mul3A_1031 = vector.broadcast %slice3A_1029 : vector<1x128xf32> to vector<512x128xf32>
      %mul3A_1032 = arith.mulf %mul3A_1030, %mul3A_1031 : vector<512x128xf32>
      %add3A_1033 = arith.addf %add3A_1027, %mul3A_1032 : vector<512x128xf32>
      %slice3A_1034 = vector.extract_strided_slice %convert_element_type3A_845 {offsets = [0, 31], sizes = [512, 1], strides = [1, 1]} : vector<512x32xf32> to vector<512x1xf32>
      %slice3A_1035 = vector.extract_strided_slice %convert_element_type3A_375 {offsets = [31, 0], sizes = [1, 128], strides = [1, 1]} : vector<32x128xf32> to vector<1x128xf32>
      %mul3A_1036 = vector.broadcast %slice3A_1034 : vector<512x1xf32> to vector<512x128xf32>
      %mul3A_1037 = vector.broadcast %slice3A_1035 : vector<1x128xf32> to vector<512x128xf32>
      %mul3A_1038 = arith.mulf %mul3A_1036, %mul3A_1037 : vector<512x128xf32>
      %add3A_1039 = arith.addf %add3A_1033, %mul3A_1038 : vector<512x128xf32>
      %add3A_1040 = vector.broadcast %add3A_373 : vector<1x128xf32> to vector<512x128xf32>
      %add3A_1041 = vector.broadcast %broadcast_in_dim3A_848 : vector<512x1xf32> to vector<512x128xf32>
      %add3A_1042 = arith.addf %add3A_1040, %add3A_1041 : vector<512x128xf32>
      %mul3A_1043 = arith.constant 2.000000e+00 : f32
      %mul3A_1044 = vector.broadcast %mul3A_1043 : f32 to vector<512x128xf32>
      %mul3A_1045 = arith.mulf %mul3A_1044, %add3A_1039 : vector<512x128xf32>
      %sub3A = arith.subf %add3A_1042, %mul3A_1045 : vector<512x128xf32>
      %reduce_min3A = arith.constant dense<0x7F800000> : vector<128xf32>
      %reduce_min3A_1046 = vector.multi_reduction <minimumf>, %sub3A, %reduce_min3A [0] : vector<512x128xf32> to vector<128xf32>
      %broadcast_in_dim3A_1047 = vector.shape_cast %reduce_min3A_1046 : vector<128xf32> to vector<1x128xf32>
      %iota3A = tpu.iota {dimensions = array<i32: 0>} : vector<512x128xi32>
      %eq3A = vector.broadcast %broadcast_in_dim3A_1047 : vector<1x128xf32> to vector<512x128xf32>
      %eq3A_1048 = arith.cmpf oeq, %sub3A, %eq3A : vector<512x128xf32>
      %jit3A = arith.constant 8192 : i32
      %broadcast_in_dim3A_1049 = vector.broadcast %jit3A : i32 to vector<512x128xi32>
      %select_n3A_1050 = arith.select %eq3A_1048, %iota3A, %broadcast_in_dim3A_1049 : vector<512x128xi1>, vector<512x128xi32>
      %reduce_min3A_1051 = arith.constant dense<2147483647> : vector<128xi32>
      %reduce_min3A_1052 = vector.multi_reduction <minsi>, %select_n3A_1050, %reduce_min3A_1051 [0] : vector<512x128xi32> to vector<128xi32>
      %broadcast_in_dim3A_1053 = vector.shape_cast %reduce_min3A_1052 : vector<128xi32> to vector<1x128xi32>
      %add3A_1054 = vector.broadcast %add3A_840 : i32 to vector<1x128xi32>
      %add3A_1055 = arith.addi %broadcast_in_dim3A_1053, %add3A_1054 : vector<1x128xi32>
      %lt3A_1056 = arith.cmpf olt, %broadcast_in_dim3A_1047, %scan3A_835 : vector<1x128xf32>
      %select_n3A_1057 = arith.select %lt3A_1056, %broadcast_in_dim3A_1047, %scan3A_835 : vector<1x128xi1>, vector<1x128xf32>
      %select_n3A_1058 = arith.select %lt3A_1056, %add3A_1055, %scan3A_836 : vector<1x128xi1>, vector<1x128xi32>
      scf.yield %select_n3A_1057, %select_n3A_1058 : vector<1x128xf32>, vector<1x128xi32>
    }
    %scan3A_404 = arith.constant 8 : i32
    %lt3A_405 = arith.cmpf olt, %scan3A_403#0, %convert_element_type3A_394 : vector<1x128xf32>
    %select_n3A_406 = arith.select %lt3A_405, %scan3A_403#1, %select_n3A_391 : vector<1x128xi1>, vector<1x128xi32>
    %squeeze3A_407 = vector.shape_cast %select_n3A_406 : vector<1x128xi32> to vector<128xi32>
    %swap3A_408 = arith.constant 0 : index
    %swap3A_409 = arith.constant 3 : index
    %swap3A_410 = arith.constant 0 : index
    %swap3A_411 = vector.load %arg3[%swap3A_408, %swap3A_409, %swap3A_410] : memref<1x8x128xi32, #tpu.memory_space<vmem>>, vector<1x1x128xi32>
    %swap3A_412 = vector.shape_cast %swap3A_411 : vector<1x1x128xi32> to vector<128xi32>
    %swap3A_413 = vector.shape_cast %squeeze3A_407 : vector<128xi32> to vector<1x1x128xi32>
    tpu.vector_store %arg3[%swap3A_408, %swap3A_409, %swap3A_410], %swap3A_413 {strides = array<i32>} : memref<1x8x128xi32, #tpu.memory_space<vmem>>, vector<1x1x128xi32>,
    %slice3A_414 = vector.extract_strided_slice %get3A_3 {offsets = [0, 512], sizes = [32, 128], strides = [1, 1]} : vector<32x1024xf32> to vector<32x128xf32>
    %mul3A_415 = arith.mulf %slice3A_414, %slice3A_414 : vector<32x128xf32>
    %slice3A_416 = vector.extract_strided_slice %mul3A_415 {offsets = [0, 0], sizes = [1, 128], strides = [1, 1]} : vector<32x128xf32> to vector<1x128xf32>
    %slice3A_417 = vector.extract_strided_slice %mul3A_415 {offsets = [1, 0], sizes = [1, 128], strides = [1, 1]} : vector<32x128xf32> to vector<1x128xf32>
    %add3A_418 = arith.addf %slice3A_416, %slice3A_417 : vector<1x128xf32>
    %slice3A_419 = vector.extract_strided_slice %mul3A_415 {offsets = [2, 0], sizes = [1, 128], strides = [1, 1]} : vector<32x128xf32> to vector<1x128xf32>
    %add3A_420 = arith.addf %add3A_418, %slice3A_419 : vector<1x128xf32>
    %slice3A_421 = vector.extract_strided_slice %mul3A_415 {offsets = [3, 0], sizes = [1, 128], strides = [1, 1]} : vector<32x128xf32> to vector<1x128xf32>
    %add3A_422 = arith.addf %add3A_420, %slice3A_421 : vector<1x128xf32>
    %slice3A_423 = vector.extract_strided_slice %mul3A_415 {offsets = [4, 0], sizes = [1, 128], strides = [1, 1]} : vector<32x128xf32> to vector<1x128xf32>
    %add3A_424 = arith.addf %add3A_422, %slice3A_423 : vector<1x128xf32>
    %slice3A_425 = vector.extract_strided_slice %mul3A_415 {offsets = [5, 0], sizes = [1, 128], strides = [1, 1]} : vector<32x128xf32> to vector<1x128xf32>
    %add3A_426 = arith.addf %add3A_424, %slice3A_425 : vector<1x128xf32>
    %slice3A_427 = vector.extract_strided_slice %mul3A_415 {offsets = [6, 0], sizes = [1, 128], strides = [1, 1]} : vector<32x128xf32> to vector<1x128xf32>
    %add3A_428 = arith.addf %add3A_426, %slice3A_427 : vector<1x128xf32>
    %slice3A_429 = vector.extract_strided_slice %mul3A_415 {offsets = [7, 0], sizes = [1, 128], strides = [1, 1]} : vector<32x128xf32> to vector<1x128xf32>
    %add3A_430 = arith.addf %add3A_428, %slice3A_429 : vector<1x128xf32>
    %slice3A_431 = vector.extract_strided_slice %mul3A_415 {offsets = [8, 0], sizes = [1, 128], strides = [1, 1]} : vector<32x128xf32> to vector<1x128xf32>
    %add3A_432 = arith.addf %add3A_430, %slice3A_431 : vector<1x128xf32>
    %slice3A_433 = vector.extract_strided_slice %mul3A_415 {offsets = [9, 0], sizes = [1, 128], strides = [1, 1]} : vector<32x128xf32> to vector<1x128xf32>
    %add3A_434 = arith.addf %add3A_432, %slice3A_433 : vector<1x128xf32>
    %slice3A_435 = vector.extract_strided_slice %mul3A_415 {offsets = [10, 0], sizes = [1, 128], strides = [1, 1]} : vector<32x128xf32> to vector<1x128xf32>
    %add3A_436 = arith.addf %add3A_434, %slice3A_435 : vector<1x128xf32>
    %slice3A_437 = vector.extract_strided_slice %mul3A_415 {offsets = [11, 0], sizes = [1, 128], strides = [1, 1]} : vector<32x128xf32> to vector<1x128xf32>
    %add3A_438 = arith.addf %add3A_436, %slice3A_437 : vector<1x128xf32>
    %slice3A_439 = vector.extract_strided_slice %mul3A_415 {offsets = [12, 0], sizes = [1, 128], strides = [1, 1]} : vector<32x128xf32> to vector<1x128xf32>
    %add3A_440 = arith.addf %add3A_438, %slice3A_439 : vector<1x128xf32>
    %slice3A_441 = vector.extract_strided_slice %mul3A_415 {offsets = [13, 0], sizes = [1, 128], strides = [1, 1]} : vector<32x128xf32> to vector<1x128xf32>
    %add3A_442 = arith.addf %add3A_440, %slice3A_441 : vector<1x128xf32>
    %slice3A_443 = vector.extract_strided_slice %mul3A_415 {offsets = [14, 0], sizes = [1, 128], strides = [1, 1]} : vector<32x128xf32> to vector<1x128xf32>
    %add3A_444 = arith.addf %add3A_442, %slice3A_443 : vector<1x128xf32>
    %slice3A_445 = vector.extract_strided_slice %mul3A_415 {offsets = [15, 0], sizes = [1, 128], strides = [1, 1]} : vector<32x128xf32> to vector<1x128xf32>
    %add3A_446 = arith.addf %add3A_444, %slice3A_445 : vector<1x128xf32>
    %slice3A_447 = vector.extract_strided_slice %mul3A_415 {offsets = [16, 0], sizes = [1, 128], strides = [1, 1]} : vector<32x128xf32> to vector<1x128xf32>
    %add3A_448 = arith.addf %add3A_446, %slice3A_447 : vector<1x128xf32>
    %slice3A_449 = vector.extract_strided_slice %mul3A_415 {offsets = [17, 0], sizes = [1, 128], strides = [1, 1]} : vector<32x128xf32> to vector<1x128xf32>
    %add3A_450 = arith.addf %add3A_448, %slice3A_449 : vector<1x128xf32>
    %slice3A_451 = vector.extract_strided_slice %mul3A_415 {offsets = [18, 0], sizes = [1, 128], strides = [1, 1]} : vector<32x128xf32> to vector<1x128xf32>
    %add3A_452 = arith.addf %add3A_450, %slice3A_451 : vector<1x128xf32>
    %slice3A_453 = vector.extract_strided_slice %mul3A_415 {offsets = [19, 0], sizes = [1, 128], strides = [1, 1]} : vector<32x128xf32> to vector<1x128xf32>
    %add3A_454 = arith.addf %add3A_452, %slice3A_453 : vector<1x128xf32>
    %slice3A_455 = vector.extract_strided_slice %mul3A_415 {offsets = [20, 0], sizes = [1, 128], strides = [1, 1]} : vector<32x128xf32> to vector<1x128xf32>
    %add3A_456 = arith.addf %add3A_454, %slice3A_455 : vector<1x128xf32>
    %slice3A_457 = vector.extract_strided_slice %mul3A_415 {offsets = [21, 0], sizes = [1, 128], strides = [1, 1]} : vector<32x128xf32> to vector<1x128xf32>
    %add3A_458 = arith.addf %add3A_456, %slice3A_457 : vector<1x128xf32>
    %slice3A_459 = vector.extract_strided_slice %mul3A_415 {offsets = [22, 0], sizes = [1, 128], strides = [1, 1]} : vector<32x128xf32> to vector<1x128xf32>
    %add3A_460 = arith.addf %add3A_458, %slice3A_459 : vector<1x128xf32>
    %slice3A_461 = vector.extract_strided_slice %mul3A_415 {offsets = [23, 0], sizes = [1, 128], strides = [1, 1]} : vector<32x128xf32> to vector<1x128xf32>
    %add3A_462 = arith.addf %add3A_460, %slice3A_461 : vector<1x128xf32>
    %slice3A_463 = vector.extract_strided_slice %mul3A_415 {offsets = [24, 0], sizes = [1, 128], strides = [1, 1]} : vector<32x128xf32> to vector<1x128xf32>
    %add3A_464 = arith.addf %add3A_462, %slice3A_463 : vector<1x128xf32>
    %slice3A_465 = vector.extract_strided_slice %mul3A_415 {offsets = [25, 0], sizes = [1, 128], strides = [1, 1]} : vector<32x128xf32> to vector<1x128xf32>
    %add3A_466 = arith.addf %add3A_464, %slice3A_465 : vector<1x128xf32>
    %slice3A_467 = vector.extract_strided_slice %mul3A_415 {offsets = [26, 0], sizes = [1, 128], strides = [1, 1]} : vector<32x128xf32> to vector<1x128xf32>
    %add3A_468 = arith.addf %add3A_466, %slice3A_467 : vector<1x128xf32>
    %slice3A_469 = vector.extract_strided_slice %mul3A_415 {offsets = [27, 0], sizes = [1, 128], strides = [1, 1]} : vector<32x128xf32> to vector<1x128xf32>
    %add3A_470 = arith.addf %add3A_468, %slice3A_469 : vector<1x128xf32>
    %slice3A_471 = vector.extract_strided_slice %mul3A_415 {offsets = [28, 0], sizes = [1, 128], strides = [1, 1]} : vector<32x128xf32> to vector<1x128xf32>
    %add3A_472 = arith.addf %add3A_470, %slice3A_471 : vector<1x128xf32>
    %slice3A_473 = vector.extract_strided_slice %mul3A_415 {offsets = [29, 0], sizes = [1, 128], strides = [1, 1]} : vector<32x128xf32> to vector<1x128xf32>
    %add3A_474 = arith.addf %add3A_472, %slice3A_473 : vector<1x128xf32>
    %slice3A_475 = vector.extract_strided_slice %mul3A_415 {offsets = [30, 0], sizes = [1, 128], strides = [1, 1]} : vector<32x128xf32> to vector<1x128xf32>
    %add3A_476 = arith.addf %add3A_474, %slice3A_475 : vector<1x128xf32>
    %slice3A_477 = vector.extract_strided_slice %mul3A_415 {offsets = [31, 0], sizes = [1, 128], strides = [1, 1]} : vector<32x128xf32> to vector<1x128xf32>
    %add3A_478 = arith.addf %add3A_476, %slice3A_477 : vector<1x128xf32>
    %convert_element_type3A_479 = arith.truncf %slice3A_414 : vector<32x128xf32> to vector<32x128xbf16>
    %convert_element_type3A_480 = arith.extf %convert_element_type3A_479 : vector<32x128xbf16> to vector<32x128xf32>
    %broadcast_in_dim3A_481 = arith.constant 0x7F800000 : f32
    %broadcast_in_dim3A_482 = vector.broadcast %broadcast_in_dim3A_481 : f32 to vector<1x128xf32>
    %broadcast_in_dim3A_483 = arith.constant 0 : i32
    %broadcast_in_dim3A_484 = vector.broadcast %broadcast_in_dim3A_483 : i32 to vector<1x128xi32>
    %broadcast_in_dim3A_485 = arith.constant 0x7F800000 : f32
    %broadcast_in_dim3A_486 = vector.broadcast %broadcast_in_dim3A_485 : f32 to vector<1x128xf32>
    %broadcast_in_dim3A_487 = arith.constant 0 : i32
    %broadcast_in_dim3A_488 = vector.broadcast %broadcast_in_dim3A_487 : i32 to vector<1x128xi32>
    %scan3A_489 = arith.constant 0 : i32
    %scan3A_490 = arith.constant 8 : i32
    %scan3A_491 = arith.addi %scan3A_489, %scan3A_490 : i32
    %scan3A_492 = arith.constant 1 : i32
    %scan3A_493:2 = scf.for %scan3A_834 = %scan3A_489 to %scan3A_491 step %scan3A_492 iter_args(%scan3A_835 = %broadcast_in_dim3A_486, %scan3A_836 = %broadcast_in_dim3A_488) -> (vector<1x128xf32>, vector<1x128xi32>)  : i32 {
      %mul3A_837 = arith.constant 512 : i32
      %mul3A_838 = arith.muli %scan3A_834, %mul3A_837 : i32
      %add3A_839 = arith.constant 0 : i32
      %add3A_840 = arith.addi %add3A_839, %mul3A_838 : i32
      %get3A_841 = arith.index_cast %add3A_840 : i32 to index
      %get3A_842 = arith.constant 0 : index
      %get3A_843 = vector.load %arg2[%get3A_841, %get3A_842] : memref<8192x32xf32, #tpu.memory_space<vmem>>, vector<512x32xf32>
      %convert_element_type3A_844 = arith.truncf %get3A_843 : vector<512x32xf32> to vector<512x32xbf16>
      %convert_element_type3A_845 = arith.extf %convert_element_type3A_844 : vector<512x32xbf16> to vector<512x32xf32>
      %mul3A_846 = arith.mulf %get3A_843, %get3A_843 : vector<512x32xf32>
      %reduce_sum3A = arith.constant dense<0.000000e+00> : vector<512xf32>
      %reduce_sum3A_847 = vector.multi_reduction <add>, %mul3A_846, %reduce_sum3A [1] : vector<512x32xf32> to vector<512xf32>
      %broadcast_in_dim3A_848 = vector.shape_cast %reduce_sum3A_847 : vector<512xf32> to vector<512x1xf32>
      %slice3A_849 = vector.extract_strided_slice %convert_element_type3A_845 {offsets = [0, 0], sizes = [512, 1], strides = [1, 1]} : vector<512x32xf32> to vector<512x1xf32>
      %slice3A_850 = vector.extract_strided_slice %convert_element_type3A_480 {offsets = [0, 0], sizes = [1, 128], strides = [1, 1]} : vector<32x128xf32> to vector<1x128xf32>
      %mul3A_851 = vector.broadcast %slice3A_849 : vector<512x1xf32> to vector<512x128xf32>
      %mul3A_852 = vector.broadcast %slice3A_850 : vector<1x128xf32> to vector<512x128xf32>
      %mul3A_853 = arith.mulf %mul3A_851, %mul3A_852 : vector<512x128xf32>
      %slice3A_854 = vector.extract_strided_slice %convert_element_type3A_845 {offsets = [0, 1], sizes = [512, 1], strides = [1, 1]} : vector<512x32xf32> to vector<512x1xf32>
      %slice3A_855 = vector.extract_strided_slice %convert_element_type3A_480 {offsets = [1, 0], sizes = [1, 128], strides = [1, 1]} : vector<32x128xf32> to vector<1x128xf32>
      %mul3A_856 = vector.broadcast %slice3A_854 : vector<512x1xf32> to vector<512x128xf32>
      %mul3A_857 = vector.broadcast %slice3A_855 : vector<1x128xf32> to vector<512x128xf32>
      %mul3A_858 = arith.mulf %mul3A_856, %mul3A_857 : vector<512x128xf32>
      %add3A_859 = arith.addf %mul3A_853, %mul3A_858 : vector<512x128xf32>
      %slice3A_860 = vector.extract_strided_slice %convert_element_type3A_845 {offsets = [0, 2], sizes = [512, 1], strides = [1, 1]} : vector<512x32xf32> to vector<512x1xf32>
      %slice3A_861 = vector.extract_strided_slice %convert_element_type3A_480 {offsets = [2, 0], sizes = [1, 128], strides = [1, 1]} : vector<32x128xf32> to vector<1x128xf32>
      %mul3A_862 = vector.broadcast %slice3A_860 : vector<512x1xf32> to vector<512x128xf32>
      %mul3A_863 = vector.broadcast %slice3A_861 : vector<1x128xf32> to vector<512x128xf32>
      %mul3A_864 = arith.mulf %mul3A_862, %mul3A_863 : vector<512x128xf32>
      %add3A_865 = arith.addf %add3A_859, %mul3A_864 : vector<512x128xf32>
      %slice3A_866 = vector.extract_strided_slice %convert_element_type3A_845 {offsets = [0, 3], sizes = [512, 1], strides = [1, 1]} : vector<512x32xf32> to vector<512x1xf32>
      %slice3A_867 = vector.extract_strided_slice %convert_element_type3A_480 {offsets = [3, 0], sizes = [1, 128], strides = [1, 1]} : vector<32x128xf32> to vector<1x128xf32>
      %mul3A_868 = vector.broadcast %slice3A_866 : vector<512x1xf32> to vector<512x128xf32>
      %mul3A_869 = vector.broadcast %slice3A_867 : vector<1x128xf32> to vector<512x128xf32>
      %mul3A_870 = arith.mulf %mul3A_868, %mul3A_869 : vector<512x128xf32>
      %add3A_871 = arith.addf %add3A_865, %mul3A_870 : vector<512x128xf32>
      %slice3A_872 = vector.extract_strided_slice %convert_element_type3A_845 {offsets = [0, 4], sizes = [512, 1], strides = [1, 1]} : vector<512x32xf32> to vector<512x1xf32>
      %slice3A_873 = vector.extract_strided_slice %convert_element_type3A_480 {offsets = [4, 0], sizes = [1, 128], strides = [1, 1]} : vector<32x128xf32> to vector<1x128xf32>
      %mul3A_874 = vector.broadcast %slice3A_872 : vector<512x1xf32> to vector<512x128xf32>
      %mul3A_875 = vector.broadcast %slice3A_873 : vector<1x128xf32> to vector<512x128xf32>
      %mul3A_876 = arith.mulf %mul3A_874, %mul3A_875 : vector<512x128xf32>
      %add3A_877 = arith.addf %add3A_871, %mul3A_876 : vector<512x128xf32>
      %slice3A_878 = vector.extract_strided_slice %convert_element_type3A_845 {offsets = [0, 5], sizes = [512, 1], strides = [1, 1]} : vector<512x32xf32> to vector<512x1xf32>
      %slice3A_879 = vector.extract_strided_slice %convert_element_type3A_480 {offsets = [5, 0], sizes = [1, 128], strides = [1, 1]} : vector<32x128xf32> to vector<1x128xf32>
      %mul3A_880 = vector.broadcast %slice3A_878 : vector<512x1xf32> to vector<512x128xf32>
      %mul3A_881 = vector.broadcast %slice3A_879 : vector<1x128xf32> to vector<512x128xf32>
      %mul3A_882 = arith.mulf %mul3A_880, %mul3A_881 : vector<512x128xf32>
      %add3A_883 = arith.addf %add3A_877, %mul3A_882 : vector<512x128xf32>
      %slice3A_884 = vector.extract_strided_slice %convert_element_type3A_845 {offsets = [0, 6], sizes = [512, 1], strides = [1, 1]} : vector<512x32xf32> to vector<512x1xf32>
      %slice3A_885 = vector.extract_strided_slice %convert_element_type3A_480 {offsets = [6, 0], sizes = [1, 128], strides = [1, 1]} : vector<32x128xf32> to vector<1x128xf32>
      %mul3A_886 = vector.broadcast %slice3A_884 : vector<512x1xf32> to vector<512x128xf32>
      %mul3A_887 = vector.broadcast %slice3A_885 : vector<1x128xf32> to vector<512x128xf32>
      %mul3A_888 = arith.mulf %mul3A_886, %mul3A_887 : vector<512x128xf32>
      %add3A_889 = arith.addf %add3A_883, %mul3A_888 : vector<512x128xf32>
      %slice3A_890 = vector.extract_strided_slice %convert_element_type3A_845 {offsets = [0, 7], sizes = [512, 1], strides = [1, 1]} : vector<512x32xf32> to vector<512x1xf32>
      %slice3A_891 = vector.extract_strided_slice %convert_element_type3A_480 {offsets = [7, 0], sizes = [1, 128], strides = [1, 1]} : vector<32x128xf32> to vector<1x128xf32>
      %mul3A_892 = vector.broadcast %slice3A_890 : vector<512x1xf32> to vector<512x128xf32>
      %mul3A_893 = vector.broadcast %slice3A_891 : vector<1x128xf32> to vector<512x128xf32>
      %mul3A_894 = arith.mulf %mul3A_892, %mul3A_893 : vector<512x128xf32>
      %add3A_895 = arith.addf %add3A_889, %mul3A_894 : vector<512x128xf32>
      %slice3A_896 = vector.extract_strided_slice %convert_element_type3A_845 {offsets = [0, 8], sizes = [512, 1], strides = [1, 1]} : vector<512x32xf32> to vector<512x1xf32>
      %slice3A_897 = vector.extract_strided_slice %convert_element_type3A_480 {offsets = [8, 0], sizes = [1, 128], strides = [1, 1]} : vector<32x128xf32> to vector<1x128xf32>
      %mul3A_898 = vector.broadcast %slice3A_896 : vector<512x1xf32> to vector<512x128xf32>
      %mul3A_899 = vector.broadcast %slice3A_897 : vector<1x128xf32> to vector<512x128xf32>
      %mul3A_900 = arith.mulf %mul3A_898, %mul3A_899 : vector<512x128xf32>
      %add3A_901 = arith.addf %add3A_895, %mul3A_900 : vector<512x128xf32>
      %slice3A_902 = vector.extract_strided_slice %convert_element_type3A_845 {offsets = [0, 9], sizes = [512, 1], strides = [1, 1]} : vector<512x32xf32> to vector<512x1xf32>
      %slice3A_903 = vector.extract_strided_slice %convert_element_type3A_480 {offsets = [9, 0], sizes = [1, 128], strides = [1, 1]} : vector<32x128xf32> to vector<1x128xf32>
      %mul3A_904 = vector.broadcast %slice3A_902 : vector<512x1xf32> to vector<512x128xf32>
      %mul3A_905 = vector.broadcast %slice3A_903 : vector<1x128xf32> to vector<512x128xf32>
      %mul3A_906 = arith.mulf %mul3A_904, %mul3A_905 : vector<512x128xf32>
      %add3A_907 = arith.addf %add3A_901, %mul3A_906 : vector<512x128xf32>
      %slice3A_908 = vector.extract_strided_slice %convert_element_type3A_845 {offsets = [0, 10], sizes = [512, 1], strides = [1, 1]} : vector<512x32xf32> to vector<512x1xf32>
      %slice3A_909 = vector.extract_strided_slice %convert_element_type3A_480 {offsets = [10, 0], sizes = [1, 128], strides = [1, 1]} : vector<32x128xf32> to vector<1x128xf32>
      %mul3A_910 = vector.broadcast %slice3A_908 : vector<512x1xf32> to vector<512x128xf32>
      %mul3A_911 = vector.broadcast %slice3A_909 : vector<1x128xf32> to vector<512x128xf32>
      %mul3A_912 = arith.mulf %mul3A_910, %mul3A_911 : vector<512x128xf32>
      %add3A_913 = arith.addf %add3A_907, %mul3A_912 : vector<512x128xf32>
      %slice3A_914 = vector.extract_strided_slice %convert_element_type3A_845 {offsets = [0, 11], sizes = [512, 1], strides = [1, 1]} : vector<512x32xf32> to vector<512x1xf32>
      %slice3A_915 = vector.extract_strided_slice %convert_element_type3A_480 {offsets = [11, 0], sizes = [1, 128], strides = [1, 1]} : vector<32x128xf32> to vector<1x128xf32>
      %mul3A_916 = vector.broadcast %slice3A_914 : vector<512x1xf32> to vector<512x128xf32>
      %mul3A_917 = vector.broadcast %slice3A_915 : vector<1x128xf32> to vector<512x128xf32>
      %mul3A_918 = arith.mulf %mul3A_916, %mul3A_917 : vector<512x128xf32>
      %add3A_919 = arith.addf %add3A_913, %mul3A_918 : vector<512x128xf32>
      %slice3A_920 = vector.extract_strided_slice %convert_element_type3A_845 {offsets = [0, 12], sizes = [512, 1], strides = [1, 1]} : vector<512x32xf32> to vector<512x1xf32>
      %slice3A_921 = vector.extract_strided_slice %convert_element_type3A_480 {offsets = [12, 0], sizes = [1, 128], strides = [1, 1]} : vector<32x128xf32> to vector<1x128xf32>
      %mul3A_922 = vector.broadcast %slice3A_920 : vector<512x1xf32> to vector<512x128xf32>
      %mul3A_923 = vector.broadcast %slice3A_921 : vector<1x128xf32> to vector<512x128xf32>
      %mul3A_924 = arith.mulf %mul3A_922, %mul3A_923 : vector<512x128xf32>
      %add3A_925 = arith.addf %add3A_919, %mul3A_924 : vector<512x128xf32>
      %slice3A_926 = vector.extract_strided_slice %convert_element_type3A_845 {offsets = [0, 13], sizes = [512, 1], strides = [1, 1]} : vector<512x32xf32> to vector<512x1xf32>
      %slice3A_927 = vector.extract_strided_slice %convert_element_type3A_480 {offsets = [13, 0], sizes = [1, 128], strides = [1, 1]} : vector<32x128xf32> to vector<1x128xf32>
      %mul3A_928 = vector.broadcast %slice3A_926 : vector<512x1xf32> to vector<512x128xf32>
      %mul3A_929 = vector.broadcast %slice3A_927 : vector<1x128xf32> to vector<512x128xf32>
      %mul3A_930 = arith.mulf %mul3A_928, %mul3A_929 : vector<512x128xf32>
      %add3A_931 = arith.addf %add3A_925, %mul3A_930 : vector<512x128xf32>
      %slice3A_932 = vector.extract_strided_slice %convert_element_type3A_845 {offsets = [0, 14], sizes = [512, 1], strides = [1, 1]} : vector<512x32xf32> to vector<512x1xf32>
      %slice3A_933 = vector.extract_strided_slice %convert_element_type3A_480 {offsets = [14, 0], sizes = [1, 128], strides = [1, 1]} : vector<32x128xf32> to vector<1x128xf32>
      %mul3A_934 = vector.broadcast %slice3A_932 : vector<512x1xf32> to vector<512x128xf32>
      %mul3A_935 = vector.broadcast %slice3A_933 : vector<1x128xf32> to vector<512x128xf32>
      %mul3A_936 = arith.mulf %mul3A_934, %mul3A_935 : vector<512x128xf32>
      %add3A_937 = arith.addf %add3A_931, %mul3A_936 : vector<512x128xf32>
      %slice3A_938 = vector.extract_strided_slice %convert_element_type3A_845 {offsets = [0, 15], sizes = [512, 1], strides = [1, 1]} : vector<512x32xf32> to vector<512x1xf32>
      %slice3A_939 = vector.extract_strided_slice %convert_element_type3A_480 {offsets = [15, 0], sizes = [1, 128], strides = [1, 1]} : vector<32x128xf32> to vector<1x128xf32>
      %mul3A_940 = vector.broadcast %slice3A_938 : vector<512x1xf32> to vector<512x128xf32>
      %mul3A_941 = vector.broadcast %slice3A_939 : vector<1x128xf32> to vector<512x128xf32>
      %mul3A_942 = arith.mulf %mul3A_940, %mul3A_941 : vector<512x128xf32>
      %add3A_943 = arith.addf %add3A_937, %mul3A_942 : vector<512x128xf32>
      %slice3A_944 = vector.extract_strided_slice %convert_element_type3A_845 {offsets = [0, 16], sizes = [512, 1], strides = [1, 1]} : vector<512x32xf32> to vector<512x1xf32>
      %slice3A_945 = vector.extract_strided_slice %convert_element_type3A_480 {offsets = [16, 0], sizes = [1, 128], strides = [1, 1]} : vector<32x128xf32> to vector<1x128xf32>
      %mul3A_946 = vector.broadcast %slice3A_944 : vector<512x1xf32> to vector<512x128xf32>
      %mul3A_947 = vector.broadcast %slice3A_945 : vector<1x128xf32> to vector<512x128xf32>
      %mul3A_948 = arith.mulf %mul3A_946, %mul3A_947 : vector<512x128xf32>
      %add3A_949 = arith.addf %add3A_943, %mul3A_948 : vector<512x128xf32>
      %slice3A_950 = vector.extract_strided_slice %convert_element_type3A_845 {offsets = [0, 17], sizes = [512, 1], strides = [1, 1]} : vector<512x32xf32> to vector<512x1xf32>
      %slice3A_951 = vector.extract_strided_slice %convert_element_type3A_480 {offsets = [17, 0], sizes = [1, 128], strides = [1, 1]} : vector<32x128xf32> to vector<1x128xf32>
      %mul3A_952 = vector.broadcast %slice3A_950 : vector<512x1xf32> to vector<512x128xf32>
      %mul3A_953 = vector.broadcast %slice3A_951 : vector<1x128xf32> to vector<512x128xf32>
      %mul3A_954 = arith.mulf %mul3A_952, %mul3A_953 : vector<512x128xf32>
      %add3A_955 = arith.addf %add3A_949, %mul3A_954 : vector<512x128xf32>
      %slice3A_956 = vector.extract_strided_slice %convert_element_type3A_845 {offsets = [0, 18], sizes = [512, 1], strides = [1, 1]} : vector<512x32xf32> to vector<512x1xf32>
      %slice3A_957 = vector.extract_strided_slice %convert_element_type3A_480 {offsets = [18, 0], sizes = [1, 128], strides = [1, 1]} : vector<32x128xf32> to vector<1x128xf32>
      %mul3A_958 = vector.broadcast %slice3A_956 : vector<512x1xf32> to vector<512x128xf32>
      %mul3A_959 = vector.broadcast %slice3A_957 : vector<1x128xf32> to vector<512x128xf32>
      %mul3A_960 = arith.mulf %mul3A_958, %mul3A_959 : vector<512x128xf32>
      %add3A_961 = arith.addf %add3A_955, %mul3A_960 : vector<512x128xf32>
      %slice3A_962 = vector.extract_strided_slice %convert_element_type3A_845 {offsets = [0, 19], sizes = [512, 1], strides = [1, 1]} : vector<512x32xf32> to vector<512x1xf32>
      %slice3A_963 = vector.extract_strided_slice %convert_element_type3A_480 {offsets = [19, 0], sizes = [1, 128], strides = [1, 1]} : vector<32x128xf32> to vector<1x128xf32>
      %mul3A_964 = vector.broadcast %slice3A_962 : vector<512x1xf32> to vector<512x128xf32>
      %mul3A_965 = vector.broadcast %slice3A_963 : vector<1x128xf32> to vector<512x128xf32>
      %mul3A_966 = arith.mulf %mul3A_964, %mul3A_965 : vector<512x128xf32>
      %add3A_967 = arith.addf %add3A_961, %mul3A_966 : vector<512x128xf32>
      %slice3A_968 = vector.extract_strided_slice %convert_element_type3A_845 {offsets = [0, 20], sizes = [512, 1], strides = [1, 1]} : vector<512x32xf32> to vector<512x1xf32>
      %slice3A_969 = vector.extract_strided_slice %convert_element_type3A_480 {offsets = [20, 0], sizes = [1, 128], strides = [1, 1]} : vector<32x128xf32> to vector<1x128xf32>
      %mul3A_970 = vector.broadcast %slice3A_968 : vector<512x1xf32> to vector<512x128xf32>
      %mul3A_971 = vector.broadcast %slice3A_969 : vector<1x128xf32> to vector<512x128xf32>
      %mul3A_972 = arith.mulf %mul3A_970, %mul3A_971 : vector<512x128xf32>
      %add3A_973 = arith.addf %add3A_967, %mul3A_972 : vector<512x128xf32>
      %slice3A_974 = vector.extract_strided_slice %convert_element_type3A_845 {offsets = [0, 21], sizes = [512, 1], strides = [1, 1]} : vector<512x32xf32> to vector<512x1xf32>
      %slice3A_975 = vector.extract_strided_slice %convert_element_type3A_480 {offsets = [21, 0], sizes = [1, 128], strides = [1, 1]} : vector<32x128xf32> to vector<1x128xf32>
      %mul3A_976 = vector.broadcast %slice3A_974 : vector<512x1xf32> to vector<512x128xf32>
      %mul3A_977 = vector.broadcast %slice3A_975 : vector<1x128xf32> to vector<512x128xf32>
      %mul3A_978 = arith.mulf %mul3A_976, %mul3A_977 : vector<512x128xf32>
      %add3A_979 = arith.addf %add3A_973, %mul3A_978 : vector<512x128xf32>
      %slice3A_980 = vector.extract_strided_slice %convert_element_type3A_845 {offsets = [0, 22], sizes = [512, 1], strides = [1, 1]} : vector<512x32xf32> to vector<512x1xf32>
      %slice3A_981 = vector.extract_strided_slice %convert_element_type3A_480 {offsets = [22, 0], sizes = [1, 128], strides = [1, 1]} : vector<32x128xf32> to vector<1x128xf32>
      %mul3A_982 = vector.broadcast %slice3A_980 : vector<512x1xf32> to vector<512x128xf32>
      %mul3A_983 = vector.broadcast %slice3A_981 : vector<1x128xf32> to vector<512x128xf32>
      %mul3A_984 = arith.mulf %mul3A_982, %mul3A_983 : vector<512x128xf32>
      %add3A_985 = arith.addf %add3A_979, %mul3A_984 : vector<512x128xf32>
      %slice3A_986 = vector.extract_strided_slice %convert_element_type3A_845 {offsets = [0, 23], sizes = [512, 1], strides = [1, 1]} : vector<512x32xf32> to vector<512x1xf32>
      %slice3A_987 = vector.extract_strided_slice %convert_element_type3A_480 {offsets = [23, 0], sizes = [1, 128], strides = [1, 1]} : vector<32x128xf32> to vector<1x128xf32>
      %mul3A_988 = vector.broadcast %slice3A_986 : vector<512x1xf32> to vector<512x128xf32>
      %mul3A_989 = vector.broadcast %slice3A_987 : vector<1x128xf32> to vector<512x128xf32>
      %mul3A_990 = arith.mulf %mul3A_988, %mul3A_989 : vector<512x128xf32>
      %add3A_991 = arith.addf %add3A_985, %mul3A_990 : vector<512x128xf32>
      %slice3A_992 = vector.extract_strided_slice %convert_element_type3A_845 {offsets = [0, 24], sizes = [512, 1], strides = [1, 1]} : vector<512x32xf32> to vector<512x1xf32>
      %slice3A_993 = vector.extract_strided_slice %convert_element_type3A_480 {offsets = [24, 0], sizes = [1, 128], strides = [1, 1]} : vector<32x128xf32> to vector<1x128xf32>
      %mul3A_994 = vector.broadcast %slice3A_992 : vector<512x1xf32> to vector<512x128xf32>
      %mul3A_995 = vector.broadcast %slice3A_993 : vector<1x128xf32> to vector<512x128xf32>
      %mul3A_996 = arith.mulf %mul3A_994, %mul3A_995 : vector<512x128xf32>
      %add3A_997 = arith.addf %add3A_991, %mul3A_996 : vector<512x128xf32>
      %slice3A_998 = vector.extract_strided_slice %convert_element_type3A_845 {offsets = [0, 25], sizes = [512, 1], strides = [1, 1]} : vector<512x32xf32> to vector<512x1xf32>
      %slice3A_999 = vector.extract_strided_slice %convert_element_type3A_480 {offsets = [25, 0], sizes = [1, 128], strides = [1, 1]} : vector<32x128xf32> to vector<1x128xf32>
      %mul3A_1000 = vector.broadcast %slice3A_998 : vector<512x1xf32> to vector<512x128xf32>
      %mul3A_1001 = vector.broadcast %slice3A_999 : vector<1x128xf32> to vector<512x128xf32>
      %mul3A_1002 = arith.mulf %mul3A_1000, %mul3A_1001 : vector<512x128xf32>
      %add3A_1003 = arith.addf %add3A_997, %mul3A_1002 : vector<512x128xf32>
      %slice3A_1004 = vector.extract_strided_slice %convert_element_type3A_845 {offsets = [0, 26], sizes = [512, 1], strides = [1, 1]} : vector<512x32xf32> to vector<512x1xf32>
      %slice3A_1005 = vector.extract_strided_slice %convert_element_type3A_480 {offsets = [26, 0], sizes = [1, 128], strides = [1, 1]} : vector<32x128xf32> to vector<1x128xf32>
      %mul3A_1006 = vector.broadcast %slice3A_1004 : vector<512x1xf32> to vector<512x128xf32>
      %mul3A_1007 = vector.broadcast %slice3A_1005 : vector<1x128xf32> to vector<512x128xf32>
      %mul3A_1008 = arith.mulf %mul3A_1006, %mul3A_1007 : vector<512x128xf32>
      %add3A_1009 = arith.addf %add3A_1003, %mul3A_1008 : vector<512x128xf32>
      %slice3A_1010 = vector.extract_strided_slice %convert_element_type3A_845 {offsets = [0, 27], sizes = [512, 1], strides = [1, 1]} : vector<512x32xf32> to vector<512x1xf32>
      %slice3A_1011 = vector.extract_strided_slice %convert_element_type3A_480 {offsets = [27, 0], sizes = [1, 128], strides = [1, 1]} : vector<32x128xf32> to vector<1x128xf32>
      %mul3A_1012 = vector.broadcast %slice3A_1010 : vector<512x1xf32> to vector<512x128xf32>
      %mul3A_1013 = vector.broadcast %slice3A_1011 : vector<1x128xf32> to vector<512x128xf32>
      %mul3A_1014 = arith.mulf %mul3A_1012, %mul3A_1013 : vector<512x128xf32>
      %add3A_1015 = arith.addf %add3A_1009, %mul3A_1014 : vector<512x128xf32>
      %slice3A_1016 = vector.extract_strided_slice %convert_element_type3A_845 {offsets = [0, 28], sizes = [512, 1], strides = [1, 1]} : vector<512x32xf32> to vector<512x1xf32>
      %slice3A_1017 = vector.extract_strided_slice %convert_element_type3A_480 {offsets = [28, 0], sizes = [1, 128], strides = [1, 1]} : vector<32x128xf32> to vector<1x128xf32>
      %mul3A_1018 = vector.broadcast %slice3A_1016 : vector<512x1xf32> to vector<512x128xf32>
      %mul3A_1019 = vector.broadcast %slice3A_1017 : vector<1x128xf32> to vector<512x128xf32>
      %mul3A_1020 = arith.mulf %mul3A_1018, %mul3A_1019 : vector<512x128xf32>
      %add3A_1021 = arith.addf %add3A_1015, %mul3A_1020 : vector<512x128xf32>
      %slice3A_1022 = vector.extract_strided_slice %convert_element_type3A_845 {offsets = [0, 29], sizes = [512, 1], strides = [1, 1]} : vector<512x32xf32> to vector<512x1xf32>
      %slice3A_1023 = vector.extract_strided_slice %convert_element_type3A_480 {offsets = [29, 0], sizes = [1, 128], strides = [1, 1]} : vector<32x128xf32> to vector<1x128xf32>
      %mul3A_1024 = vector.broadcast %slice3A_1022 : vector<512x1xf32> to vector<512x128xf32>
      %mul3A_1025 = vector.broadcast %slice3A_1023 : vector<1x128xf32> to vector<512x128xf32>
      %mul3A_1026 = arith.mulf %mul3A_1024, %mul3A_1025 : vector<512x128xf32>
      %add3A_1027 = arith.addf %add3A_1021, %mul3A_1026 : vector<512x128xf32>
      %slice3A_1028 = vector.extract_strided_slice %convert_element_type3A_845 {offsets = [0, 30], sizes = [512, 1], strides = [1, 1]} : vector<512x32xf32> to vector<512x1xf32>
      %slice3A_1029 = vector.extract_strided_slice %convert_element_type3A_480 {offsets = [30, 0], sizes = [1, 128], strides = [1, 1]} : vector<32x128xf32> to vector<1x128xf32>
      %mul3A_1030 = vector.broadcast %slice3A_1028 : vector<512x1xf32> to vector<512x128xf32>
      %mul3A_1031 = vector.broadcast %slice3A_1029 : vector<1x128xf32> to vector<512x128xf32>
      %mul3A_1032 = arith.mulf %mul3A_1030, %mul3A_1031 : vector<512x128xf32>
      %add3A_1033 = arith.addf %add3A_1027, %mul3A_1032 : vector<512x128xf32>
      %slice3A_1034 = vector.extract_strided_slice %convert_element_type3A_845 {offsets = [0, 31], sizes = [512, 1], strides = [1, 1]} : vector<512x32xf32> to vector<512x1xf32>
      %slice3A_1035 = vector.extract_strided_slice %convert_element_type3A_480 {offsets = [31, 0], sizes = [1, 128], strides = [1, 1]} : vector<32x128xf32> to vector<1x128xf32>
      %mul3A_1036 = vector.broadcast %slice3A_1034 : vector<512x1xf32> to vector<512x128xf32>
      %mul3A_1037 = vector.broadcast %slice3A_1035 : vector<1x128xf32> to vector<512x128xf32>
      %mul3A_1038 = arith.mulf %mul3A_1036, %mul3A_1037 : vector<512x128xf32>
      %add3A_1039 = arith.addf %add3A_1033, %mul3A_1038 : vector<512x128xf32>
      %add3A_1040 = vector.broadcast %add3A_478 : vector<1x128xf32> to vector<512x128xf32>
      %add3A_1041 = vector.broadcast %broadcast_in_dim3A_848 : vector<512x1xf32> to vector<512x128xf32>
      %add3A_1042 = arith.addf %add3A_1040, %add3A_1041 : vector<512x128xf32>
      %mul3A_1043 = arith.constant 2.000000e+00 : f32
      %mul3A_1044 = vector.broadcast %mul3A_1043 : f32 to vector<512x128xf32>
      %mul3A_1045 = arith.mulf %mul3A_1044, %add3A_1039 : vector<512x128xf32>
      %sub3A = arith.subf %add3A_1042, %mul3A_1045 : vector<512x128xf32>
      %reduce_min3A = arith.constant dense<0x7F800000> : vector<128xf32>
      %reduce_min3A_1046 = vector.multi_reduction <minimumf>, %sub3A, %reduce_min3A [0] : vector<512x128xf32> to vector<128xf32>
      %broadcast_in_dim3A_1047 = vector.shape_cast %reduce_min3A_1046 : vector<128xf32> to vector<1x128xf32>
      %iota3A = tpu.iota {dimensions = array<i32: 0>} : vector<512x128xi32>
      %eq3A = vector.broadcast %broadcast_in_dim3A_1047 : vector<1x128xf32> to vector<512x128xf32>
      %eq3A_1048 = arith.cmpf oeq, %sub3A, %eq3A : vector<512x128xf32>
      %jit3A = arith.constant 8192 : i32
      %broadcast_in_dim3A_1049 = vector.broadcast %jit3A : i32 to vector<512x128xi32>
      %select_n3A_1050 = arith.select %eq3A_1048, %iota3A, %broadcast_in_dim3A_1049 : vector<512x128xi1>, vector<512x128xi32>
      %reduce_min3A_1051 = arith.constant dense<2147483647> : vector<128xi32>
      %reduce_min3A_1052 = vector.multi_reduction <minsi>, %select_n3A_1050, %reduce_min3A_1051 [0] : vector<512x128xi32> to vector<128xi32>
      %broadcast_in_dim3A_1053 = vector.shape_cast %reduce_min3A_1052 : vector<128xi32> to vector<1x128xi32>
      %add3A_1054 = vector.broadcast %add3A_840 : i32 to vector<1x128xi32>
      %add3A_1055 = arith.addi %broadcast_in_dim3A_1053, %add3A_1054 : vector<1x128xi32>
      %lt3A_1056 = arith.cmpf olt, %broadcast_in_dim3A_1047, %scan3A_835 : vector<1x128xf32>
      %select_n3A_1057 = arith.select %lt3A_1056, %broadcast_in_dim3A_1047, %scan3A_835 : vector<1x128xi1>, vector<1x128xf32>
      %select_n3A_1058 = arith.select %lt3A_1056, %add3A_1055, %scan3A_836 : vector<1x128xi1>, vector<1x128xi32>
      scf.yield %select_n3A_1057, %select_n3A_1058 : vector<1x128xf32>, vector<1x128xi32>
    }
    %scan3A_494 = arith.constant 8 : i32
    %lt3A_495 = arith.cmpf olt, %scan3A_493#0, %broadcast_in_dim3A_482 : vector<1x128xf32>
    %select_n3A_496 = arith.select %lt3A_495, %scan3A_493#1, %broadcast_in_dim3A_484 : vector<1x128xi1>, vector<1x128xi32>
    %select_n3A_497 = arith.select %lt3A_495, %scan3A_493#0, %broadcast_in_dim3A_482 : vector<1x128xi1>, vector<1x128xf32>
    %convert_element_type3A_498 = arith.truncf %select_n3A_497 : vector<1x128xf32> to vector<1x128xbf16>
    %convert_element_type3A_499 = arith.extf %convert_element_type3A_498 : vector<1x128xbf16> to vector<1x128xf32>
    %broadcast_in_dim3A_500 = arith.constant 0x7F800000 : f32
    %broadcast_in_dim3A_501 = vector.broadcast %broadcast_in_dim3A_500 : f32 to vector<1x128xf32>
    %broadcast_in_dim3A_502 = arith.constant 0 : i32
    %broadcast_in_dim3A_503 = vector.broadcast %broadcast_in_dim3A_502 : i32 to vector<1x128xi32>
    %scan3A_504 = arith.constant 0 : i32
    %scan3A_505 = arith.constant 8 : i32
    %scan3A_506 = arith.addi %scan3A_504, %scan3A_505 : i32
    %scan3A_507 = arith.constant 1 : i32
    %scan3A_508:2 = scf.for %scan3A_834 = %scan3A_504 to %scan3A_506 step %scan3A_507 iter_args(%scan3A_835 = %broadcast_in_dim3A_501, %scan3A_836 = %broadcast_in_dim3A_503) -> (vector<1x128xf32>, vector<1x128xi32>)  : i32 {
      %mul3A_837 = arith.constant 512 : i32
      %mul3A_838 = arith.muli %scan3A_834, %mul3A_837 : i32
      %add3A_839 = arith.constant 4096 : i32
      %add3A_840 = arith.addi %add3A_839, %mul3A_838 : i32
      %get3A_841 = arith.index_cast %add3A_840 : i32 to index
      %get3A_842 = arith.constant 0 : index
      %get3A_843 = vector.load %arg2[%get3A_841, %get3A_842] : memref<8192x32xf32, #tpu.memory_space<vmem>>, vector<512x32xf32>
      %convert_element_type3A_844 = arith.truncf %get3A_843 : vector<512x32xf32> to vector<512x32xbf16>
      %convert_element_type3A_845 = arith.extf %convert_element_type3A_844 : vector<512x32xbf16> to vector<512x32xf32>
      %mul3A_846 = arith.mulf %get3A_843, %get3A_843 : vector<512x32xf32>
      %reduce_sum3A = arith.constant dense<0.000000e+00> : vector<512xf32>
      %reduce_sum3A_847 = vector.multi_reduction <add>, %mul3A_846, %reduce_sum3A [1] : vector<512x32xf32> to vector<512xf32>
      %broadcast_in_dim3A_848 = vector.shape_cast %reduce_sum3A_847 : vector<512xf32> to vector<512x1xf32>
      %slice3A_849 = vector.extract_strided_slice %convert_element_type3A_845 {offsets = [0, 0], sizes = [512, 1], strides = [1, 1]} : vector<512x32xf32> to vector<512x1xf32>
      %slice3A_850 = vector.extract_strided_slice %convert_element_type3A_480 {offsets = [0, 0], sizes = [1, 128], strides = [1, 1]} : vector<32x128xf32> to vector<1x128xf32>
      %mul3A_851 = vector.broadcast %slice3A_849 : vector<512x1xf32> to vector<512x128xf32>
      %mul3A_852 = vector.broadcast %slice3A_850 : vector<1x128xf32> to vector<512x128xf32>
      %mul3A_853 = arith.mulf %mul3A_851, %mul3A_852 : vector<512x128xf32>
      %slice3A_854 = vector.extract_strided_slice %convert_element_type3A_845 {offsets = [0, 1], sizes = [512, 1], strides = [1, 1]} : vector<512x32xf32> to vector<512x1xf32>
      %slice3A_855 = vector.extract_strided_slice %convert_element_type3A_480 {offsets = [1, 0], sizes = [1, 128], strides = [1, 1]} : vector<32x128xf32> to vector<1x128xf32>
      %mul3A_856 = vector.broadcast %slice3A_854 : vector<512x1xf32> to vector<512x128xf32>
      %mul3A_857 = vector.broadcast %slice3A_855 : vector<1x128xf32> to vector<512x128xf32>
      %mul3A_858 = arith.mulf %mul3A_856, %mul3A_857 : vector<512x128xf32>
      %add3A_859 = arith.addf %mul3A_853, %mul3A_858 : vector<512x128xf32>
      %slice3A_860 = vector.extract_strided_slice %convert_element_type3A_845 {offsets = [0, 2], sizes = [512, 1], strides = [1, 1]} : vector<512x32xf32> to vector<512x1xf32>
      %slice3A_861 = vector.extract_strided_slice %convert_element_type3A_480 {offsets = [2, 0], sizes = [1, 128], strides = [1, 1]} : vector<32x128xf32> to vector<1x128xf32>
      %mul3A_862 = vector.broadcast %slice3A_860 : vector<512x1xf32> to vector<512x128xf32>
      %mul3A_863 = vector.broadcast %slice3A_861 : vector<1x128xf32> to vector<512x128xf32>
      %mul3A_864 = arith.mulf %mul3A_862, %mul3A_863 : vector<512x128xf32>
      %add3A_865 = arith.addf %add3A_859, %mul3A_864 : vector<512x128xf32>
      %slice3A_866 = vector.extract_strided_slice %convert_element_type3A_845 {offsets = [0, 3], sizes = [512, 1], strides = [1, 1]} : vector<512x32xf32> to vector<512x1xf32>
      %slice3A_867 = vector.extract_strided_slice %convert_element_type3A_480 {offsets = [3, 0], sizes = [1, 128], strides = [1, 1]} : vector<32x128xf32> to vector<1x128xf32>
      %mul3A_868 = vector.broadcast %slice3A_866 : vector<512x1xf32> to vector<512x128xf32>
      %mul3A_869 = vector.broadcast %slice3A_867 : vector<1x128xf32> to vector<512x128xf32>
      %mul3A_870 = arith.mulf %mul3A_868, %mul3A_869 : vector<512x128xf32>
      %add3A_871 = arith.addf %add3A_865, %mul3A_870 : vector<512x128xf32>
      %slice3A_872 = vector.extract_strided_slice %convert_element_type3A_845 {offsets = [0, 4], sizes = [512, 1], strides = [1, 1]} : vector<512x32xf32> to vector<512x1xf32>
      %slice3A_873 = vector.extract_strided_slice %convert_element_type3A_480 {offsets = [4, 0], sizes = [1, 128], strides = [1, 1]} : vector<32x128xf32> to vector<1x128xf32>
      %mul3A_874 = vector.broadcast %slice3A_872 : vector<512x1xf32> to vector<512x128xf32>
      %mul3A_875 = vector.broadcast %slice3A_873 : vector<1x128xf32> to vector<512x128xf32>
      %mul3A_876 = arith.mulf %mul3A_874, %mul3A_875 : vector<512x128xf32>
      %add3A_877 = arith.addf %add3A_871, %mul3A_876 : vector<512x128xf32>
      %slice3A_878 = vector.extract_strided_slice %convert_element_type3A_845 {offsets = [0, 5], sizes = [512, 1], strides = [1, 1]} : vector<512x32xf32> to vector<512x1xf32>
      %slice3A_879 = vector.extract_strided_slice %convert_element_type3A_480 {offsets = [5, 0], sizes = [1, 128], strides = [1, 1]} : vector<32x128xf32> to vector<1x128xf32>
      %mul3A_880 = vector.broadcast %slice3A_878 : vector<512x1xf32> to vector<512x128xf32>
      %mul3A_881 = vector.broadcast %slice3A_879 : vector<1x128xf32> to vector<512x128xf32>
      %mul3A_882 = arith.mulf %mul3A_880, %mul3A_881 : vector<512x128xf32>
      %add3A_883 = arith.addf %add3A_877, %mul3A_882 : vector<512x128xf32>
      %slice3A_884 = vector.extract_strided_slice %convert_element_type3A_845 {offsets = [0, 6], sizes = [512, 1], strides = [1, 1]} : vector<512x32xf32> to vector<512x1xf32>
      %slice3A_885 = vector.extract_strided_slice %convert_element_type3A_480 {offsets = [6, 0], sizes = [1, 128], strides = [1, 1]} : vector<32x128xf32> to vector<1x128xf32>
      %mul3A_886 = vector.broadcast %slice3A_884 : vector<512x1xf32> to vector<512x128xf32>
      %mul3A_887 = vector.broadcast %slice3A_885 : vector<1x128xf32> to vector<512x128xf32>
      %mul3A_888 = arith.mulf %mul3A_886, %mul3A_887 : vector<512x128xf32>
      %add3A_889 = arith.addf %add3A_883, %mul3A_888 : vector<512x128xf32>
      %slice3A_890 = vector.extract_strided_slice %convert_element_type3A_845 {offsets = [0, 7], sizes = [512, 1], strides = [1, 1]} : vector<512x32xf32> to vector<512x1xf32>
      %slice3A_891 = vector.extract_strided_slice %convert_element_type3A_480 {offsets = [7, 0], sizes = [1, 128], strides = [1, 1]} : vector<32x128xf32> to vector<1x128xf32>
      %mul3A_892 = vector.broadcast %slice3A_890 : vector<512x1xf32> to vector<512x128xf32>
      %mul3A_893 = vector.broadcast %slice3A_891 : vector<1x128xf32> to vector<512x128xf32>
      %mul3A_894 = arith.mulf %mul3A_892, %mul3A_893 : vector<512x128xf32>
      %add3A_895 = arith.addf %add3A_889, %mul3A_894 : vector<512x128xf32>
      %slice3A_896 = vector.extract_strided_slice %convert_element_type3A_845 {offsets = [0, 8], sizes = [512, 1], strides = [1, 1]} : vector<512x32xf32> to vector<512x1xf32>
      %slice3A_897 = vector.extract_strided_slice %convert_element_type3A_480 {offsets = [8, 0], sizes = [1, 128], strides = [1, 1]} : vector<32x128xf32> to vector<1x128xf32>
      %mul3A_898 = vector.broadcast %slice3A_896 : vector<512x1xf32> to vector<512x128xf32>
      %mul3A_899 = vector.broadcast %slice3A_897 : vector<1x128xf32> to vector<512x128xf32>
      %mul3A_900 = arith.mulf %mul3A_898, %mul3A_899 : vector<512x128xf32>
      %add3A_901 = arith.addf %add3A_895, %mul3A_900 : vector<512x128xf32>
      %slice3A_902 = vector.extract_strided_slice %convert_element_type3A_845 {offsets = [0, 9], sizes = [512, 1], strides = [1, 1]} : vector<512x32xf32> to vector<512x1xf32>
      %slice3A_903 = vector.extract_strided_slice %convert_element_type3A_480 {offsets = [9, 0], sizes = [1, 128], strides = [1, 1]} : vector<32x128xf32> to vector<1x128xf32>
      %mul3A_904 = vector.broadcast %slice3A_902 : vector<512x1xf32> to vector<512x128xf32>
      %mul3A_905 = vector.broadcast %slice3A_903 : vector<1x128xf32> to vector<512x128xf32>
      %mul3A_906 = arith.mulf %mul3A_904, %mul3A_905 : vector<512x128xf32>
      %add3A_907 = arith.addf %add3A_901, %mul3A_906 : vector<512x128xf32>
      %slice3A_908 = vector.extract_strided_slice %convert_element_type3A_845 {offsets = [0, 10], sizes = [512, 1], strides = [1, 1]} : vector<512x32xf32> to vector<512x1xf32>
      %slice3A_909 = vector.extract_strided_slice %convert_element_type3A_480 {offsets = [10, 0], sizes = [1, 128], strides = [1, 1]} : vector<32x128xf32> to vector<1x128xf32>
      %mul3A_910 = vector.broadcast %slice3A_908 : vector<512x1xf32> to vector<512x128xf32>
      %mul3A_911 = vector.broadcast %slice3A_909 : vector<1x128xf32> to vector<512x128xf32>
      %mul3A_912 = arith.mulf %mul3A_910, %mul3A_911 : vector<512x128xf32>
      %add3A_913 = arith.addf %add3A_907, %mul3A_912 : vector<512x128xf32>
      %slice3A_914 = vector.extract_strided_slice %convert_element_type3A_845 {offsets = [0, 11], sizes = [512, 1], strides = [1, 1]} : vector<512x32xf32> to vector<512x1xf32>
      %slice3A_915 = vector.extract_strided_slice %convert_element_type3A_480 {offsets = [11, 0], sizes = [1, 128], strides = [1, 1]} : vector<32x128xf32> to vector<1x128xf32>
      %mul3A_916 = vector.broadcast %slice3A_914 : vector<512x1xf32> to vector<512x128xf32>
      %mul3A_917 = vector.broadcast %slice3A_915 : vector<1x128xf32> to vector<512x128xf32>
      %mul3A_918 = arith.mulf %mul3A_916, %mul3A_917 : vector<512x128xf32>
      %add3A_919 = arith.addf %add3A_913, %mul3A_918 : vector<512x128xf32>
      %slice3A_920 = vector.extract_strided_slice %convert_element_type3A_845 {offsets = [0, 12], sizes = [512, 1], strides = [1, 1]} : vector<512x32xf32> to vector<512x1xf32>
      %slice3A_921 = vector.extract_strided_slice %convert_element_type3A_480 {offsets = [12, 0], sizes = [1, 128], strides = [1, 1]} : vector<32x128xf32> to vector<1x128xf32>
      %mul3A_922 = vector.broadcast %slice3A_920 : vector<512x1xf32> to vector<512x128xf32>
      %mul3A_923 = vector.broadcast %slice3A_921 : vector<1x128xf32> to vector<512x128xf32>
      %mul3A_924 = arith.mulf %mul3A_922, %mul3A_923 : vector<512x128xf32>
      %add3A_925 = arith.addf %add3A_919, %mul3A_924 : vector<512x128xf32>
      %slice3A_926 = vector.extract_strided_slice %convert_element_type3A_845 {offsets = [0, 13], sizes = [512, 1], strides = [1, 1]} : vector<512x32xf32> to vector<512x1xf32>
      %slice3A_927 = vector.extract_strided_slice %convert_element_type3A_480 {offsets = [13, 0], sizes = [1, 128], strides = [1, 1]} : vector<32x128xf32> to vector<1x128xf32>
      %mul3A_928 = vector.broadcast %slice3A_926 : vector<512x1xf32> to vector<512x128xf32>
      %mul3A_929 = vector.broadcast %slice3A_927 : vector<1x128xf32> to vector<512x128xf32>
      %mul3A_930 = arith.mulf %mul3A_928, %mul3A_929 : vector<512x128xf32>
      %add3A_931 = arith.addf %add3A_925, %mul3A_930 : vector<512x128xf32>
      %slice3A_932 = vector.extract_strided_slice %convert_element_type3A_845 {offsets = [0, 14], sizes = [512, 1], strides = [1, 1]} : vector<512x32xf32> to vector<512x1xf32>
      %slice3A_933 = vector.extract_strided_slice %convert_element_type3A_480 {offsets = [14, 0], sizes = [1, 128], strides = [1, 1]} : vector<32x128xf32> to vector<1x128xf32>
      %mul3A_934 = vector.broadcast %slice3A_932 : vector<512x1xf32> to vector<512x128xf32>
      %mul3A_935 = vector.broadcast %slice3A_933 : vector<1x128xf32> to vector<512x128xf32>
      %mul3A_936 = arith.mulf %mul3A_934, %mul3A_935 : vector<512x128xf32>
      %add3A_937 = arith.addf %add3A_931, %mul3A_936 : vector<512x128xf32>
      %slice3A_938 = vector.extract_strided_slice %convert_element_type3A_845 {offsets = [0, 15], sizes = [512, 1], strides = [1, 1]} : vector<512x32xf32> to vector<512x1xf32>
      %slice3A_939 = vector.extract_strided_slice %convert_element_type3A_480 {offsets = [15, 0], sizes = [1, 128], strides = [1, 1]} : vector<32x128xf32> to vector<1x128xf32>
      %mul3A_940 = vector.broadcast %slice3A_938 : vector<512x1xf32> to vector<512x128xf32>
      %mul3A_941 = vector.broadcast %slice3A_939 : vector<1x128xf32> to vector<512x128xf32>
      %mul3A_942 = arith.mulf %mul3A_940, %mul3A_941 : vector<512x128xf32>
      %add3A_943 = arith.addf %add3A_937, %mul3A_942 : vector<512x128xf32>
      %slice3A_944 = vector.extract_strided_slice %convert_element_type3A_845 {offsets = [0, 16], sizes = [512, 1], strides = [1, 1]} : vector<512x32xf32> to vector<512x1xf32>
      %slice3A_945 = vector.extract_strided_slice %convert_element_type3A_480 {offsets = [16, 0], sizes = [1, 128], strides = [1, 1]} : vector<32x128xf32> to vector<1x128xf32>
      %mul3A_946 = vector.broadcast %slice3A_944 : vector<512x1xf32> to vector<512x128xf32>
      %mul3A_947 = vector.broadcast %slice3A_945 : vector<1x128xf32> to vector<512x128xf32>
      %mul3A_948 = arith.mulf %mul3A_946, %mul3A_947 : vector<512x128xf32>
      %add3A_949 = arith.addf %add3A_943, %mul3A_948 : vector<512x128xf32>
      %slice3A_950 = vector.extract_strided_slice %convert_element_type3A_845 {offsets = [0, 17], sizes = [512, 1], strides = [1, 1]} : vector<512x32xf32> to vector<512x1xf32>
      %slice3A_951 = vector.extract_strided_slice %convert_element_type3A_480 {offsets = [17, 0], sizes = [1, 128], strides = [1, 1]} : vector<32x128xf32> to vector<1x128xf32>
      %mul3A_952 = vector.broadcast %slice3A_950 : vector<512x1xf32> to vector<512x128xf32>
      %mul3A_953 = vector.broadcast %slice3A_951 : vector<1x128xf32> to vector<512x128xf32>
      %mul3A_954 = arith.mulf %mul3A_952, %mul3A_953 : vector<512x128xf32>
      %add3A_955 = arith.addf %add3A_949, %mul3A_954 : vector<512x128xf32>
      %slice3A_956 = vector.extract_strided_slice %convert_element_type3A_845 {offsets = [0, 18], sizes = [512, 1], strides = [1, 1]} : vector<512x32xf32> to vector<512x1xf32>
      %slice3A_957 = vector.extract_strided_slice %convert_element_type3A_480 {offsets = [18, 0], sizes = [1, 128], strides = [1, 1]} : vector<32x128xf32> to vector<1x128xf32>
      %mul3A_958 = vector.broadcast %slice3A_956 : vector<512x1xf32> to vector<512x128xf32>
      %mul3A_959 = vector.broadcast %slice3A_957 : vector<1x128xf32> to vector<512x128xf32>
      %mul3A_960 = arith.mulf %mul3A_958, %mul3A_959 : vector<512x128xf32>
      %add3A_961 = arith.addf %add3A_955, %mul3A_960 : vector<512x128xf32>
      %slice3A_962 = vector.extract_strided_slice %convert_element_type3A_845 {offsets = [0, 19], sizes = [512, 1], strides = [1, 1]} : vector<512x32xf32> to vector<512x1xf32>
      %slice3A_963 = vector.extract_strided_slice %convert_element_type3A_480 {offsets = [19, 0], sizes = [1, 128], strides = [1, 1]} : vector<32x128xf32> to vector<1x128xf32>
      %mul3A_964 = vector.broadcast %slice3A_962 : vector<512x1xf32> to vector<512x128xf32>
      %mul3A_965 = vector.broadcast %slice3A_963 : vector<1x128xf32> to vector<512x128xf32>
      %mul3A_966 = arith.mulf %mul3A_964, %mul3A_965 : vector<512x128xf32>
      %add3A_967 = arith.addf %add3A_961, %mul3A_966 : vector<512x128xf32>
      %slice3A_968 = vector.extract_strided_slice %convert_element_type3A_845 {offsets = [0, 20], sizes = [512, 1], strides = [1, 1]} : vector<512x32xf32> to vector<512x1xf32>
      %slice3A_969 = vector.extract_strided_slice %convert_element_type3A_480 {offsets = [20, 0], sizes = [1, 128], strides = [1, 1]} : vector<32x128xf32> to vector<1x128xf32>
      %mul3A_970 = vector.broadcast %slice3A_968 : vector<512x1xf32> to vector<512x128xf32>
      %mul3A_971 = vector.broadcast %slice3A_969 : vector<1x128xf32> to vector<512x128xf32>
      %mul3A_972 = arith.mulf %mul3A_970, %mul3A_971 : vector<512x128xf32>
      %add3A_973 = arith.addf %add3A_967, %mul3A_972 : vector<512x128xf32>
      %slice3A_974 = vector.extract_strided_slice %convert_element_type3A_845 {offsets = [0, 21], sizes = [512, 1], strides = [1, 1]} : vector<512x32xf32> to vector<512x1xf32>
      %slice3A_975 = vector.extract_strided_slice %convert_element_type3A_480 {offsets = [21, 0], sizes = [1, 128], strides = [1, 1]} : vector<32x128xf32> to vector<1x128xf32>
      %mul3A_976 = vector.broadcast %slice3A_974 : vector<512x1xf32> to vector<512x128xf32>
      %mul3A_977 = vector.broadcast %slice3A_975 : vector<1x128xf32> to vector<512x128xf32>
      %mul3A_978 = arith.mulf %mul3A_976, %mul3A_977 : vector<512x128xf32>
      %add3A_979 = arith.addf %add3A_973, %mul3A_978 : vector<512x128xf32>
      %slice3A_980 = vector.extract_strided_slice %convert_element_type3A_845 {offsets = [0, 22], sizes = [512, 1], strides = [1, 1]} : vector<512x32xf32> to vector<512x1xf32>
      %slice3A_981 = vector.extract_strided_slice %convert_element_type3A_480 {offsets = [22, 0], sizes = [1, 128], strides = [1, 1]} : vector<32x128xf32> to vector<1x128xf32>
      %mul3A_982 = vector.broadcast %slice3A_980 : vector<512x1xf32> to vector<512x128xf32>
      %mul3A_983 = vector.broadcast %slice3A_981 : vector<1x128xf32> to vector<512x128xf32>
      %mul3A_984 = arith.mulf %mul3A_982, %mul3A_983 : vector<512x128xf32>
      %add3A_985 = arith.addf %add3A_979, %mul3A_984 : vector<512x128xf32>
      %slice3A_986 = vector.extract_strided_slice %convert_element_type3A_845 {offsets = [0, 23], sizes = [512, 1], strides = [1, 1]} : vector<512x32xf32> to vector<512x1xf32>
      %slice3A_987 = vector.extract_strided_slice %convert_element_type3A_480 {offsets = [23, 0], sizes = [1, 128], strides = [1, 1]} : vector<32x128xf32> to vector<1x128xf32>
      %mul3A_988 = vector.broadcast %slice3A_986 : vector<512x1xf32> to vector<512x128xf32>
      %mul3A_989 = vector.broadcast %slice3A_987 : vector<1x128xf32> to vector<512x128xf32>
      %mul3A_990 = arith.mulf %mul3A_988, %mul3A_989 : vector<512x128xf32>
      %add3A_991 = arith.addf %add3A_985, %mul3A_990 : vector<512x128xf32>
      %slice3A_992 = vector.extract_strided_slice %convert_element_type3A_845 {offsets = [0, 24], sizes = [512, 1], strides = [1, 1]} : vector<512x32xf32> to vector<512x1xf32>
      %slice3A_993 = vector.extract_strided_slice %convert_element_type3A_480 {offsets = [24, 0], sizes = [1, 128], strides = [1, 1]} : vector<32x128xf32> to vector<1x128xf32>
      %mul3A_994 = vector.broadcast %slice3A_992 : vector<512x1xf32> to vector<512x128xf32>
      %mul3A_995 = vector.broadcast %slice3A_993 : vector<1x128xf32> to vector<512x128xf32>
      %mul3A_996 = arith.mulf %mul3A_994, %mul3A_995 : vector<512x128xf32>
      %add3A_997 = arith.addf %add3A_991, %mul3A_996 : vector<512x128xf32>
      %slice3A_998 = vector.extract_strided_slice %convert_element_type3A_845 {offsets = [0, 25], sizes = [512, 1], strides = [1, 1]} : vector<512x32xf32> to vector<512x1xf32>
      %slice3A_999 = vector.extract_strided_slice %convert_element_type3A_480 {offsets = [25, 0], sizes = [1, 128], strides = [1, 1]} : vector<32x128xf32> to vector<1x128xf32>
      %mul3A_1000 = vector.broadcast %slice3A_998 : vector<512x1xf32> to vector<512x128xf32>
      %mul3A_1001 = vector.broadcast %slice3A_999 : vector<1x128xf32> to vector<512x128xf32>
      %mul3A_1002 = arith.mulf %mul3A_1000, %mul3A_1001 : vector<512x128xf32>
      %add3A_1003 = arith.addf %add3A_997, %mul3A_1002 : vector<512x128xf32>
      %slice3A_1004 = vector.extract_strided_slice %convert_element_type3A_845 {offsets = [0, 26], sizes = [512, 1], strides = [1, 1]} : vector<512x32xf32> to vector<512x1xf32>
      %slice3A_1005 = vector.extract_strided_slice %convert_element_type3A_480 {offsets = [26, 0], sizes = [1, 128], strides = [1, 1]} : vector<32x128xf32> to vector<1x128xf32>
      %mul3A_1006 = vector.broadcast %slice3A_1004 : vector<512x1xf32> to vector<512x128xf32>
      %mul3A_1007 = vector.broadcast %slice3A_1005 : vector<1x128xf32> to vector<512x128xf32>
      %mul3A_1008 = arith.mulf %mul3A_1006, %mul3A_1007 : vector<512x128xf32>
      %add3A_1009 = arith.addf %add3A_1003, %mul3A_1008 : vector<512x128xf32>
      %slice3A_1010 = vector.extract_strided_slice %convert_element_type3A_845 {offsets = [0, 27], sizes = [512, 1], strides = [1, 1]} : vector<512x32xf32> to vector<512x1xf32>
      %slice3A_1011 = vector.extract_strided_slice %convert_element_type3A_480 {offsets = [27, 0], sizes = [1, 128], strides = [1, 1]} : vector<32x128xf32> to vector<1x128xf32>
      %mul3A_1012 = vector.broadcast %slice3A_1010 : vector<512x1xf32> to vector<512x128xf32>
      %mul3A_1013 = vector.broadcast %slice3A_1011 : vector<1x128xf32> to vector<512x128xf32>
      %mul3A_1014 = arith.mulf %mul3A_1012, %mul3A_1013 : vector<512x128xf32>
      %add3A_1015 = arith.addf %add3A_1009, %mul3A_1014 : vector<512x128xf32>
      %slice3A_1016 = vector.extract_strided_slice %convert_element_type3A_845 {offsets = [0, 28], sizes = [512, 1], strides = [1, 1]} : vector<512x32xf32> to vector<512x1xf32>
      %slice3A_1017 = vector.extract_strided_slice %convert_element_type3A_480 {offsets = [28, 0], sizes = [1, 128], strides = [1, 1]} : vector<32x128xf32> to vector<1x128xf32>
      %mul3A_1018 = vector.broadcast %slice3A_1016 : vector<512x1xf32> to vector<512x128xf32>
      %mul3A_1019 = vector.broadcast %slice3A_1017 : vector<1x128xf32> to vector<512x128xf32>
      %mul3A_1020 = arith.mulf %mul3A_1018, %mul3A_1019 : vector<512x128xf32>
      %add3A_1021 = arith.addf %add3A_1015, %mul3A_1020 : vector<512x128xf32>
      %slice3A_1022 = vector.extract_strided_slice %convert_element_type3A_845 {offsets = [0, 29], sizes = [512, 1], strides = [1, 1]} : vector<512x32xf32> to vector<512x1xf32>
      %slice3A_1023 = vector.extract_strided_slice %convert_element_type3A_480 {offsets = [29, 0], sizes = [1, 128], strides = [1, 1]} : vector<32x128xf32> to vector<1x128xf32>
      %mul3A_1024 = vector.broadcast %slice3A_1022 : vector<512x1xf32> to vector<512x128xf32>
      %mul3A_1025 = vector.broadcast %slice3A_1023 : vector<1x128xf32> to vector<512x128xf32>
      %mul3A_1026 = arith.mulf %mul3A_1024, %mul3A_1025 : vector<512x128xf32>
      %add3A_1027 = arith.addf %add3A_1021, %mul3A_1026 : vector<512x128xf32>
      %slice3A_1028 = vector.extract_strided_slice %convert_element_type3A_845 {offsets = [0, 30], sizes = [512, 1], strides = [1, 1]} : vector<512x32xf32> to vector<512x1xf32>
      %slice3A_1029 = vector.extract_strided_slice %convert_element_type3A_480 {offsets = [30, 0], sizes = [1, 128], strides = [1, 1]} : vector<32x128xf32> to vector<1x128xf32>
      %mul3A_1030 = vector.broadcast %slice3A_1028 : vector<512x1xf32> to vector<512x128xf32>
      %mul3A_1031 = vector.broadcast %slice3A_1029 : vector<1x128xf32> to vector<512x128xf32>
      %mul3A_1032 = arith.mulf %mul3A_1030, %mul3A_1031 : vector<512x128xf32>
      %add3A_1033 = arith.addf %add3A_1027, %mul3A_1032 : vector<512x128xf32>
      %slice3A_1034 = vector.extract_strided_slice %convert_element_type3A_845 {offsets = [0, 31], sizes = [512, 1], strides = [1, 1]} : vector<512x32xf32> to vector<512x1xf32>
      %slice3A_1035 = vector.extract_strided_slice %convert_element_type3A_480 {offsets = [31, 0], sizes = [1, 128], strides = [1, 1]} : vector<32x128xf32> to vector<1x128xf32>
      %mul3A_1036 = vector.broadcast %slice3A_1034 : vector<512x1xf32> to vector<512x128xf32>
      %mul3A_1037 = vector.broadcast %slice3A_1035 : vector<1x128xf32> to vector<512x128xf32>
      %mul3A_1038 = arith.mulf %mul3A_1036, %mul3A_1037 : vector<512x128xf32>
      %add3A_1039 = arith.addf %add3A_1033, %mul3A_1038 : vector<512x128xf32>
      %add3A_1040 = vector.broadcast %add3A_478 : vector<1x128xf32> to vector<512x128xf32>
      %add3A_1041 = vector.broadcast %broadcast_in_dim3A_848 : vector<512x1xf32> to vector<512x128xf32>
      %add3A_1042 = arith.addf %add3A_1040, %add3A_1041 : vector<512x128xf32>
      %mul3A_1043 = arith.constant 2.000000e+00 : f32
      %mul3A_1044 = vector.broadcast %mul3A_1043 : f32 to vector<512x128xf32>
      %mul3A_1045 = arith.mulf %mul3A_1044, %add3A_1039 : vector<512x128xf32>
      %sub3A = arith.subf %add3A_1042, %mul3A_1045 : vector<512x128xf32>
      %reduce_min3A = arith.constant dense<0x7F800000> : vector<128xf32>
      %reduce_min3A_1046 = vector.multi_reduction <minimumf>, %sub3A, %reduce_min3A [0] : vector<512x128xf32> to vector<128xf32>
      %broadcast_in_dim3A_1047 = vector.shape_cast %reduce_min3A_1046 : vector<128xf32> to vector<1x128xf32>
      %iota3A = tpu.iota {dimensions = array<i32: 0>} : vector<512x128xi32>
      %eq3A = vector.broadcast %broadcast_in_dim3A_1047 : vector<1x128xf32> to vector<512x128xf32>
      %eq3A_1048 = arith.cmpf oeq, %sub3A, %eq3A : vector<512x128xf32>
      %jit3A = arith.constant 8192 : i32
      %broadcast_in_dim3A_1049 = vector.broadcast %jit3A : i32 to vector<512x128xi32>
      %select_n3A_1050 = arith.select %eq3A_1048, %iota3A, %broadcast_in_dim3A_1049 : vector<512x128xi1>, vector<512x128xi32>
      %reduce_min3A_1051 = arith.constant dense<2147483647> : vector<128xi32>
      %reduce_min3A_1052 = vector.multi_reduction <minsi>, %select_n3A_1050, %reduce_min3A_1051 [0] : vector<512x128xi32> to vector<128xi32>
      %broadcast_in_dim3A_1053 = vector.shape_cast %reduce_min3A_1052 : vector<128xi32> to vector<1x128xi32>
      %add3A_1054 = vector.broadcast %add3A_840 : i32 to vector<1x128xi32>
      %add3A_1055 = arith.addi %broadcast_in_dim3A_1053, %add3A_1054 : vector<1x128xi32>
      %lt3A_1056 = arith.cmpf olt, %broadcast_in_dim3A_1047, %scan3A_835 : vector<1x128xf32>
      %select_n3A_1057 = arith.select %lt3A_1056, %broadcast_in_dim3A_1047, %scan3A_835 : vector<1x128xi1>, vector<1x128xf32>
      %select_n3A_1058 = arith.select %lt3A_1056, %add3A_1055, %scan3A_836 : vector<1x128xi1>, vector<1x128xi32>
      scf.yield %select_n3A_1057, %select_n3A_1058 : vector<1x128xf32>, vector<1x128xi32>
    }
    %scan3A_509 = arith.constant 8 : i32
    %lt3A_510 = arith.cmpf olt, %scan3A_508#0, %convert_element_type3A_499 : vector<1x128xf32>
    %select_n3A_511 = arith.select %lt3A_510, %scan3A_508#1, %select_n3A_496 : vector<1x128xi1>, vector<1x128xi32>
    %squeeze3A_512 = vector.shape_cast %select_n3A_511 : vector<1x128xi32> to vector<128xi32>
    %swap3A_513 = arith.constant 0 : index
    %swap3A_514 = arith.constant 4 : index
    %swap3A_515 = arith.constant 0 : index
    %swap3A_516 = vector.load %arg3[%swap3A_513, %swap3A_514, %swap3A_515] : memref<1x8x128xi32, #tpu.memory_space<vmem>>, vector<1x1x128xi32>
    %swap3A_517 = vector.shape_cast %swap3A_516 : vector<1x1x128xi32> to vector<128xi32>
    %swap3A_518 = vector.shape_cast %squeeze3A_512 : vector<128xi32> to vector<1x1x128xi32>
    tpu.vector_store %arg3[%swap3A_513, %swap3A_514, %swap3A_515], %swap3A_518 {strides = array<i32>} : memref<1x8x128xi32, #tpu.memory_space<vmem>>, vector<1x1x128xi32>,
    %slice3A_519 = vector.extract_strided_slice %get3A_3 {offsets = [0, 640], sizes = [32, 128], strides = [1, 1]} : vector<32x1024xf32> to vector<32x128xf32>
    %mul3A_520 = arith.mulf %slice3A_519, %slice3A_519 : vector<32x128xf32>
    %slice3A_521 = vector.extract_strided_slice %mul3A_520 {offsets = [0, 0], sizes = [1, 128], strides = [1, 1]} : vector<32x128xf32> to vector<1x128xf32>
    %slice3A_522 = vector.extract_strided_slice %mul3A_520 {offsets = [1, 0], sizes = [1, 128], strides = [1, 1]} : vector<32x128xf32> to vector<1x128xf32>
    %add3A_523 = arith.addf %slice3A_521, %slice3A_522 : vector<1x128xf32>
    %slice3A_524 = vector.extract_strided_slice %mul3A_520 {offsets = [2, 0], sizes = [1, 128], strides = [1, 1]} : vector<32x128xf32> to vector<1x128xf32>
    %add3A_525 = arith.addf %add3A_523, %slice3A_524 : vector<1x128xf32>
    %slice3A_526 = vector.extract_strided_slice %mul3A_520 {offsets = [3, 0], sizes = [1, 128], strides = [1, 1]} : vector<32x128xf32> to vector<1x128xf32>
    %add3A_527 = arith.addf %add3A_525, %slice3A_526 : vector<1x128xf32>
    %slice3A_528 = vector.extract_strided_slice %mul3A_520 {offsets = [4, 0], sizes = [1, 128], strides = [1, 1]} : vector<32x128xf32> to vector<1x128xf32>
    %add3A_529 = arith.addf %add3A_527, %slice3A_528 : vector<1x128xf32>
    %slice3A_530 = vector.extract_strided_slice %mul3A_520 {offsets = [5, 0], sizes = [1, 128], strides = [1, 1]} : vector<32x128xf32> to vector<1x128xf32>
    %add3A_531 = arith.addf %add3A_529, %slice3A_530 : vector<1x128xf32>
    %slice3A_532 = vector.extract_strided_slice %mul3A_520 {offsets = [6, 0], sizes = [1, 128], strides = [1, 1]} : vector<32x128xf32> to vector<1x128xf32>
    %add3A_533 = arith.addf %add3A_531, %slice3A_532 : vector<1x128xf32>
    %slice3A_534 = vector.extract_strided_slice %mul3A_520 {offsets = [7, 0], sizes = [1, 128], strides = [1, 1]} : vector<32x128xf32> to vector<1x128xf32>
    %add3A_535 = arith.addf %add3A_533, %slice3A_534 : vector<1x128xf32>
    %slice3A_536 = vector.extract_strided_slice %mul3A_520 {offsets = [8, 0], sizes = [1, 128], strides = [1, 1]} : vector<32x128xf32> to vector<1x128xf32>
    %add3A_537 = arith.addf %add3A_535, %slice3A_536 : vector<1x128xf32>
    %slice3A_538 = vector.extract_strided_slice %mul3A_520 {offsets = [9, 0], sizes = [1, 128], strides = [1, 1]} : vector<32x128xf32> to vector<1x128xf32>
    %add3A_539 = arith.addf %add3A_537, %slice3A_538 : vector<1x128xf32>
    %slice3A_540 = vector.extract_strided_slice %mul3A_520 {offsets = [10, 0], sizes = [1, 128], strides = [1, 1]} : vector<32x128xf32> to vector<1x128xf32>
    %add3A_541 = arith.addf %add3A_539, %slice3A_540 : vector<1x128xf32>
    %slice3A_542 = vector.extract_strided_slice %mul3A_520 {offsets = [11, 0], sizes = [1, 128], strides = [1, 1]} : vector<32x128xf32> to vector<1x128xf32>
    %add3A_543 = arith.addf %add3A_541, %slice3A_542 : vector<1x128xf32>
    %slice3A_544 = vector.extract_strided_slice %mul3A_520 {offsets = [12, 0], sizes = [1, 128], strides = [1, 1]} : vector<32x128xf32> to vector<1x128xf32>
    %add3A_545 = arith.addf %add3A_543, %slice3A_544 : vector<1x128xf32>
    %slice3A_546 = vector.extract_strided_slice %mul3A_520 {offsets = [13, 0], sizes = [1, 128], strides = [1, 1]} : vector<32x128xf32> to vector<1x128xf32>
    %add3A_547 = arith.addf %add3A_545, %slice3A_546 : vector<1x128xf32>
    %slice3A_548 = vector.extract_strided_slice %mul3A_520 {offsets = [14, 0], sizes = [1, 128], strides = [1, 1]} : vector<32x128xf32> to vector<1x128xf32>
    %add3A_549 = arith.addf %add3A_547, %slice3A_548 : vector<1x128xf32>
    %slice3A_550 = vector.extract_strided_slice %mul3A_520 {offsets = [15, 0], sizes = [1, 128], strides = [1, 1]} : vector<32x128xf32> to vector<1x128xf32>
    %add3A_551 = arith.addf %add3A_549, %slice3A_550 : vector<1x128xf32>
    %slice3A_552 = vector.extract_strided_slice %mul3A_520 {offsets = [16, 0], sizes = [1, 128], strides = [1, 1]} : vector<32x128xf32> to vector<1x128xf32>
    %add3A_553 = arith.addf %add3A_551, %slice3A_552 : vector<1x128xf32>
    %slice3A_554 = vector.extract_strided_slice %mul3A_520 {offsets = [17, 0], sizes = [1, 128], strides = [1, 1]} : vector<32x128xf32> to vector<1x128xf32>
    %add3A_555 = arith.addf %add3A_553, %slice3A_554 : vector<1x128xf32>
    %slice3A_556 = vector.extract_strided_slice %mul3A_520 {offsets = [18, 0], sizes = [1, 128], strides = [1, 1]} : vector<32x128xf32> to vector<1x128xf32>
    %add3A_557 = arith.addf %add3A_555, %slice3A_556 : vector<1x128xf32>
    %slice3A_558 = vector.extract_strided_slice %mul3A_520 {offsets = [19, 0], sizes = [1, 128], strides = [1, 1]} : vector<32x128xf32> to vector<1x128xf32>
    %add3A_559 = arith.addf %add3A_557, %slice3A_558 : vector<1x128xf32>
    %slice3A_560 = vector.extract_strided_slice %mul3A_520 {offsets = [20, 0], sizes = [1, 128], strides = [1, 1]} : vector<32x128xf32> to vector<1x128xf32>
    %add3A_561 = arith.addf %add3A_559, %slice3A_560 : vector<1x128xf32>
    %slice3A_562 = vector.extract_strided_slice %mul3A_520 {offsets = [21, 0], sizes = [1, 128], strides = [1, 1]} : vector<32x128xf32> to vector<1x128xf32>
    %add3A_563 = arith.addf %add3A_561, %slice3A_562 : vector<1x128xf32>
    %slice3A_564 = vector.extract_strided_slice %mul3A_520 {offsets = [22, 0], sizes = [1, 128], strides = [1, 1]} : vector<32x128xf32> to vector<1x128xf32>
    %add3A_565 = arith.addf %add3A_563, %slice3A_564 : vector<1x128xf32>
    %slice3A_566 = vector.extract_strided_slice %mul3A_520 {offsets = [23, 0], sizes = [1, 128], strides = [1, 1]} : vector<32x128xf32> to vector<1x128xf32>
    %add3A_567 = arith.addf %add3A_565, %slice3A_566 : vector<1x128xf32>
    %slice3A_568 = vector.extract_strided_slice %mul3A_520 {offsets = [24, 0], sizes = [1, 128], strides = [1, 1]} : vector<32x128xf32> to vector<1x128xf32>
    %add3A_569 = arith.addf %add3A_567, %slice3A_568 : vector<1x128xf32>
    %slice3A_570 = vector.extract_strided_slice %mul3A_520 {offsets = [25, 0], sizes = [1, 128], strides = [1, 1]} : vector<32x128xf32> to vector<1x128xf32>
    %add3A_571 = arith.addf %add3A_569, %slice3A_570 : vector<1x128xf32>
    %slice3A_572 = vector.extract_strided_slice %mul3A_520 {offsets = [26, 0], sizes = [1, 128], strides = [1, 1]} : vector<32x128xf32> to vector<1x128xf32>
    %add3A_573 = arith.addf %add3A_571, %slice3A_572 : vector<1x128xf32>
    %slice3A_574 = vector.extract_strided_slice %mul3A_520 {offsets = [27, 0], sizes = [1, 128], strides = [1, 1]} : vector<32x128xf32> to vector<1x128xf32>
    %add3A_575 = arith.addf %add3A_573, %slice3A_574 : vector<1x128xf32>
    %slice3A_576 = vector.extract_strided_slice %mul3A_520 {offsets = [28, 0], sizes = [1, 128], strides = [1, 1]} : vector<32x128xf32> to vector<1x128xf32>
    %add3A_577 = arith.addf %add3A_575, %slice3A_576 : vector<1x128xf32>
    %slice3A_578 = vector.extract_strided_slice %mul3A_520 {offsets = [29, 0], sizes = [1, 128], strides = [1, 1]} : vector<32x128xf32> to vector<1x128xf32>
    %add3A_579 = arith.addf %add3A_577, %slice3A_578 : vector<1x128xf32>
    %slice3A_580 = vector.extract_strided_slice %mul3A_520 {offsets = [30, 0], sizes = [1, 128], strides = [1, 1]} : vector<32x128xf32> to vector<1x128xf32>
    %add3A_581 = arith.addf %add3A_579, %slice3A_580 : vector<1x128xf32>
    %slice3A_582 = vector.extract_strided_slice %mul3A_520 {offsets = [31, 0], sizes = [1, 128], strides = [1, 1]} : vector<32x128xf32> to vector<1x128xf32>
    %add3A_583 = arith.addf %add3A_581, %slice3A_582 : vector<1x128xf32>
    %convert_element_type3A_584 = arith.truncf %slice3A_519 : vector<32x128xf32> to vector<32x128xbf16>
    %convert_element_type3A_585 = arith.extf %convert_element_type3A_584 : vector<32x128xbf16> to vector<32x128xf32>
    %broadcast_in_dim3A_586 = arith.constant 0x7F800000 : f32
    %broadcast_in_dim3A_587 = vector.broadcast %broadcast_in_dim3A_586 : f32 to vector<1x128xf32>
    %broadcast_in_dim3A_588 = arith.constant 0 : i32
    %broadcast_in_dim3A_589 = vector.broadcast %broadcast_in_dim3A_588 : i32 to vector<1x128xi32>
    %broadcast_in_dim3A_590 = arith.constant 0x7F800000 : f32
    %broadcast_in_dim3A_591 = vector.broadcast %broadcast_in_dim3A_590 : f32 to vector<1x128xf32>
    %broadcast_in_dim3A_592 = arith.constant 0 : i32
    %broadcast_in_dim3A_593 = vector.broadcast %broadcast_in_dim3A_592 : i32 to vector<1x128xi32>
    %scan3A_594 = arith.constant 0 : i32
    %scan3A_595 = arith.constant 8 : i32
    %scan3A_596 = arith.addi %scan3A_594, %scan3A_595 : i32
    %scan3A_597 = arith.constant 1 : i32
    %scan3A_598:2 = scf.for %scan3A_834 = %scan3A_594 to %scan3A_596 step %scan3A_597 iter_args(%scan3A_835 = %broadcast_in_dim3A_591, %scan3A_836 = %broadcast_in_dim3A_593) -> (vector<1x128xf32>, vector<1x128xi32>)  : i32 {
      %mul3A_837 = arith.constant 512 : i32
      %mul3A_838 = arith.muli %scan3A_834, %mul3A_837 : i32
      %add3A_839 = arith.constant 0 : i32
      %add3A_840 = arith.addi %add3A_839, %mul3A_838 : i32
      %get3A_841 = arith.index_cast %add3A_840 : i32 to index
      %get3A_842 = arith.constant 0 : index
      %get3A_843 = vector.load %arg2[%get3A_841, %get3A_842] : memref<8192x32xf32, #tpu.memory_space<vmem>>, vector<512x32xf32>
      %convert_element_type3A_844 = arith.truncf %get3A_843 : vector<512x32xf32> to vector<512x32xbf16>
      %convert_element_type3A_845 = arith.extf %convert_element_type3A_844 : vector<512x32xbf16> to vector<512x32xf32>
      %mul3A_846 = arith.mulf %get3A_843, %get3A_843 : vector<512x32xf32>
      %reduce_sum3A = arith.constant dense<0.000000e+00> : vector<512xf32>
      %reduce_sum3A_847 = vector.multi_reduction <add>, %mul3A_846, %reduce_sum3A [1] : vector<512x32xf32> to vector<512xf32>
      %broadcast_in_dim3A_848 = vector.shape_cast %reduce_sum3A_847 : vector<512xf32> to vector<512x1xf32>
      %slice3A_849 = vector.extract_strided_slice %convert_element_type3A_845 {offsets = [0, 0], sizes = [512, 1], strides = [1, 1]} : vector<512x32xf32> to vector<512x1xf32>
      %slice3A_850 = vector.extract_strided_slice %convert_element_type3A_585 {offsets = [0, 0], sizes = [1, 128], strides = [1, 1]} : vector<32x128xf32> to vector<1x128xf32>
      %mul3A_851 = vector.broadcast %slice3A_849 : vector<512x1xf32> to vector<512x128xf32>
      %mul3A_852 = vector.broadcast %slice3A_850 : vector<1x128xf32> to vector<512x128xf32>
      %mul3A_853 = arith.mulf %mul3A_851, %mul3A_852 : vector<512x128xf32>
      %slice3A_854 = vector.extract_strided_slice %convert_element_type3A_845 {offsets = [0, 1], sizes = [512, 1], strides = [1, 1]} : vector<512x32xf32> to vector<512x1xf32>
      %slice3A_855 = vector.extract_strided_slice %convert_element_type3A_585 {offsets = [1, 0], sizes = [1, 128], strides = [1, 1]} : vector<32x128xf32> to vector<1x128xf32>
      %mul3A_856 = vector.broadcast %slice3A_854 : vector<512x1xf32> to vector<512x128xf32>
      %mul3A_857 = vector.broadcast %slice3A_855 : vector<1x128xf32> to vector<512x128xf32>
      %mul3A_858 = arith.mulf %mul3A_856, %mul3A_857 : vector<512x128xf32>
      %add3A_859 = arith.addf %mul3A_853, %mul3A_858 : vector<512x128xf32>
      %slice3A_860 = vector.extract_strided_slice %convert_element_type3A_845 {offsets = [0, 2], sizes = [512, 1], strides = [1, 1]} : vector<512x32xf32> to vector<512x1xf32>
      %slice3A_861 = vector.extract_strided_slice %convert_element_type3A_585 {offsets = [2, 0], sizes = [1, 128], strides = [1, 1]} : vector<32x128xf32> to vector<1x128xf32>
      %mul3A_862 = vector.broadcast %slice3A_860 : vector<512x1xf32> to vector<512x128xf32>
      %mul3A_863 = vector.broadcast %slice3A_861 : vector<1x128xf32> to vector<512x128xf32>
      %mul3A_864 = arith.mulf %mul3A_862, %mul3A_863 : vector<512x128xf32>
      %add3A_865 = arith.addf %add3A_859, %mul3A_864 : vector<512x128xf32>
      %slice3A_866 = vector.extract_strided_slice %convert_element_type3A_845 {offsets = [0, 3], sizes = [512, 1], strides = [1, 1]} : vector<512x32xf32> to vector<512x1xf32>
      %slice3A_867 = vector.extract_strided_slice %convert_element_type3A_585 {offsets = [3, 0], sizes = [1, 128], strides = [1, 1]} : vector<32x128xf32> to vector<1x128xf32>
      %mul3A_868 = vector.broadcast %slice3A_866 : vector<512x1xf32> to vector<512x128xf32>
      %mul3A_869 = vector.broadcast %slice3A_867 : vector<1x128xf32> to vector<512x128xf32>
      %mul3A_870 = arith.mulf %mul3A_868, %mul3A_869 : vector<512x128xf32>
      %add3A_871 = arith.addf %add3A_865, %mul3A_870 : vector<512x128xf32>
      %slice3A_872 = vector.extract_strided_slice %convert_element_type3A_845 {offsets = [0, 4], sizes = [512, 1], strides = [1, 1]} : vector<512x32xf32> to vector<512x1xf32>
      %slice3A_873 = vector.extract_strided_slice %convert_element_type3A_585 {offsets = [4, 0], sizes = [1, 128], strides = [1, 1]} : vector<32x128xf32> to vector<1x128xf32>
      %mul3A_874 = vector.broadcast %slice3A_872 : vector<512x1xf32> to vector<512x128xf32>
      %mul3A_875 = vector.broadcast %slice3A_873 : vector<1x128xf32> to vector<512x128xf32>
      %mul3A_876 = arith.mulf %mul3A_874, %mul3A_875 : vector<512x128xf32>
      %add3A_877 = arith.addf %add3A_871, %mul3A_876 : vector<512x128xf32>
      %slice3A_878 = vector.extract_strided_slice %convert_element_type3A_845 {offsets = [0, 5], sizes = [512, 1], strides = [1, 1]} : vector<512x32xf32> to vector<512x1xf32>
      %slice3A_879 = vector.extract_strided_slice %convert_element_type3A_585 {offsets = [5, 0], sizes = [1, 128], strides = [1, 1]} : vector<32x128xf32> to vector<1x128xf32>
      %mul3A_880 = vector.broadcast %slice3A_878 : vector<512x1xf32> to vector<512x128xf32>
      %mul3A_881 = vector.broadcast %slice3A_879 : vector<1x128xf32> to vector<512x128xf32>
      %mul3A_882 = arith.mulf %mul3A_880, %mul3A_881 : vector<512x128xf32>
      %add3A_883 = arith.addf %add3A_877, %mul3A_882 : vector<512x128xf32>
      %slice3A_884 = vector.extract_strided_slice %convert_element_type3A_845 {offsets = [0, 6], sizes = [512, 1], strides = [1, 1]} : vector<512x32xf32> to vector<512x1xf32>
      %slice3A_885 = vector.extract_strided_slice %convert_element_type3A_585 {offsets = [6, 0], sizes = [1, 128], strides = [1, 1]} : vector<32x128xf32> to vector<1x128xf32>
      %mul3A_886 = vector.broadcast %slice3A_884 : vector<512x1xf32> to vector<512x128xf32>
      %mul3A_887 = vector.broadcast %slice3A_885 : vector<1x128xf32> to vector<512x128xf32>
      %mul3A_888 = arith.mulf %mul3A_886, %mul3A_887 : vector<512x128xf32>
      %add3A_889 = arith.addf %add3A_883, %mul3A_888 : vector<512x128xf32>
      %slice3A_890 = vector.extract_strided_slice %convert_element_type3A_845 {offsets = [0, 7], sizes = [512, 1], strides = [1, 1]} : vector<512x32xf32> to vector<512x1xf32>
      %slice3A_891 = vector.extract_strided_slice %convert_element_type3A_585 {offsets = [7, 0], sizes = [1, 128], strides = [1, 1]} : vector<32x128xf32> to vector<1x128xf32>
      %mul3A_892 = vector.broadcast %slice3A_890 : vector<512x1xf32> to vector<512x128xf32>
      %mul3A_893 = vector.broadcast %slice3A_891 : vector<1x128xf32> to vector<512x128xf32>
      %mul3A_894 = arith.mulf %mul3A_892, %mul3A_893 : vector<512x128xf32>
      %add3A_895 = arith.addf %add3A_889, %mul3A_894 : vector<512x128xf32>
      %slice3A_896 = vector.extract_strided_slice %convert_element_type3A_845 {offsets = [0, 8], sizes = [512, 1], strides = [1, 1]} : vector<512x32xf32> to vector<512x1xf32>
      %slice3A_897 = vector.extract_strided_slice %convert_element_type3A_585 {offsets = [8, 0], sizes = [1, 128], strides = [1, 1]} : vector<32x128xf32> to vector<1x128xf32>
      %mul3A_898 = vector.broadcast %slice3A_896 : vector<512x1xf32> to vector<512x128xf32>
      %mul3A_899 = vector.broadcast %slice3A_897 : vector<1x128xf32> to vector<512x128xf32>
      %mul3A_900 = arith.mulf %mul3A_898, %mul3A_899 : vector<512x128xf32>
      %add3A_901 = arith.addf %add3A_895, %mul3A_900 : vector<512x128xf32>
      %slice3A_902 = vector.extract_strided_slice %convert_element_type3A_845 {offsets = [0, 9], sizes = [512, 1], strides = [1, 1]} : vector<512x32xf32> to vector<512x1xf32>
      %slice3A_903 = vector.extract_strided_slice %convert_element_type3A_585 {offsets = [9, 0], sizes = [1, 128], strides = [1, 1]} : vector<32x128xf32> to vector<1x128xf32>
      %mul3A_904 = vector.broadcast %slice3A_902 : vector<512x1xf32> to vector<512x128xf32>
      %mul3A_905 = vector.broadcast %slice3A_903 : vector<1x128xf32> to vector<512x128xf32>
      %mul3A_906 = arith.mulf %mul3A_904, %mul3A_905 : vector<512x128xf32>
      %add3A_907 = arith.addf %add3A_901, %mul3A_906 : vector<512x128xf32>
      %slice3A_908 = vector.extract_strided_slice %convert_element_type3A_845 {offsets = [0, 10], sizes = [512, 1], strides = [1, 1]} : vector<512x32xf32> to vector<512x1xf32>
      %slice3A_909 = vector.extract_strided_slice %convert_element_type3A_585 {offsets = [10, 0], sizes = [1, 128], strides = [1, 1]} : vector<32x128xf32> to vector<1x128xf32>
      %mul3A_910 = vector.broadcast %slice3A_908 : vector<512x1xf32> to vector<512x128xf32>
      %mul3A_911 = vector.broadcast %slice3A_909 : vector<1x128xf32> to vector<512x128xf32>
      %mul3A_912 = arith.mulf %mul3A_910, %mul3A_911 : vector<512x128xf32>
      %add3A_913 = arith.addf %add3A_907, %mul3A_912 : vector<512x128xf32>
      %slice3A_914 = vector.extract_strided_slice %convert_element_type3A_845 {offsets = [0, 11], sizes = [512, 1], strides = [1, 1]} : vector<512x32xf32> to vector<512x1xf32>
      %slice3A_915 = vector.extract_strided_slice %convert_element_type3A_585 {offsets = [11, 0], sizes = [1, 128], strides = [1, 1]} : vector<32x128xf32> to vector<1x128xf32>
      %mul3A_916 = vector.broadcast %slice3A_914 : vector<512x1xf32> to vector<512x128xf32>
      %mul3A_917 = vector.broadcast %slice3A_915 : vector<1x128xf32> to vector<512x128xf32>
      %mul3A_918 = arith.mulf %mul3A_916, %mul3A_917 : vector<512x128xf32>
      %add3A_919 = arith.addf %add3A_913, %mul3A_918 : vector<512x128xf32>
      %slice3A_920 = vector.extract_strided_slice %convert_element_type3A_845 {offsets = [0, 12], sizes = [512, 1], strides = [1, 1]} : vector<512x32xf32> to vector<512x1xf32>
      %slice3A_921 = vector.extract_strided_slice %convert_element_type3A_585 {offsets = [12, 0], sizes = [1, 128], strides = [1, 1]} : vector<32x128xf32> to vector<1x128xf32>
      %mul3A_922 = vector.broadcast %slice3A_920 : vector<512x1xf32> to vector<512x128xf32>
      %mul3A_923 = vector.broadcast %slice3A_921 : vector<1x128xf32> to vector<512x128xf32>
      %mul3A_924 = arith.mulf %mul3A_922, %mul3A_923 : vector<512x128xf32>
      %add3A_925 = arith.addf %add3A_919, %mul3A_924 : vector<512x128xf32>
      %slice3A_926 = vector.extract_strided_slice %convert_element_type3A_845 {offsets = [0, 13], sizes = [512, 1], strides = [1, 1]} : vector<512x32xf32> to vector<512x1xf32>
      %slice3A_927 = vector.extract_strided_slice %convert_element_type3A_585 {offsets = [13, 0], sizes = [1, 128], strides = [1, 1]} : vector<32x128xf32> to vector<1x128xf32>
      %mul3A_928 = vector.broadcast %slice3A_926 : vector<512x1xf32> to vector<512x128xf32>
      %mul3A_929 = vector.broadcast %slice3A_927 : vector<1x128xf32> to vector<512x128xf32>
      %mul3A_930 = arith.mulf %mul3A_928, %mul3A_929 : vector<512x128xf32>
      %add3A_931 = arith.addf %add3A_925, %mul3A_930 : vector<512x128xf32>
      %slice3A_932 = vector.extract_strided_slice %convert_element_type3A_845 {offsets = [0, 14], sizes = [512, 1], strides = [1, 1]} : vector<512x32xf32> to vector<512x1xf32>
      %slice3A_933 = vector.extract_strided_slice %convert_element_type3A_585 {offsets = [14, 0], sizes = [1, 128], strides = [1, 1]} : vector<32x128xf32> to vector<1x128xf32>
      %mul3A_934 = vector.broadcast %slice3A_932 : vector<512x1xf32> to vector<512x128xf32>
      %mul3A_935 = vector.broadcast %slice3A_933 : vector<1x128xf32> to vector<512x128xf32>
      %mul3A_936 = arith.mulf %mul3A_934, %mul3A_935 : vector<512x128xf32>
      %add3A_937 = arith.addf %add3A_931, %mul3A_936 : vector<512x128xf32>
      %slice3A_938 = vector.extract_strided_slice %convert_element_type3A_845 {offsets = [0, 15], sizes = [512, 1], strides = [1, 1]} : vector<512x32xf32> to vector<512x1xf32>
      %slice3A_939 = vector.extract_strided_slice %convert_element_type3A_585 {offsets = [15, 0], sizes = [1, 128], strides = [1, 1]} : vector<32x128xf32> to vector<1x128xf32>
      %mul3A_940 = vector.broadcast %slice3A_938 : vector<512x1xf32> to vector<512x128xf32>
      %mul3A_941 = vector.broadcast %slice3A_939 : vector<1x128xf32> to vector<512x128xf32>
      %mul3A_942 = arith.mulf %mul3A_940, %mul3A_941 : vector<512x128xf32>
      %add3A_943 = arith.addf %add3A_937, %mul3A_942 : vector<512x128xf32>
      %slice3A_944 = vector.extract_strided_slice %convert_element_type3A_845 {offsets = [0, 16], sizes = [512, 1], strides = [1, 1]} : vector<512x32xf32> to vector<512x1xf32>
      %slice3A_945 = vector.extract_strided_slice %convert_element_type3A_585 {offsets = [16, 0], sizes = [1, 128], strides = [1, 1]} : vector<32x128xf32> to vector<1x128xf32>
      %mul3A_946 = vector.broadcast %slice3A_944 : vector<512x1xf32> to vector<512x128xf32>
      %mul3A_947 = vector.broadcast %slice3A_945 : vector<1x128xf32> to vector<512x128xf32>
      %mul3A_948 = arith.mulf %mul3A_946, %mul3A_947 : vector<512x128xf32>
      %add3A_949 = arith.addf %add3A_943, %mul3A_948 : vector<512x128xf32>
      %slice3A_950 = vector.extract_strided_slice %convert_element_type3A_845 {offsets = [0, 17], sizes = [512, 1], strides = [1, 1]} : vector<512x32xf32> to vector<512x1xf32>
      %slice3A_951 = vector.extract_strided_slice %convert_element_type3A_585 {offsets = [17, 0], sizes = [1, 128], strides = [1, 1]} : vector<32x128xf32> to vector<1x128xf32>
      %mul3A_952 = vector.broadcast %slice3A_950 : vector<512x1xf32> to vector<512x128xf32>
      %mul3A_953 = vector.broadcast %slice3A_951 : vector<1x128xf32> to vector<512x128xf32>
      %mul3A_954 = arith.mulf %mul3A_952, %mul3A_953 : vector<512x128xf32>
      %add3A_955 = arith.addf %add3A_949, %mul3A_954 : vector<512x128xf32>
      %slice3A_956 = vector.extract_strided_slice %convert_element_type3A_845 {offsets = [0, 18], sizes = [512, 1], strides = [1, 1]} : vector<512x32xf32> to vector<512x1xf32>
      %slice3A_957 = vector.extract_strided_slice %convert_element_type3A_585 {offsets = [18, 0], sizes = [1, 128], strides = [1, 1]} : vector<32x128xf32> to vector<1x128xf32>
      %mul3A_958 = vector.broadcast %slice3A_956 : vector<512x1xf32> to vector<512x128xf32>
      %mul3A_959 = vector.broadcast %slice3A_957 : vector<1x128xf32> to vector<512x128xf32>
      %mul3A_960 = arith.mulf %mul3A_958, %mul3A_959 : vector<512x128xf32>
      %add3A_961 = arith.addf %add3A_955, %mul3A_960 : vector<512x128xf32>
      %slice3A_962 = vector.extract_strided_slice %convert_element_type3A_845 {offsets = [0, 19], sizes = [512, 1], strides = [1, 1]} : vector<512x32xf32> to vector<512x1xf32>
      %slice3A_963 = vector.extract_strided_slice %convert_element_type3A_585 {offsets = [19, 0], sizes = [1, 128], strides = [1, 1]} : vector<32x128xf32> to vector<1x128xf32>
      %mul3A_964 = vector.broadcast %slice3A_962 : vector<512x1xf32> to vector<512x128xf32>
      %mul3A_965 = vector.broadcast %slice3A_963 : vector<1x128xf32> to vector<512x128xf32>
      %mul3A_966 = arith.mulf %mul3A_964, %mul3A_965 : vector<512x128xf32>
      %add3A_967 = arith.addf %add3A_961, %mul3A_966 : vector<512x128xf32>
      %slice3A_968 = vector.extract_strided_slice %convert_element_type3A_845 {offsets = [0, 20], sizes = [512, 1], strides = [1, 1]} : vector<512x32xf32> to vector<512x1xf32>
      %slice3A_969 = vector.extract_strided_slice %convert_element_type3A_585 {offsets = [20, 0], sizes = [1, 128], strides = [1, 1]} : vector<32x128xf32> to vector<1x128xf32>
      %mul3A_970 = vector.broadcast %slice3A_968 : vector<512x1xf32> to vector<512x128xf32>
      %mul3A_971 = vector.broadcast %slice3A_969 : vector<1x128xf32> to vector<512x128xf32>
      %mul3A_972 = arith.mulf %mul3A_970, %mul3A_971 : vector<512x128xf32>
      %add3A_973 = arith.addf %add3A_967, %mul3A_972 : vector<512x128xf32>
      %slice3A_974 = vector.extract_strided_slice %convert_element_type3A_845 {offsets = [0, 21], sizes = [512, 1], strides = [1, 1]} : vector<512x32xf32> to vector<512x1xf32>
      %slice3A_975 = vector.extract_strided_slice %convert_element_type3A_585 {offsets = [21, 0], sizes = [1, 128], strides = [1, 1]} : vector<32x128xf32> to vector<1x128xf32>
      %mul3A_976 = vector.broadcast %slice3A_974 : vector<512x1xf32> to vector<512x128xf32>
      %mul3A_977 = vector.broadcast %slice3A_975 : vector<1x128xf32> to vector<512x128xf32>
      %mul3A_978 = arith.mulf %mul3A_976, %mul3A_977 : vector<512x128xf32>
      %add3A_979 = arith.addf %add3A_973, %mul3A_978 : vector<512x128xf32>
      %slice3A_980 = vector.extract_strided_slice %convert_element_type3A_845 {offsets = [0, 22], sizes = [512, 1], strides = [1, 1]} : vector<512x32xf32> to vector<512x1xf32>
      %slice3A_981 = vector.extract_strided_slice %convert_element_type3A_585 {offsets = [22, 0], sizes = [1, 128], strides = [1, 1]} : vector<32x128xf32> to vector<1x128xf32>
      %mul3A_982 = vector.broadcast %slice3A_980 : vector<512x1xf32> to vector<512x128xf32>
      %mul3A_983 = vector.broadcast %slice3A_981 : vector<1x128xf32> to vector<512x128xf32>
      %mul3A_984 = arith.mulf %mul3A_982, %mul3A_983 : vector<512x128xf32>
      %add3A_985 = arith.addf %add3A_979, %mul3A_984 : vector<512x128xf32>
      %slice3A_986 = vector.extract_strided_slice %convert_element_type3A_845 {offsets = [0, 23], sizes = [512, 1], strides = [1, 1]} : vector<512x32xf32> to vector<512x1xf32>
      %slice3A_987 = vector.extract_strided_slice %convert_element_type3A_585 {offsets = [23, 0], sizes = [1, 128], strides = [1, 1]} : vector<32x128xf32> to vector<1x128xf32>
      %mul3A_988 = vector.broadcast %slice3A_986 : vector<512x1xf32> to vector<512x128xf32>
      %mul3A_989 = vector.broadcast %slice3A_987 : vector<1x128xf32> to vector<512x128xf32>
      %mul3A_990 = arith.mulf %mul3A_988, %mul3A_989 : vector<512x128xf32>
      %add3A_991 = arith.addf %add3A_985, %mul3A_990 : vector<512x128xf32>
      %slice3A_992 = vector.extract_strided_slice %convert_element_type3A_845 {offsets = [0, 24], sizes = [512, 1], strides = [1, 1]} : vector<512x32xf32> to vector<512x1xf32>
      %slice3A_993 = vector.extract_strided_slice %convert_element_type3A_585 {offsets = [24, 0], sizes = [1, 128], strides = [1, 1]} : vector<32x128xf32> to vector<1x128xf32>
      %mul3A_994 = vector.broadcast %slice3A_992 : vector<512x1xf32> to vector<512x128xf32>
      %mul3A_995 = vector.broadcast %slice3A_993 : vector<1x128xf32> to vector<512x128xf32>
      %mul3A_996 = arith.mulf %mul3A_994, %mul3A_995 : vector<512x128xf32>
      %add3A_997 = arith.addf %add3A_991, %mul3A_996 : vector<512x128xf32>
      %slice3A_998 = vector.extract_strided_slice %convert_element_type3A_845 {offsets = [0, 25], sizes = [512, 1], strides = [1, 1]} : vector<512x32xf32> to vector<512x1xf32>
      %slice3A_999 = vector.extract_strided_slice %convert_element_type3A_585 {offsets = [25, 0], sizes = [1, 128], strides = [1, 1]} : vector<32x128xf32> to vector<1x128xf32>
      %mul3A_1000 = vector.broadcast %slice3A_998 : vector<512x1xf32> to vector<512x128xf32>
      %mul3A_1001 = vector.broadcast %slice3A_999 : vector<1x128xf32> to vector<512x128xf32>
      %mul3A_1002 = arith.mulf %mul3A_1000, %mul3A_1001 : vector<512x128xf32>
      %add3A_1003 = arith.addf %add3A_997, %mul3A_1002 : vector<512x128xf32>
      %slice3A_1004 = vector.extract_strided_slice %convert_element_type3A_845 {offsets = [0, 26], sizes = [512, 1], strides = [1, 1]} : vector<512x32xf32> to vector<512x1xf32>
      %slice3A_1005 = vector.extract_strided_slice %convert_element_type3A_585 {offsets = [26, 0], sizes = [1, 128], strides = [1, 1]} : vector<32x128xf32> to vector<1x128xf32>
      %mul3A_1006 = vector.broadcast %slice3A_1004 : vector<512x1xf32> to vector<512x128xf32>
      %mul3A_1007 = vector.broadcast %slice3A_1005 : vector<1x128xf32> to vector<512x128xf32>
      %mul3A_1008 = arith.mulf %mul3A_1006, %mul3A_1007 : vector<512x128xf32>
      %add3A_1009 = arith.addf %add3A_1003, %mul3A_1008 : vector<512x128xf32>
      %slice3A_1010 = vector.extract_strided_slice %convert_element_type3A_845 {offsets = [0, 27], sizes = [512, 1], strides = [1, 1]} : vector<512x32xf32> to vector<512x1xf32>
      %slice3A_1011 = vector.extract_strided_slice %convert_element_type3A_585 {offsets = [27, 0], sizes = [1, 128], strides = [1, 1]} : vector<32x128xf32> to vector<1x128xf32>
      %mul3A_1012 = vector.broadcast %slice3A_1010 : vector<512x1xf32> to vector<512x128xf32>
      %mul3A_1013 = vector.broadcast %slice3A_1011 : vector<1x128xf32> to vector<512x128xf32>
      %mul3A_1014 = arith.mulf %mul3A_1012, %mul3A_1013 : vector<512x128xf32>
      %add3A_1015 = arith.addf %add3A_1009, %mul3A_1014 : vector<512x128xf32>
      %slice3A_1016 = vector.extract_strided_slice %convert_element_type3A_845 {offsets = [0, 28], sizes = [512, 1], strides = [1, 1]} : vector<512x32xf32> to vector<512x1xf32>
      %slice3A_1017 = vector.extract_strided_slice %convert_element_type3A_585 {offsets = [28, 0], sizes = [1, 128], strides = [1, 1]} : vector<32x128xf32> to vector<1x128xf32>
      %mul3A_1018 = vector.broadcast %slice3A_1016 : vector<512x1xf32> to vector<512x128xf32>
      %mul3A_1019 = vector.broadcast %slice3A_1017 : vector<1x128xf32> to vector<512x128xf32>
      %mul3A_1020 = arith.mulf %mul3A_1018, %mul3A_1019 : vector<512x128xf32>
      %add3A_1021 = arith.addf %add3A_1015, %mul3A_1020 : vector<512x128xf32>
      %slice3A_1022 = vector.extract_strided_slice %convert_element_type3A_845 {offsets = [0, 29], sizes = [512, 1], strides = [1, 1]} : vector<512x32xf32> to vector<512x1xf32>
      %slice3A_1023 = vector.extract_strided_slice %convert_element_type3A_585 {offsets = [29, 0], sizes = [1, 128], strides = [1, 1]} : vector<32x128xf32> to vector<1x128xf32>
      %mul3A_1024 = vector.broadcast %slice3A_1022 : vector<512x1xf32> to vector<512x128xf32>
      %mul3A_1025 = vector.broadcast %slice3A_1023 : vector<1x128xf32> to vector<512x128xf32>
      %mul3A_1026 = arith.mulf %mul3A_1024, %mul3A_1025 : vector<512x128xf32>
      %add3A_1027 = arith.addf %add3A_1021, %mul3A_1026 : vector<512x128xf32>
      %slice3A_1028 = vector.extract_strided_slice %convert_element_type3A_845 {offsets = [0, 30], sizes = [512, 1], strides = [1, 1]} : vector<512x32xf32> to vector<512x1xf32>
      %slice3A_1029 = vector.extract_strided_slice %convert_element_type3A_585 {offsets = [30, 0], sizes = [1, 128], strides = [1, 1]} : vector<32x128xf32> to vector<1x128xf32>
      %mul3A_1030 = vector.broadcast %slice3A_1028 : vector<512x1xf32> to vector<512x128xf32>
      %mul3A_1031 = vector.broadcast %slice3A_1029 : vector<1x128xf32> to vector<512x128xf32>
      %mul3A_1032 = arith.mulf %mul3A_1030, %mul3A_1031 : vector<512x128xf32>
      %add3A_1033 = arith.addf %add3A_1027, %mul3A_1032 : vector<512x128xf32>
      %slice3A_1034 = vector.extract_strided_slice %convert_element_type3A_845 {offsets = [0, 31], sizes = [512, 1], strides = [1, 1]} : vector<512x32xf32> to vector<512x1xf32>
      %slice3A_1035 = vector.extract_strided_slice %convert_element_type3A_585 {offsets = [31, 0], sizes = [1, 128], strides = [1, 1]} : vector<32x128xf32> to vector<1x128xf32>
      %mul3A_1036 = vector.broadcast %slice3A_1034 : vector<512x1xf32> to vector<512x128xf32>
      %mul3A_1037 = vector.broadcast %slice3A_1035 : vector<1x128xf32> to vector<512x128xf32>
      %mul3A_1038 = arith.mulf %mul3A_1036, %mul3A_1037 : vector<512x128xf32>
      %add3A_1039 = arith.addf %add3A_1033, %mul3A_1038 : vector<512x128xf32>
      %add3A_1040 = vector.broadcast %add3A_583 : vector<1x128xf32> to vector<512x128xf32>
      %add3A_1041 = vector.broadcast %broadcast_in_dim3A_848 : vector<512x1xf32> to vector<512x128xf32>
      %add3A_1042 = arith.addf %add3A_1040, %add3A_1041 : vector<512x128xf32>
      %mul3A_1043 = arith.constant 2.000000e+00 : f32
      %mul3A_1044 = vector.broadcast %mul3A_1043 : f32 to vector<512x128xf32>
      %mul3A_1045 = arith.mulf %mul3A_1044, %add3A_1039 : vector<512x128xf32>
      %sub3A = arith.subf %add3A_1042, %mul3A_1045 : vector<512x128xf32>
      %reduce_min3A = arith.constant dense<0x7F800000> : vector<128xf32>
      %reduce_min3A_1046 = vector.multi_reduction <minimumf>, %sub3A, %reduce_min3A [0] : vector<512x128xf32> to vector<128xf32>
      %broadcast_in_dim3A_1047 = vector.shape_cast %reduce_min3A_1046 : vector<128xf32> to vector<1x128xf32>
      %iota3A = tpu.iota {dimensions = array<i32: 0>} : vector<512x128xi32>
      %eq3A = vector.broadcast %broadcast_in_dim3A_1047 : vector<1x128xf32> to vector<512x128xf32>
      %eq3A_1048 = arith.cmpf oeq, %sub3A, %eq3A : vector<512x128xf32>
      %jit3A = arith.constant 8192 : i32
      %broadcast_in_dim3A_1049 = vector.broadcast %jit3A : i32 to vector<512x128xi32>
      %select_n3A_1050 = arith.select %eq3A_1048, %iota3A, %broadcast_in_dim3A_1049 : vector<512x128xi1>, vector<512x128xi32>
      %reduce_min3A_1051 = arith.constant dense<2147483647> : vector<128xi32>
      %reduce_min3A_1052 = vector.multi_reduction <minsi>, %select_n3A_1050, %reduce_min3A_1051 [0] : vector<512x128xi32> to vector<128xi32>
      %broadcast_in_dim3A_1053 = vector.shape_cast %reduce_min3A_1052 : vector<128xi32> to vector<1x128xi32>
      %add3A_1054 = vector.broadcast %add3A_840 : i32 to vector<1x128xi32>
      %add3A_1055 = arith.addi %broadcast_in_dim3A_1053, %add3A_1054 : vector<1x128xi32>
      %lt3A_1056 = arith.cmpf olt, %broadcast_in_dim3A_1047, %scan3A_835 : vector<1x128xf32>
      %select_n3A_1057 = arith.select %lt3A_1056, %broadcast_in_dim3A_1047, %scan3A_835 : vector<1x128xi1>, vector<1x128xf32>
      %select_n3A_1058 = arith.select %lt3A_1056, %add3A_1055, %scan3A_836 : vector<1x128xi1>, vector<1x128xi32>
      scf.yield %select_n3A_1057, %select_n3A_1058 : vector<1x128xf32>, vector<1x128xi32>
    }
    %scan3A_599 = arith.constant 8 : i32
    %lt3A_600 = arith.cmpf olt, %scan3A_598#0, %broadcast_in_dim3A_587 : vector<1x128xf32>
    %select_n3A_601 = arith.select %lt3A_600, %scan3A_598#1, %broadcast_in_dim3A_589 : vector<1x128xi1>, vector<1x128xi32>
    %select_n3A_602 = arith.select %lt3A_600, %scan3A_598#0, %broadcast_in_dim3A_587 : vector<1x128xi1>, vector<1x128xf32>
    %convert_element_type3A_603 = arith.truncf %select_n3A_602 : vector<1x128xf32> to vector<1x128xbf16>
    %convert_element_type3A_604 = arith.extf %convert_element_type3A_603 : vector<1x128xbf16> to vector<1x128xf32>
    %broadcast_in_dim3A_605 = arith.constant 0x7F800000 : f32
    %broadcast_in_dim3A_606 = vector.broadcast %broadcast_in_dim3A_605 : f32 to vector<1x128xf32>
    %broadcast_in_dim3A_607 = arith.constant 0 : i32
    %broadcast_in_dim3A_608 = vector.broadcast %broadcast_in_dim3A_607 : i32 to vector<1x128xi32>
    %scan3A_609 = arith.constant 0 : i32
    %scan3A_610 = arith.constant 8 : i32
    %scan3A_611 = arith.addi %scan3A_609, %scan3A_610 : i32
    %scan3A_612 = arith.constant 1 : i32
    %scan3A_613:2 = scf.for %scan3A_834 = %scan3A_609 to %scan3A_611 step %scan3A_612 iter_args(%scan3A_835 = %broadcast_in_dim3A_606, %scan3A_836 = %broadcast_in_dim3A_608) -> (vector<1x128xf32>, vector<1x128xi32>)  : i32 {
      %mul3A_837 = arith.constant 512 : i32
      %mul3A_838 = arith.muli %scan3A_834, %mul3A_837 : i32
      %add3A_839 = arith.constant 4096 : i32
      %add3A_840 = arith.addi %add3A_839, %mul3A_838 : i32
      %get3A_841 = arith.index_cast %add3A_840 : i32 to index
      %get3A_842 = arith.constant 0 : index
      %get3A_843 = vector.load %arg2[%get3A_841, %get3A_842] : memref<8192x32xf32, #tpu.memory_space<vmem>>, vector<512x32xf32>
      %convert_element_type3A_844 = arith.truncf %get3A_843 : vector<512x32xf32> to vector<512x32xbf16>
      %convert_element_type3A_845 = arith.extf %convert_element_type3A_844 : vector<512x32xbf16> to vector<512x32xf32>
      %mul3A_846 = arith.mulf %get3A_843, %get3A_843 : vector<512x32xf32>
      %reduce_sum3A = arith.constant dense<0.000000e+00> : vector<512xf32>
      %reduce_sum3A_847 = vector.multi_reduction <add>, %mul3A_846, %reduce_sum3A [1] : vector<512x32xf32> to vector<512xf32>
      %broadcast_in_dim3A_848 = vector.shape_cast %reduce_sum3A_847 : vector<512xf32> to vector<512x1xf32>
      %slice3A_849 = vector.extract_strided_slice %convert_element_type3A_845 {offsets = [0, 0], sizes = [512, 1], strides = [1, 1]} : vector<512x32xf32> to vector<512x1xf32>
      %slice3A_850 = vector.extract_strided_slice %convert_element_type3A_585 {offsets = [0, 0], sizes = [1, 128], strides = [1, 1]} : vector<32x128xf32> to vector<1x128xf32>
      %mul3A_851 = vector.broadcast %slice3A_849 : vector<512x1xf32> to vector<512x128xf32>
      %mul3A_852 = vector.broadcast %slice3A_850 : vector<1x128xf32> to vector<512x128xf32>
      %mul3A_853 = arith.mulf %mul3A_851, %mul3A_852 : vector<512x128xf32>
      %slice3A_854 = vector.extract_strided_slice %convert_element_type3A_845 {offsets = [0, 1], sizes = [512, 1], strides = [1, 1]} : vector<512x32xf32> to vector<512x1xf32>
      %slice3A_855 = vector.extract_strided_slice %convert_element_type3A_585 {offsets = [1, 0], sizes = [1, 128], strides = [1, 1]} : vector<32x128xf32> to vector<1x128xf32>
      %mul3A_856 = vector.broadcast %slice3A_854 : vector<512x1xf32> to vector<512x128xf32>
      %mul3A_857 = vector.broadcast %slice3A_855 : vector<1x128xf32> to vector<512x128xf32>
      %mul3A_858 = arith.mulf %mul3A_856, %mul3A_857 : vector<512x128xf32>
      %add3A_859 = arith.addf %mul3A_853, %mul3A_858 : vector<512x128xf32>
      %slice3A_860 = vector.extract_strided_slice %convert_element_type3A_845 {offsets = [0, 2], sizes = [512, 1], strides = [1, 1]} : vector<512x32xf32> to vector<512x1xf32>
      %slice3A_861 = vector.extract_strided_slice %convert_element_type3A_585 {offsets = [2, 0], sizes = [1, 128], strides = [1, 1]} : vector<32x128xf32> to vector<1x128xf32>
      %mul3A_862 = vector.broadcast %slice3A_860 : vector<512x1xf32> to vector<512x128xf32>
      %mul3A_863 = vector.broadcast %slice3A_861 : vector<1x128xf32> to vector<512x128xf32>
      %mul3A_864 = arith.mulf %mul3A_862, %mul3A_863 : vector<512x128xf32>
      %add3A_865 = arith.addf %add3A_859, %mul3A_864 : vector<512x128xf32>
      %slice3A_866 = vector.extract_strided_slice %convert_element_type3A_845 {offsets = [0, 3], sizes = [512, 1], strides = [1, 1]} : vector<512x32xf32> to vector<512x1xf32>
      %slice3A_867 = vector.extract_strided_slice %convert_element_type3A_585 {offsets = [3, 0], sizes = [1, 128], strides = [1, 1]} : vector<32x128xf32> to vector<1x128xf32>
      %mul3A_868 = vector.broadcast %slice3A_866 : vector<512x1xf32> to vector<512x128xf32>
      %mul3A_869 = vector.broadcast %slice3A_867 : vector<1x128xf32> to vector<512x128xf32>
      %mul3A_870 = arith.mulf %mul3A_868, %mul3A_869 : vector<512x128xf32>
      %add3A_871 = arith.addf %add3A_865, %mul3A_870 : vector<512x128xf32>
      %slice3A_872 = vector.extract_strided_slice %convert_element_type3A_845 {offsets = [0, 4], sizes = [512, 1], strides = [1, 1]} : vector<512x32xf32> to vector<512x1xf32>
      %slice3A_873 = vector.extract_strided_slice %convert_element_type3A_585 {offsets = [4, 0], sizes = [1, 128], strides = [1, 1]} : vector<32x128xf32> to vector<1x128xf32>
      %mul3A_874 = vector.broadcast %slice3A_872 : vector<512x1xf32> to vector<512x128xf32>
      %mul3A_875 = vector.broadcast %slice3A_873 : vector<1x128xf32> to vector<512x128xf32>
      %mul3A_876 = arith.mulf %mul3A_874, %mul3A_875 : vector<512x128xf32>
      %add3A_877 = arith.addf %add3A_871, %mul3A_876 : vector<512x128xf32>
      %slice3A_878 = vector.extract_strided_slice %convert_element_type3A_845 {offsets = [0, 5], sizes = [512, 1], strides = [1, 1]} : vector<512x32xf32> to vector<512x1xf32>
      %slice3A_879 = vector.extract_strided_slice %convert_element_type3A_585 {offsets = [5, 0], sizes = [1, 128], strides = [1, 1]} : vector<32x128xf32> to vector<1x128xf32>
      %mul3A_880 = vector.broadcast %slice3A_878 : vector<512x1xf32> to vector<512x128xf32>
      %mul3A_881 = vector.broadcast %slice3A_879 : vector<1x128xf32> to vector<512x128xf32>
      %mul3A_882 = arith.mulf %mul3A_880, %mul3A_881 : vector<512x128xf32>
      %add3A_883 = arith.addf %add3A_877, %mul3A_882 : vector<512x128xf32>
      %slice3A_884 = vector.extract_strided_slice %convert_element_type3A_845 {offsets = [0, 6], sizes = [512, 1], strides = [1, 1]} : vector<512x32xf32> to vector<512x1xf32>
      %slice3A_885 = vector.extract_strided_slice %convert_element_type3A_585 {offsets = [6, 0], sizes = [1, 128], strides = [1, 1]} : vector<32x128xf32> to vector<1x128xf32>
      %mul3A_886 = vector.broadcast %slice3A_884 : vector<512x1xf32> to vector<512x128xf32>
      %mul3A_887 = vector.broadcast %slice3A_885 : vector<1x128xf32> to vector<512x128xf32>
      %mul3A_888 = arith.mulf %mul3A_886, %mul3A_887 : vector<512x128xf32>
      %add3A_889 = arith.addf %add3A_883, %mul3A_888 : vector<512x128xf32>
      %slice3A_890 = vector.extract_strided_slice %convert_element_type3A_845 {offsets = [0, 7], sizes = [512, 1], strides = [1, 1]} : vector<512x32xf32> to vector<512x1xf32>
      %slice3A_891 = vector.extract_strided_slice %convert_element_type3A_585 {offsets = [7, 0], sizes = [1, 128], strides = [1, 1]} : vector<32x128xf32> to vector<1x128xf32>
      %mul3A_892 = vector.broadcast %slice3A_890 : vector<512x1xf32> to vector<512x128xf32>
      %mul3A_893 = vector.broadcast %slice3A_891 : vector<1x128xf32> to vector<512x128xf32>
      %mul3A_894 = arith.mulf %mul3A_892, %mul3A_893 : vector<512x128xf32>
      %add3A_895 = arith.addf %add3A_889, %mul3A_894 : vector<512x128xf32>
      %slice3A_896 = vector.extract_strided_slice %convert_element_type3A_845 {offsets = [0, 8], sizes = [512, 1], strides = [1, 1]} : vector<512x32xf32> to vector<512x1xf32>
      %slice3A_897 = vector.extract_strided_slice %convert_element_type3A_585 {offsets = [8, 0], sizes = [1, 128], strides = [1, 1]} : vector<32x128xf32> to vector<1x128xf32>
      %mul3A_898 = vector.broadcast %slice3A_896 : vector<512x1xf32> to vector<512x128xf32>
      %mul3A_899 = vector.broadcast %slice3A_897 : vector<1x128xf32> to vector<512x128xf32>
      %mul3A_900 = arith.mulf %mul3A_898, %mul3A_899 : vector<512x128xf32>
      %add3A_901 = arith.addf %add3A_895, %mul3A_900 : vector<512x128xf32>
      %slice3A_902 = vector.extract_strided_slice %convert_element_type3A_845 {offsets = [0, 9], sizes = [512, 1], strides = [1, 1]} : vector<512x32xf32> to vector<512x1xf32>
      %slice3A_903 = vector.extract_strided_slice %convert_element_type3A_585 {offsets = [9, 0], sizes = [1, 128], strides = [1, 1]} : vector<32x128xf32> to vector<1x128xf32>
      %mul3A_904 = vector.broadcast %slice3A_902 : vector<512x1xf32> to vector<512x128xf32>
      %mul3A_905 = vector.broadcast %slice3A_903 : vector<1x128xf32> to vector<512x128xf32>
      %mul3A_906 = arith.mulf %mul3A_904, %mul3A_905 : vector<512x128xf32>
      %add3A_907 = arith.addf %add3A_901, %mul3A_906 : vector<512x128xf32>
      %slice3A_908 = vector.extract_strided_slice %convert_element_type3A_845 {offsets = [0, 10], sizes = [512, 1], strides = [1, 1]} : vector<512x32xf32> to vector<512x1xf32>
      %slice3A_909 = vector.extract_strided_slice %convert_element_type3A_585 {offsets = [10, 0], sizes = [1, 128], strides = [1, 1]} : vector<32x128xf32> to vector<1x128xf32>
      %mul3A_910 = vector.broadcast %slice3A_908 : vector<512x1xf32> to vector<512x128xf32>
      %mul3A_911 = vector.broadcast %slice3A_909 : vector<1x128xf32> to vector<512x128xf32>
      %mul3A_912 = arith.mulf %mul3A_910, %mul3A_911 : vector<512x128xf32>
      %add3A_913 = arith.addf %add3A_907, %mul3A_912 : vector<512x128xf32>
      %slice3A_914 = vector.extract_strided_slice %convert_element_type3A_845 {offsets = [0, 11], sizes = [512, 1], strides = [1, 1]} : vector<512x32xf32> to vector<512x1xf32>
      %slice3A_915 = vector.extract_strided_slice %convert_element_type3A_585 {offsets = [11, 0], sizes = [1, 128], strides = [1, 1]} : vector<32x128xf32> to vector<1x128xf32>
      %mul3A_916 = vector.broadcast %slice3A_914 : vector<512x1xf32> to vector<512x128xf32>
      %mul3A_917 = vector.broadcast %slice3A_915 : vector<1x128xf32> to vector<512x128xf32>
      %mul3A_918 = arith.mulf %mul3A_916, %mul3A_917 : vector<512x128xf32>
      %add3A_919 = arith.addf %add3A_913, %mul3A_918 : vector<512x128xf32>
      %slice3A_920 = vector.extract_strided_slice %convert_element_type3A_845 {offsets = [0, 12], sizes = [512, 1], strides = [1, 1]} : vector<512x32xf32> to vector<512x1xf32>
      %slice3A_921 = vector.extract_strided_slice %convert_element_type3A_585 {offsets = [12, 0], sizes = [1, 128], strides = [1, 1]} : vector<32x128xf32> to vector<1x128xf32>
      %mul3A_922 = vector.broadcast %slice3A_920 : vector<512x1xf32> to vector<512x128xf32>
      %mul3A_923 = vector.broadcast %slice3A_921 : vector<1x128xf32> to vector<512x128xf32>
      %mul3A_924 = arith.mulf %mul3A_922, %mul3A_923 : vector<512x128xf32>
      %add3A_925 = arith.addf %add3A_919, %mul3A_924 : vector<512x128xf32>
      %slice3A_926 = vector.extract_strided_slice %convert_element_type3A_845 {offsets = [0, 13], sizes = [512, 1], strides = [1, 1]} : vector<512x32xf32> to vector<512x1xf32>
      %slice3A_927 = vector.extract_strided_slice %convert_element_type3A_585 {offsets = [13, 0], sizes = [1, 128], strides = [1, 1]} : vector<32x128xf32> to vector<1x128xf32>
      %mul3A_928 = vector.broadcast %slice3A_926 : vector<512x1xf32> to vector<512x128xf32>
      %mul3A_929 = vector.broadcast %slice3A_927 : vector<1x128xf32> to vector<512x128xf32>
      %mul3A_930 = arith.mulf %mul3A_928, %mul3A_929 : vector<512x128xf32>
      %add3A_931 = arith.addf %add3A_925, %mul3A_930 : vector<512x128xf32>
      %slice3A_932 = vector.extract_strided_slice %convert_element_type3A_845 {offsets = [0, 14], sizes = [512, 1], strides = [1, 1]} : vector<512x32xf32> to vector<512x1xf32>
      %slice3A_933 = vector.extract_strided_slice %convert_element_type3A_585 {offsets = [14, 0], sizes = [1, 128], strides = [1, 1]} : vector<32x128xf32> to vector<1x128xf32>
      %mul3A_934 = vector.broadcast %slice3A_932 : vector<512x1xf32> to vector<512x128xf32>
      %mul3A_935 = vector.broadcast %slice3A_933 : vector<1x128xf32> to vector<512x128xf32>
      %mul3A_936 = arith.mulf %mul3A_934, %mul3A_935 : vector<512x128xf32>
      %add3A_937 = arith.addf %add3A_931, %mul3A_936 : vector<512x128xf32>
      %slice3A_938 = vector.extract_strided_slice %convert_element_type3A_845 {offsets = [0, 15], sizes = [512, 1], strides = [1, 1]} : vector<512x32xf32> to vector<512x1xf32>
      %slice3A_939 = vector.extract_strided_slice %convert_element_type3A_585 {offsets = [15, 0], sizes = [1, 128], strides = [1, 1]} : vector<32x128xf32> to vector<1x128xf32>
      %mul3A_940 = vector.broadcast %slice3A_938 : vector<512x1xf32> to vector<512x128xf32>
      %mul3A_941 = vector.broadcast %slice3A_939 : vector<1x128xf32> to vector<512x128xf32>
      %mul3A_942 = arith.mulf %mul3A_940, %mul3A_941 : vector<512x128xf32>
      %add3A_943 = arith.addf %add3A_937, %mul3A_942 : vector<512x128xf32>
      %slice3A_944 = vector.extract_strided_slice %convert_element_type3A_845 {offsets = [0, 16], sizes = [512, 1], strides = [1, 1]} : vector<512x32xf32> to vector<512x1xf32>
      %slice3A_945 = vector.extract_strided_slice %convert_element_type3A_585 {offsets = [16, 0], sizes = [1, 128], strides = [1, 1]} : vector<32x128xf32> to vector<1x128xf32>
      %mul3A_946 = vector.broadcast %slice3A_944 : vector<512x1xf32> to vector<512x128xf32>
      %mul3A_947 = vector.broadcast %slice3A_945 : vector<1x128xf32> to vector<512x128xf32>
      %mul3A_948 = arith.mulf %mul3A_946, %mul3A_947 : vector<512x128xf32>
      %add3A_949 = arith.addf %add3A_943, %mul3A_948 : vector<512x128xf32>
      %slice3A_950 = vector.extract_strided_slice %convert_element_type3A_845 {offsets = [0, 17], sizes = [512, 1], strides = [1, 1]} : vector<512x32xf32> to vector<512x1xf32>
      %slice3A_951 = vector.extract_strided_slice %convert_element_type3A_585 {offsets = [17, 0], sizes = [1, 128], strides = [1, 1]} : vector<32x128xf32> to vector<1x128xf32>
      %mul3A_952 = vector.broadcast %slice3A_950 : vector<512x1xf32> to vector<512x128xf32>
      %mul3A_953 = vector.broadcast %slice3A_951 : vector<1x128xf32> to vector<512x128xf32>
      %mul3A_954 = arith.mulf %mul3A_952, %mul3A_953 : vector<512x128xf32>
      %add3A_955 = arith.addf %add3A_949, %mul3A_954 : vector<512x128xf32>
      %slice3A_956 = vector.extract_strided_slice %convert_element_type3A_845 {offsets = [0, 18], sizes = [512, 1], strides = [1, 1]} : vector<512x32xf32> to vector<512x1xf32>
      %slice3A_957 = vector.extract_strided_slice %convert_element_type3A_585 {offsets = [18, 0], sizes = [1, 128], strides = [1, 1]} : vector<32x128xf32> to vector<1x128xf32>
      %mul3A_958 = vector.broadcast %slice3A_956 : vector<512x1xf32> to vector<512x128xf32>
      %mul3A_959 = vector.broadcast %slice3A_957 : vector<1x128xf32> to vector<512x128xf32>
      %mul3A_960 = arith.mulf %mul3A_958, %mul3A_959 : vector<512x128xf32>
      %add3A_961 = arith.addf %add3A_955, %mul3A_960 : vector<512x128xf32>
      %slice3A_962 = vector.extract_strided_slice %convert_element_type3A_845 {offsets = [0, 19], sizes = [512, 1], strides = [1, 1]} : vector<512x32xf32> to vector<512x1xf32>
      %slice3A_963 = vector.extract_strided_slice %convert_element_type3A_585 {offsets = [19, 0], sizes = [1, 128], strides = [1, 1]} : vector<32x128xf32> to vector<1x128xf32>
      %mul3A_964 = vector.broadcast %slice3A_962 : vector<512x1xf32> to vector<512x128xf32>
      %mul3A_965 = vector.broadcast %slice3A_963 : vector<1x128xf32> to vector<512x128xf32>
      %mul3A_966 = arith.mulf %mul3A_964, %mul3A_965 : vector<512x128xf32>
      %add3A_967 = arith.addf %add3A_961, %mul3A_966 : vector<512x128xf32>
      %slice3A_968 = vector.extract_strided_slice %convert_element_type3A_845 {offsets = [0, 20], sizes = [512, 1], strides = [1, 1]} : vector<512x32xf32> to vector<512x1xf32>
      %slice3A_969 = vector.extract_strided_slice %convert_element_type3A_585 {offsets = [20, 0], sizes = [1, 128], strides = [1, 1]} : vector<32x128xf32> to vector<1x128xf32>
      %mul3A_970 = vector.broadcast %slice3A_968 : vector<512x1xf32> to vector<512x128xf32>
      %mul3A_971 = vector.broadcast %slice3A_969 : vector<1x128xf32> to vector<512x128xf32>
      %mul3A_972 = arith.mulf %mul3A_970, %mul3A_971 : vector<512x128xf32>
      %add3A_973 = arith.addf %add3A_967, %mul3A_972 : vector<512x128xf32>
      %slice3A_974 = vector.extract_strided_slice %convert_element_type3A_845 {offsets = [0, 21], sizes = [512, 1], strides = [1, 1]} : vector<512x32xf32> to vector<512x1xf32>
      %slice3A_975 = vector.extract_strided_slice %convert_element_type3A_585 {offsets = [21, 0], sizes = [1, 128], strides = [1, 1]} : vector<32x128xf32> to vector<1x128xf32>
      %mul3A_976 = vector.broadcast %slice3A_974 : vector<512x1xf32> to vector<512x128xf32>
      %mul3A_977 = vector.broadcast %slice3A_975 : vector<1x128xf32> to vector<512x128xf32>
      %mul3A_978 = arith.mulf %mul3A_976, %mul3A_977 : vector<512x128xf32>
      %add3A_979 = arith.addf %add3A_973, %mul3A_978 : vector<512x128xf32>
      %slice3A_980 = vector.extract_strided_slice %convert_element_type3A_845 {offsets = [0, 22], sizes = [512, 1], strides = [1, 1]} : vector<512x32xf32> to vector<512x1xf32>
      %slice3A_981 = vector.extract_strided_slice %convert_element_type3A_585 {offsets = [22, 0], sizes = [1, 128], strides = [1, 1]} : vector<32x128xf32> to vector<1x128xf32>
      %mul3A_982 = vector.broadcast %slice3A_980 : vector<512x1xf32> to vector<512x128xf32>
      %mul3A_983 = vector.broadcast %slice3A_981 : vector<1x128xf32> to vector<512x128xf32>
      %mul3A_984 = arith.mulf %mul3A_982, %mul3A_983 : vector<512x128xf32>
      %add3A_985 = arith.addf %add3A_979, %mul3A_984 : vector<512x128xf32>
      %slice3A_986 = vector.extract_strided_slice %convert_element_type3A_845 {offsets = [0, 23], sizes = [512, 1], strides = [1, 1]} : vector<512x32xf32> to vector<512x1xf32>
      %slice3A_987 = vector.extract_strided_slice %convert_element_type3A_585 {offsets = [23, 0], sizes = [1, 128], strides = [1, 1]} : vector<32x128xf32> to vector<1x128xf32>
      %mul3A_988 = vector.broadcast %slice3A_986 : vector<512x1xf32> to vector<512x128xf32>
      %mul3A_989 = vector.broadcast %slice3A_987 : vector<1x128xf32> to vector<512x128xf32>
      %mul3A_990 = arith.mulf %mul3A_988, %mul3A_989 : vector<512x128xf32>
      %add3A_991 = arith.addf %add3A_985, %mul3A_990 : vector<512x128xf32>
      %slice3A_992 = vector.extract_strided_slice %convert_element_type3A_845 {offsets = [0, 24], sizes = [512, 1], strides = [1, 1]} : vector<512x32xf32> to vector<512x1xf32>
      %slice3A_993 = vector.extract_strided_slice %convert_element_type3A_585 {offsets = [24, 0], sizes = [1, 128], strides = [1, 1]} : vector<32x128xf32> to vector<1x128xf32>
      %mul3A_994 = vector.broadcast %slice3A_992 : vector<512x1xf32> to vector<512x128xf32>
      %mul3A_995 = vector.broadcast %slice3A_993 : vector<1x128xf32> to vector<512x128xf32>
      %mul3A_996 = arith.mulf %mul3A_994, %mul3A_995 : vector<512x128xf32>
      %add3A_997 = arith.addf %add3A_991, %mul3A_996 : vector<512x128xf32>
      %slice3A_998 = vector.extract_strided_slice %convert_element_type3A_845 {offsets = [0, 25], sizes = [512, 1], strides = [1, 1]} : vector<512x32xf32> to vector<512x1xf32>
      %slice3A_999 = vector.extract_strided_slice %convert_element_type3A_585 {offsets = [25, 0], sizes = [1, 128], strides = [1, 1]} : vector<32x128xf32> to vector<1x128xf32>
      %mul3A_1000 = vector.broadcast %slice3A_998 : vector<512x1xf32> to vector<512x128xf32>
      %mul3A_1001 = vector.broadcast %slice3A_999 : vector<1x128xf32> to vector<512x128xf32>
      %mul3A_1002 = arith.mulf %mul3A_1000, %mul3A_1001 : vector<512x128xf32>
      %add3A_1003 = arith.addf %add3A_997, %mul3A_1002 : vector<512x128xf32>
      %slice3A_1004 = vector.extract_strided_slice %convert_element_type3A_845 {offsets = [0, 26], sizes = [512, 1], strides = [1, 1]} : vector<512x32xf32> to vector<512x1xf32>
      %slice3A_1005 = vector.extract_strided_slice %convert_element_type3A_585 {offsets = [26, 0], sizes = [1, 128], strides = [1, 1]} : vector<32x128xf32> to vector<1x128xf32>
      %mul3A_1006 = vector.broadcast %slice3A_1004 : vector<512x1xf32> to vector<512x128xf32>
      %mul3A_1007 = vector.broadcast %slice3A_1005 : vector<1x128xf32> to vector<512x128xf32>
      %mul3A_1008 = arith.mulf %mul3A_1006, %mul3A_1007 : vector<512x128xf32>
      %add3A_1009 = arith.addf %add3A_1003, %mul3A_1008 : vector<512x128xf32>
      %slice3A_1010 = vector.extract_strided_slice %convert_element_type3A_845 {offsets = [0, 27], sizes = [512, 1], strides = [1, 1]} : vector<512x32xf32> to vector<512x1xf32>
      %slice3A_1011 = vector.extract_strided_slice %convert_element_type3A_585 {offsets = [27, 0], sizes = [1, 128], strides = [1, 1]} : vector<32x128xf32> to vector<1x128xf32>
      %mul3A_1012 = vector.broadcast %slice3A_1010 : vector<512x1xf32> to vector<512x128xf32>
      %mul3A_1013 = vector.broadcast %slice3A_1011 : vector<1x128xf32> to vector<512x128xf32>
      %mul3A_1014 = arith.mulf %mul3A_1012, %mul3A_1013 : vector<512x128xf32>
      %add3A_1015 = arith.addf %add3A_1009, %mul3A_1014 : vector<512x128xf32>
      %slice3A_1016 = vector.extract_strided_slice %convert_element_type3A_845 {offsets = [0, 28], sizes = [512, 1], strides = [1, 1]} : vector<512x32xf32> to vector<512x1xf32>
      %slice3A_1017 = vector.extract_strided_slice %convert_element_type3A_585 {offsets = [28, 0], sizes = [1, 128], strides = [1, 1]} : vector<32x128xf32> to vector<1x128xf32>
      %mul3A_1018 = vector.broadcast %slice3A_1016 : vector<512x1xf32> to vector<512x128xf32>
      %mul3A_1019 = vector.broadcast %slice3A_1017 : vector<1x128xf32> to vector<512x128xf32>
      %mul3A_1020 = arith.mulf %mul3A_1018, %mul3A_1019 : vector<512x128xf32>
      %add3A_1021 = arith.addf %add3A_1015, %mul3A_1020 : vector<512x128xf32>
      %slice3A_1022 = vector.extract_strided_slice %convert_element_type3A_845 {offsets = [0, 29], sizes = [512, 1], strides = [1, 1]} : vector<512x32xf32> to vector<512x1xf32>
      %slice3A_1023 = vector.extract_strided_slice %convert_element_type3A_585 {offsets = [29, 0], sizes = [1, 128], strides = [1, 1]} : vector<32x128xf32> to vector<1x128xf32>
      %mul3A_1024 = vector.broadcast %slice3A_1022 : vector<512x1xf32> to vector<512x128xf32>
      %mul3A_1025 = vector.broadcast %slice3A_1023 : vector<1x128xf32> to vector<512x128xf32>
      %mul3A_1026 = arith.mulf %mul3A_1024, %mul3A_1025 : vector<512x128xf32>
      %add3A_1027 = arith.addf %add3A_1021, %mul3A_1026 : vector<512x128xf32>
      %slice3A_1028 = vector.extract_strided_slice %convert_element_type3A_845 {offsets = [0, 30], sizes = [512, 1], strides = [1, 1]} : vector<512x32xf32> to vector<512x1xf32>
      %slice3A_1029 = vector.extract_strided_slice %convert_element_type3A_585 {offsets = [30, 0], sizes = [1, 128], strides = [1, 1]} : vector<32x128xf32> to vector<1x128xf32>
      %mul3A_1030 = vector.broadcast %slice3A_1028 : vector<512x1xf32> to vector<512x128xf32>
      %mul3A_1031 = vector.broadcast %slice3A_1029 : vector<1x128xf32> to vector<512x128xf32>
      %mul3A_1032 = arith.mulf %mul3A_1030, %mul3A_1031 : vector<512x128xf32>
      %add3A_1033 = arith.addf %add3A_1027, %mul3A_1032 : vector<512x128xf32>
      %slice3A_1034 = vector.extract_strided_slice %convert_element_type3A_845 {offsets = [0, 31], sizes = [512, 1], strides = [1, 1]} : vector<512x32xf32> to vector<512x1xf32>
      %slice3A_1035 = vector.extract_strided_slice %convert_element_type3A_585 {offsets = [31, 0], sizes = [1, 128], strides = [1, 1]} : vector<32x128xf32> to vector<1x128xf32>
      %mul3A_1036 = vector.broadcast %slice3A_1034 : vector<512x1xf32> to vector<512x128xf32>
      %mul3A_1037 = vector.broadcast %slice3A_1035 : vector<1x128xf32> to vector<512x128xf32>
      %mul3A_1038 = arith.mulf %mul3A_1036, %mul3A_1037 : vector<512x128xf32>
      %add3A_1039 = arith.addf %add3A_1033, %mul3A_1038 : vector<512x128xf32>
      %add3A_1040 = vector.broadcast %add3A_583 : vector<1x128xf32> to vector<512x128xf32>
      %add3A_1041 = vector.broadcast %broadcast_in_dim3A_848 : vector<512x1xf32> to vector<512x128xf32>
      %add3A_1042 = arith.addf %add3A_1040, %add3A_1041 : vector<512x128xf32>
      %mul3A_1043 = arith.constant 2.000000e+00 : f32
      %mul3A_1044 = vector.broadcast %mul3A_1043 : f32 to vector<512x128xf32>
      %mul3A_1045 = arith.mulf %mul3A_1044, %add3A_1039 : vector<512x128xf32>
      %sub3A = arith.subf %add3A_1042, %mul3A_1045 : vector<512x128xf32>
      %reduce_min3A = arith.constant dense<0x7F800000> : vector<128xf32>
      %reduce_min3A_1046 = vector.multi_reduction <minimumf>, %sub3A, %reduce_min3A [0] : vector<512x128xf32> to vector<128xf32>
      %broadcast_in_dim3A_1047 = vector.shape_cast %reduce_min3A_1046 : vector<128xf32> to vector<1x128xf32>
      %iota3A = tpu.iota {dimensions = array<i32: 0>} : vector<512x128xi32>
      %eq3A = vector.broadcast %broadcast_in_dim3A_1047 : vector<1x128xf32> to vector<512x128xf32>
      %eq3A_1048 = arith.cmpf oeq, %sub3A, %eq3A : vector<512x128xf32>
      %jit3A = arith.constant 8192 : i32
      %broadcast_in_dim3A_1049 = vector.broadcast %jit3A : i32 to vector<512x128xi32>
      %select_n3A_1050 = arith.select %eq3A_1048, %iota3A, %broadcast_in_dim3A_1049 : vector<512x128xi1>, vector<512x128xi32>
      %reduce_min3A_1051 = arith.constant dense<2147483647> : vector<128xi32>
      %reduce_min3A_1052 = vector.multi_reduction <minsi>, %select_n3A_1050, %reduce_min3A_1051 [0] : vector<512x128xi32> to vector<128xi32>
      %broadcast_in_dim3A_1053 = vector.shape_cast %reduce_min3A_1052 : vector<128xi32> to vector<1x128xi32>
      %add3A_1054 = vector.broadcast %add3A_840 : i32 to vector<1x128xi32>
      %add3A_1055 = arith.addi %broadcast_in_dim3A_1053, %add3A_1054 : vector<1x128xi32>
      %lt3A_1056 = arith.cmpf olt, %broadcast_in_dim3A_1047, %scan3A_835 : vector<1x128xf32>
      %select_n3A_1057 = arith.select %lt3A_1056, %broadcast_in_dim3A_1047, %scan3A_835 : vector<1x128xi1>, vector<1x128xf32>
      %select_n3A_1058 = arith.select %lt3A_1056, %add3A_1055, %scan3A_836 : vector<1x128xi1>, vector<1x128xi32>
      scf.yield %select_n3A_1057, %select_n3A_1058 : vector<1x128xf32>, vector<1x128xi32>
    }
    %scan3A_614 = arith.constant 8 : i32
    %lt3A_615 = arith.cmpf olt, %scan3A_613#0, %convert_element_type3A_604 : vector<1x128xf32>
    %select_n3A_616 = arith.select %lt3A_615, %scan3A_613#1, %select_n3A_601 : vector<1x128xi1>, vector<1x128xi32>
    %squeeze3A_617 = vector.shape_cast %select_n3A_616 : vector<1x128xi32> to vector<128xi32>
    %swap3A_618 = arith.constant 0 : index
    %swap3A_619 = arith.constant 5 : index
    %swap3A_620 = arith.constant 0 : index
    %swap3A_621 = vector.load %arg3[%swap3A_618, %swap3A_619, %swap3A_620] : memref<1x8x128xi32, #tpu.memory_space<vmem>>, vector<1x1x128xi32>
    %swap3A_622 = vector.shape_cast %swap3A_621 : vector<1x1x128xi32> to vector<128xi32>
    %swap3A_623 = vector.shape_cast %squeeze3A_617 : vector<128xi32> to vector<1x1x128xi32>
    tpu.vector_store %arg3[%swap3A_618, %swap3A_619, %swap3A_620], %swap3A_623 {strides = array<i32>} : memref<1x8x128xi32, #tpu.memory_space<vmem>>, vector<1x1x128xi32>,
    %slice3A_624 = vector.extract_strided_slice %get3A_3 {offsets = [0, 768], sizes = [32, 128], strides = [1, 1]} : vector<32x1024xf32> to vector<32x128xf32>
    %mul3A_625 = arith.mulf %slice3A_624, %slice3A_624 : vector<32x128xf32>
    %slice3A_626 = vector.extract_strided_slice %mul3A_625 {offsets = [0, 0], sizes = [1, 128], strides = [1, 1]} : vector<32x128xf32> to vector<1x128xf32>
    %slice3A_627 = vector.extract_strided_slice %mul3A_625 {offsets = [1, 0], sizes = [1, 128], strides = [1, 1]} : vector<32x128xf32> to vector<1x128xf32>
    %add3A_628 = arith.addf %slice3A_626, %slice3A_627 : vector<1x128xf32>
    %slice3A_629 = vector.extract_strided_slice %mul3A_625 {offsets = [2, 0], sizes = [1, 128], strides = [1, 1]} : vector<32x128xf32> to vector<1x128xf32>
    %add3A_630 = arith.addf %add3A_628, %slice3A_629 : vector<1x128xf32>
    %slice3A_631 = vector.extract_strided_slice %mul3A_625 {offsets = [3, 0], sizes = [1, 128], strides = [1, 1]} : vector<32x128xf32> to vector<1x128xf32>
    %add3A_632 = arith.addf %add3A_630, %slice3A_631 : vector<1x128xf32>
    %slice3A_633 = vector.extract_strided_slice %mul3A_625 {offsets = [4, 0], sizes = [1, 128], strides = [1, 1]} : vector<32x128xf32> to vector<1x128xf32>
    %add3A_634 = arith.addf %add3A_632, %slice3A_633 : vector<1x128xf32>
    %slice3A_635 = vector.extract_strided_slice %mul3A_625 {offsets = [5, 0], sizes = [1, 128], strides = [1, 1]} : vector<32x128xf32> to vector<1x128xf32>
    %add3A_636 = arith.addf %add3A_634, %slice3A_635 : vector<1x128xf32>
    %slice3A_637 = vector.extract_strided_slice %mul3A_625 {offsets = [6, 0], sizes = [1, 128], strides = [1, 1]} : vector<32x128xf32> to vector<1x128xf32>
    %add3A_638 = arith.addf %add3A_636, %slice3A_637 : vector<1x128xf32>
    %slice3A_639 = vector.extract_strided_slice %mul3A_625 {offsets = [7, 0], sizes = [1, 128], strides = [1, 1]} : vector<32x128xf32> to vector<1x128xf32>
    %add3A_640 = arith.addf %add3A_638, %slice3A_639 : vector<1x128xf32>
    %slice3A_641 = vector.extract_strided_slice %mul3A_625 {offsets = [8, 0], sizes = [1, 128], strides = [1, 1]} : vector<32x128xf32> to vector<1x128xf32>
    %add3A_642 = arith.addf %add3A_640, %slice3A_641 : vector<1x128xf32>
    %slice3A_643 = vector.extract_strided_slice %mul3A_625 {offsets = [9, 0], sizes = [1, 128], strides = [1, 1]} : vector<32x128xf32> to vector<1x128xf32>
    %add3A_644 = arith.addf %add3A_642, %slice3A_643 : vector<1x128xf32>
    %slice3A_645 = vector.extract_strided_slice %mul3A_625 {offsets = [10, 0], sizes = [1, 128], strides = [1, 1]} : vector<32x128xf32> to vector<1x128xf32>
    %add3A_646 = arith.addf %add3A_644, %slice3A_645 : vector<1x128xf32>
    %slice3A_647 = vector.extract_strided_slice %mul3A_625 {offsets = [11, 0], sizes = [1, 128], strides = [1, 1]} : vector<32x128xf32> to vector<1x128xf32>
    %add3A_648 = arith.addf %add3A_646, %slice3A_647 : vector<1x128xf32>
    %slice3A_649 = vector.extract_strided_slice %mul3A_625 {offsets = [12, 0], sizes = [1, 128], strides = [1, 1]} : vector<32x128xf32> to vector<1x128xf32>
    %add3A_650 = arith.addf %add3A_648, %slice3A_649 : vector<1x128xf32>
    %slice3A_651 = vector.extract_strided_slice %mul3A_625 {offsets = [13, 0], sizes = [1, 128], strides = [1, 1]} : vector<32x128xf32> to vector<1x128xf32>
    %add3A_652 = arith.addf %add3A_650, %slice3A_651 : vector<1x128xf32>
    %slice3A_653 = vector.extract_strided_slice %mul3A_625 {offsets = [14, 0], sizes = [1, 128], strides = [1, 1]} : vector<32x128xf32> to vector<1x128xf32>
    %add3A_654 = arith.addf %add3A_652, %slice3A_653 : vector<1x128xf32>
    %slice3A_655 = vector.extract_strided_slice %mul3A_625 {offsets = [15, 0], sizes = [1, 128], strides = [1, 1]} : vector<32x128xf32> to vector<1x128xf32>
    %add3A_656 = arith.addf %add3A_654, %slice3A_655 : vector<1x128xf32>
    %slice3A_657 = vector.extract_strided_slice %mul3A_625 {offsets = [16, 0], sizes = [1, 128], strides = [1, 1]} : vector<32x128xf32> to vector<1x128xf32>
    %add3A_658 = arith.addf %add3A_656, %slice3A_657 : vector<1x128xf32>
    %slice3A_659 = vector.extract_strided_slice %mul3A_625 {offsets = [17, 0], sizes = [1, 128], strides = [1, 1]} : vector<32x128xf32> to vector<1x128xf32>
    %add3A_660 = arith.addf %add3A_658, %slice3A_659 : vector<1x128xf32>
    %slice3A_661 = vector.extract_strided_slice %mul3A_625 {offsets = [18, 0], sizes = [1, 128], strides = [1, 1]} : vector<32x128xf32> to vector<1x128xf32>
    %add3A_662 = arith.addf %add3A_660, %slice3A_661 : vector<1x128xf32>
    %slice3A_663 = vector.extract_strided_slice %mul3A_625 {offsets = [19, 0], sizes = [1, 128], strides = [1, 1]} : vector<32x128xf32> to vector<1x128xf32>
    %add3A_664 = arith.addf %add3A_662, %slice3A_663 : vector<1x128xf32>
    %slice3A_665 = vector.extract_strided_slice %mul3A_625 {offsets = [20, 0], sizes = [1, 128], strides = [1, 1]} : vector<32x128xf32> to vector<1x128xf32>
    %add3A_666 = arith.addf %add3A_664, %slice3A_665 : vector<1x128xf32>
    %slice3A_667 = vector.extract_strided_slice %mul3A_625 {offsets = [21, 0], sizes = [1, 128], strides = [1, 1]} : vector<32x128xf32> to vector<1x128xf32>
    %add3A_668 = arith.addf %add3A_666, %slice3A_667 : vector<1x128xf32>
    %slice3A_669 = vector.extract_strided_slice %mul3A_625 {offsets = [22, 0], sizes = [1, 128], strides = [1, 1]} : vector<32x128xf32> to vector<1x128xf32>
    %add3A_670 = arith.addf %add3A_668, %slice3A_669 : vector<1x128xf32>
    %slice3A_671 = vector.extract_strided_slice %mul3A_625 {offsets = [23, 0], sizes = [1, 128], strides = [1, 1]} : vector<32x128xf32> to vector<1x128xf32>
    %add3A_672 = arith.addf %add3A_670, %slice3A_671 : vector<1x128xf32>
    %slice3A_673 = vector.extract_strided_slice %mul3A_625 {offsets = [24, 0], sizes = [1, 128], strides = [1, 1]} : vector<32x128xf32> to vector<1x128xf32>
    %add3A_674 = arith.addf %add3A_672, %slice3A_673 : vector<1x128xf32>
    %slice3A_675 = vector.extract_strided_slice %mul3A_625 {offsets = [25, 0], sizes = [1, 128], strides = [1, 1]} : vector<32x128xf32> to vector<1x128xf32>
    %add3A_676 = arith.addf %add3A_674, %slice3A_675 : vector<1x128xf32>
    %slice3A_677 = vector.extract_strided_slice %mul3A_625 {offsets = [26, 0], sizes = [1, 128], strides = [1, 1]} : vector<32x128xf32> to vector<1x128xf32>
    %add3A_678 = arith.addf %add3A_676, %slice3A_677 : vector<1x128xf32>
    %slice3A_679 = vector.extract_strided_slice %mul3A_625 {offsets = [27, 0], sizes = [1, 128], strides = [1, 1]} : vector<32x128xf32> to vector<1x128xf32>
    %add3A_680 = arith.addf %add3A_678, %slice3A_679 : vector<1x128xf32>
    %slice3A_681 = vector.extract_strided_slice %mul3A_625 {offsets = [28, 0], sizes = [1, 128], strides = [1, 1]} : vector<32x128xf32> to vector<1x128xf32>
    %add3A_682 = arith.addf %add3A_680, %slice3A_681 : vector<1x128xf32>
    %slice3A_683 = vector.extract_strided_slice %mul3A_625 {offsets = [29, 0], sizes = [1, 128], strides = [1, 1]} : vector<32x128xf32> to vector<1x128xf32>
    %add3A_684 = arith.addf %add3A_682, %slice3A_683 : vector<1x128xf32>
    %slice3A_685 = vector.extract_strided_slice %mul3A_625 {offsets = [30, 0], sizes = [1, 128], strides = [1, 1]} : vector<32x128xf32> to vector<1x128xf32>
    %add3A_686 = arith.addf %add3A_684, %slice3A_685 : vector<1x128xf32>
    %slice3A_687 = vector.extract_strided_slice %mul3A_625 {offsets = [31, 0], sizes = [1, 128], strides = [1, 1]} : vector<32x128xf32> to vector<1x128xf32>
    %add3A_688 = arith.addf %add3A_686, %slice3A_687 : vector<1x128xf32>
    %convert_element_type3A_689 = arith.truncf %slice3A_624 : vector<32x128xf32> to vector<32x128xbf16>
    %convert_element_type3A_690 = arith.extf %convert_element_type3A_689 : vector<32x128xbf16> to vector<32x128xf32>
    %broadcast_in_dim3A_691 = arith.constant 0x7F800000 : f32
    %broadcast_in_dim3A_692 = vector.broadcast %broadcast_in_dim3A_691 : f32 to vector<1x128xf32>
    %broadcast_in_dim3A_693 = arith.constant 0 : i32
    %broadcast_in_dim3A_694 = vector.broadcast %broadcast_in_dim3A_693 : i32 to vector<1x128xi32>
    %broadcast_in_dim3A_695 = arith.constant 0x7F800000 : f32
    %broadcast_in_dim3A_696 = vector.broadcast %broadcast_in_dim3A_695 : f32 to vector<1x128xf32>
    %broadcast_in_dim3A_697 = arith.constant 0 : i32
    %broadcast_in_dim3A_698 = vector.broadcast %broadcast_in_dim3A_697 : i32 to vector<1x128xi32>
    %scan3A_699 = arith.constant 0 : i32
    %scan3A_700 = arith.constant 8 : i32
    %scan3A_701 = arith.addi %scan3A_699, %scan3A_700 : i32
    %scan3A_702 = arith.constant 1 : i32
    %scan3A_703:2 = scf.for %scan3A_834 = %scan3A_699 to %scan3A_701 step %scan3A_702 iter_args(%scan3A_835 = %broadcast_in_dim3A_696, %scan3A_836 = %broadcast_in_dim3A_698) -> (vector<1x128xf32>, vector<1x128xi32>)  : i32 {
      %mul3A_837 = arith.constant 512 : i32
      %mul3A_838 = arith.muli %scan3A_834, %mul3A_837 : i32
      %add3A_839 = arith.constant 0 : i32
      %add3A_840 = arith.addi %add3A_839, %mul3A_838 : i32
      %get3A_841 = arith.index_cast %add3A_840 : i32 to index
      %get3A_842 = arith.constant 0 : index
      %get3A_843 = vector.load %arg2[%get3A_841, %get3A_842] : memref<8192x32xf32, #tpu.memory_space<vmem>>, vector<512x32xf32>
      %convert_element_type3A_844 = arith.truncf %get3A_843 : vector<512x32xf32> to vector<512x32xbf16>
      %convert_element_type3A_845 = arith.extf %convert_element_type3A_844 : vector<512x32xbf16> to vector<512x32xf32>
      %mul3A_846 = arith.mulf %get3A_843, %get3A_843 : vector<512x32xf32>
      %reduce_sum3A = arith.constant dense<0.000000e+00> : vector<512xf32>
      %reduce_sum3A_847 = vector.multi_reduction <add>, %mul3A_846, %reduce_sum3A [1] : vector<512x32xf32> to vector<512xf32>
      %broadcast_in_dim3A_848 = vector.shape_cast %reduce_sum3A_847 : vector<512xf32> to vector<512x1xf32>
      %slice3A_849 = vector.extract_strided_slice %convert_element_type3A_845 {offsets = [0, 0], sizes = [512, 1], strides = [1, 1]} : vector<512x32xf32> to vector<512x1xf32>
      %slice3A_850 = vector.extract_strided_slice %convert_element_type3A_690 {offsets = [0, 0], sizes = [1, 128], strides = [1, 1]} : vector<32x128xf32> to vector<1x128xf32>
      %mul3A_851 = vector.broadcast %slice3A_849 : vector<512x1xf32> to vector<512x128xf32>
      %mul3A_852 = vector.broadcast %slice3A_850 : vector<1x128xf32> to vector<512x128xf32>
      %mul3A_853 = arith.mulf %mul3A_851, %mul3A_852 : vector<512x128xf32>
      %slice3A_854 = vector.extract_strided_slice %convert_element_type3A_845 {offsets = [0, 1], sizes = [512, 1], strides = [1, 1]} : vector<512x32xf32> to vector<512x1xf32>
      %slice3A_855 = vector.extract_strided_slice %convert_element_type3A_690 {offsets = [1, 0], sizes = [1, 128], strides = [1, 1]} : vector<32x128xf32> to vector<1x128xf32>
      %mul3A_856 = vector.broadcast %slice3A_854 : vector<512x1xf32> to vector<512x128xf32>
      %mul3A_857 = vector.broadcast %slice3A_855 : vector<1x128xf32> to vector<512x128xf32>
      %mul3A_858 = arith.mulf %mul3A_856, %mul3A_857 : vector<512x128xf32>
      %add3A_859 = arith.addf %mul3A_853, %mul3A_858 : vector<512x128xf32>
      %slice3A_860 = vector.extract_strided_slice %convert_element_type3A_845 {offsets = [0, 2], sizes = [512, 1], strides = [1, 1]} : vector<512x32xf32> to vector<512x1xf32>
      %slice3A_861 = vector.extract_strided_slice %convert_element_type3A_690 {offsets = [2, 0], sizes = [1, 128], strides = [1, 1]} : vector<32x128xf32> to vector<1x128xf32>
      %mul3A_862 = vector.broadcast %slice3A_860 : vector<512x1xf32> to vector<512x128xf32>
      %mul3A_863 = vector.broadcast %slice3A_861 : vector<1x128xf32> to vector<512x128xf32>
      %mul3A_864 = arith.mulf %mul3A_862, %mul3A_863 : vector<512x128xf32>
      %add3A_865 = arith.addf %add3A_859, %mul3A_864 : vector<512x128xf32>
      %slice3A_866 = vector.extract_strided_slice %convert_element_type3A_845 {offsets = [0, 3], sizes = [512, 1], strides = [1, 1]} : vector<512x32xf32> to vector<512x1xf32>
      %slice3A_867 = vector.extract_strided_slice %convert_element_type3A_690 {offsets = [3, 0], sizes = [1, 128], strides = [1, 1]} : vector<32x128xf32> to vector<1x128xf32>
      %mul3A_868 = vector.broadcast %slice3A_866 : vector<512x1xf32> to vector<512x128xf32>
      %mul3A_869 = vector.broadcast %slice3A_867 : vector<1x128xf32> to vector<512x128xf32>
      %mul3A_870 = arith.mulf %mul3A_868, %mul3A_869 : vector<512x128xf32>
      %add3A_871 = arith.addf %add3A_865, %mul3A_870 : vector<512x128xf32>
      %slice3A_872 = vector.extract_strided_slice %convert_element_type3A_845 {offsets = [0, 4], sizes = [512, 1], strides = [1, 1]} : vector<512x32xf32> to vector<512x1xf32>
      %slice3A_873 = vector.extract_strided_slice %convert_element_type3A_690 {offsets = [4, 0], sizes = [1, 128], strides = [1, 1]} : vector<32x128xf32> to vector<1x128xf32>
      %mul3A_874 = vector.broadcast %slice3A_872 : vector<512x1xf32> to vector<512x128xf32>
      %mul3A_875 = vector.broadcast %slice3A_873 : vector<1x128xf32> to vector<512x128xf32>
      %mul3A_876 = arith.mulf %mul3A_874, %mul3A_875 : vector<512x128xf32>
      %add3A_877 = arith.addf %add3A_871, %mul3A_876 : vector<512x128xf32>
      %slice3A_878 = vector.extract_strided_slice %convert_element_type3A_845 {offsets = [0, 5], sizes = [512, 1], strides = [1, 1]} : vector<512x32xf32> to vector<512x1xf32>
      %slice3A_879 = vector.extract_strided_slice %convert_element_type3A_690 {offsets = [5, 0], sizes = [1, 128], strides = [1, 1]} : vector<32x128xf32> to vector<1x128xf32>
      %mul3A_880 = vector.broadcast %slice3A_878 : vector<512x1xf32> to vector<512x128xf32>
      %mul3A_881 = vector.broadcast %slice3A_879 : vector<1x128xf32> to vector<512x128xf32>
      %mul3A_882 = arith.mulf %mul3A_880, %mul3A_881 : vector<512x128xf32>
      %add3A_883 = arith.addf %add3A_877, %mul3A_882 : vector<512x128xf32>
      %slice3A_884 = vector.extract_strided_slice %convert_element_type3A_845 {offsets = [0, 6], sizes = [512, 1], strides = [1, 1]} : vector<512x32xf32> to vector<512x1xf32>
      %slice3A_885 = vector.extract_strided_slice %convert_element_type3A_690 {offsets = [6, 0], sizes = [1, 128], strides = [1, 1]} : vector<32x128xf32> to vector<1x128xf32>
      %mul3A_886 = vector.broadcast %slice3A_884 : vector<512x1xf32> to vector<512x128xf32>
      %mul3A_887 = vector.broadcast %slice3A_885 : vector<1x128xf32> to vector<512x128xf32>
      %mul3A_888 = arith.mulf %mul3A_886, %mul3A_887 : vector<512x128xf32>
      %add3A_889 = arith.addf %add3A_883, %mul3A_888 : vector<512x128xf32>
      %slice3A_890 = vector.extract_strided_slice %convert_element_type3A_845 {offsets = [0, 7], sizes = [512, 1], strides = [1, 1]} : vector<512x32xf32> to vector<512x1xf32>
      %slice3A_891 = vector.extract_strided_slice %convert_element_type3A_690 {offsets = [7, 0], sizes = [1, 128], strides = [1, 1]} : vector<32x128xf32> to vector<1x128xf32>
      %mul3A_892 = vector.broadcast %slice3A_890 : vector<512x1xf32> to vector<512x128xf32>
      %mul3A_893 = vector.broadcast %slice3A_891 : vector<1x128xf32> to vector<512x128xf32>
      %mul3A_894 = arith.mulf %mul3A_892, %mul3A_893 : vector<512x128xf32>
      %add3A_895 = arith.addf %add3A_889, %mul3A_894 : vector<512x128xf32>
      %slice3A_896 = vector.extract_strided_slice %convert_element_type3A_845 {offsets = [0, 8], sizes = [512, 1], strides = [1, 1]} : vector<512x32xf32> to vector<512x1xf32>
      %slice3A_897 = vector.extract_strided_slice %convert_element_type3A_690 {offsets = [8, 0], sizes = [1, 128], strides = [1, 1]} : vector<32x128xf32> to vector<1x128xf32>
      %mul3A_898 = vector.broadcast %slice3A_896 : vector<512x1xf32> to vector<512x128xf32>
      %mul3A_899 = vector.broadcast %slice3A_897 : vector<1x128xf32> to vector<512x128xf32>
      %mul3A_900 = arith.mulf %mul3A_898, %mul3A_899 : vector<512x128xf32>
      %add3A_901 = arith.addf %add3A_895, %mul3A_900 : vector<512x128xf32>
      %slice3A_902 = vector.extract_strided_slice %convert_element_type3A_845 {offsets = [0, 9], sizes = [512, 1], strides = [1, 1]} : vector<512x32xf32> to vector<512x1xf32>
      %slice3A_903 = vector.extract_strided_slice %convert_element_type3A_690 {offsets = [9, 0], sizes = [1, 128], strides = [1, 1]} : vector<32x128xf32> to vector<1x128xf32>
      %mul3A_904 = vector.broadcast %slice3A_902 : vector<512x1xf32> to vector<512x128xf32>
      %mul3A_905 = vector.broadcast %slice3A_903 : vector<1x128xf32> to vector<512x128xf32>
      %mul3A_906 = arith.mulf %mul3A_904, %mul3A_905 : vector<512x128xf32>
      %add3A_907 = arith.addf %add3A_901, %mul3A_906 : vector<512x128xf32>
      %slice3A_908 = vector.extract_strided_slice %convert_element_type3A_845 {offsets = [0, 10], sizes = [512, 1], strides = [1, 1]} : vector<512x32xf32> to vector<512x1xf32>
      %slice3A_909 = vector.extract_strided_slice %convert_element_type3A_690 {offsets = [10, 0], sizes = [1, 128], strides = [1, 1]} : vector<32x128xf32> to vector<1x128xf32>
      %mul3A_910 = vector.broadcast %slice3A_908 : vector<512x1xf32> to vector<512x128xf32>
      %mul3A_911 = vector.broadcast %slice3A_909 : vector<1x128xf32> to vector<512x128xf32>
      %mul3A_912 = arith.mulf %mul3A_910, %mul3A_911 : vector<512x128xf32>
      %add3A_913 = arith.addf %add3A_907, %mul3A_912 : vector<512x128xf32>
      %slice3A_914 = vector.extract_strided_slice %convert_element_type3A_845 {offsets = [0, 11], sizes = [512, 1], strides = [1, 1]} : vector<512x32xf32> to vector<512x1xf32>
      %slice3A_915 = vector.extract_strided_slice %convert_element_type3A_690 {offsets = [11, 0], sizes = [1, 128], strides = [1, 1]} : vector<32x128xf32> to vector<1x128xf32>
      %mul3A_916 = vector.broadcast %slice3A_914 : vector<512x1xf32> to vector<512x128xf32>
      %mul3A_917 = vector.broadcast %slice3A_915 : vector<1x128xf32> to vector<512x128xf32>
      %mul3A_918 = arith.mulf %mul3A_916, %mul3A_917 : vector<512x128xf32>
      %add3A_919 = arith.addf %add3A_913, %mul3A_918 : vector<512x128xf32>
      %slice3A_920 = vector.extract_strided_slice %convert_element_type3A_845 {offsets = [0, 12], sizes = [512, 1], strides = [1, 1]} : vector<512x32xf32> to vector<512x1xf32>
      %slice3A_921 = vector.extract_strided_slice %convert_element_type3A_690 {offsets = [12, 0], sizes = [1, 128], strides = [1, 1]} : vector<32x128xf32> to vector<1x128xf32>
      %mul3A_922 = vector.broadcast %slice3A_920 : vector<512x1xf32> to vector<512x128xf32>
      %mul3A_923 = vector.broadcast %slice3A_921 : vector<1x128xf32> to vector<512x128xf32>
      %mul3A_924 = arith.mulf %mul3A_922, %mul3A_923 : vector<512x128xf32>
      %add3A_925 = arith.addf %add3A_919, %mul3A_924 : vector<512x128xf32>
      %slice3A_926 = vector.extract_strided_slice %convert_element_type3A_845 {offsets = [0, 13], sizes = [512, 1], strides = [1, 1]} : vector<512x32xf32> to vector<512x1xf32>
      %slice3A_927 = vector.extract_strided_slice %convert_element_type3A_690 {offsets = [13, 0], sizes = [1, 128], strides = [1, 1]} : vector<32x128xf32> to vector<1x128xf32>
      %mul3A_928 = vector.broadcast %slice3A_926 : vector<512x1xf32> to vector<512x128xf32>
      %mul3A_929 = vector.broadcast %slice3A_927 : vector<1x128xf32> to vector<512x128xf32>
      %mul3A_930 = arith.mulf %mul3A_928, %mul3A_929 : vector<512x128xf32>
      %add3A_931 = arith.addf %add3A_925, %mul3A_930 : vector<512x128xf32>
      %slice3A_932 = vector.extract_strided_slice %convert_element_type3A_845 {offsets = [0, 14], sizes = [512, 1], strides = [1, 1]} : vector<512x32xf32> to vector<512x1xf32>
      %slice3A_933 = vector.extract_strided_slice %convert_element_type3A_690 {offsets = [14, 0], sizes = [1, 128], strides = [1, 1]} : vector<32x128xf32> to vector<1x128xf32>
      %mul3A_934 = vector.broadcast %slice3A_932 : vector<512x1xf32> to vector<512x128xf32>
      %mul3A_935 = vector.broadcast %slice3A_933 : vector<1x128xf32> to vector<512x128xf32>
      %mul3A_936 = arith.mulf %mul3A_934, %mul3A_935 : vector<512x128xf32>
      %add3A_937 = arith.addf %add3A_931, %mul3A_936 : vector<512x128xf32>
      %slice3A_938 = vector.extract_strided_slice %convert_element_type3A_845 {offsets = [0, 15], sizes = [512, 1], strides = [1, 1]} : vector<512x32xf32> to vector<512x1xf32>
      %slice3A_939 = vector.extract_strided_slice %convert_element_type3A_690 {offsets = [15, 0], sizes = [1, 128], strides = [1, 1]} : vector<32x128xf32> to vector<1x128xf32>
      %mul3A_940 = vector.broadcast %slice3A_938 : vector<512x1xf32> to vector<512x128xf32>
      %mul3A_941 = vector.broadcast %slice3A_939 : vector<1x128xf32> to vector<512x128xf32>
      %mul3A_942 = arith.mulf %mul3A_940, %mul3A_941 : vector<512x128xf32>
      %add3A_943 = arith.addf %add3A_937, %mul3A_942 : vector<512x128xf32>
      %slice3A_944 = vector.extract_strided_slice %convert_element_type3A_845 {offsets = [0, 16], sizes = [512, 1], strides = [1, 1]} : vector<512x32xf32> to vector<512x1xf32>
      %slice3A_945 = vector.extract_strided_slice %convert_element_type3A_690 {offsets = [16, 0], sizes = [1, 128], strides = [1, 1]} : vector<32x128xf32> to vector<1x128xf32>
      %mul3A_946 = vector.broadcast %slice3A_944 : vector<512x1xf32> to vector<512x128xf32>
      %mul3A_947 = vector.broadcast %slice3A_945 : vector<1x128xf32> to vector<512x128xf32>
      %mul3A_948 = arith.mulf %mul3A_946, %mul3A_947 : vector<512x128xf32>
      %add3A_949 = arith.addf %add3A_943, %mul3A_948 : vector<512x128xf32>
      %slice3A_950 = vector.extract_strided_slice %convert_element_type3A_845 {offsets = [0, 17], sizes = [512, 1], strides = [1, 1]} : vector<512x32xf32> to vector<512x1xf32>
      %slice3A_951 = vector.extract_strided_slice %convert_element_type3A_690 {offsets = [17, 0], sizes = [1, 128], strides = [1, 1]} : vector<32x128xf32> to vector<1x128xf32>
      %mul3A_952 = vector.broadcast %slice3A_950 : vector<512x1xf32> to vector<512x128xf32>
      %mul3A_953 = vector.broadcast %slice3A_951 : vector<1x128xf32> to vector<512x128xf32>
      %mul3A_954 = arith.mulf %mul3A_952, %mul3A_953 : vector<512x128xf32>
      %add3A_955 = arith.addf %add3A_949, %mul3A_954 : vector<512x128xf32>
      %slice3A_956 = vector.extract_strided_slice %convert_element_type3A_845 {offsets = [0, 18], sizes = [512, 1], strides = [1, 1]} : vector<512x32xf32> to vector<512x1xf32>
      %slice3A_957 = vector.extract_strided_slice %convert_element_type3A_690 {offsets = [18, 0], sizes = [1, 128], strides = [1, 1]} : vector<32x128xf32> to vector<1x128xf32>
      %mul3A_958 = vector.broadcast %slice3A_956 : vector<512x1xf32> to vector<512x128xf32>
      %mul3A_959 = vector.broadcast %slice3A_957 : vector<1x128xf32> to vector<512x128xf32>
      %mul3A_960 = arith.mulf %mul3A_958, %mul3A_959 : vector<512x128xf32>
      %add3A_961 = arith.addf %add3A_955, %mul3A_960 : vector<512x128xf32>
      %slice3A_962 = vector.extract_strided_slice %convert_element_type3A_845 {offsets = [0, 19], sizes = [512, 1], strides = [1, 1]} : vector<512x32xf32> to vector<512x1xf32>
      %slice3A_963 = vector.extract_strided_slice %convert_element_type3A_690 {offsets = [19, 0], sizes = [1, 128], strides = [1, 1]} : vector<32x128xf32> to vector<1x128xf32>
      %mul3A_964 = vector.broadcast %slice3A_962 : vector<512x1xf32> to vector<512x128xf32>
      %mul3A_965 = vector.broadcast %slice3A_963 : vector<1x128xf32> to vector<512x128xf32>
      %mul3A_966 = arith.mulf %mul3A_964, %mul3A_965 : vector<512x128xf32>
      %add3A_967 = arith.addf %add3A_961, %mul3A_966 : vector<512x128xf32>
      %slice3A_968 = vector.extract_strided_slice %convert_element_type3A_845 {offsets = [0, 20], sizes = [512, 1], strides = [1, 1]} : vector<512x32xf32> to vector<512x1xf32>
      %slice3A_969 = vector.extract_strided_slice %convert_element_type3A_690 {offsets = [20, 0], sizes = [1, 128], strides = [1, 1]} : vector<32x128xf32> to vector<1x128xf32>
      %mul3A_970 = vector.broadcast %slice3A_968 : vector<512x1xf32> to vector<512x128xf32>
      %mul3A_971 = vector.broadcast %slice3A_969 : vector<1x128xf32> to vector<512x128xf32>
      %mul3A_972 = arith.mulf %mul3A_970, %mul3A_971 : vector<512x128xf32>
      %add3A_973 = arith.addf %add3A_967, %mul3A_972 : vector<512x128xf32>
      %slice3A_974 = vector.extract_strided_slice %convert_element_type3A_845 {offsets = [0, 21], sizes = [512, 1], strides = [1, 1]} : vector<512x32xf32> to vector<512x1xf32>
      %slice3A_975 = vector.extract_strided_slice %convert_element_type3A_690 {offsets = [21, 0], sizes = [1, 128], strides = [1, 1]} : vector<32x128xf32> to vector<1x128xf32>
      %mul3A_976 = vector.broadcast %slice3A_974 : vector<512x1xf32> to vector<512x128xf32>
      %mul3A_977 = vector.broadcast %slice3A_975 : vector<1x128xf32> to vector<512x128xf32>
      %mul3A_978 = arith.mulf %mul3A_976, %mul3A_977 : vector<512x128xf32>
      %add3A_979 = arith.addf %add3A_973, %mul3A_978 : vector<512x128xf32>
      %slice3A_980 = vector.extract_strided_slice %convert_element_type3A_845 {offsets = [0, 22], sizes = [512, 1], strides = [1, 1]} : vector<512x32xf32> to vector<512x1xf32>
      %slice3A_981 = vector.extract_strided_slice %convert_element_type3A_690 {offsets = [22, 0], sizes = [1, 128], strides = [1, 1]} : vector<32x128xf32> to vector<1x128xf32>
      %mul3A_982 = vector.broadcast %slice3A_980 : vector<512x1xf32> to vector<512x128xf32>
      %mul3A_983 = vector.broadcast %slice3A_981 : vector<1x128xf32> to vector<512x128xf32>
      %mul3A_984 = arith.mulf %mul3A_982, %mul3A_983 : vector<512x128xf32>
      %add3A_985 = arith.addf %add3A_979, %mul3A_984 : vector<512x128xf32>
      %slice3A_986 = vector.extract_strided_slice %convert_element_type3A_845 {offsets = [0, 23], sizes = [512, 1], strides = [1, 1]} : vector<512x32xf32> to vector<512x1xf32>
      %slice3A_987 = vector.extract_strided_slice %convert_element_type3A_690 {offsets = [23, 0], sizes = [1, 128], strides = [1, 1]} : vector<32x128xf32> to vector<1x128xf32>
      %mul3A_988 = vector.broadcast %slice3A_986 : vector<512x1xf32> to vector<512x128xf32>
      %mul3A_989 = vector.broadcast %slice3A_987 : vector<1x128xf32> to vector<512x128xf32>
      %mul3A_990 = arith.mulf %mul3A_988, %mul3A_989 : vector<512x128xf32>
      %add3A_991 = arith.addf %add3A_985, %mul3A_990 : vector<512x128xf32>
      %slice3A_992 = vector.extract_strided_slice %convert_element_type3A_845 {offsets = [0, 24], sizes = [512, 1], strides = [1, 1]} : vector<512x32xf32> to vector<512x1xf32>
      %slice3A_993 = vector.extract_strided_slice %convert_element_type3A_690 {offsets = [24, 0], sizes = [1, 128], strides = [1, 1]} : vector<32x128xf32> to vector<1x128xf32>
      %mul3A_994 = vector.broadcast %slice3A_992 : vector<512x1xf32> to vector<512x128xf32>
      %mul3A_995 = vector.broadcast %slice3A_993 : vector<1x128xf32> to vector<512x128xf32>
      %mul3A_996 = arith.mulf %mul3A_994, %mul3A_995 : vector<512x128xf32>
      %add3A_997 = arith.addf %add3A_991, %mul3A_996 : vector<512x128xf32>
      %slice3A_998 = vector.extract_strided_slice %convert_element_type3A_845 {offsets = [0, 25], sizes = [512, 1], strides = [1, 1]} : vector<512x32xf32> to vector<512x1xf32>
      %slice3A_999 = vector.extract_strided_slice %convert_element_type3A_690 {offsets = [25, 0], sizes = [1, 128], strides = [1, 1]} : vector<32x128xf32> to vector<1x128xf32>
      %mul3A_1000 = vector.broadcast %slice3A_998 : vector<512x1xf32> to vector<512x128xf32>
      %mul3A_1001 = vector.broadcast %slice3A_999 : vector<1x128xf32> to vector<512x128xf32>
      %mul3A_1002 = arith.mulf %mul3A_1000, %mul3A_1001 : vector<512x128xf32>
      %add3A_1003 = arith.addf %add3A_997, %mul3A_1002 : vector<512x128xf32>
      %slice3A_1004 = vector.extract_strided_slice %convert_element_type3A_845 {offsets = [0, 26], sizes = [512, 1], strides = [1, 1]} : vector<512x32xf32> to vector<512x1xf32>
      %slice3A_1005 = vector.extract_strided_slice %convert_element_type3A_690 {offsets = [26, 0], sizes = [1, 128], strides = [1, 1]} : vector<32x128xf32> to vector<1x128xf32>
      %mul3A_1006 = vector.broadcast %slice3A_1004 : vector<512x1xf32> to vector<512x128xf32>
      %mul3A_1007 = vector.broadcast %slice3A_1005 : vector<1x128xf32> to vector<512x128xf32>
      %mul3A_1008 = arith.mulf %mul3A_1006, %mul3A_1007 : vector<512x128xf32>
      %add3A_1009 = arith.addf %add3A_1003, %mul3A_1008 : vector<512x128xf32>
      %slice3A_1010 = vector.extract_strided_slice %convert_element_type3A_845 {offsets = [0, 27], sizes = [512, 1], strides = [1, 1]} : vector<512x32xf32> to vector<512x1xf32>
      %slice3A_1011 = vector.extract_strided_slice %convert_element_type3A_690 {offsets = [27, 0], sizes = [1, 128], strides = [1, 1]} : vector<32x128xf32> to vector<1x128xf32>
      %mul3A_1012 = vector.broadcast %slice3A_1010 : vector<512x1xf32> to vector<512x128xf32>
      %mul3A_1013 = vector.broadcast %slice3A_1011 : vector<1x128xf32> to vector<512x128xf32>
      %mul3A_1014 = arith.mulf %mul3A_1012, %mul3A_1013 : vector<512x128xf32>
      %add3A_1015 = arith.addf %add3A_1009, %mul3A_1014 : vector<512x128xf32>
      %slice3A_1016 = vector.extract_strided_slice %convert_element_type3A_845 {offsets = [0, 28], sizes = [512, 1], strides = [1, 1]} : vector<512x32xf32> to vector<512x1xf32>
      %slice3A_1017 = vector.extract_strided_slice %convert_element_type3A_690 {offsets = [28, 0], sizes = [1, 128], strides = [1, 1]} : vector<32x128xf32> to vector<1x128xf32>
      %mul3A_1018 = vector.broadcast %slice3A_1016 : vector<512x1xf32> to vector<512x128xf32>
      %mul3A_1019 = vector.broadcast %slice3A_1017 : vector<1x128xf32> to vector<512x128xf32>
      %mul3A_1020 = arith.mulf %mul3A_1018, %mul3A_1019 : vector<512x128xf32>
      %add3A_1021 = arith.addf %add3A_1015, %mul3A_1020 : vector<512x128xf32>
      %slice3A_1022 = vector.extract_strided_slice %convert_element_type3A_845 {offsets = [0, 29], sizes = [512, 1], strides = [1, 1]} : vector<512x32xf32> to vector<512x1xf32>
      %slice3A_1023 = vector.extract_strided_slice %convert_element_type3A_690 {offsets = [29, 0], sizes = [1, 128], strides = [1, 1]} : vector<32x128xf32> to vector<1x128xf32>
      %mul3A_1024 = vector.broadcast %slice3A_1022 : vector<512x1xf32> to vector<512x128xf32>
      %mul3A_1025 = vector.broadcast %slice3A_1023 : vector<1x128xf32> to vector<512x128xf32>
      %mul3A_1026 = arith.mulf %mul3A_1024, %mul3A_1025 : vector<512x128xf32>
      %add3A_1027 = arith.addf %add3A_1021, %mul3A_1026 : vector<512x128xf32>
      %slice3A_1028 = vector.extract_strided_slice %convert_element_type3A_845 {offsets = [0, 30], sizes = [512, 1], strides = [1, 1]} : vector<512x32xf32> to vector<512x1xf32>
      %slice3A_1029 = vector.extract_strided_slice %convert_element_type3A_690 {offsets = [30, 0], sizes = [1, 128], strides = [1, 1]} : vector<32x128xf32> to vector<1x128xf32>
      %mul3A_1030 = vector.broadcast %slice3A_1028 : vector<512x1xf32> to vector<512x128xf32>
      %mul3A_1031 = vector.broadcast %slice3A_1029 : vector<1x128xf32> to vector<512x128xf32>
      %mul3A_1032 = arith.mulf %mul3A_1030, %mul3A_1031 : vector<512x128xf32>
      %add3A_1033 = arith.addf %add3A_1027, %mul3A_1032 : vector<512x128xf32>
      %slice3A_1034 = vector.extract_strided_slice %convert_element_type3A_845 {offsets = [0, 31], sizes = [512, 1], strides = [1, 1]} : vector<512x32xf32> to vector<512x1xf32>
      %slice3A_1035 = vector.extract_strided_slice %convert_element_type3A_690 {offsets = [31, 0], sizes = [1, 128], strides = [1, 1]} : vector<32x128xf32> to vector<1x128xf32>
      %mul3A_1036 = vector.broadcast %slice3A_1034 : vector<512x1xf32> to vector<512x128xf32>
      %mul3A_1037 = vector.broadcast %slice3A_1035 : vector<1x128xf32> to vector<512x128xf32>
      %mul3A_1038 = arith.mulf %mul3A_1036, %mul3A_1037 : vector<512x128xf32>
      %add3A_1039 = arith.addf %add3A_1033, %mul3A_1038 : vector<512x128xf32>
      %add3A_1040 = vector.broadcast %add3A_688 : vector<1x128xf32> to vector<512x128xf32>
      %add3A_1041 = vector.broadcast %broadcast_in_dim3A_848 : vector<512x1xf32> to vector<512x128xf32>
      %add3A_1042 = arith.addf %add3A_1040, %add3A_1041 : vector<512x128xf32>
      %mul3A_1043 = arith.constant 2.000000e+00 : f32
      %mul3A_1044 = vector.broadcast %mul3A_1043 : f32 to vector<512x128xf32>
      %mul3A_1045 = arith.mulf %mul3A_1044, %add3A_1039 : vector<512x128xf32>
      %sub3A = arith.subf %add3A_1042, %mul3A_1045 : vector<512x128xf32>
      %reduce_min3A = arith.constant dense<0x7F800000> : vector<128xf32>
      %reduce_min3A_1046 = vector.multi_reduction <minimumf>, %sub3A, %reduce_min3A [0] : vector<512x128xf32> to vector<128xf32>
      %broadcast_in_dim3A_1047 = vector.shape_cast %reduce_min3A_1046 : vector<128xf32> to vector<1x128xf32>
      %iota3A = tpu.iota {dimensions = array<i32: 0>} : vector<512x128xi32>
      %eq3A = vector.broadcast %broadcast_in_dim3A_1047 : vector<1x128xf32> to vector<512x128xf32>
      %eq3A_1048 = arith.cmpf oeq, %sub3A, %eq3A : vector<512x128xf32>
      %jit3A = arith.constant 8192 : i32
      %broadcast_in_dim3A_1049 = vector.broadcast %jit3A : i32 to vector<512x128xi32>
      %select_n3A_1050 = arith.select %eq3A_1048, %iota3A, %broadcast_in_dim3A_1049 : vector<512x128xi1>, vector<512x128xi32>
      %reduce_min3A_1051 = arith.constant dense<2147483647> : vector<128xi32>
      %reduce_min3A_1052 = vector.multi_reduction <minsi>, %select_n3A_1050, %reduce_min3A_1051 [0] : vector<512x128xi32> to vector<128xi32>
      %broadcast_in_dim3A_1053 = vector.shape_cast %reduce_min3A_1052 : vector<128xi32> to vector<1x128xi32>
      %add3A_1054 = vector.broadcast %add3A_840 : i32 to vector<1x128xi32>
      %add3A_1055 = arith.addi %broadcast_in_dim3A_1053, %add3A_1054 : vector<1x128xi32>
      %lt3A_1056 = arith.cmpf olt, %broadcast_in_dim3A_1047, %scan3A_835 : vector<1x128xf32>
      %select_n3A_1057 = arith.select %lt3A_1056, %broadcast_in_dim3A_1047, %scan3A_835 : vector<1x128xi1>, vector<1x128xf32>
      %select_n3A_1058 = arith.select %lt3A_1056, %add3A_1055, %scan3A_836 : vector<1x128xi1>, vector<1x128xi32>
      scf.yield %select_n3A_1057, %select_n3A_1058 : vector<1x128xf32>, vector<1x128xi32>
    }
    %scan3A_704 = arith.constant 8 : i32
    %lt3A_705 = arith.cmpf olt, %scan3A_703#0, %broadcast_in_dim3A_692 : vector<1x128xf32>
    %select_n3A_706 = arith.select %lt3A_705, %scan3A_703#1, %broadcast_in_dim3A_694 : vector<1x128xi1>, vector<1x128xi32>
    %select_n3A_707 = arith.select %lt3A_705, %scan3A_703#0, %broadcast_in_dim3A_692 : vector<1x128xi1>, vector<1x128xf32>
    %convert_element_type3A_708 = arith.truncf %select_n3A_707 : vector<1x128xf32> to vector<1x128xbf16>
    %convert_element_type3A_709 = arith.extf %convert_element_type3A_708 : vector<1x128xbf16> to vector<1x128xf32>
    %broadcast_in_dim3A_710 = arith.constant 0x7F800000 : f32
    %broadcast_in_dim3A_711 = vector.broadcast %broadcast_in_dim3A_710 : f32 to vector<1x128xf32>
    %broadcast_in_dim3A_712 = arith.constant 0 : i32
    %broadcast_in_dim3A_713 = vector.broadcast %broadcast_in_dim3A_712 : i32 to vector<1x128xi32>
    %scan3A_714 = arith.constant 0 : i32
    %scan3A_715 = arith.constant 8 : i32
    %scan3A_716 = arith.addi %scan3A_714, %scan3A_715 : i32
    %scan3A_717 = arith.constant 1 : i32
    %scan3A_718:2 = scf.for %scan3A_834 = %scan3A_714 to %scan3A_716 step %scan3A_717 iter_args(%scan3A_835 = %broadcast_in_dim3A_711, %scan3A_836 = %broadcast_in_dim3A_713) -> (vector<1x128xf32>, vector<1x128xi32>)  : i32 {
      %mul3A_837 = arith.constant 512 : i32
      %mul3A_838 = arith.muli %scan3A_834, %mul3A_837 : i32
      %add3A_839 = arith.constant 4096 : i32
      %add3A_840 = arith.addi %add3A_839, %mul3A_838 : i32
      %get3A_841 = arith.index_cast %add3A_840 : i32 to index
      %get3A_842 = arith.constant 0 : index
      %get3A_843 = vector.load %arg2[%get3A_841, %get3A_842] : memref<8192x32xf32, #tpu.memory_space<vmem>>, vector<512x32xf32>
      %convert_element_type3A_844 = arith.truncf %get3A_843 : vector<512x32xf32> to vector<512x32xbf16>
      %convert_element_type3A_845 = arith.extf %convert_element_type3A_844 : vector<512x32xbf16> to vector<512x32xf32>
      %mul3A_846 = arith.mulf %get3A_843, %get3A_843 : vector<512x32xf32>
      %reduce_sum3A = arith.constant dense<0.000000e+00> : vector<512xf32>
      %reduce_sum3A_847 = vector.multi_reduction <add>, %mul3A_846, %reduce_sum3A [1] : vector<512x32xf32> to vector<512xf32>
      %broadcast_in_dim3A_848 = vector.shape_cast %reduce_sum3A_847 : vector<512xf32> to vector<512x1xf32>
      %slice3A_849 = vector.extract_strided_slice %convert_element_type3A_845 {offsets = [0, 0], sizes = [512, 1], strides = [1, 1]} : vector<512x32xf32> to vector<512x1xf32>
      %slice3A_850 = vector.extract_strided_slice %convert_element_type3A_690 {offsets = [0, 0], sizes = [1, 128], strides = [1, 1]} : vector<32x128xf32> to vector<1x128xf32>
      %mul3A_851 = vector.broadcast %slice3A_849 : vector<512x1xf32> to vector<512x128xf32>
      %mul3A_852 = vector.broadcast %slice3A_850 : vector<1x128xf32> to vector<512x128xf32>
      %mul3A_853 = arith.mulf %mul3A_851, %mul3A_852 : vector<512x128xf32>
      %slice3A_854 = vector.extract_strided_slice %convert_element_type3A_845 {offsets = [0, 1], sizes = [512, 1], strides = [1, 1]} : vector<512x32xf32> to vector<512x1xf32>
      %slice3A_855 = vector.extract_strided_slice %convert_element_type3A_690 {offsets = [1, 0], sizes = [1, 128], strides = [1, 1]} : vector<32x128xf32> to vector<1x128xf32>
      %mul3A_856 = vector.broadcast %slice3A_854 : vector<512x1xf32> to vector<512x128xf32>
      %mul3A_857 = vector.broadcast %slice3A_855 : vector<1x128xf32> to vector<512x128xf32>
      %mul3A_858 = arith.mulf %mul3A_856, %mul3A_857 : vector<512x128xf32>
      %add3A_859 = arith.addf %mul3A_853, %mul3A_858 : vector<512x128xf32>
      %slice3A_860 = vector.extract_strided_slice %convert_element_type3A_845 {offsets = [0, 2], sizes = [512, 1], strides = [1, 1]} : vector<512x32xf32> to vector<512x1xf32>
      %slice3A_861 = vector.extract_strided_slice %convert_element_type3A_690 {offsets = [2, 0], sizes = [1, 128], strides = [1, 1]} : vector<32x128xf32> to vector<1x128xf32>
      %mul3A_862 = vector.broadcast %slice3A_860 : vector<512x1xf32> to vector<512x128xf32>
      %mul3A_863 = vector.broadcast %slice3A_861 : vector<1x128xf32> to vector<512x128xf32>
      %mul3A_864 = arith.mulf %mul3A_862, %mul3A_863 : vector<512x128xf32>
      %add3A_865 = arith.addf %add3A_859, %mul3A_864 : vector<512x128xf32>
      %slice3A_866 = vector.extract_strided_slice %convert_element_type3A_845 {offsets = [0, 3], sizes = [512, 1], strides = [1, 1]} : vector<512x32xf32> to vector<512x1xf32>
      %slice3A_867 = vector.extract_strided_slice %convert_element_type3A_690 {offsets = [3, 0], sizes = [1, 128], strides = [1, 1]} : vector<32x128xf32> to vector<1x128xf32>
      %mul3A_868 = vector.broadcast %slice3A_866 : vector<512x1xf32> to vector<512x128xf32>
      %mul3A_869 = vector.broadcast %slice3A_867 : vector<1x128xf32> to vector<512x128xf32>
      %mul3A_870 = arith.mulf %mul3A_868, %mul3A_869 : vector<512x128xf32>
      %add3A_871 = arith.addf %add3A_865, %mul3A_870 : vector<512x128xf32>
      %slice3A_872 = vector.extract_strided_slice %convert_element_type3A_845 {offsets = [0, 4], sizes = [512, 1], strides = [1, 1]} : vector<512x32xf32> to vector<512x1xf32>
      %slice3A_873 = vector.extract_strided_slice %convert_element_type3A_690 {offsets = [4, 0], sizes = [1, 128], strides = [1, 1]} : vector<32x128xf32> to vector<1x128xf32>
      %mul3A_874 = vector.broadcast %slice3A_872 : vector<512x1xf32> to vector<512x128xf32>
      %mul3A_875 = vector.broadcast %slice3A_873 : vector<1x128xf32> to vector<512x128xf32>
      %mul3A_876 = arith.mulf %mul3A_874, %mul3A_875 : vector<512x128xf32>
      %add3A_877 = arith.addf %add3A_871, %mul3A_876 : vector<512x128xf32>
      %slice3A_878 = vector.extract_strided_slice %convert_element_type3A_845 {offsets = [0, 5], sizes = [512, 1], strides = [1, 1]} : vector<512x32xf32> to vector<512x1xf32>
      %slice3A_879 = vector.extract_strided_slice %convert_element_type3A_690 {offsets = [5, 0], sizes = [1, 128], strides = [1, 1]} : vector<32x128xf32> to vector<1x128xf32>
      %mul3A_880 = vector.broadcast %slice3A_878 : vector<512x1xf32> to vector<512x128xf32>
      %mul3A_881 = vector.broadcast %slice3A_879 : vector<1x128xf32> to vector<512x128xf32>
      %mul3A_882 = arith.mulf %mul3A_880, %mul3A_881 : vector<512x128xf32>
      %add3A_883 = arith.addf %add3A_877, %mul3A_882 : vector<512x128xf32>
      %slice3A_884 = vector.extract_strided_slice %convert_element_type3A_845 {offsets = [0, 6], sizes = [512, 1], strides = [1, 1]} : vector<512x32xf32> to vector<512x1xf32>
      %slice3A_885 = vector.extract_strided_slice %convert_element_type3A_690 {offsets = [6, 0], sizes = [1, 128], strides = [1, 1]} : vector<32x128xf32> to vector<1x128xf32>
      %mul3A_886 = vector.broadcast %slice3A_884 : vector<512x1xf32> to vector<512x128xf32>
      %mul3A_887 = vector.broadcast %slice3A_885 : vector<1x128xf32> to vector<512x128xf32>
      %mul3A_888 = arith.mulf %mul3A_886, %mul3A_887 : vector<512x128xf32>
      %add3A_889 = arith.addf %add3A_883, %mul3A_888 : vector<512x128xf32>
      %slice3A_890 = vector.extract_strided_slice %convert_element_type3A_845 {offsets = [0, 7], sizes = [512, 1], strides = [1, 1]} : vector<512x32xf32> to vector<512x1xf32>
      %slice3A_891 = vector.extract_strided_slice %convert_element_type3A_690 {offsets = [7, 0], sizes = [1, 128], strides = [1, 1]} : vector<32x128xf32> to vector<1x128xf32>
      %mul3A_892 = vector.broadcast %slice3A_890 : vector<512x1xf32> to vector<512x128xf32>
      %mul3A_893 = vector.broadcast %slice3A_891 : vector<1x128xf32> to vector<512x128xf32>
      %mul3A_894 = arith.mulf %mul3A_892, %mul3A_893 : vector<512x128xf32>
      %add3A_895 = arith.addf %add3A_889, %mul3A_894 : vector<512x128xf32>
      %slice3A_896 = vector.extract_strided_slice %convert_element_type3A_845 {offsets = [0, 8], sizes = [512, 1], strides = [1, 1]} : vector<512x32xf32> to vector<512x1xf32>
      %slice3A_897 = vector.extract_strided_slice %convert_element_type3A_690 {offsets = [8, 0], sizes = [1, 128], strides = [1, 1]} : vector<32x128xf32> to vector<1x128xf32>
      %mul3A_898 = vector.broadcast %slice3A_896 : vector<512x1xf32> to vector<512x128xf32>
      %mul3A_899 = vector.broadcast %slice3A_897 : vector<1x128xf32> to vector<512x128xf32>
      %mul3A_900 = arith.mulf %mul3A_898, %mul3A_899 : vector<512x128xf32>
      %add3A_901 = arith.addf %add3A_895, %mul3A_900 : vector<512x128xf32>
      %slice3A_902 = vector.extract_strided_slice %convert_element_type3A_845 {offsets = [0, 9], sizes = [512, 1], strides = [1, 1]} : vector<512x32xf32> to vector<512x1xf32>
      %slice3A_903 = vector.extract_strided_slice %convert_element_type3A_690 {offsets = [9, 0], sizes = [1, 128], strides = [1, 1]} : vector<32x128xf32> to vector<1x128xf32>
      %mul3A_904 = vector.broadcast %slice3A_902 : vector<512x1xf32> to vector<512x128xf32>
      %mul3A_905 = vector.broadcast %slice3A_903 : vector<1x128xf32> to vector<512x128xf32>
      %mul3A_906 = arith.mulf %mul3A_904, %mul3A_905 : vector<512x128xf32>
      %add3A_907 = arith.addf %add3A_901, %mul3A_906 : vector<512x128xf32>
      %slice3A_908 = vector.extract_strided_slice %convert_element_type3A_845 {offsets = [0, 10], sizes = [512, 1], strides = [1, 1]} : vector<512x32xf32> to vector<512x1xf32>
      %slice3A_909 = vector.extract_strided_slice %convert_element_type3A_690 {offsets = [10, 0], sizes = [1, 128], strides = [1, 1]} : vector<32x128xf32> to vector<1x128xf32>
      %mul3A_910 = vector.broadcast %slice3A_908 : vector<512x1xf32> to vector<512x128xf32>
      %mul3A_911 = vector.broadcast %slice3A_909 : vector<1x128xf32> to vector<512x128xf32>
      %mul3A_912 = arith.mulf %mul3A_910, %mul3A_911 : vector<512x128xf32>
      %add3A_913 = arith.addf %add3A_907, %mul3A_912 : vector<512x128xf32>
      %slice3A_914 = vector.extract_strided_slice %convert_element_type3A_845 {offsets = [0, 11], sizes = [512, 1], strides = [1, 1]} : vector<512x32xf32> to vector<512x1xf32>
      %slice3A_915 = vector.extract_strided_slice %convert_element_type3A_690 {offsets = [11, 0], sizes = [1, 128], strides = [1, 1]} : vector<32x128xf32> to vector<1x128xf32>
      %mul3A_916 = vector.broadcast %slice3A_914 : vector<512x1xf32> to vector<512x128xf32>
      %mul3A_917 = vector.broadcast %slice3A_915 : vector<1x128xf32> to vector<512x128xf32>
      %mul3A_918 = arith.mulf %mul3A_916, %mul3A_917 : vector<512x128xf32>
      %add3A_919 = arith.addf %add3A_913, %mul3A_918 : vector<512x128xf32>
      %slice3A_920 = vector.extract_strided_slice %convert_element_type3A_845 {offsets = [0, 12], sizes = [512, 1], strides = [1, 1]} : vector<512x32xf32> to vector<512x1xf32>
      %slice3A_921 = vector.extract_strided_slice %convert_element_type3A_690 {offsets = [12, 0], sizes = [1, 128], strides = [1, 1]} : vector<32x128xf32> to vector<1x128xf32>
      %mul3A_922 = vector.broadcast %slice3A_920 : vector<512x1xf32> to vector<512x128xf32>
      %mul3A_923 = vector.broadcast %slice3A_921 : vector<1x128xf32> to vector<512x128xf32>
      %mul3A_924 = arith.mulf %mul3A_922, %mul3A_923 : vector<512x128xf32>
      %add3A_925 = arith.addf %add3A_919, %mul3A_924 : vector<512x128xf32>
      %slice3A_926 = vector.extract_strided_slice %convert_element_type3A_845 {offsets = [0, 13], sizes = [512, 1], strides = [1, 1]} : vector<512x32xf32> to vector<512x1xf32>
      %slice3A_927 = vector.extract_strided_slice %convert_element_type3A_690 {offsets = [13, 0], sizes = [1, 128], strides = [1, 1]} : vector<32x128xf32> to vector<1x128xf32>
      %mul3A_928 = vector.broadcast %slice3A_926 : vector<512x1xf32> to vector<512x128xf32>
      %mul3A_929 = vector.broadcast %slice3A_927 : vector<1x128xf32> to vector<512x128xf32>
      %mul3A_930 = arith.mulf %mul3A_928, %mul3A_929 : vector<512x128xf32>
      %add3A_931 = arith.addf %add3A_925, %mul3A_930 : vector<512x128xf32>
      %slice3A_932 = vector.extract_strided_slice %convert_element_type3A_845 {offsets = [0, 14], sizes = [512, 1], strides = [1, 1]} : vector<512x32xf32> to vector<512x1xf32>
      %slice3A_933 = vector.extract_strided_slice %convert_element_type3A_690 {offsets = [14, 0], sizes = [1, 128], strides = [1, 1]} : vector<32x128xf32> to vector<1x128xf32>
      %mul3A_934 = vector.broadcast %slice3A_932 : vector<512x1xf32> to vector<512x128xf32>
      %mul3A_935 = vector.broadcast %slice3A_933 : vector<1x128xf32> to vector<512x128xf32>
      %mul3A_936 = arith.mulf %mul3A_934, %mul3A_935 : vector<512x128xf32>
      %add3A_937 = arith.addf %add3A_931, %mul3A_936 : vector<512x128xf32>
      %slice3A_938 = vector.extract_strided_slice %convert_element_type3A_845 {offsets = [0, 15], sizes = [512, 1], strides = [1, 1]} : vector<512x32xf32> to vector<512x1xf32>
      %slice3A_939 = vector.extract_strided_slice %convert_element_type3A_690 {offsets = [15, 0], sizes = [1, 128], strides = [1, 1]} : vector<32x128xf32> to vector<1x128xf32>
      %mul3A_940 = vector.broadcast %slice3A_938 : vector<512x1xf32> to vector<512x128xf32>
      %mul3A_941 = vector.broadcast %slice3A_939 : vector<1x128xf32> to vector<512x128xf32>
      %mul3A_942 = arith.mulf %mul3A_940, %mul3A_941 : vector<512x128xf32>
      %add3A_943 = arith.addf %add3A_937, %mul3A_942 : vector<512x128xf32>
      %slice3A_944 = vector.extract_strided_slice %convert_element_type3A_845 {offsets = [0, 16], sizes = [512, 1], strides = [1, 1]} : vector<512x32xf32> to vector<512x1xf32>
      %slice3A_945 = vector.extract_strided_slice %convert_element_type3A_690 {offsets = [16, 0], sizes = [1, 128], strides = [1, 1]} : vector<32x128xf32> to vector<1x128xf32>
      %mul3A_946 = vector.broadcast %slice3A_944 : vector<512x1xf32> to vector<512x128xf32>
      %mul3A_947 = vector.broadcast %slice3A_945 : vector<1x128xf32> to vector<512x128xf32>
      %mul3A_948 = arith.mulf %mul3A_946, %mul3A_947 : vector<512x128xf32>
      %add3A_949 = arith.addf %add3A_943, %mul3A_948 : vector<512x128xf32>
      %slice3A_950 = vector.extract_strided_slice %convert_element_type3A_845 {offsets = [0, 17], sizes = [512, 1], strides = [1, 1]} : vector<512x32xf32> to vector<512x1xf32>
      %slice3A_951 = vector.extract_strided_slice %convert_element_type3A_690 {offsets = [17, 0], sizes = [1, 128], strides = [1, 1]} : vector<32x128xf32> to vector<1x128xf32>
      %mul3A_952 = vector.broadcast %slice3A_950 : vector<512x1xf32> to vector<512x128xf32>
      %mul3A_953 = vector.broadcast %slice3A_951 : vector<1x128xf32> to vector<512x128xf32>
      %mul3A_954 = arith.mulf %mul3A_952, %mul3A_953 : vector<512x128xf32>
      %add3A_955 = arith.addf %add3A_949, %mul3A_954 : vector<512x128xf32>
      %slice3A_956 = vector.extract_strided_slice %convert_element_type3A_845 {offsets = [0, 18], sizes = [512, 1], strides = [1, 1]} : vector<512x32xf32> to vector<512x1xf32>
      %slice3A_957 = vector.extract_strided_slice %convert_element_type3A_690 {offsets = [18, 0], sizes = [1, 128], strides = [1, 1]} : vector<32x128xf32> to vector<1x128xf32>
      %mul3A_958 = vector.broadcast %slice3A_956 : vector<512x1xf32> to vector<512x128xf32>
      %mul3A_959 = vector.broadcast %slice3A_957 : vector<1x128xf32> to vector<512x128xf32>
      %mul3A_960 = arith.mulf %mul3A_958, %mul3A_959 : vector<512x128xf32>
      %add3A_961 = arith.addf %add3A_955, %mul3A_960 : vector<512x128xf32>
      %slice3A_962 = vector.extract_strided_slice %convert_element_type3A_845 {offsets = [0, 19], sizes = [512, 1], strides = [1, 1]} : vector<512x32xf32> to vector<512x1xf32>
      %slice3A_963 = vector.extract_strided_slice %convert_element_type3A_690 {offsets = [19, 0], sizes = [1, 128], strides = [1, 1]} : vector<32x128xf32> to vector<1x128xf32>
      %mul3A_964 = vector.broadcast %slice3A_962 : vector<512x1xf32> to vector<512x128xf32>
      %mul3A_965 = vector.broadcast %slice3A_963 : vector<1x128xf32> to vector<512x128xf32>
      %mul3A_966 = arith.mulf %mul3A_964, %mul3A_965 : vector<512x128xf32>
      %add3A_967 = arith.addf %add3A_961, %mul3A_966 : vector<512x128xf32>
      %slice3A_968 = vector.extract_strided_slice %convert_element_type3A_845 {offsets = [0, 20], sizes = [512, 1], strides = [1, 1]} : vector<512x32xf32> to vector<512x1xf32>
      %slice3A_969 = vector.extract_strided_slice %convert_element_type3A_690 {offsets = [20, 0], sizes = [1, 128], strides = [1, 1]} : vector<32x128xf32> to vector<1x128xf32>
      %mul3A_970 = vector.broadcast %slice3A_968 : vector<512x1xf32> to vector<512x128xf32>
      %mul3A_971 = vector.broadcast %slice3A_969 : vector<1x128xf32> to vector<512x128xf32>
      %mul3A_972 = arith.mulf %mul3A_970, %mul3A_971 : vector<512x128xf32>
      %add3A_973 = arith.addf %add3A_967, %mul3A_972 : vector<512x128xf32>
      %slice3A_974 = vector.extract_strided_slice %convert_element_type3A_845 {offsets = [0, 21], sizes = [512, 1], strides = [1, 1]} : vector<512x32xf32> to vector<512x1xf32>
      %slice3A_975 = vector.extract_strided_slice %convert_element_type3A_690 {offsets = [21, 0], sizes = [1, 128], strides = [1, 1]} : vector<32x128xf32> to vector<1x128xf32>
      %mul3A_976 = vector.broadcast %slice3A_974 : vector<512x1xf32> to vector<512x128xf32>
      %mul3A_977 = vector.broadcast %slice3A_975 : vector<1x128xf32> to vector<512x128xf32>
      %mul3A_978 = arith.mulf %mul3A_976, %mul3A_977 : vector<512x128xf32>
      %add3A_979 = arith.addf %add3A_973, %mul3A_978 : vector<512x128xf32>
      %slice3A_980 = vector.extract_strided_slice %convert_element_type3A_845 {offsets = [0, 22], sizes = [512, 1], strides = [1, 1]} : vector<512x32xf32> to vector<512x1xf32>
      %slice3A_981 = vector.extract_strided_slice %convert_element_type3A_690 {offsets = [22, 0], sizes = [1, 128], strides = [1, 1]} : vector<32x128xf32> to vector<1x128xf32>
      %mul3A_982 = vector.broadcast %slice3A_980 : vector<512x1xf32> to vector<512x128xf32>
      %mul3A_983 = vector.broadcast %slice3A_981 : vector<1x128xf32> to vector<512x128xf32>
      %mul3A_984 = arith.mulf %mul3A_982, %mul3A_983 : vector<512x128xf32>
      %add3A_985 = arith.addf %add3A_979, %mul3A_984 : vector<512x128xf32>
      %slice3A_986 = vector.extract_strided_slice %convert_element_type3A_845 {offsets = [0, 23], sizes = [512, 1], strides = [1, 1]} : vector<512x32xf32> to vector<512x1xf32>
      %slice3A_987 = vector.extract_strided_slice %convert_element_type3A_690 {offsets = [23, 0], sizes = [1, 128], strides = [1, 1]} : vector<32x128xf32> to vector<1x128xf32>
      %mul3A_988 = vector.broadcast %slice3A_986 : vector<512x1xf32> to vector<512x128xf32>
      %mul3A_989 = vector.broadcast %slice3A_987 : vector<1x128xf32> to vector<512x128xf32>
      %mul3A_990 = arith.mulf %mul3A_988, %mul3A_989 : vector<512x128xf32>
      %add3A_991 = arith.addf %add3A_985, %mul3A_990 : vector<512x128xf32>
      %slice3A_992 = vector.extract_strided_slice %convert_element_type3A_845 {offsets = [0, 24], sizes = [512, 1], strides = [1, 1]} : vector<512x32xf32> to vector<512x1xf32>
      %slice3A_993 = vector.extract_strided_slice %convert_element_type3A_690 {offsets = [24, 0], sizes = [1, 128], strides = [1, 1]} : vector<32x128xf32> to vector<1x128xf32>
      %mul3A_994 = vector.broadcast %slice3A_992 : vector<512x1xf32> to vector<512x128xf32>
      %mul3A_995 = vector.broadcast %slice3A_993 : vector<1x128xf32> to vector<512x128xf32>
      %mul3A_996 = arith.mulf %mul3A_994, %mul3A_995 : vector<512x128xf32>
      %add3A_997 = arith.addf %add3A_991, %mul3A_996 : vector<512x128xf32>
      %slice3A_998 = vector.extract_strided_slice %convert_element_type3A_845 {offsets = [0, 25], sizes = [512, 1], strides = [1, 1]} : vector<512x32xf32> to vector<512x1xf32>
      %slice3A_999 = vector.extract_strided_slice %convert_element_type3A_690 {offsets = [25, 0], sizes = [1, 128], strides = [1, 1]} : vector<32x128xf32> to vector<1x128xf32>
      %mul3A_1000 = vector.broadcast %slice3A_998 : vector<512x1xf32> to vector<512x128xf32>
      %mul3A_1001 = vector.broadcast %slice3A_999 : vector<1x128xf32> to vector<512x128xf32>
      %mul3A_1002 = arith.mulf %mul3A_1000, %mul3A_1001 : vector<512x128xf32>
      %add3A_1003 = arith.addf %add3A_997, %mul3A_1002 : vector<512x128xf32>
      %slice3A_1004 = vector.extract_strided_slice %convert_element_type3A_845 {offsets = [0, 26], sizes = [512, 1], strides = [1, 1]} : vector<512x32xf32> to vector<512x1xf32>
      %slice3A_1005 = vector.extract_strided_slice %convert_element_type3A_690 {offsets = [26, 0], sizes = [1, 128], strides = [1, 1]} : vector<32x128xf32> to vector<1x128xf32>
      %mul3A_1006 = vector.broadcast %slice3A_1004 : vector<512x1xf32> to vector<512x128xf32>
      %mul3A_1007 = vector.broadcast %slice3A_1005 : vector<1x128xf32> to vector<512x128xf32>
      %mul3A_1008 = arith.mulf %mul3A_1006, %mul3A_1007 : vector<512x128xf32>
      %add3A_1009 = arith.addf %add3A_1003, %mul3A_1008 : vector<512x128xf32>
      %slice3A_1010 = vector.extract_strided_slice %convert_element_type3A_845 {offsets = [0, 27], sizes = [512, 1], strides = [1, 1]} : vector<512x32xf32> to vector<512x1xf32>
      %slice3A_1011 = vector.extract_strided_slice %convert_element_type3A_690 {offsets = [27, 0], sizes = [1, 128], strides = [1, 1]} : vector<32x128xf32> to vector<1x128xf32>
      %mul3A_1012 = vector.broadcast %slice3A_1010 : vector<512x1xf32> to vector<512x128xf32>
      %mul3A_1013 = vector.broadcast %slice3A_1011 : vector<1x128xf32> to vector<512x128xf32>
      %mul3A_1014 = arith.mulf %mul3A_1012, %mul3A_1013 : vector<512x128xf32>
      %add3A_1015 = arith.addf %add3A_1009, %mul3A_1014 : vector<512x128xf32>
      %slice3A_1016 = vector.extract_strided_slice %convert_element_type3A_845 {offsets = [0, 28], sizes = [512, 1], strides = [1, 1]} : vector<512x32xf32> to vector<512x1xf32>
      %slice3A_1017 = vector.extract_strided_slice %convert_element_type3A_690 {offsets = [28, 0], sizes = [1, 128], strides = [1, 1]} : vector<32x128xf32> to vector<1x128xf32>
      %mul3A_1018 = vector.broadcast %slice3A_1016 : vector<512x1xf32> to vector<512x128xf32>
      %mul3A_1019 = vector.broadcast %slice3A_1017 : vector<1x128xf32> to vector<512x128xf32>
      %mul3A_1020 = arith.mulf %mul3A_1018, %mul3A_1019 : vector<512x128xf32>
      %add3A_1021 = arith.addf %add3A_1015, %mul3A_1020 : vector<512x128xf32>
      %slice3A_1022 = vector.extract_strided_slice %convert_element_type3A_845 {offsets = [0, 29], sizes = [512, 1], strides = [1, 1]} : vector<512x32xf32> to vector<512x1xf32>
      %slice3A_1023 = vector.extract_strided_slice %convert_element_type3A_690 {offsets = [29, 0], sizes = [1, 128], strides = [1, 1]} : vector<32x128xf32> to vector<1x128xf32>
      %mul3A_1024 = vector.broadcast %slice3A_1022 : vector<512x1xf32> to vector<512x128xf32>
      %mul3A_1025 = vector.broadcast %slice3A_1023 : vector<1x128xf32> to vector<512x128xf32>
      %mul3A_1026 = arith.mulf %mul3A_1024, %mul3A_1025 : vector<512x128xf32>
      %add3A_1027 = arith.addf %add3A_1021, %mul3A_1026 : vector<512x128xf32>
      %slice3A_1028 = vector.extract_strided_slice %convert_element_type3A_845 {offsets = [0, 30], sizes = [512, 1], strides = [1, 1]} : vector<512x32xf32> to vector<512x1xf32>
      %slice3A_1029 = vector.extract_strided_slice %convert_element_type3A_690 {offsets = [30, 0], sizes = [1, 128], strides = [1, 1]} : vector<32x128xf32> to vector<1x128xf32>
      %mul3A_1030 = vector.broadcast %slice3A_1028 : vector<512x1xf32> to vector<512x128xf32>
      %mul3A_1031 = vector.broadcast %slice3A_1029 : vector<1x128xf32> to vector<512x128xf32>
      %mul3A_1032 = arith.mulf %mul3A_1030, %mul3A_1031 : vector<512x128xf32>
      %add3A_1033 = arith.addf %add3A_1027, %mul3A_1032 : vector<512x128xf32>
      %slice3A_1034 = vector.extract_strided_slice %convert_element_type3A_845 {offsets = [0, 31], sizes = [512, 1], strides = [1, 1]} : vector<512x32xf32> to vector<512x1xf32>
      %slice3A_1035 = vector.extract_strided_slice %convert_element_type3A_690 {offsets = [31, 0], sizes = [1, 128], strides = [1, 1]} : vector<32x128xf32> to vector<1x128xf32>
      %mul3A_1036 = vector.broadcast %slice3A_1034 : vector<512x1xf32> to vector<512x128xf32>
      %mul3A_1037 = vector.broadcast %slice3A_1035 : vector<1x128xf32> to vector<512x128xf32>
      %mul3A_1038 = arith.mulf %mul3A_1036, %mul3A_1037 : vector<512x128xf32>
      %add3A_1039 = arith.addf %add3A_1033, %mul3A_1038 : vector<512x128xf32>
      %add3A_1040 = vector.broadcast %add3A_688 : vector<1x128xf32> to vector<512x128xf32>
      %add3A_1041 = vector.broadcast %broadcast_in_dim3A_848 : vector<512x1xf32> to vector<512x128xf32>
      %add3A_1042 = arith.addf %add3A_1040, %add3A_1041 : vector<512x128xf32>
      %mul3A_1043 = arith.constant 2.000000e+00 : f32
      %mul3A_1044 = vector.broadcast %mul3A_1043 : f32 to vector<512x128xf32>
      %mul3A_1045 = arith.mulf %mul3A_1044, %add3A_1039 : vector<512x128xf32>
      %sub3A = arith.subf %add3A_1042, %mul3A_1045 : vector<512x128xf32>
      %reduce_min3A = arith.constant dense<0x7F800000> : vector<128xf32>
      %reduce_min3A_1046 = vector.multi_reduction <minimumf>, %sub3A, %reduce_min3A [0] : vector<512x128xf32> to vector<128xf32>
      %broadcast_in_dim3A_1047 = vector.shape_cast %reduce_min3A_1046 : vector<128xf32> to vector<1x128xf32>
      %iota3A = tpu.iota {dimensions = array<i32: 0>} : vector<512x128xi32>
      %eq3A = vector.broadcast %broadcast_in_dim3A_1047 : vector<1x128xf32> to vector<512x128xf32>
      %eq3A_1048 = arith.cmpf oeq, %sub3A, %eq3A : vector<512x128xf32>
      %jit3A = arith.constant 8192 : i32
      %broadcast_in_dim3A_1049 = vector.broadcast %jit3A : i32 to vector<512x128xi32>
      %select_n3A_1050 = arith.select %eq3A_1048, %iota3A, %broadcast_in_dim3A_1049 : vector<512x128xi1>, vector<512x128xi32>
      %reduce_min3A_1051 = arith.constant dense<2147483647> : vector<128xi32>
      %reduce_min3A_1052 = vector.multi_reduction <minsi>, %select_n3A_1050, %reduce_min3A_1051 [0] : vector<512x128xi32> to vector<128xi32>
      %broadcast_in_dim3A_1053 = vector.shape_cast %reduce_min3A_1052 : vector<128xi32> to vector<1x128xi32>
      %add3A_1054 = vector.broadcast %add3A_840 : i32 to vector<1x128xi32>
      %add3A_1055 = arith.addi %broadcast_in_dim3A_1053, %add3A_1054 : vector<1x128xi32>
      %lt3A_1056 = arith.cmpf olt, %broadcast_in_dim3A_1047, %scan3A_835 : vector<1x128xf32>
      %select_n3A_1057 = arith.select %lt3A_1056, %broadcast_in_dim3A_1047, %scan3A_835 : vector<1x128xi1>, vector<1x128xf32>
      %select_n3A_1058 = arith.select %lt3A_1056, %add3A_1055, %scan3A_836 : vector<1x128xi1>, vector<1x128xi32>
      scf.yield %select_n3A_1057, %select_n3A_1058 : vector<1x128xf32>, vector<1x128xi32>
    }
    %scan3A_719 = arith.constant 8 : i32
    %lt3A_720 = arith.cmpf olt, %scan3A_718#0, %convert_element_type3A_709 : vector<1x128xf32>
    %select_n3A_721 = arith.select %lt3A_720, %scan3A_718#1, %select_n3A_706 : vector<1x128xi1>, vector<1x128xi32>
    %squeeze3A_722 = vector.shape_cast %select_n3A_721 : vector<1x128xi32> to vector<128xi32>
    %swap3A_723 = arith.constant 0 : index
    %swap3A_724 = arith.constant 6 : index
    %swap3A_725 = arith.constant 0 : index
    %swap3A_726 = vector.load %arg3[%swap3A_723, %swap3A_724, %swap3A_725] : memref<1x8x128xi32, #tpu.memory_space<vmem>>, vector<1x1x128xi32>
    %swap3A_727 = vector.shape_cast %swap3A_726 : vector<1x1x128xi32> to vector<128xi32>
    %swap3A_728 = vector.shape_cast %squeeze3A_722 : vector<128xi32> to vector<1x1x128xi32>
    tpu.vector_store %arg3[%swap3A_723, %swap3A_724, %swap3A_725], %swap3A_728 {strides = array<i32>} : memref<1x8x128xi32, #tpu.memory_space<vmem>>, vector<1x1x128xi32>,
    %slice3A_729 = vector.extract_strided_slice %get3A_3 {offsets = [0, 896], sizes = [32, 128], strides = [1, 1]} : vector<32x1024xf32> to vector<32x128xf32>
    %mul3A_730 = arith.mulf %slice3A_729, %slice3A_729 : vector<32x128xf32>
    %slice3A_731 = vector.extract_strided_slice %mul3A_730 {offsets = [0, 0], sizes = [1, 128], strides = [1, 1]} : vector<32x128xf32> to vector<1x128xf32>
    %slice3A_732 = vector.extract_strided_slice %mul3A_730 {offsets = [1, 0], sizes = [1, 128], strides = [1, 1]} : vector<32x128xf32> to vector<1x128xf32>
    %add3A_733 = arith.addf %slice3A_731, %slice3A_732 : vector<1x128xf32>
    %slice3A_734 = vector.extract_strided_slice %mul3A_730 {offsets = [2, 0], sizes = [1, 128], strides = [1, 1]} : vector<32x128xf32> to vector<1x128xf32>
    %add3A_735 = arith.addf %add3A_733, %slice3A_734 : vector<1x128xf32>
    %slice3A_736 = vector.extract_strided_slice %mul3A_730 {offsets = [3, 0], sizes = [1, 128], strides = [1, 1]} : vector<32x128xf32> to vector<1x128xf32>
    %add3A_737 = arith.addf %add3A_735, %slice3A_736 : vector<1x128xf32>
    %slice3A_738 = vector.extract_strided_slice %mul3A_730 {offsets = [4, 0], sizes = [1, 128], strides = [1, 1]} : vector<32x128xf32> to vector<1x128xf32>
    %add3A_739 = arith.addf %add3A_737, %slice3A_738 : vector<1x128xf32>
    %slice3A_740 = vector.extract_strided_slice %mul3A_730 {offsets = [5, 0], sizes = [1, 128], strides = [1, 1]} : vector<32x128xf32> to vector<1x128xf32>
    %add3A_741 = arith.addf %add3A_739, %slice3A_740 : vector<1x128xf32>
    %slice3A_742 = vector.extract_strided_slice %mul3A_730 {offsets = [6, 0], sizes = [1, 128], strides = [1, 1]} : vector<32x128xf32> to vector<1x128xf32>
    %add3A_743 = arith.addf %add3A_741, %slice3A_742 : vector<1x128xf32>
    %slice3A_744 = vector.extract_strided_slice %mul3A_730 {offsets = [7, 0], sizes = [1, 128], strides = [1, 1]} : vector<32x128xf32> to vector<1x128xf32>
    %add3A_745 = arith.addf %add3A_743, %slice3A_744 : vector<1x128xf32>
    %slice3A_746 = vector.extract_strided_slice %mul3A_730 {offsets = [8, 0], sizes = [1, 128], strides = [1, 1]} : vector<32x128xf32> to vector<1x128xf32>
    %add3A_747 = arith.addf %add3A_745, %slice3A_746 : vector<1x128xf32>
    %slice3A_748 = vector.extract_strided_slice %mul3A_730 {offsets = [9, 0], sizes = [1, 128], strides = [1, 1]} : vector<32x128xf32> to vector<1x128xf32>
    %add3A_749 = arith.addf %add3A_747, %slice3A_748 : vector<1x128xf32>
    %slice3A_750 = vector.extract_strided_slice %mul3A_730 {offsets = [10, 0], sizes = [1, 128], strides = [1, 1]} : vector<32x128xf32> to vector<1x128xf32>
    %add3A_751 = arith.addf %add3A_749, %slice3A_750 : vector<1x128xf32>
    %slice3A_752 = vector.extract_strided_slice %mul3A_730 {offsets = [11, 0], sizes = [1, 128], strides = [1, 1]} : vector<32x128xf32> to vector<1x128xf32>
    %add3A_753 = arith.addf %add3A_751, %slice3A_752 : vector<1x128xf32>
    %slice3A_754 = vector.extract_strided_slice %mul3A_730 {offsets = [12, 0], sizes = [1, 128], strides = [1, 1]} : vector<32x128xf32> to vector<1x128xf32>
    %add3A_755 = arith.addf %add3A_753, %slice3A_754 : vector<1x128xf32>
    %slice3A_756 = vector.extract_strided_slice %mul3A_730 {offsets = [13, 0], sizes = [1, 128], strides = [1, 1]} : vector<32x128xf32> to vector<1x128xf32>
    %add3A_757 = arith.addf %add3A_755, %slice3A_756 : vector<1x128xf32>
    %slice3A_758 = vector.extract_strided_slice %mul3A_730 {offsets = [14, 0], sizes = [1, 128], strides = [1, 1]} : vector<32x128xf32> to vector<1x128xf32>
    %add3A_759 = arith.addf %add3A_757, %slice3A_758 : vector<1x128xf32>
    %slice3A_760 = vector.extract_strided_slice %mul3A_730 {offsets = [15, 0], sizes = [1, 128], strides = [1, 1]} : vector<32x128xf32> to vector<1x128xf32>
    %add3A_761 = arith.addf %add3A_759, %slice3A_760 : vector<1x128xf32>
    %slice3A_762 = vector.extract_strided_slice %mul3A_730 {offsets = [16, 0], sizes = [1, 128], strides = [1, 1]} : vector<32x128xf32> to vector<1x128xf32>
    %add3A_763 = arith.addf %add3A_761, %slice3A_762 : vector<1x128xf32>
    %slice3A_764 = vector.extract_strided_slice %mul3A_730 {offsets = [17, 0], sizes = [1, 128], strides = [1, 1]} : vector<32x128xf32> to vector<1x128xf32>
    %add3A_765 = arith.addf %add3A_763, %slice3A_764 : vector<1x128xf32>
    %slice3A_766 = vector.extract_strided_slice %mul3A_730 {offsets = [18, 0], sizes = [1, 128], strides = [1, 1]} : vector<32x128xf32> to vector<1x128xf32>
    %add3A_767 = arith.addf %add3A_765, %slice3A_766 : vector<1x128xf32>
    %slice3A_768 = vector.extract_strided_slice %mul3A_730 {offsets = [19, 0], sizes = [1, 128], strides = [1, 1]} : vector<32x128xf32> to vector<1x128xf32>
    %add3A_769 = arith.addf %add3A_767, %slice3A_768 : vector<1x128xf32>
    %slice3A_770 = vector.extract_strided_slice %mul3A_730 {offsets = [20, 0], sizes = [1, 128], strides = [1, 1]} : vector<32x128xf32> to vector<1x128xf32>
    %add3A_771 = arith.addf %add3A_769, %slice3A_770 : vector<1x128xf32>
    %slice3A_772 = vector.extract_strided_slice %mul3A_730 {offsets = [21, 0], sizes = [1, 128], strides = [1, 1]} : vector<32x128xf32> to vector<1x128xf32>
    %add3A_773 = arith.addf %add3A_771, %slice3A_772 : vector<1x128xf32>
    %slice3A_774 = vector.extract_strided_slice %mul3A_730 {offsets = [22, 0], sizes = [1, 128], strides = [1, 1]} : vector<32x128xf32> to vector<1x128xf32>
    %add3A_775 = arith.addf %add3A_773, %slice3A_774 : vector<1x128xf32>
    %slice3A_776 = vector.extract_strided_slice %mul3A_730 {offsets = [23, 0], sizes = [1, 128], strides = [1, 1]} : vector<32x128xf32> to vector<1x128xf32>
    %add3A_777 = arith.addf %add3A_775, %slice3A_776 : vector<1x128xf32>
    %slice3A_778 = vector.extract_strided_slice %mul3A_730 {offsets = [24, 0], sizes = [1, 128], strides = [1, 1]} : vector<32x128xf32> to vector<1x128xf32>
    %add3A_779 = arith.addf %add3A_777, %slice3A_778 : vector<1x128xf32>
    %slice3A_780 = vector.extract_strided_slice %mul3A_730 {offsets = [25, 0], sizes = [1, 128], strides = [1, 1]} : vector<32x128xf32> to vector<1x128xf32>
    %add3A_781 = arith.addf %add3A_779, %slice3A_780 : vector<1x128xf32>
    %slice3A_782 = vector.extract_strided_slice %mul3A_730 {offsets = [26, 0], sizes = [1, 128], strides = [1, 1]} : vector<32x128xf32> to vector<1x128xf32>
    %add3A_783 = arith.addf %add3A_781, %slice3A_782 : vector<1x128xf32>
    %slice3A_784 = vector.extract_strided_slice %mul3A_730 {offsets = [27, 0], sizes = [1, 128], strides = [1, 1]} : vector<32x128xf32> to vector<1x128xf32>
    %add3A_785 = arith.addf %add3A_783, %slice3A_784 : vector<1x128xf32>
    %slice3A_786 = vector.extract_strided_slice %mul3A_730 {offsets = [28, 0], sizes = [1, 128], strides = [1, 1]} : vector<32x128xf32> to vector<1x128xf32>
    %add3A_787 = arith.addf %add3A_785, %slice3A_786 : vector<1x128xf32>
    %slice3A_788 = vector.extract_strided_slice %mul3A_730 {offsets = [29, 0], sizes = [1, 128], strides = [1, 1]} : vector<32x128xf32> to vector<1x128xf32>
    %add3A_789 = arith.addf %add3A_787, %slice3A_788 : vector<1x128xf32>
    %slice3A_790 = vector.extract_strided_slice %mul3A_730 {offsets = [30, 0], sizes = [1, 128], strides = [1, 1]} : vector<32x128xf32> to vector<1x128xf32>
    %add3A_791 = arith.addf %add3A_789, %slice3A_790 : vector<1x128xf32>
    %slice3A_792 = vector.extract_strided_slice %mul3A_730 {offsets = [31, 0], sizes = [1, 128], strides = [1, 1]} : vector<32x128xf32> to vector<1x128xf32>
    %add3A_793 = arith.addf %add3A_791, %slice3A_792 : vector<1x128xf32>
    %convert_element_type3A_794 = arith.truncf %slice3A_729 : vector<32x128xf32> to vector<32x128xbf16>
    %convert_element_type3A_795 = arith.extf %convert_element_type3A_794 : vector<32x128xbf16> to vector<32x128xf32>
    %broadcast_in_dim3A_796 = arith.constant 0x7F800000 : f32
    %broadcast_in_dim3A_797 = vector.broadcast %broadcast_in_dim3A_796 : f32 to vector<1x128xf32>
    %broadcast_in_dim3A_798 = arith.constant 0 : i32
    %broadcast_in_dim3A_799 = vector.broadcast %broadcast_in_dim3A_798 : i32 to vector<1x128xi32>
    %broadcast_in_dim3A_800 = arith.constant 0x7F800000 : f32
    %broadcast_in_dim3A_801 = vector.broadcast %broadcast_in_dim3A_800 : f32 to vector<1x128xf32>
    %broadcast_in_dim3A_802 = arith.constant 0 : i32
    %broadcast_in_dim3A_803 = vector.broadcast %broadcast_in_dim3A_802 : i32 to vector<1x128xi32>
    %scan3A_804 = arith.constant 0 : i32
    %scan3A_805 = arith.constant 8 : i32
    %scan3A_806 = arith.addi %scan3A_804, %scan3A_805 : i32
    %scan3A_807 = arith.constant 1 : i32
    %scan3A_808:2 = scf.for %scan3A_834 = %scan3A_804 to %scan3A_806 step %scan3A_807 iter_args(%scan3A_835 = %broadcast_in_dim3A_801, %scan3A_836 = %broadcast_in_dim3A_803) -> (vector<1x128xf32>, vector<1x128xi32>)  : i32 {
      %mul3A_837 = arith.constant 512 : i32
      %mul3A_838 = arith.muli %scan3A_834, %mul3A_837 : i32
      %add3A_839 = arith.constant 0 : i32
      %add3A_840 = arith.addi %add3A_839, %mul3A_838 : i32
      %get3A_841 = arith.index_cast %add3A_840 : i32 to index
      %get3A_842 = arith.constant 0 : index
      %get3A_843 = vector.load %arg2[%get3A_841, %get3A_842] : memref<8192x32xf32, #tpu.memory_space<vmem>>, vector<512x32xf32>
      %convert_element_type3A_844 = arith.truncf %get3A_843 : vector<512x32xf32> to vector<512x32xbf16>
      %convert_element_type3A_845 = arith.extf %convert_element_type3A_844 : vector<512x32xbf16> to vector<512x32xf32>
      %mul3A_846 = arith.mulf %get3A_843, %get3A_843 : vector<512x32xf32>
      %reduce_sum3A = arith.constant dense<0.000000e+00> : vector<512xf32>
      %reduce_sum3A_847 = vector.multi_reduction <add>, %mul3A_846, %reduce_sum3A [1] : vector<512x32xf32> to vector<512xf32>
      %broadcast_in_dim3A_848 = vector.shape_cast %reduce_sum3A_847 : vector<512xf32> to vector<512x1xf32>
      %slice3A_849 = vector.extract_strided_slice %convert_element_type3A_845 {offsets = [0, 0], sizes = [512, 1], strides = [1, 1]} : vector<512x32xf32> to vector<512x1xf32>
      %slice3A_850 = vector.extract_strided_slice %convert_element_type3A_795 {offsets = [0, 0], sizes = [1, 128], strides = [1, 1]} : vector<32x128xf32> to vector<1x128xf32>
      %mul3A_851 = vector.broadcast %slice3A_849 : vector<512x1xf32> to vector<512x128xf32>
      %mul3A_852 = vector.broadcast %slice3A_850 : vector<1x128xf32> to vector<512x128xf32>
      %mul3A_853 = arith.mulf %mul3A_851, %mul3A_852 : vector<512x128xf32>
      %slice3A_854 = vector.extract_strided_slice %convert_element_type3A_845 {offsets = [0, 1], sizes = [512, 1], strides = [1, 1]} : vector<512x32xf32> to vector<512x1xf32>
      %slice3A_855 = vector.extract_strided_slice %convert_element_type3A_795 {offsets = [1, 0], sizes = [1, 128], strides = [1, 1]} : vector<32x128xf32> to vector<1x128xf32>
      %mul3A_856 = vector.broadcast %slice3A_854 : vector<512x1xf32> to vector<512x128xf32>
      %mul3A_857 = vector.broadcast %slice3A_855 : vector<1x128xf32> to vector<512x128xf32>
      %mul3A_858 = arith.mulf %mul3A_856, %mul3A_857 : vector<512x128xf32>
      %add3A_859 = arith.addf %mul3A_853, %mul3A_858 : vector<512x128xf32>
      %slice3A_860 = vector.extract_strided_slice %convert_element_type3A_845 {offsets = [0, 2], sizes = [512, 1], strides = [1, 1]} : vector<512x32xf32> to vector<512x1xf32>
      %slice3A_861 = vector.extract_strided_slice %convert_element_type3A_795 {offsets = [2, 0], sizes = [1, 128], strides = [1, 1]} : vector<32x128xf32> to vector<1x128xf32>
      %mul3A_862 = vector.broadcast %slice3A_860 : vector<512x1xf32> to vector<512x128xf32>
      %mul3A_863 = vector.broadcast %slice3A_861 : vector<1x128xf32> to vector<512x128xf32>
      %mul3A_864 = arith.mulf %mul3A_862, %mul3A_863 : vector<512x128xf32>
      %add3A_865 = arith.addf %add3A_859, %mul3A_864 : vector<512x128xf32>
      %slice3A_866 = vector.extract_strided_slice %convert_element_type3A_845 {offsets = [0, 3], sizes = [512, 1], strides = [1, 1]} : vector<512x32xf32> to vector<512x1xf32>
      %slice3A_867 = vector.extract_strided_slice %convert_element_type3A_795 {offsets = [3, 0], sizes = [1, 128], strides = [1, 1]} : vector<32x128xf32> to vector<1x128xf32>
      %mul3A_868 = vector.broadcast %slice3A_866 : vector<512x1xf32> to vector<512x128xf32>
      %mul3A_869 = vector.broadcast %slice3A_867 : vector<1x128xf32> to vector<512x128xf32>
      %mul3A_870 = arith.mulf %mul3A_868, %mul3A_869 : vector<512x128xf32>
      %add3A_871 = arith.addf %add3A_865, %mul3A_870 : vector<512x128xf32>
      %slice3A_872 = vector.extract_strided_slice %convert_element_type3A_845 {offsets = [0, 4], sizes = [512, 1], strides = [1, 1]} : vector<512x32xf32> to vector<512x1xf32>
      %slice3A_873 = vector.extract_strided_slice %convert_element_type3A_795 {offsets = [4, 0], sizes = [1, 128], strides = [1, 1]} : vector<32x128xf32> to vector<1x128xf32>
      %mul3A_874 = vector.broadcast %slice3A_872 : vector<512x1xf32> to vector<512x128xf32>
      %mul3A_875 = vector.broadcast %slice3A_873 : vector<1x128xf32> to vector<512x128xf32>
      %mul3A_876 = arith.mulf %mul3A_874, %mul3A_875 : vector<512x128xf32>
      %add3A_877 = arith.addf %add3A_871, %mul3A_876 : vector<512x128xf32>
      %slice3A_878 = vector.extract_strided_slice %convert_element_type3A_845 {offsets = [0, 5], sizes = [512, 1], strides = [1, 1]} : vector<512x32xf32> to vector<512x1xf32>
      %slice3A_879 = vector.extract_strided_slice %convert_element_type3A_795 {offsets = [5, 0], sizes = [1, 128], strides = [1, 1]} : vector<32x128xf32> to vector<1x128xf32>
      %mul3A_880 = vector.broadcast %slice3A_878 : vector<512x1xf32> to vector<512x128xf32>
      %mul3A_881 = vector.broadcast %slice3A_879 : vector<1x128xf32> to vector<512x128xf32>
      %mul3A_882 = arith.mulf %mul3A_880, %mul3A_881 : vector<512x128xf32>
      %add3A_883 = arith.addf %add3A_877, %mul3A_882 : vector<512x128xf32>
      %slice3A_884 = vector.extract_strided_slice %convert_element_type3A_845 {offsets = [0, 6], sizes = [512, 1], strides = [1, 1]} : vector<512x32xf32> to vector<512x1xf32>
      %slice3A_885 = vector.extract_strided_slice %convert_element_type3A_795 {offsets = [6, 0], sizes = [1, 128], strides = [1, 1]} : vector<32x128xf32> to vector<1x128xf32>
      %mul3A_886 = vector.broadcast %slice3A_884 : vector<512x1xf32> to vector<512x128xf32>
      %mul3A_887 = vector.broadcast %slice3A_885 : vector<1x128xf32> to vector<512x128xf32>
      %mul3A_888 = arith.mulf %mul3A_886, %mul3A_887 : vector<512x128xf32>
      %add3A_889 = arith.addf %add3A_883, %mul3A_888 : vector<512x128xf32>
      %slice3A_890 = vector.extract_strided_slice %convert_element_type3A_845 {offsets = [0, 7], sizes = [512, 1], strides = [1, 1]} : vector<512x32xf32> to vector<512x1xf32>
      %slice3A_891 = vector.extract_strided_slice %convert_element_type3A_795 {offsets = [7, 0], sizes = [1, 128], strides = [1, 1]} : vector<32x128xf32> to vector<1x128xf32>
      %mul3A_892 = vector.broadcast %slice3A_890 : vector<512x1xf32> to vector<512x128xf32>
      %mul3A_893 = vector.broadcast %slice3A_891 : vector<1x128xf32> to vector<512x128xf32>
      %mul3A_894 = arith.mulf %mul3A_892, %mul3A_893 : vector<512x128xf32>
      %add3A_895 = arith.addf %add3A_889, %mul3A_894 : vector<512x128xf32>
      %slice3A_896 = vector.extract_strided_slice %convert_element_type3A_845 {offsets = [0, 8], sizes = [512, 1], strides = [1, 1]} : vector<512x32xf32> to vector<512x1xf32>
      %slice3A_897 = vector.extract_strided_slice %convert_element_type3A_795 {offsets = [8, 0], sizes = [1, 128], strides = [1, 1]} : vector<32x128xf32> to vector<1x128xf32>
      %mul3A_898 = vector.broadcast %slice3A_896 : vector<512x1xf32> to vector<512x128xf32>
      %mul3A_899 = vector.broadcast %slice3A_897 : vector<1x128xf32> to vector<512x128xf32>
      %mul3A_900 = arith.mulf %mul3A_898, %mul3A_899 : vector<512x128xf32>
      %add3A_901 = arith.addf %add3A_895, %mul3A_900 : vector<512x128xf32>
      %slice3A_902 = vector.extract_strided_slice %convert_element_type3A_845 {offsets = [0, 9], sizes = [512, 1], strides = [1, 1]} : vector<512x32xf32> to vector<512x1xf32>
      %slice3A_903 = vector.extract_strided_slice %convert_element_type3A_795 {offsets = [9, 0], sizes = [1, 128], strides = [1, 1]} : vector<32x128xf32> to vector<1x128xf32>
      %mul3A_904 = vector.broadcast %slice3A_902 : vector<512x1xf32> to vector<512x128xf32>
      %mul3A_905 = vector.broadcast %slice3A_903 : vector<1x128xf32> to vector<512x128xf32>
      %mul3A_906 = arith.mulf %mul3A_904, %mul3A_905 : vector<512x128xf32>
      %add3A_907 = arith.addf %add3A_901, %mul3A_906 : vector<512x128xf32>
      %slice3A_908 = vector.extract_strided_slice %convert_element_type3A_845 {offsets = [0, 10], sizes = [512, 1], strides = [1, 1]} : vector<512x32xf32> to vector<512x1xf32>
      %slice3A_909 = vector.extract_strided_slice %convert_element_type3A_795 {offsets = [10, 0], sizes = [1, 128], strides = [1, 1]} : vector<32x128xf32> to vector<1x128xf32>
      %mul3A_910 = vector.broadcast %slice3A_908 : vector<512x1xf32> to vector<512x128xf32>
      %mul3A_911 = vector.broadcast %slice3A_909 : vector<1x128xf32> to vector<512x128xf32>
      %mul3A_912 = arith.mulf %mul3A_910, %mul3A_911 : vector<512x128xf32>
      %add3A_913 = arith.addf %add3A_907, %mul3A_912 : vector<512x128xf32>
      %slice3A_914 = vector.extract_strided_slice %convert_element_type3A_845 {offsets = [0, 11], sizes = [512, 1], strides = [1, 1]} : vector<512x32xf32> to vector<512x1xf32>
      %slice3A_915 = vector.extract_strided_slice %convert_element_type3A_795 {offsets = [11, 0], sizes = [1, 128], strides = [1, 1]} : vector<32x128xf32> to vector<1x128xf32>
      %mul3A_916 = vector.broadcast %slice3A_914 : vector<512x1xf32> to vector<512x128xf32>
      %mul3A_917 = vector.broadcast %slice3A_915 : vector<1x128xf32> to vector<512x128xf32>
      %mul3A_918 = arith.mulf %mul3A_916, %mul3A_917 : vector<512x128xf32>
      %add3A_919 = arith.addf %add3A_913, %mul3A_918 : vector<512x128xf32>
      %slice3A_920 = vector.extract_strided_slice %convert_element_type3A_845 {offsets = [0, 12], sizes = [512, 1], strides = [1, 1]} : vector<512x32xf32> to vector<512x1xf32>
      %slice3A_921 = vector.extract_strided_slice %convert_element_type3A_795 {offsets = [12, 0], sizes = [1, 128], strides = [1, 1]} : vector<32x128xf32> to vector<1x128xf32>
      %mul3A_922 = vector.broadcast %slice3A_920 : vector<512x1xf32> to vector<512x128xf32>
      %mul3A_923 = vector.broadcast %slice3A_921 : vector<1x128xf32> to vector<512x128xf32>
      %mul3A_924 = arith.mulf %mul3A_922, %mul3A_923 : vector<512x128xf32>
      %add3A_925 = arith.addf %add3A_919, %mul3A_924 : vector<512x128xf32>
      %slice3A_926 = vector.extract_strided_slice %convert_element_type3A_845 {offsets = [0, 13], sizes = [512, 1], strides = [1, 1]} : vector<512x32xf32> to vector<512x1xf32>
      %slice3A_927 = vector.extract_strided_slice %convert_element_type3A_795 {offsets = [13, 0], sizes = [1, 128], strides = [1, 1]} : vector<32x128xf32> to vector<1x128xf32>
      %mul3A_928 = vector.broadcast %slice3A_926 : vector<512x1xf32> to vector<512x128xf32>
      %mul3A_929 = vector.broadcast %slice3A_927 : vector<1x128xf32> to vector<512x128xf32>
      %mul3A_930 = arith.mulf %mul3A_928, %mul3A_929 : vector<512x128xf32>
      %add3A_931 = arith.addf %add3A_925, %mul3A_930 : vector<512x128xf32>
      %slice3A_932 = vector.extract_strided_slice %convert_element_type3A_845 {offsets = [0, 14], sizes = [512, 1], strides = [1, 1]} : vector<512x32xf32> to vector<512x1xf32>
      %slice3A_933 = vector.extract_strided_slice %convert_element_type3A_795 {offsets = [14, 0], sizes = [1, 128], strides = [1, 1]} : vector<32x128xf32> to vector<1x128xf32>
      %mul3A_934 = vector.broadcast %slice3A_932 : vector<512x1xf32> to vector<512x128xf32>
      %mul3A_935 = vector.broadcast %slice3A_933 : vector<1x128xf32> to vector<512x128xf32>
      %mul3A_936 = arith.mulf %mul3A_934, %mul3A_935 : vector<512x128xf32>
      %add3A_937 = arith.addf %add3A_931, %mul3A_936 : vector<512x128xf32>
      %slice3A_938 = vector.extract_strided_slice %convert_element_type3A_845 {offsets = [0, 15], sizes = [512, 1], strides = [1, 1]} : vector<512x32xf32> to vector<512x1xf32>
      %slice3A_939 = vector.extract_strided_slice %convert_element_type3A_795 {offsets = [15, 0], sizes = [1, 128], strides = [1, 1]} : vector<32x128xf32> to vector<1x128xf32>
      %mul3A_940 = vector.broadcast %slice3A_938 : vector<512x1xf32> to vector<512x128xf32>
      %mul3A_941 = vector.broadcast %slice3A_939 : vector<1x128xf32> to vector<512x128xf32>
      %mul3A_942 = arith.mulf %mul3A_940, %mul3A_941 : vector<512x128xf32>
      %add3A_943 = arith.addf %add3A_937, %mul3A_942 : vector<512x128xf32>
      %slice3A_944 = vector.extract_strided_slice %convert_element_type3A_845 {offsets = [0, 16], sizes = [512, 1], strides = [1, 1]} : vector<512x32xf32> to vector<512x1xf32>
      %slice3A_945 = vector.extract_strided_slice %convert_element_type3A_795 {offsets = [16, 0], sizes = [1, 128], strides = [1, 1]} : vector<32x128xf32> to vector<1x128xf32>
      %mul3A_946 = vector.broadcast %slice3A_944 : vector<512x1xf32> to vector<512x128xf32>
      %mul3A_947 = vector.broadcast %slice3A_945 : vector<1x128xf32> to vector<512x128xf32>
      %mul3A_948 = arith.mulf %mul3A_946, %mul3A_947 : vector<512x128xf32>
      %add3A_949 = arith.addf %add3A_943, %mul3A_948 : vector<512x128xf32>
      %slice3A_950 = vector.extract_strided_slice %convert_element_type3A_845 {offsets = [0, 17], sizes = [512, 1], strides = [1, 1]} : vector<512x32xf32> to vector<512x1xf32>
      %slice3A_951 = vector.extract_strided_slice %convert_element_type3A_795 {offsets = [17, 0], sizes = [1, 128], strides = [1, 1]} : vector<32x128xf32> to vector<1x128xf32>
      %mul3A_952 = vector.broadcast %slice3A_950 : vector<512x1xf32> to vector<512x128xf32>
      %mul3A_953 = vector.broadcast %slice3A_951 : vector<1x128xf32> to vector<512x128xf32>
      %mul3A_954 = arith.mulf %mul3A_952, %mul3A_953 : vector<512x128xf32>
      %add3A_955 = arith.addf %add3A_949, %mul3A_954 : vector<512x128xf32>
      %slice3A_956 = vector.extract_strided_slice %convert_element_type3A_845 {offsets = [0, 18], sizes = [512, 1], strides = [1, 1]} : vector<512x32xf32> to vector<512x1xf32>
      %slice3A_957 = vector.extract_strided_slice %convert_element_type3A_795 {offsets = [18, 0], sizes = [1, 128], strides = [1, 1]} : vector<32x128xf32> to vector<1x128xf32>
      %mul3A_958 = vector.broadcast %slice3A_956 : vector<512x1xf32> to vector<512x128xf32>
      %mul3A_959 = vector.broadcast %slice3A_957 : vector<1x128xf32> to vector<512x128xf32>
      %mul3A_960 = arith.mulf %mul3A_958, %mul3A_959 : vector<512x128xf32>
      %add3A_961 = arith.addf %add3A_955, %mul3A_960 : vector<512x128xf32>
      %slice3A_962 = vector.extract_strided_slice %convert_element_type3A_845 {offsets = [0, 19], sizes = [512, 1], strides = [1, 1]} : vector<512x32xf32> to vector<512x1xf32>
      %slice3A_963 = vector.extract_strided_slice %convert_element_type3A_795 {offsets = [19, 0], sizes = [1, 128], strides = [1, 1]} : vector<32x128xf32> to vector<1x128xf32>
      %mul3A_964 = vector.broadcast %slice3A_962 : vector<512x1xf32> to vector<512x128xf32>
      %mul3A_965 = vector.broadcast %slice3A_963 : vector<1x128xf32> to vector<512x128xf32>
      %mul3A_966 = arith.mulf %mul3A_964, %mul3A_965 : vector<512x128xf32>
      %add3A_967 = arith.addf %add3A_961, %mul3A_966 : vector<512x128xf32>
      %slice3A_968 = vector.extract_strided_slice %convert_element_type3A_845 {offsets = [0, 20], sizes = [512, 1], strides = [1, 1]} : vector<512x32xf32> to vector<512x1xf32>
      %slice3A_969 = vector.extract_strided_slice %convert_element_type3A_795 {offsets = [20, 0], sizes = [1, 128], strides = [1, 1]} : vector<32x128xf32> to vector<1x128xf32>
      %mul3A_970 = vector.broadcast %slice3A_968 : vector<512x1xf32> to vector<512x128xf32>
      %mul3A_971 = vector.broadcast %slice3A_969 : vector<1x128xf32> to vector<512x128xf32>
      %mul3A_972 = arith.mulf %mul3A_970, %mul3A_971 : vector<512x128xf32>
      %add3A_973 = arith.addf %add3A_967, %mul3A_972 : vector<512x128xf32>
      %slice3A_974 = vector.extract_strided_slice %convert_element_type3A_845 {offsets = [0, 21], sizes = [512, 1], strides = [1, 1]} : vector<512x32xf32> to vector<512x1xf32>
      %slice3A_975 = vector.extract_strided_slice %convert_element_type3A_795 {offsets = [21, 0], sizes = [1, 128], strides = [1, 1]} : vector<32x128xf32> to vector<1x128xf32>
      %mul3A_976 = vector.broadcast %slice3A_974 : vector<512x1xf32> to vector<512x128xf32>
      %mul3A_977 = vector.broadcast %slice3A_975 : vector<1x128xf32> to vector<512x128xf32>
      %mul3A_978 = arith.mulf %mul3A_976, %mul3A_977 : vector<512x128xf32>
      %add3A_979 = arith.addf %add3A_973, %mul3A_978 : vector<512x128xf32>
      %slice3A_980 = vector.extract_strided_slice %convert_element_type3A_845 {offsets = [0, 22], sizes = [512, 1], strides = [1, 1]} : vector<512x32xf32> to vector<512x1xf32>
      %slice3A_981 = vector.extract_strided_slice %convert_element_type3A_795 {offsets = [22, 0], sizes = [1, 128], strides = [1, 1]} : vector<32x128xf32> to vector<1x128xf32>
      %mul3A_982 = vector.broadcast %slice3A_980 : vector<512x1xf32> to vector<512x128xf32>
      %mul3A_983 = vector.broadcast %slice3A_981 : vector<1x128xf32> to vector<512x128xf32>
      %mul3A_984 = arith.mulf %mul3A_982, %mul3A_983 : vector<512x128xf32>
      %add3A_985 = arith.addf %add3A_979, %mul3A_984 : vector<512x128xf32>
      %slice3A_986 = vector.extract_strided_slice %convert_element_type3A_845 {offsets = [0, 23], sizes = [512, 1], strides = [1, 1]} : vector<512x32xf32> to vector<512x1xf32>
      %slice3A_987 = vector.extract_strided_slice %convert_element_type3A_795 {offsets = [23, 0], sizes = [1, 128], strides = [1, 1]} : vector<32x128xf32> to vector<1x128xf32>
      %mul3A_988 = vector.broadcast %slice3A_986 : vector<512x1xf32> to vector<512x128xf32>
      %mul3A_989 = vector.broadcast %slice3A_987 : vector<1x128xf32> to vector<512x128xf32>
      %mul3A_990 = arith.mulf %mul3A_988, %mul3A_989 : vector<512x128xf32>
      %add3A_991 = arith.addf %add3A_985, %mul3A_990 : vector<512x128xf32>
      %slice3A_992 = vector.extract_strided_slice %convert_element_type3A_845 {offsets = [0, 24], sizes = [512, 1], strides = [1, 1]} : vector<512x32xf32> to vector<512x1xf32>
      %slice3A_993 = vector.extract_strided_slice %convert_element_type3A_795 {offsets = [24, 0], sizes = [1, 128], strides = [1, 1]} : vector<32x128xf32> to vector<1x128xf32>
      %mul3A_994 = vector.broadcast %slice3A_992 : vector<512x1xf32> to vector<512x128xf32>
      %mul3A_995 = vector.broadcast %slice3A_993 : vector<1x128xf32> to vector<512x128xf32>
      %mul3A_996 = arith.mulf %mul3A_994, %mul3A_995 : vector<512x128xf32>
      %add3A_997 = arith.addf %add3A_991, %mul3A_996 : vector<512x128xf32>
      %slice3A_998 = vector.extract_strided_slice %convert_element_type3A_845 {offsets = [0, 25], sizes = [512, 1], strides = [1, 1]} : vector<512x32xf32> to vector<512x1xf32>
      %slice3A_999 = vector.extract_strided_slice %convert_element_type3A_795 {offsets = [25, 0], sizes = [1, 128], strides = [1, 1]} : vector<32x128xf32> to vector<1x128xf32>
      %mul3A_1000 = vector.broadcast %slice3A_998 : vector<512x1xf32> to vector<512x128xf32>
      %mul3A_1001 = vector.broadcast %slice3A_999 : vector<1x128xf32> to vector<512x128xf32>
      %mul3A_1002 = arith.mulf %mul3A_1000, %mul3A_1001 : vector<512x128xf32>
      %add3A_1003 = arith.addf %add3A_997, %mul3A_1002 : vector<512x128xf32>
      %slice3A_1004 = vector.extract_strided_slice %convert_element_type3A_845 {offsets = [0, 26], sizes = [512, 1], strides = [1, 1]} : vector<512x32xf32> to vector<512x1xf32>
      %slice3A_1005 = vector.extract_strided_slice %convert_element_type3A_795 {offsets = [26, 0], sizes = [1, 128], strides = [1, 1]} : vector<32x128xf32> to vector<1x128xf32>
      %mul3A_1006 = vector.broadcast %slice3A_1004 : vector<512x1xf32> to vector<512x128xf32>
      %mul3A_1007 = vector.broadcast %slice3A_1005 : vector<1x128xf32> to vector<512x128xf32>
      %mul3A_1008 = arith.mulf %mul3A_1006, %mul3A_1007 : vector<512x128xf32>
      %add3A_1009 = arith.addf %add3A_1003, %mul3A_1008 : vector<512x128xf32>
      %slice3A_1010 = vector.extract_strided_slice %convert_element_type3A_845 {offsets = [0, 27], sizes = [512, 1], strides = [1, 1]} : vector<512x32xf32> to vector<512x1xf32>
      %slice3A_1011 = vector.extract_strided_slice %convert_element_type3A_795 {offsets = [27, 0], sizes = [1, 128], strides = [1, 1]} : vector<32x128xf32> to vector<1x128xf32>
      %mul3A_1012 = vector.broadcast %slice3A_1010 : vector<512x1xf32> to vector<512x128xf32>
      %mul3A_1013 = vector.broadcast %slice3A_1011 : vector<1x128xf32> to vector<512x128xf32>
      %mul3A_1014 = arith.mulf %mul3A_1012, %mul3A_1013 : vector<512x128xf32>
      %add3A_1015 = arith.addf %add3A_1009, %mul3A_1014 : vector<512x128xf32>
      %slice3A_1016 = vector.extract_strided_slice %convert_element_type3A_845 {offsets = [0, 28], sizes = [512, 1], strides = [1, 1]} : vector<512x32xf32> to vector<512x1xf32>
      %slice3A_1017 = vector.extract_strided_slice %convert_element_type3A_795 {offsets = [28, 0], sizes = [1, 128], strides = [1, 1]} : vector<32x128xf32> to vector<1x128xf32>
      %mul3A_1018 = vector.broadcast %slice3A_1016 : vector<512x1xf32> to vector<512x128xf32>
      %mul3A_1019 = vector.broadcast %slice3A_1017 : vector<1x128xf32> to vector<512x128xf32>
      %mul3A_1020 = arith.mulf %mul3A_1018, %mul3A_1019 : vector<512x128xf32>
      %add3A_1021 = arith.addf %add3A_1015, %mul3A_1020 : vector<512x128xf32>
      %slice3A_1022 = vector.extract_strided_slice %convert_element_type3A_845 {offsets = [0, 29], sizes = [512, 1], strides = [1, 1]} : vector<512x32xf32> to vector<512x1xf32>
      %slice3A_1023 = vector.extract_strided_slice %convert_element_type3A_795 {offsets = [29, 0], sizes = [1, 128], strides = [1, 1]} : vector<32x128xf32> to vector<1x128xf32>
      %mul3A_1024 = vector.broadcast %slice3A_1022 : vector<512x1xf32> to vector<512x128xf32>
      %mul3A_1025 = vector.broadcast %slice3A_1023 : vector<1x128xf32> to vector<512x128xf32>
      %mul3A_1026 = arith.mulf %mul3A_1024, %mul3A_1025 : vector<512x128xf32>
      %add3A_1027 = arith.addf %add3A_1021, %mul3A_1026 : vector<512x128xf32>
      %slice3A_1028 = vector.extract_strided_slice %convert_element_type3A_845 {offsets = [0, 30], sizes = [512, 1], strides = [1, 1]} : vector<512x32xf32> to vector<512x1xf32>
      %slice3A_1029 = vector.extract_strided_slice %convert_element_type3A_795 {offsets = [30, 0], sizes = [1, 128], strides = [1, 1]} : vector<32x128xf32> to vector<1x128xf32>
      %mul3A_1030 = vector.broadcast %slice3A_1028 : vector<512x1xf32> to vector<512x128xf32>
      %mul3A_1031 = vector.broadcast %slice3A_1029 : vector<1x128xf32> to vector<512x128xf32>
      %mul3A_1032 = arith.mulf %mul3A_1030, %mul3A_1031 : vector<512x128xf32>
      %add3A_1033 = arith.addf %add3A_1027, %mul3A_1032 : vector<512x128xf32>
      %slice3A_1034 = vector.extract_strided_slice %convert_element_type3A_845 {offsets = [0, 31], sizes = [512, 1], strides = [1, 1]} : vector<512x32xf32> to vector<512x1xf32>
      %slice3A_1035 = vector.extract_strided_slice %convert_element_type3A_795 {offsets = [31, 0], sizes = [1, 128], strides = [1, 1]} : vector<32x128xf32> to vector<1x128xf32>
      %mul3A_1036 = vector.broadcast %slice3A_1034 : vector<512x1xf32> to vector<512x128xf32>
      %mul3A_1037 = vector.broadcast %slice3A_1035 : vector<1x128xf32> to vector<512x128xf32>
      %mul3A_1038 = arith.mulf %mul3A_1036, %mul3A_1037 : vector<512x128xf32>
      %add3A_1039 = arith.addf %add3A_1033, %mul3A_1038 : vector<512x128xf32>
      %add3A_1040 = vector.broadcast %add3A_793 : vector<1x128xf32> to vector<512x128xf32>
      %add3A_1041 = vector.broadcast %broadcast_in_dim3A_848 : vector<512x1xf32> to vector<512x128xf32>
      %add3A_1042 = arith.addf %add3A_1040, %add3A_1041 : vector<512x128xf32>
      %mul3A_1043 = arith.constant 2.000000e+00 : f32
      %mul3A_1044 = vector.broadcast %mul3A_1043 : f32 to vector<512x128xf32>
      %mul3A_1045 = arith.mulf %mul3A_1044, %add3A_1039 : vector<512x128xf32>
      %sub3A = arith.subf %add3A_1042, %mul3A_1045 : vector<512x128xf32>
      %reduce_min3A = arith.constant dense<0x7F800000> : vector<128xf32>
      %reduce_min3A_1046 = vector.multi_reduction <minimumf>, %sub3A, %reduce_min3A [0] : vector<512x128xf32> to vector<128xf32>
      %broadcast_in_dim3A_1047 = vector.shape_cast %reduce_min3A_1046 : vector<128xf32> to vector<1x128xf32>
      %iota3A = tpu.iota {dimensions = array<i32: 0>} : vector<512x128xi32>
      %eq3A = vector.broadcast %broadcast_in_dim3A_1047 : vector<1x128xf32> to vector<512x128xf32>
      %eq3A_1048 = arith.cmpf oeq, %sub3A, %eq3A : vector<512x128xf32>
      %jit3A = arith.constant 8192 : i32
      %broadcast_in_dim3A_1049 = vector.broadcast %jit3A : i32 to vector<512x128xi32>
      %select_n3A_1050 = arith.select %eq3A_1048, %iota3A, %broadcast_in_dim3A_1049 : vector<512x128xi1>, vector<512x128xi32>
      %reduce_min3A_1051 = arith.constant dense<2147483647> : vector<128xi32>
      %reduce_min3A_1052 = vector.multi_reduction <minsi>, %select_n3A_1050, %reduce_min3A_1051 [0] : vector<512x128xi32> to vector<128xi32>
      %broadcast_in_dim3A_1053 = vector.shape_cast %reduce_min3A_1052 : vector<128xi32> to vector<1x128xi32>
      %add3A_1054 = vector.broadcast %add3A_840 : i32 to vector<1x128xi32>
      %add3A_1055 = arith.addi %broadcast_in_dim3A_1053, %add3A_1054 : vector<1x128xi32>
      %lt3A_1056 = arith.cmpf olt, %broadcast_in_dim3A_1047, %scan3A_835 : vector<1x128xf32>
      %select_n3A_1057 = arith.select %lt3A_1056, %broadcast_in_dim3A_1047, %scan3A_835 : vector<1x128xi1>, vector<1x128xf32>
      %select_n3A_1058 = arith.select %lt3A_1056, %add3A_1055, %scan3A_836 : vector<1x128xi1>, vector<1x128xi32>
      scf.yield %select_n3A_1057, %select_n3A_1058 : vector<1x128xf32>, vector<1x128xi32>
    }
    %scan3A_809 = arith.constant 8 : i32
    %lt3A_810 = arith.cmpf olt, %scan3A_808#0, %broadcast_in_dim3A_797 : vector<1x128xf32>
    %select_n3A_811 = arith.select %lt3A_810, %scan3A_808#1, %broadcast_in_dim3A_799 : vector<1x128xi1>, vector<1x128xi32>
    %select_n3A_812 = arith.select %lt3A_810, %scan3A_808#0, %broadcast_in_dim3A_797 : vector<1x128xi1>, vector<1x128xf32>
    %convert_element_type3A_813 = arith.truncf %select_n3A_812 : vector<1x128xf32> to vector<1x128xbf16>
    %convert_element_type3A_814 = arith.extf %convert_element_type3A_813 : vector<1x128xbf16> to vector<1x128xf32>
    %broadcast_in_dim3A_815 = arith.constant 0x7F800000 : f32
    %broadcast_in_dim3A_816 = vector.broadcast %broadcast_in_dim3A_815 : f32 to vector<1x128xf32>
    %broadcast_in_dim3A_817 = arith.constant 0 : i32
    %broadcast_in_dim3A_818 = vector.broadcast %broadcast_in_dim3A_817 : i32 to vector<1x128xi32>
    %scan3A_819 = arith.constant 0 : i32
    %scan3A_820 = arith.constant 8 : i32
    %scan3A_821 = arith.addi %scan3A_819, %scan3A_820 : i32
    %scan3A_822 = arith.constant 1 : i32
    %scan3A_823:2 = scf.for %scan3A_834 = %scan3A_819 to %scan3A_821 step %scan3A_822 iter_args(%scan3A_835 = %broadcast_in_dim3A_816, %scan3A_836 = %broadcast_in_dim3A_818) -> (vector<1x128xf32>, vector<1x128xi32>)  : i32 {
      %mul3A_837 = arith.constant 512 : i32
      %mul3A_838 = arith.muli %scan3A_834, %mul3A_837 : i32
      %add3A_839 = arith.constant 4096 : i32
      %add3A_840 = arith.addi %add3A_839, %mul3A_838 : i32
      %get3A_841 = arith.index_cast %add3A_840 : i32 to index
      %get3A_842 = arith.constant 0 : index
      %get3A_843 = vector.load %arg2[%get3A_841, %get3A_842] : memref<8192x32xf32, #tpu.memory_space<vmem>>, vector<512x32xf32>
      %convert_element_type3A_844 = arith.truncf %get3A_843 : vector<512x32xf32> to vector<512x32xbf16>
      %convert_element_type3A_845 = arith.extf %convert_element_type3A_844 : vector<512x32xbf16> to vector<512x32xf32>
      %mul3A_846 = arith.mulf %get3A_843, %get3A_843 : vector<512x32xf32>
      %reduce_sum3A = arith.constant dense<0.000000e+00> : vector<512xf32>
      %reduce_sum3A_847 = vector.multi_reduction <add>, %mul3A_846, %reduce_sum3A [1] : vector<512x32xf32> to vector<512xf32>
      %broadcast_in_dim3A_848 = vector.shape_cast %reduce_sum3A_847 : vector<512xf32> to vector<512x1xf32>
      %slice3A_849 = vector.extract_strided_slice %convert_element_type3A_845 {offsets = [0, 0], sizes = [512, 1], strides = [1, 1]} : vector<512x32xf32> to vector<512x1xf32>
      %slice3A_850 = vector.extract_strided_slice %convert_element_type3A_795 {offsets = [0, 0], sizes = [1, 128], strides = [1, 1]} : vector<32x128xf32> to vector<1x128xf32>
      %mul3A_851 = vector.broadcast %slice3A_849 : vector<512x1xf32> to vector<512x128xf32>
      %mul3A_852 = vector.broadcast %slice3A_850 : vector<1x128xf32> to vector<512x128xf32>
      %mul3A_853 = arith.mulf %mul3A_851, %mul3A_852 : vector<512x128xf32>
      %slice3A_854 = vector.extract_strided_slice %convert_element_type3A_845 {offsets = [0, 1], sizes = [512, 1], strides = [1, 1]} : vector<512x32xf32> to vector<512x1xf32>
      %slice3A_855 = vector.extract_strided_slice %convert_element_type3A_795 {offsets = [1, 0], sizes = [1, 128], strides = [1, 1]} : vector<32x128xf32> to vector<1x128xf32>
      %mul3A_856 = vector.broadcast %slice3A_854 : vector<512x1xf32> to vector<512x128xf32>
      %mul3A_857 = vector.broadcast %slice3A_855 : vector<1x128xf32> to vector<512x128xf32>
      %mul3A_858 = arith.mulf %mul3A_856, %mul3A_857 : vector<512x128xf32>
      %add3A_859 = arith.addf %mul3A_853, %mul3A_858 : vector<512x128xf32>
      %slice3A_860 = vector.extract_strided_slice %convert_element_type3A_845 {offsets = [0, 2], sizes = [512, 1], strides = [1, 1]} : vector<512x32xf32> to vector<512x1xf32>
      %slice3A_861 = vector.extract_strided_slice %convert_element_type3A_795 {offsets = [2, 0], sizes = [1, 128], strides = [1, 1]} : vector<32x128xf32> to vector<1x128xf32>
      %mul3A_862 = vector.broadcast %slice3A_860 : vector<512x1xf32> to vector<512x128xf32>
      %mul3A_863 = vector.broadcast %slice3A_861 : vector<1x128xf32> to vector<512x128xf32>
      %mul3A_864 = arith.mulf %mul3A_862, %mul3A_863 : vector<512x128xf32>
      %add3A_865 = arith.addf %add3A_859, %mul3A_864 : vector<512x128xf32>
      %slice3A_866 = vector.extract_strided_slice %convert_element_type3A_845 {offsets = [0, 3], sizes = [512, 1], strides = [1, 1]} : vector<512x32xf32> to vector<512x1xf32>
      %slice3A_867 = vector.extract_strided_slice %convert_element_type3A_795 {offsets = [3, 0], sizes = [1, 128], strides = [1, 1]} : vector<32x128xf32> to vector<1x128xf32>
      %mul3A_868 = vector.broadcast %slice3A_866 : vector<512x1xf32> to vector<512x128xf32>
      %mul3A_869 = vector.broadcast %slice3A_867 : vector<1x128xf32> to vector<512x128xf32>
      %mul3A_870 = arith.mulf %mul3A_868, %mul3A_869 : vector<512x128xf32>
      %add3A_871 = arith.addf %add3A_865, %mul3A_870 : vector<512x128xf32>
      %slice3A_872 = vector.extract_strided_slice %convert_element_type3A_845 {offsets = [0, 4], sizes = [512, 1], strides = [1, 1]} : vector<512x32xf32> to vector<512x1xf32>
      %slice3A_873 = vector.extract_strided_slice %convert_element_type3A_795 {offsets = [4, 0], sizes = [1, 128], strides = [1, 1]} : vector<32x128xf32> to vector<1x128xf32>
      %mul3A_874 = vector.broadcast %slice3A_872 : vector<512x1xf32> to vector<512x128xf32>
      %mul3A_875 = vector.broadcast %slice3A_873 : vector<1x128xf32> to vector<512x128xf32>
      %mul3A_876 = arith.mulf %mul3A_874, %mul3A_875 : vector<512x128xf32>
      %add3A_877 = arith.addf %add3A_871, %mul3A_876 : vector<512x128xf32>
      %slice3A_878 = vector.extract_strided_slice %convert_element_type3A_845 {offsets = [0, 5], sizes = [512, 1], strides = [1, 1]} : vector<512x32xf32> to vector<512x1xf32>
      %slice3A_879 = vector.extract_strided_slice %convert_element_type3A_795 {offsets = [5, 0], sizes = [1, 128], strides = [1, 1]} : vector<32x128xf32> to vector<1x128xf32>
      %mul3A_880 = vector.broadcast %slice3A_878 : vector<512x1xf32> to vector<512x128xf32>
      %mul3A_881 = vector.broadcast %slice3A_879 : vector<1x128xf32> to vector<512x128xf32>
      %mul3A_882 = arith.mulf %mul3A_880, %mul3A_881 : vector<512x128xf32>
      %add3A_883 = arith.addf %add3A_877, %mul3A_882 : vector<512x128xf32>
      %slice3A_884 = vector.extract_strided_slice %convert_element_type3A_845 {offsets = [0, 6], sizes = [512, 1], strides = [1, 1]} : vector<512x32xf32> to vector<512x1xf32>
      %slice3A_885 = vector.extract_strided_slice %convert_element_type3A_795 {offsets = [6, 0], sizes = [1, 128], strides = [1, 1]} : vector<32x128xf32> to vector<1x128xf32>
      %mul3A_886 = vector.broadcast %slice3A_884 : vector<512x1xf32> to vector<512x128xf32>
      %mul3A_887 = vector.broadcast %slice3A_885 : vector<1x128xf32> to vector<512x128xf32>
      %mul3A_888 = arith.mulf %mul3A_886, %mul3A_887 : vector<512x128xf32>
      %add3A_889 = arith.addf %add3A_883, %mul3A_888 : vector<512x128xf32>
      %slice3A_890 = vector.extract_strided_slice %convert_element_type3A_845 {offsets = [0, 7], sizes = [512, 1], strides = [1, 1]} : vector<512x32xf32> to vector<512x1xf32>
      %slice3A_891 = vector.extract_strided_slice %convert_element_type3A_795 {offsets = [7, 0], sizes = [1, 128], strides = [1, 1]} : vector<32x128xf32> to vector<1x128xf32>
      %mul3A_892 = vector.broadcast %slice3A_890 : vector<512x1xf32> to vector<512x128xf32>
      %mul3A_893 = vector.broadcast %slice3A_891 : vector<1x128xf32> to vector<512x128xf32>
      %mul3A_894 = arith.mulf %mul3A_892, %mul3A_893 : vector<512x128xf32>
      %add3A_895 = arith.addf %add3A_889, %mul3A_894 : vector<512x128xf32>
      %slice3A_896 = vector.extract_strided_slice %convert_element_type3A_845 {offsets = [0, 8], sizes = [512, 1], strides = [1, 1]} : vector<512x32xf32> to vector<512x1xf32>
      %slice3A_897 = vector.extract_strided_slice %convert_element_type3A_795 {offsets = [8, 0], sizes = [1, 128], strides = [1, 1]} : vector<32x128xf32> to vector<1x128xf32>
      %mul3A_898 = vector.broadcast %slice3A_896 : vector<512x1xf32> to vector<512x128xf32>
      %mul3A_899 = vector.broadcast %slice3A_897 : vector<1x128xf32> to vector<512x128xf32>
      %mul3A_900 = arith.mulf %mul3A_898, %mul3A_899 : vector<512x128xf32>
      %add3A_901 = arith.addf %add3A_895, %mul3A_900 : vector<512x128xf32>
      %slice3A_902 = vector.extract_strided_slice %convert_element_type3A_845 {offsets = [0, 9], sizes = [512, 1], strides = [1, 1]} : vector<512x32xf32> to vector<512x1xf32>
      %slice3A_903 = vector.extract_strided_slice %convert_element_type3A_795 {offsets = [9, 0], sizes = [1, 128], strides = [1, 1]} : vector<32x128xf32> to vector<1x128xf32>
      %mul3A_904 = vector.broadcast %slice3A_902 : vector<512x1xf32> to vector<512x128xf32>
      %mul3A_905 = vector.broadcast %slice3A_903 : vector<1x128xf32> to vector<512x128xf32>
      %mul3A_906 = arith.mulf %mul3A_904, %mul3A_905 : vector<512x128xf32>
      %add3A_907 = arith.addf %add3A_901, %mul3A_906 : vector<512x128xf32>
      %slice3A_908 = vector.extract_strided_slice %convert_element_type3A_845 {offsets = [0, 10], sizes = [512, 1], strides = [1, 1]} : vector<512x32xf32> to vector<512x1xf32>
      %slice3A_909 = vector.extract_strided_slice %convert_element_type3A_795 {offsets = [10, 0], sizes = [1, 128], strides = [1, 1]} : vector<32x128xf32> to vector<1x128xf32>
      %mul3A_910 = vector.broadcast %slice3A_908 : vector<512x1xf32> to vector<512x128xf32>
      %mul3A_911 = vector.broadcast %slice3A_909 : vector<1x128xf32> to vector<512x128xf32>
      %mul3A_912 = arith.mulf %mul3A_910, %mul3A_911 : vector<512x128xf32>
      %add3A_913 = arith.addf %add3A_907, %mul3A_912 : vector<512x128xf32>
      %slice3A_914 = vector.extract_strided_slice %convert_element_type3A_845 {offsets = [0, 11], sizes = [512, 1], strides = [1, 1]} : vector<512x32xf32> to vector<512x1xf32>
      %slice3A_915 = vector.extract_strided_slice %convert_element_type3A_795 {offsets = [11, 0], sizes = [1, 128], strides = [1, 1]} : vector<32x128xf32> to vector<1x128xf32>
      %mul3A_916 = vector.broadcast %slice3A_914 : vector<512x1xf32> to vector<512x128xf32>
      %mul3A_917 = vector.broadcast %slice3A_915 : vector<1x128xf32> to vector<512x128xf32>
      %mul3A_918 = arith.mulf %mul3A_916, %mul3A_917 : vector<512x128xf32>
      %add3A_919 = arith.addf %add3A_913, %mul3A_918 : vector<512x128xf32>
      %slice3A_920 = vector.extract_strided_slice %convert_element_type3A_845 {offsets = [0, 12], sizes = [512, 1], strides = [1, 1]} : vector<512x32xf32> to vector<512x1xf32>
      %slice3A_921 = vector.extract_strided_slice %convert_element_type3A_795 {offsets = [12, 0], sizes = [1, 128], strides = [1, 1]} : vector<32x128xf32> to vector<1x128xf32>
      %mul3A_922 = vector.broadcast %slice3A_920 : vector<512x1xf32> to vector<512x128xf32>
      %mul3A_923 = vector.broadcast %slice3A_921 : vector<1x128xf32> to vector<512x128xf32>
      %mul3A_924 = arith.mulf %mul3A_922, %mul3A_923 : vector<512x128xf32>
      %add3A_925 = arith.addf %add3A_919, %mul3A_924 : vector<512x128xf32>
      %slice3A_926 = vector.extract_strided_slice %convert_element_type3A_845 {offsets = [0, 13], sizes = [512, 1], strides = [1, 1]} : vector<512x32xf32> to vector<512x1xf32>
      %slice3A_927 = vector.extract_strided_slice %convert_element_type3A_795 {offsets = [13, 0], sizes = [1, 128], strides = [1, 1]} : vector<32x128xf32> to vector<1x128xf32>
      %mul3A_928 = vector.broadcast %slice3A_926 : vector<512x1xf32> to vector<512x128xf32>
      %mul3A_929 = vector.broadcast %slice3A_927 : vector<1x128xf32> to vector<512x128xf32>
      %mul3A_930 = arith.mulf %mul3A_928, %mul3A_929 : vector<512x128xf32>
      %add3A_931 = arith.addf %add3A_925, %mul3A_930 : vector<512x128xf32>
      %slice3A_932 = vector.extract_strided_slice %convert_element_type3A_845 {offsets = [0, 14], sizes = [512, 1], strides = [1, 1]} : vector<512x32xf32> to vector<512x1xf32>
      %slice3A_933 = vector.extract_strided_slice %convert_element_type3A_795 {offsets = [14, 0], sizes = [1, 128], strides = [1, 1]} : vector<32x128xf32> to vector<1x128xf32>
      %mul3A_934 = vector.broadcast %slice3A_932 : vector<512x1xf32> to vector<512x128xf32>
      %mul3A_935 = vector.broadcast %slice3A_933 : vector<1x128xf32> to vector<512x128xf32>
      %mul3A_936 = arith.mulf %mul3A_934, %mul3A_935 : vector<512x128xf32>
      %add3A_937 = arith.addf %add3A_931, %mul3A_936 : vector<512x128xf32>
      %slice3A_938 = vector.extract_strided_slice %convert_element_type3A_845 {offsets = [0, 15], sizes = [512, 1], strides = [1, 1]} : vector<512x32xf32> to vector<512x1xf32>
      %slice3A_939 = vector.extract_strided_slice %convert_element_type3A_795 {offsets = [15, 0], sizes = [1, 128], strides = [1, 1]} : vector<32x128xf32> to vector<1x128xf32>
      %mul3A_940 = vector.broadcast %slice3A_938 : vector<512x1xf32> to vector<512x128xf32>
      %mul3A_941 = vector.broadcast %slice3A_939 : vector<1x128xf32> to vector<512x128xf32>
      %mul3A_942 = arith.mulf %mul3A_940, %mul3A_941 : vector<512x128xf32>
      %add3A_943 = arith.addf %add3A_937, %mul3A_942 : vector<512x128xf32>
      %slice3A_944 = vector.extract_strided_slice %convert_element_type3A_845 {offsets = [0, 16], sizes = [512, 1], strides = [1, 1]} : vector<512x32xf32> to vector<512x1xf32>
      %slice3A_945 = vector.extract_strided_slice %convert_element_type3A_795 {offsets = [16, 0], sizes = [1, 128], strides = [1, 1]} : vector<32x128xf32> to vector<1x128xf32>
      %mul3A_946 = vector.broadcast %slice3A_944 : vector<512x1xf32> to vector<512x128xf32>
      %mul3A_947 = vector.broadcast %slice3A_945 : vector<1x128xf32> to vector<512x128xf32>
      %mul3A_948 = arith.mulf %mul3A_946, %mul3A_947 : vector<512x128xf32>
      %add3A_949 = arith.addf %add3A_943, %mul3A_948 : vector<512x128xf32>
      %slice3A_950 = vector.extract_strided_slice %convert_element_type3A_845 {offsets = [0, 17], sizes = [512, 1], strides = [1, 1]} : vector<512x32xf32> to vector<512x1xf32>
      %slice3A_951 = vector.extract_strided_slice %convert_element_type3A_795 {offsets = [17, 0], sizes = [1, 128], strides = [1, 1]} : vector<32x128xf32> to vector<1x128xf32>
      %mul3A_952 = vector.broadcast %slice3A_950 : vector<512x1xf32> to vector<512x128xf32>
      %mul3A_953 = vector.broadcast %slice3A_951 : vector<1x128xf32> to vector<512x128xf32>
      %mul3A_954 = arith.mulf %mul3A_952, %mul3A_953 : vector<512x128xf32>
      %add3A_955 = arith.addf %add3A_949, %mul3A_954 : vector<512x128xf32>
      %slice3A_956 = vector.extract_strided_slice %convert_element_type3A_845 {offsets = [0, 18], sizes = [512, 1], strides = [1, 1]} : vector<512x32xf32> to vector<512x1xf32>
      %slice3A_957 = vector.extract_strided_slice %convert_element_type3A_795 {offsets = [18, 0], sizes = [1, 128], strides = [1, 1]} : vector<32x128xf32> to vector<1x128xf32>
      %mul3A_958 = vector.broadcast %slice3A_956 : vector<512x1xf32> to vector<512x128xf32>
      %mul3A_959 = vector.broadcast %slice3A_957 : vector<1x128xf32> to vector<512x128xf32>
      %mul3A_960 = arith.mulf %mul3A_958, %mul3A_959 : vector<512x128xf32>
      %add3A_961 = arith.addf %add3A_955, %mul3A_960 : vector<512x128xf32>
      %slice3A_962 = vector.extract_strided_slice %convert_element_type3A_845 {offsets = [0, 19], sizes = [512, 1], strides = [1, 1]} : vector<512x32xf32> to vector<512x1xf32>
      %slice3A_963 = vector.extract_strided_slice %convert_element_type3A_795 {offsets = [19, 0], sizes = [1, 128], strides = [1, 1]} : vector<32x128xf32> to vector<1x128xf32>
      %mul3A_964 = vector.broadcast %slice3A_962 : vector<512x1xf32> to vector<512x128xf32>
      %mul3A_965 = vector.broadcast %slice3A_963 : vector<1x128xf32> to vector<512x128xf32>
      %mul3A_966 = arith.mulf %mul3A_964, %mul3A_965 : vector<512x128xf32>
      %add3A_967 = arith.addf %add3A_961, %mul3A_966 : vector<512x128xf32>
      %slice3A_968 = vector.extract_strided_slice %convert_element_type3A_845 {offsets = [0, 20], sizes = [512, 1], strides = [1, 1]} : vector<512x32xf32> to vector<512x1xf32>
      %slice3A_969 = vector.extract_strided_slice %convert_element_type3A_795 {offsets = [20, 0], sizes = [1, 128], strides = [1, 1]} : vector<32x128xf32> to vector<1x128xf32>
      %mul3A_970 = vector.broadcast %slice3A_968 : vector<512x1xf32> to vector<512x128xf32>
      %mul3A_971 = vector.broadcast %slice3A_969 : vector<1x128xf32> to vector<512x128xf32>
      %mul3A_972 = arith.mulf %mul3A_970, %mul3A_971 : vector<512x128xf32>
      %add3A_973 = arith.addf %add3A_967, %mul3A_972 : vector<512x128xf32>
      %slice3A_974 = vector.extract_strided_slice %convert_element_type3A_845 {offsets = [0, 21], sizes = [512, 1], strides = [1, 1]} : vector<512x32xf32> to vector<512x1xf32>
      %slice3A_975 = vector.extract_strided_slice %convert_element_type3A_795 {offsets = [21, 0], sizes = [1, 128], strides = [1, 1]} : vector<32x128xf32> to vector<1x128xf32>
      %mul3A_976 = vector.broadcast %slice3A_974 : vector<512x1xf32> to vector<512x128xf32>
      %mul3A_977 = vector.broadcast %slice3A_975 : vector<1x128xf32> to vector<512x128xf32>
      %mul3A_978 = arith.mulf %mul3A_976, %mul3A_977 : vector<512x128xf32>
      %add3A_979 = arith.addf %add3A_973, %mul3A_978 : vector<512x128xf32>
      %slice3A_980 = vector.extract_strided_slice %convert_element_type3A_845 {offsets = [0, 22], sizes = [512, 1], strides = [1, 1]} : vector<512x32xf32> to vector<512x1xf32>
      %slice3A_981 = vector.extract_strided_slice %convert_element_type3A_795 {offsets = [22, 0], sizes = [1, 128], strides = [1, 1]} : vector<32x128xf32> to vector<1x128xf32>
      %mul3A_982 = vector.broadcast %slice3A_980 : vector<512x1xf32> to vector<512x128xf32>
      %mul3A_983 = vector.broadcast %slice3A_981 : vector<1x128xf32> to vector<512x128xf32>
      %mul3A_984 = arith.mulf %mul3A_982, %mul3A_983 : vector<512x128xf32>
      %add3A_985 = arith.addf %add3A_979, %mul3A_984 : vector<512x128xf32>
      %slice3A_986 = vector.extract_strided_slice %convert_element_type3A_845 {offsets = [0, 23], sizes = [512, 1], strides = [1, 1]} : vector<512x32xf32> to vector<512x1xf32>
      %slice3A_987 = vector.extract_strided_slice %convert_element_type3A_795 {offsets = [23, 0], sizes = [1, 128], strides = [1, 1]} : vector<32x128xf32> to vector<1x128xf32>
      %mul3A_988 = vector.broadcast %slice3A_986 : vector<512x1xf32> to vector<512x128xf32>
      %mul3A_989 = vector.broadcast %slice3A_987 : vector<1x128xf32> to vector<512x128xf32>
      %mul3A_990 = arith.mulf %mul3A_988, %mul3A_989 : vector<512x128xf32>
      %add3A_991 = arith.addf %add3A_985, %mul3A_990 : vector<512x128xf32>
      %slice3A_992 = vector.extract_strided_slice %convert_element_type3A_845 {offsets = [0, 24], sizes = [512, 1], strides = [1, 1]} : vector<512x32xf32> to vector<512x1xf32>
      %slice3A_993 = vector.extract_strided_slice %convert_element_type3A_795 {offsets = [24, 0], sizes = [1, 128], strides = [1, 1]} : vector<32x128xf32> to vector<1x128xf32>
      %mul3A_994 = vector.broadcast %slice3A_992 : vector<512x1xf32> to vector<512x128xf32>
      %mul3A_995 = vector.broadcast %slice3A_993 : vector<1x128xf32> to vector<512x128xf32>
      %mul3A_996 = arith.mulf %mul3A_994, %mul3A_995 : vector<512x128xf32>
      %add3A_997 = arith.addf %add3A_991, %mul3A_996 : vector<512x128xf32>
      %slice3A_998 = vector.extract_strided_slice %convert_element_type3A_845 {offsets = [0, 25], sizes = [512, 1], strides = [1, 1]} : vector<512x32xf32> to vector<512x1xf32>
      %slice3A_999 = vector.extract_strided_slice %convert_element_type3A_795 {offsets = [25, 0], sizes = [1, 128], strides = [1, 1]} : vector<32x128xf32> to vector<1x128xf32>
      %mul3A_1000 = vector.broadcast %slice3A_998 : vector<512x1xf32> to vector<512x128xf32>
      %mul3A_1001 = vector.broadcast %slice3A_999 : vector<1x128xf32> to vector<512x128xf32>
      %mul3A_1002 = arith.mulf %mul3A_1000, %mul3A_1001 : vector<512x128xf32>
      %add3A_1003 = arith.addf %add3A_997, %mul3A_1002 : vector<512x128xf32>
      %slice3A_1004 = vector.extract_strided_slice %convert_element_type3A_845 {offsets = [0, 26], sizes = [512, 1], strides = [1, 1]} : vector<512x32xf32> to vector<512x1xf32>
      %slice3A_1005 = vector.extract_strided_slice %convert_element_type3A_795 {offsets = [26, 0], sizes = [1, 128], strides = [1, 1]} : vector<32x128xf32> to vector<1x128xf32>
      %mul3A_1006 = vector.broadcast %slice3A_1004 : vector<512x1xf32> to vector<512x128xf32>
      %mul3A_1007 = vector.broadcast %slice3A_1005 : vector<1x128xf32> to vector<512x128xf32>
      %mul3A_1008 = arith.mulf %mul3A_1006, %mul3A_1007 : vector<512x128xf32>
      %add3A_1009 = arith.addf %add3A_1003, %mul3A_1008 : vector<512x128xf32>
      %slice3A_1010 = vector.extract_strided_slice %convert_element_type3A_845 {offsets = [0, 27], sizes = [512, 1], strides = [1, 1]} : vector<512x32xf32> to vector<512x1xf32>
      %slice3A_1011 = vector.extract_strided_slice %convert_element_type3A_795 {offsets = [27, 0], sizes = [1, 128], strides = [1, 1]} : vector<32x128xf32> to vector<1x128xf32>
      %mul3A_1012 = vector.broadcast %slice3A_1010 : vector<512x1xf32> to vector<512x128xf32>
      %mul3A_1013 = vector.broadcast %slice3A_1011 : vector<1x128xf32> to vector<512x128xf32>
      %mul3A_1014 = arith.mulf %mul3A_1012, %mul3A_1013 : vector<512x128xf32>
      %add3A_1015 = arith.addf %add3A_1009, %mul3A_1014 : vector<512x128xf32>
      %slice3A_1016 = vector.extract_strided_slice %convert_element_type3A_845 {offsets = [0, 28], sizes = [512, 1], strides = [1, 1]} : vector<512x32xf32> to vector<512x1xf32>
      %slice3A_1017 = vector.extract_strided_slice %convert_element_type3A_795 {offsets = [28, 0], sizes = [1, 128], strides = [1, 1]} : vector<32x128xf32> to vector<1x128xf32>
      %mul3A_1018 = vector.broadcast %slice3A_1016 : vector<512x1xf32> to vector<512x128xf32>
      %mul3A_1019 = vector.broadcast %slice3A_1017 : vector<1x128xf32> to vector<512x128xf32>
      %mul3A_1020 = arith.mulf %mul3A_1018, %mul3A_1019 : vector<512x128xf32>
      %add3A_1021 = arith.addf %add3A_1015, %mul3A_1020 : vector<512x128xf32>
      %slice3A_1022 = vector.extract_strided_slice %convert_element_type3A_845 {offsets = [0, 29], sizes = [512, 1], strides = [1, 1]} : vector<512x32xf32> to vector<512x1xf32>
      %slice3A_1023 = vector.extract_strided_slice %convert_element_type3A_795 {offsets = [29, 0], sizes = [1, 128], strides = [1, 1]} : vector<32x128xf32> to vector<1x128xf32>
      %mul3A_1024 = vector.broadcast %slice3A_1022 : vector<512x1xf32> to vector<512x128xf32>
      %mul3A_1025 = vector.broadcast %slice3A_1023 : vector<1x128xf32> to vector<512x128xf32>
      %mul3A_1026 = arith.mulf %mul3A_1024, %mul3A_1025 : vector<512x128xf32>
      %add3A_1027 = arith.addf %add3A_1021, %mul3A_1026 : vector<512x128xf32>
      %slice3A_1028 = vector.extract_strided_slice %convert_element_type3A_845 {offsets = [0, 30], sizes = [512, 1], strides = [1, 1]} : vector<512x32xf32> to vector<512x1xf32>
      %slice3A_1029 = vector.extract_strided_slice %convert_element_type3A_795 {offsets = [30, 0], sizes = [1, 128], strides = [1, 1]} : vector<32x128xf32> to vector<1x128xf32>
      %mul3A_1030 = vector.broadcast %slice3A_1028 : vector<512x1xf32> to vector<512x128xf32>
      %mul3A_1031 = vector.broadcast %slice3A_1029 : vector<1x128xf32> to vector<512x128xf32>
      %mul3A_1032 = arith.mulf %mul3A_1030, %mul3A_1031 : vector<512x128xf32>
      %add3A_1033 = arith.addf %add3A_1027, %mul3A_1032 : vector<512x128xf32>
      %slice3A_1034 = vector.extract_strided_slice %convert_element_type3A_845 {offsets = [0, 31], sizes = [512, 1], strides = [1, 1]} : vector<512x32xf32> to vector<512x1xf32>
      %slice3A_1035 = vector.extract_strided_slice %convert_element_type3A_795 {offsets = [31, 0], sizes = [1, 128], strides = [1, 1]} : vector<32x128xf32> to vector<1x128xf32>
      %mul3A_1036 = vector.broadcast %slice3A_1034 : vector<512x1xf32> to vector<512x128xf32>
      %mul3A_1037 = vector.broadcast %slice3A_1035 : vector<1x128xf32> to vector<512x128xf32>
      %mul3A_1038 = arith.mulf %mul3A_1036, %mul3A_1037 : vector<512x128xf32>
      %add3A_1039 = arith.addf %add3A_1033, %mul3A_1038 : vector<512x128xf32>
      %add3A_1040 = vector.broadcast %add3A_793 : vector<1x128xf32> to vector<512x128xf32>
      %add3A_1041 = vector.broadcast %broadcast_in_dim3A_848 : vector<512x1xf32> to vector<512x128xf32>
      %add3A_1042 = arith.addf %add3A_1040, %add3A_1041 : vector<512x128xf32>
      %mul3A_1043 = arith.constant 2.000000e+00 : f32
      %mul3A_1044 = vector.broadcast %mul3A_1043 : f32 to vector<512x128xf32>
      %mul3A_1045 = arith.mulf %mul3A_1044, %add3A_1039 : vector<512x128xf32>
      %sub3A = arith.subf %add3A_1042, %mul3A_1045 : vector<512x128xf32>
      %reduce_min3A = arith.constant dense<0x7F800000> : vector<128xf32>
      %reduce_min3A_1046 = vector.multi_reduction <minimumf>, %sub3A, %reduce_min3A [0] : vector<512x128xf32> to vector<128xf32>
      %broadcast_in_dim3A_1047 = vector.shape_cast %reduce_min3A_1046 : vector<128xf32> to vector<1x128xf32>
      %iota3A = tpu.iota {dimensions = array<i32: 0>} : vector<512x128xi32>
      %eq3A = vector.broadcast %broadcast_in_dim3A_1047 : vector<1x128xf32> to vector<512x128xf32>
      %eq3A_1048 = arith.cmpf oeq, %sub3A, %eq3A : vector<512x128xf32>
      %jit3A = arith.constant 8192 : i32
      %broadcast_in_dim3A_1049 = vector.broadcast %jit3A : i32 to vector<512x128xi32>
      %select_n3A_1050 = arith.select %eq3A_1048, %iota3A, %broadcast_in_dim3A_1049 : vector<512x128xi1>, vector<512x128xi32>
      %reduce_min3A_1051 = arith.constant dense<2147483647> : vector<128xi32>
      %reduce_min3A_1052 = vector.multi_reduction <minsi>, %select_n3A_1050, %reduce_min3A_1051 [0] : vector<512x128xi32> to vector<128xi32>
      %broadcast_in_dim3A_1053 = vector.shape_cast %reduce_min3A_1052 : vector<128xi32> to vector<1x128xi32>
      %add3A_1054 = vector.broadcast %add3A_840 : i32 to vector<1x128xi32>
      %add3A_1055 = arith.addi %broadcast_in_dim3A_1053, %add3A_1054 : vector<1x128xi32>
      %lt3A_1056 = arith.cmpf olt, %broadcast_in_dim3A_1047, %scan3A_835 : vector<1x128xf32>
      %select_n3A_1057 = arith.select %lt3A_1056, %broadcast_in_dim3A_1047, %scan3A_835 : vector<1x128xi1>, vector<1x128xf32>
      %select_n3A_1058 = arith.select %lt3A_1056, %add3A_1055, %scan3A_836 : vector<1x128xi1>, vector<1x128xi32>
      scf.yield %select_n3A_1057, %select_n3A_1058 : vector<1x128xf32>, vector<1x128xi32>
    }
    %scan3A_824 = arith.constant 8 : i32
    %lt3A_825 = arith.cmpf olt, %scan3A_823#0, %convert_element_type3A_814 : vector<1x128xf32>
    %select_n3A_826 = arith.select %lt3A_825, %scan3A_823#1, %select_n3A_811 : vector<1x128xi1>, vector<1x128xi32>
    %squeeze3A_827 = vector.shape_cast %select_n3A_826 : vector<1x128xi32> to vector<128xi32>
    %swap3A_828 = arith.constant 0 : index
    %swap3A_829 = arith.constant 7 : index
    %swap3A_830 = arith.constant 0 : index
    %swap3A_831 = vector.load %arg3[%swap3A_828, %swap3A_829, %swap3A_830] : memref<1x8x128xi32, #tpu.memory_space<vmem>>, vector<1x1x128xi32>
    %swap3A_832 = vector.shape_cast %swap3A_831 : vector<1x1x128xi32> to vector<128xi32>
    %swap3A_833 = vector.shape_cast %squeeze3A_827 : vector<128xi32> to vector<1x1x128xi32>
    tpu.vector_store %arg3[%swap3A_828, %swap3A_829, %swap3A_830], %swap3A_833 {strides = array<i32>} : memref<1x8x128xi32, #tpu.memory_space<vmem>>, vector<1x1x128xi32>,
    return
  }
  func.func @transform_0(%arg0: i32) -> (i32, i32, i32) {
    %c0_i32 = arith.constant 0 : i32
    %c0_i32_0 = arith.constant 0 : i32
    %c0_i32_1 = arith.constant 0 : i32
    return %arg0, %c0_i32, %c0_i32_0 : i32, i32, i32
  }
  func.func @transform_1(%arg0: i32) -> (i32, i32) {
    %c0_i32 = arith.constant 0 : i32
    %c0_i32_0 = arith.constant 0 : i32
    %c0_i32_1 = arith.constant 0 : i32
    return %c0_i32, %c0_i32_0 : i32, i32
  }
  func.func @transform_2(%arg0: i32) -> (i32, i32, i32) {
    %c0_i32 = arith.constant 0 : i32
    %c0_i32_0 = arith.constant 0 : i32
    %c0_i32_1 = arith.constant 0 : i32
    return %arg0, %c0_i32, %c0_i32_0 : i32, i32, i32
  }
}

</mosaic_0001>

<sc_bundles>
// kernel: kernel.4.cloned.1.call-start
scs
__scs_entry_jumppad:
0x0: {  	(pc) =	sbr.rel $0x88, $3  }
0x1: {  	(tag) =	ssettag $0x0;
	lr =	simm.s32 $0x1  }
0x2: {  	[smem:$0x3F9F] =	sst lr;
	_ =	strace $0xD0000000  }
0x3: {  	_ = 	snop  }
0x4: {  	_ = 	snop  }
0x5: {  	_ = 	snop  }
0x6: {  	_ = 	snop  }
0x7: {  	_ = 	snop  }
__scs_overlays_trampoline_lowered:
0x8: {  	[smem:$0x3FAE] =	sst s0  }
0x9: {  	[smem:$0x3FAF] =	sst s1  }
0xa: {  	[smem:$0x3FB0] =	sst s2  }
0xb: {  	[smem:$0x3FB1] =	sst s3  }
0xc: {  	[smem:$0x3FB2] =	sst s4  }
0xd: {  	[smem:$0x3FB3] =	sst s5  }
0xe: {  	[smem:$0x3FB4] =	sst s6  }
0xf: {  	[smem:$0x3FB5] =	sst s7  }
0x10: {  	[smem:$0x3FB6] =	sst s8  }
0x11: {  	[smem:$0x3FB7] =	sst s9;
	s0 =	simm.s32 @!p0 $0x0  }
0x12: {  	s1 =	sld [smem:$0x3F9D];
	s0 =	simm.s32 @p0 $0x1  }
0x13: {  	[smem:$0x3FB8] =	sst s0;
	s0 =	simm.s32 @!p1 $0x0  }
0x14: {  	s2 =	sld [smem:$0x3F9C];
	s0 =	simm.s32 @p1 $0x1  }
0x15: {  	[smem:$0x3FB9] =	sst s0;
	s0 =	simm.s32 @!p2 $0x0  }
0x16: {  	s3 =	sld [smem:$0x3FDB];
	s0 =	simm.s32 @p2 $0x1  }
0x17: {  	s4 =	simm.s32 $0x1BF5;
	[smem:$0x3FBB] =	sst s0  }
0x18: {  	s0 =	sld [smem:$0x3F9E];
	_ =	swait.ge [sflag:s4], $0x0  }
0x19: {  	s7 =	sld [smem:$0x3F9F]  }
0x1a: {  	s8 =	sadd.s32 $0xFFFFE003, lr  }
0x1b: {  	s9 =	sadd.s32 $0xFFFFFEF7, lr;
	s5 =	simm.s32 $0xFFFFFFFF;
	p2 =	slt.u32 s8, $0xFFFFF086  }
0x1c: {  	p1 =	slt.u32 s9, $0xF7A;
	s5 =	simm.s32 @!p2 $0x0  }
0x1d: {  	s5 =	simm.s32 @p1 $0x1;
	p0 =	seq.s32 s7, s2  }
0x1e: {  	s7 =	smul.u32 @!p0 $0xF7A, s2;
	p2 =	seq.s32 @!p0 s5, $0x0  }
0x1f: {  	s9 =	smul.u32 $0xF7A, s1;
	s8 =	simm.s32 @!p0 $0x1BF5;
	p2 =	por !p2, p0  }
0x20: {  	[sflag:s8] =	ssyncset.s32 @!p0 $0xFFFFF086;
	s6 =	sadd.s32 @!p0 s3, s7;
	s7 =	simm.s32 @!p0 $0x108  }
0x21: {  	s3 =	sadd.s32 s3, s9;
	s6 =	sadd.s32 @!p0 $0x88, s6;
	s7 =	simm.s32 @p2 $0x1082  }
0x22: {  	[simem:s7], [sflag:s8] =	dma.local @!p0 [hbm:s6], $0xF7A  }
0x23: {  	s9 =	sor.u32 $0xD0000000, s2;
	s6 =	simm.s32 $0x108;
	_ =	swait.ge @!p0 [sflag:s8], $0x0  }
0x24: {  	s3 =	sadd.s32 $0x88, s3;
	s6 =	simm.s32 @!p1 $0x1082;
	[sflag:s4] =	ssyncset.s32 $0xFFFFF086  }
0x25: {  	[simem:s6], [sflag:s4] =	dma.local [hbm:s3], $0xF7A  }
0x26: {  	[smem:$0x3F9F] =	sst s1;
	(tag) =	ssettag s2;
	_ =	strace s9  }
0x27: {  	s1 =	sld [smem:$0x3FAF]  }
0x28: {  	s2 =	sld [smem:$0x3FB0]  }
0x29: {  	s4 =	sld [smem:$0x3FB2]  }
0x2a: {  	p0 =	seq.s32 s5, $0x0;
	s5 =	sld [smem:$0x3FB3]  }
0x2b: {  	s6 =	sld [smem:$0x3FB4]  }
0x2c: {  	s7 =	sld [smem:$0x3FB5]  }
0x2d: {  	s3 =	simm.s32 $0x108;
	s8 =	sld [smem:$0x3FB6]  }
0x2e: {  	s3 =	simm.s32 @!p0 $0x1082;
	s9 =	sld [smem:$0x3FB7]  }
0x2f: {  	lr =	sadd.s32 s0, s3;
	s0 =	sld [smem:$0x3FAE]  }
0x30: {  	s3 =	sld [smem:$0x3FB1]  }
0x31: {  	[smem:$0x3FBA] =	sst s10  }
0x32: {  	s10 =	sld [smem:$0x3FB8];
	_ =	sdelay $0x3  }
0x33: {  	p0 =	seq.s32 s10, $0x1;
	s10 =	sld [smem:$0x3FBA];
	_ =	sdelay $0x3  }
0x34: {  	[smem:$0x3FBA] =	sst s10  }
0x35: {  	s10 =	sld [smem:$0x3FB9];
	_ =	sdelay $0x3  }
0x36: {  	p1 =	seq.s32 s10, $0x1;
	s10 =	sld [smem:$0x3FBA];
	_ =	sdelay $0x3  }
0x37: {  	[smem:$0x3FBA] =	sst s10  }
0x38: {  	s10 =	sld [smem:$0x3FBB]  }
0x39: {  	_ = 	snop;
	(pc) =	sbr.ind lr, $3  }
0x3a: {  	_ = 	snop  }
0x3b: {  	_ = 	snop  }
0x3c: {  	p2 =	seq.s32 s10, $0x1;
	s10 =	sld [smem:$0x3FBA]  }
0x3d: {  	_ =	shalt  }
0x3e: {  	_ =	shalt  }
0x3f: {  	_ =	shalt  }
0x40: {  	_ =	shalt  }
0x41: {  	_ =	shalt  }
0x42: {  	_ =	shalt  }
0x43: {  	_ =	shalt  }
0x44: {  	_ =	shalt  }
0x45: {  	_ =	shalt  }
0x46: {  	_ =	shalt  }
0x47: {  	_ =	shalt  }
0x48: {  	_ =	shalt  }
0x49: {  	_ =	shalt  }
0x4a: {  	_ =	shalt  }
0x4b: {  	_ =	shalt  }
0x4c: {  	_ =	shalt  }
0x4d: {  	_ =	shalt  }
0x4e: {  	_ =	shalt  }
0x4f: {  	_ =	shalt  }
0x50: {  	_ =	shalt  }
0x51: {  	_ =	shalt  }
0x52: {  	_ =	shalt  }
0x53: {  	_ =	shalt  }
0x54: {  	_ =	shalt  }
0x55: {  	_ =	shalt  }
0x56: {  	_ =	shalt  }
0x57: {  	_ =	shalt  }
0x58: {  	_ =	shalt  }
0x59: {  	_ =	shalt  }
0x5a: {  	_ =	shalt  }
0x5b: {  	_ =	shalt  }
0x5c: {  	_ =	shalt  }
0x5d: {  	_ =	shalt  }
0x5e: {  	_ =	shalt  }
0x5f: {  	_ =	shalt  }
0x60: {  	_ =	shalt  }
0x61: {  	_ =	shalt  }
0x62: {  	_ =	shalt  }
0x63: {  	_ =	shalt  }
0x64: {  	_ =	shalt  }
0x65: {  	_ =	shalt  }
0x66: {  	_ =	shalt  }
0x67: {  	_ =	shalt  }
0x68: {  	_ =	shalt  }
0x69: {  	_ =	shalt  }
0x6a: {  	_ =	shalt  }
0x6b: {  	_ =	shalt  }
0x6c: {  	_ =	shalt  }
0x6d: {  	_ =	shalt  }
0x6e: {  	_ =	shalt  }
0x6f: {  	_ =	shalt  }
0x70: {  	_ =	shalt  }
0x71: {  	_ =	shalt  }
0x72: {  	_ =	shalt  }
0x73: {  	_ =	shalt  }
0x74: {  	_ =	shalt  }
0x75: {  	_ =	shalt  }
0x76: {  	_ =	shalt  }
0x77: {  	_ =	shalt  }
0x78: {  	_ =	shalt  }
0x79: {  	_ =	shalt  }
0x7a: {  	_ =	shalt  }
0x7b: {  	_ =	shalt  }
0x7c: {  	_ =	shalt  }
0x7d: {  	_ =	shalt  }
0x7e: {  	_ =	shalt  }
0x7f: {  	_ =	shalt  }
0x80: {  	_ =	shalt  }
0x81: {  	_ =	shalt  }
0x82: {  	_ =	shalt  }
0x83: {  	_ =	shalt  }
0x84: {  	_ =	shalt  }
0x85: {  	_ =	shalt  }
0x86: {  	_ =	shalt  }
0x87: {  	_ =	shalt  }
.Lfunc_end0:
.L_simem_size_0:
called_computation_lowered:
.L_overlay_start_0:
0x88: {  	s2 =	sld [smem:$0x3FD9]  }
0x89: {  	s3 =	sld [smem:$0x3FFE];
	_ =	sdelay $0x1  }
0x8a: {  	s1 =	srdreg.scid  }
0x8b: {  	s0 =	sand.u32 $0x1, s1  }
0x8c: {  	s14 =	sshll.u32 s0, $0xA;
	s2 =	sadd.s32 s3, s2  }
0x8d: {  	s2 =	sadd.s32 s2, s14  }
0x8e: {  	[smem:$0x3FC6] =	sst s2  }
0x8f: {  	_ = 	snop  }
0x90: {  	s2 =	sld [smem:$0x3FD0];
	_ =	sdelay $0x2  }
0x91: {  	s15 =	simm.s32 $0xA;
	s4 =	simm.s32 $0x10  }
0x92: {  	[smem:s4], [sflag:s15] =	dma.local [hbm:s2], $0x1  }
0x93: {  	_ =	swait.eq [sflag:s15], $0x1  }
0x94: {  	[sflag:s15] =	ssyncset.done $0x0  }
0x95: {  	[sflag:s15] =	ssyncadd.s32 $0xFFFFFFFF  }
0x96: {  	s16 =	sld [smem:$0x10];
	(tm) =	ssettm $0x1  }
0x97: {  	s17 =	sld [smem:$0x3FFB];
	_ =	sdelay $0x3  }
0x98: {  	_ =	strace s17  }
0x99: {  	s3 =	sld [smem:$0x3FFC];
	_ =	sdelay $0x3  }
0x9a: {  	_ =	strace s3  }
0x9b: {  	s3 =	sld [smem:$0x3FFD];
	_ =	sdelay $0x3  }
0x9c: {  	_ =	strace s3  }
0x9d: {  	_ =	strace $0x8FFFFFFF  }
0x9e: {  	s18 =	sld [smem:$0x3FDB];
	_ =	sdelay $0x1  }
0x9f: {  	s19 =	simm.s32 $_scs_section_size  }
0xa0: {  	s5 =	simm.s32 $_size__tile_overlayer_lowered;
	s6 =	simm.s32 $_tile_overlayer_lowered  }
0xa1: {  	s22 =	simm.s32 $0x1BFF;
	s21 =	sshll.u32 s6, $0x1;
	s3 =	sadd.s32 s19, s18  }
0xa2: {  	s7 =	simm.s32 $0x0;
	s20 =	sshll.u32 s5, $0x1;
	s5 =	sadd.s32 s21, s3  }
0xa3: {  	[timem:s7], [sflag:s22] =	dma.local [hbm:s5], s20  }
0xa4: {  	_ =	swait.ge [sflag:s22], s20  }
0xa5: {  	s4 =	ssub.s32 $0x0, s20;
	[sflag:s22] =	ssyncset.done $0x0  }
0xa6: {  	[sflag:s22] =	ssyncadd.s32 s4;
	_ =	sdelay $0x1  }
0xa7: {  	s23 =	simm.s32 $0x1B8B  }
0xa8: {  	_ =	swait.ge [sflag:s23], $0x1  }
0xa9: {  	[sflag:s23] =	ssyncset.done $0x0  }
0xaa: {  	s25 =	simm.s32 $0x1B8E;
	s24 =	sld [smem:$0x3FFE];
	[sflag:s23] =	ssyncadd.s32 $0xFFFFFFFF  }
0xab: {  	s26 =	simm.s32 $execute0_lowered;
	[smem:$0x3FD2] =	sst s25  }
0xac: {  	s5 =	sshll.u32 s26, $0x1;
	_ =	strace $0x80000046;
	[dreg:$0x1] =	wrdreg $0xFFFFFFFF  }
0xad: {  	s28 =	simm.s32 $_size_execute0_lowered;
	s3 =	sadd.s32 s3, s5;
	[dreg:$0x0] =	wrdreg $0x0  }
0xae: {  	s5 =	sshll.u32 s28, $0x1;
	[dreg:$0x2] =	wrdreg s3  }
0xaf: {  	[dreg:$0x3] =	wrdreg s5  }
0xb0: {  	[dreg:$0x4] =	wrdreg $0xC0  }
0xb1: {  	_ =	task [dreg:s7], $0x5FFFF  }
0xb2: {  	[dreg:$0x1] =	wrdreg $0xFFFFFFFF  }
0xb3: {  	[dreg:$0x0] =	wrdreg $0x60  }
0xb4: {  	[dreg:$0x2] =	wrdreg s16  }
0xb5: {  	[dreg:$0x3] =	wrdreg s24  }
0xb6: {  	[dreg:$0x4] =	wrdreg $0x9  }
0xb7: {  	_ =	task.clear_ibuf [dreg:s7], $0x5FFFF;
	_ =	strace $0x90000046  }
0xb8: {  	s29 =	simm.s32 $0x9;
	_ =	strace $0x80000048  }
0xb9: {  	_ =	swait.ge [sflag:s29], $0x1  }
0xba: {  	[sflag:s29] =	ssyncadd.s32 $0xFFFFFFFF  }
0xbb: {  	_ =	strace $0x90000048  }
0xbc: {  	_ =	sfence  }
0xbd: {  	s30 =	sld [smem:$0x0];
	_ =	sdelay $0x2  }
0xbe: {  	s31 =	sshll.u32 s1, $0xD;
	s1 =	sshrl.u32 s1, $0x2  }
0xbf: {  	s3 =	sand.u32 $0x4000, s31;
	s1 =	sadd.s32 s1, s30  }
0xc0: {  	s0 =	sor.u32 s3, s0;
	s1 =	sshll.u32 s1, $0x11  }
0xc1: {  	s0 =	sor.u32 s1, s0  }
0xc2: {  	s0 =	sadd.s32 $0x8F2B, s0  }
0xc3: {  	[sflag:s0] =	ssyncadd.remote.s32 $0x1  }
0xc4: {  	_ =	sfence.sel $0xFFFF  }
0xc5: {  	[dreg:$0x0] =	wrdreg $0xFFFFFFFF;
	(pc) =	sbr.abs _section_cstart, $3  }
0xc6: {  	[dreg:$0x1] =	wrdreg $0xFFFFFFFF  }
0xc7: {  	_ =	task.clear_ibuf [dreg:s7], $0x2FFFF;
	_ =	strace $0x9FFFFFFF  }
0xc8: {  	(tm) =	ssettm $0x7FFFFFFF  }
0xc9: {  	_ =	shalt  }
tec
execute0_lowered:
.L_overlay_start_1:
0x0: {  	(tag) =	ssettag $0x1  }
0x1: {  	s1 =	rddreg [dreg:$0x0];
	s0 =	srdreg.scid  }
0x2: {  	s14 =	rddreg [dreg:$0x1];
	s15 =	sand.u32 $0x1, s0  }
0x3: {  	s2 =	stileid.u32;
	s3 =	simm.s32 $0x0;
	s4 =	sshll.u32 s15, $0x6  }
0x4: {  	s0 =	rddreg [dreg:$0x2];
	s5 =	sshll.u32 s2, $0x7;
	s4 =	sadd.s32 s4, s14  }
0x5: {  	[smem:$0x7FF] =	sst s3;
	s4 =	sadd.s32 s5, s4  }
0x6: {  	_ =	strace $0x80000047;
	s5 =	sadd.s32 $0xA00, s4;
	s4 =	simm.s32 $0x2  }
0x7: {  	[tilespmem:s3], [sflag:$0x2] =	stream.linear.gather [hbm4b:s5+s3], $0x200, $0x38;
	[tilespmem:$0x10200] =	vst v63  }
0x8: {  	_ =	swait.ge [sflag:s4], $0x200  }
0x9: {  	[sflag:s4] =	ssyncset.done $0x0  }
0xa: {  	s6 =	simm.s32 $0x80;
	s7 =	simm.s32 $0x200;
	[sflag:s4] =	ssyncadd.s32 $0xFFFFFE00  }
0xb: {  	[tilespmem:s7], [sflag:$0x1] =	stream.indirect.gather [hbm4b:s1+s6], $0x80, s3, s6, $0xb8;
	[tilespmem:$0x10200] =	vst v63  }
0xc: {  	s8 =	simm.s32 $0x4200  }
0xd: {  	[tilespmem:s8], [sflag:$0x1] =	stream.indirect.gather [hbm4b:s1+s6], $0x80, s6, s6, $0xb8;
	[tilespmem:$0x10200] =	vst v63  }
0xe: {  	s9 =	simm.s32 $0x100;
	s10 =	simm.s32 $0x8200  }
0xf: {  	[tilespmem:s10], [sflag:$0x1] =	stream.indirect.gather [hbm4b:s1+s6], $0x80, s9, s6, $0xb8;
	[tilespmem:$0x10200] =	vst v63  }
0x10: {  	s11 =	simm.s32 $0x180;
	s12 =	simm.s32 $0xC200;
	s13 =	simm.s32 $0x1  }
0x11: {  	[tilespmem:s12], [sflag:$0x1] =	stream.indirect.gather [hbm4b:s1+s6], $0x80, s11, s6, $0xb8;
	[tilespmem:$0x10200] =	vst v63  }
0x12: {  	_ =	swait.ge [sflag:s13], $0x4000  }
0x13: {  	[sflag:s13] =	ssyncset.done $0x0  }
0x14: {  	[sflag:s13] =	ssyncadd.s32 $0xFFFFC000  }
0x15: {  	_ =	swait.ge [sflag:s13], $0x4000  }
0x16: {  	[sflag:s13] =	ssyncset.done $0x0  }
0x17: {  	s16 =	sshll.u32 s15, $0xD;
	s15 =	ssub.s32 $0x2, s15;
	[sflag:s13] =	ssyncadd.s32 $0xFFFFC000  }
0x18: {  	s31 =	sshrl.u32 s15, $0x1;
	_ =	swait.ge [sflag:s13], $0x4000  }
0x19: {  	s15 =	ssub.s32 s15, s31;
	[sflag:s13] =	ssyncset.done $0x0  }
0x1a: {  	s17 =	sshll.u32 s2, $0xE;
	s15 =	smax.u32 s15, $0x1;
	[sflag:s13] =	ssyncadd.s32 $0xFFFFC000  }
0x1b: {  	s14 =	sadd.s32 s16, s14;
	p0 =	sne.s32 s15, $0x1;
	_ =	swait.ge [sflag:s13], $0x4000  }
.Ltmp0:
0x1c: {  	s14 =	sadd.s32 s17, s14;
	[sflag:s13] =	ssyncset.done $0x0;
	(pc) =	sbr.rel @!p0 .LBB2_2-.Ltmp0, $4  }
0x1d: {  	s14 =	sadd.s32 $0x1200, s14;
	[sflag:s13] =	ssyncadd.s32 $0xFFFFC000  }
0x1e: {  	[hbm4b:s14+s3] =	stream.linear.scatter [tilespmem:s7], [sflag:$0x2], $0x10000, $0x38;
	[tilespmem:$0x10200] =	vst v63  }
0x1f: {  	_ =	swait.ge [sflag:s4], $0x10000  }
0x20: {  	s15 =	sadd.s32 $0xFFFFFFFF, s15;
	[sflag:s4] =	ssyncset.done $0x0  }
.LBB2_1:
0x21: {  	p0 =	sne.s32 s15, $0x1;
	s15 =	sadd.s32 $0xFFFFFFFF, s15;
	[sflag:s4] =	ssyncadd.s32 $0xFFFF0000  }
0x22: {  	[tilespmem:s3], [sflag:$0x2] =	stream.linear.gather [hbm4b:s5+s3], $0x200, $0x38;
	[tilespmem:$0x10200] =	vst v63  }
0x23: {  	_ =	swait.ge [sflag:s4], $0x200  }
0x24: {  	[sflag:s4] =	ssyncset.done $0x0  }
0x25: {  	[sflag:s4] =	ssyncadd.s32 $0xFFFFFE00  }
0x26: {  	[tilespmem:s7], [sflag:$0x1] =	stream.indirect.gather [hbm4b:s1+s6], $0x80, s3, s6, $0xb8;
	[tilespmem:$0x10200] =	vst v63  }
0x27: {  	_ = 	snop  }
0x28: {  	[tilespmem:s8], [sflag:$0x1] =	stream.indirect.gather [hbm4b:s1+s6], $0x80, s6, s6, $0xb8;
	[tilespmem:$0x10200] =	vst v63  }
0x29: {  	_ = 	snop  }
0x2a: {  	[tilespmem:s10], [sflag:$0x1] =	stream.indirect.gather [hbm4b:s1+s6], $0x80, s9, s6, $0xb8;
	[tilespmem:$0x10200] =	vst v63  }
0x2b: {  	_ = 	snop  }
0x2c: {  	[tilespmem:s12], [sflag:$0x1] =	stream.indirect.gather [hbm4b:s1+s6], $0x80, s11, s6, $0xb8;
	[tilespmem:$0x10200] =	vst v63  }
0x2d: {  	_ =	swait.ge [sflag:s13], $0x4000  }
0x2e: {  	[sflag:s13] =	ssyncset.done $0x0  }
0x2f: {  	[sflag:s13] =	ssyncadd.s32 $0xFFFFC000  }
0x30: {  	_ =	swait.ge [sflag:s13], $0x4000  }
0x31: {  	[sflag:s13] =	ssyncset.done $0x0  }
0x32: {  	[sflag:s13] =	ssyncadd.s32 $0xFFFFC000  }
0x33: {  	_ =	swait.ge [sflag:s13], $0x4000  }
0x34: {  	[sflag:s13] =	ssyncset.done $0x0  }
0x35: {  	[sflag:s13] =	ssyncadd.s32 $0xFFFFC000  }
0x36: {  	_ =	swait.ge [sflag:s13], $0x4000  }
.Ltmp1:
0x37: {  	[sflag:s13] =	ssyncset.done $0x0;
	(pc) =	sbr.rel @p0 .LBB2_1-.Ltmp1, $4  }
0x38: {  	[sflag:s13] =	ssyncadd.s32 $0xFFFFC000  }
0x39: {  	[hbm4b:s14+s3] =	stream.linear.scatter [tilespmem:s7], [sflag:$0x2], $0x10000, $0x38;
	[tilespmem:$0x10200] =	vst v63  }
0x3a: {  	_ =	swait.ge [sflag:s4], $0x10000  }
0x3b: {  	[sflag:s4] =	ssyncset.done $0x0  }
.LBB2_2:
0x3c: {  	[sflag:s4] =	ssyncadd.s32 $0xFFFF0000  }
0x3d: {  	_ =	sfence.sel $0x180000  }
0x3e: {  	[bflag:$0x0] =	sbarrier.arrive $0xFFFF  }
0x3f: {  	p0 =	sne.s32 s2, $0x0;
	_ =	strace $0x90000047  }
0x40: {  	s0 =	sadd.s32 @!p0 $0x100000, s0;
	[bflag:$0x2] =	sbarrier.arrive $0xFFFF  }
0x41: {  	[sflag:s0] =	ssyncadd.tile.s32 @!p0 $0x1;
	_ =	shalt  }
.Lfunc_end2:
_tile_overlayer_lowered:
.L_overlay_start_2:
0x42: {  	(tag) =	ssettag $0x2  }
0x43: {  	s0 =	rddreg [dreg:$0x0];
	s2 =	stileid.u32  }
0x44: {  	s1 =	rddreg [dreg:$0x1];
	p0 =	sne.s32 s2, $0x0  }
0x45: {  	s3 =	rddreg [dreg:$0x2];
	[bflag:$0x3] =	sbarrier.arrive $0xFFFF;
	s2 =	simm.s32 @!p0 $0x1C02  }
0x46: {  	[timem:s3], [sflag:s2] =	dma.local @!p0 [hbm:s0], s1  }
0x47: {  	s0 =	simm.s32 @!p0 $0x2  }
0x48: {  	_ =	swait.ge @!p0 [sflag:s0], s1  }
0x49: {  	s1 =	ssub.s32 @!p0 $0x0, s1;
	[sflag:s0] =	ssyncset.done @!p0 $0x0  }
0x4a: {  	[sflag:s0] =	ssyncadd.s32 @!p0 s1  }
0x4b: {  	[bflag:$0x3] =	sbarrier.arrive $0xFFFF  }
0x4c: {  	_ =	shalt  }

</sc_bundles>
